<compile_context>
chip_gen: v7x
topology: tpu7x:2x2x1
jax: 0.10.2.dev20260603
libtpu: 0.0.44.dev20260713+nightly
codegen_flags: <defaults>
</compile_context>

<pallas_src>
import functools

import jax
import jax.numpy as jnp
from jax import lax
from jax.experimental import pallas as pl
from jax.experimental.pallas import tpu as pltpu
from jax.experimental.pallas import tpu_sc as plsc

B = 1024
N = 256
L = 16
NCHUNK = N // L
G = 4
CPG = NCHUNK // G
NC = 2
NS = 16
NW = NC * NS
BPW = B // NW
NSTR = 8
QPW = BPW // NSTR
BIG = 257.0 ** 2
INF = float("inf")


def _mesh():
    return plsc.VectorSubcoreMesh(
        core_axis_name="c", subcore_axis_name="s",
        num_cores=NC, num_subcores=NS)


@functools.partial(
    pl.kernel,
    out_type=jax.ShapeDtypeStruct((NW, L), jnp.float32),
    mesh=_mesh(),
    compiler_params=pltpu.CompilerParams(needs_layout_passes=False),
    scratch_types=[
        pltpu.VMEM((BPW, N), jnp.float32),
        pltpu.VMEM((BPW, N), jnp.float32),
        pltpu.VMEM((BPW, N), jnp.float32),
        pltpu.VMEM((BPW, N), jnp.float32),
        pltpu.VMEM((L,), jnp.float32),
    ],
)
def _greedy_match(ixt_hbm, iyt_hbm, tx_hbm, ty_hbm, out_hbm,
                  ixt_v, iyt_v, tx_v, ty_v, acc_v):
    wid = lax.axis_index("s") * NC + lax.axis_index("c")
    base = wid * BPW
    pltpu.sync_copy(ixt_hbm.at[pl.ds(base, BPW)], ixt_v)
    pltpu.sync_copy(iyt_hbm.at[pl.ds(base, BPW)], iyt_v)
    pltpu.sync_copy(tx_hbm.at[pl.ds(base, BPW)], tx_v)
    pltpu.sync_copy(ty_hbm.at[pl.ds(base, BPW)], ty_v)

    lanes = lax.iota(jnp.int32, L)
    zeros = jnp.zeros((L,), jnp.float32)
    infs = jnp.full((L,), INF, jnp.float32)
    perms = [lanes ^ s for s in (8, 4, 2, 1)]

    def allmin(v):
        for p in perms:
            v = jnp.minimum(v, v.at[p].get(mode="promise_in_bounds"))
        return v

    def stream_scan(row, jc, jl, exmask):
        txj = tx_v[row, pl.ds(jc, L)].at[jl].get(mode="promise_in_bounds")
        tyj = ty_v[row, pl.ds(jc, L)].at[jl].get(mode="promise_in_bounds")
        ms, cs = [], []
        for g in range(G):
            cm = infs
            cc = jnp.zeros((L,), jnp.int32)
            for c in range(g * CPG, (g + 1) * CPG):
                dx = txj - ixt_v[row, pl.ds(c * L, L)]
                dy = tyj - iyt_v[row, pl.ds(c * L, L)]
                d = dx * dx + dy * dy
                ok = jnp.left_shift(exmask, 31 - c) >= 0
                lt = (d < cm) & ok
                cc = jnp.where(lt, jnp.int32(c), cc)
                cm = jnp.where(lt, d, cm)
            ms.append(cm)
            cs.append(cc)
        lt1 = ms[1] < ms[0]
        m01 = jnp.where(lt1, ms[1], ms[0])
        c01 = jnp.where(lt1, cs[1], cs[0])
        lt2 = ms[3] < ms[2]
        m23 = jnp.where(lt2, ms[3], ms[2])
        c23 = jnp.where(lt2, cs[3], cs[2])
        lt3 = m23 < m01
        mf = jnp.where(lt3, m23, m01)
        cf = jnp.where(lt3, c23, c01)
        return mf, cf

    def stream_tail(mf, cf, exmask):
        m = allmin(mf)
        hit = m < BIG
        lffs = plsc.all_reduce_ffs(mf == m)
        lsel = jnp.where(hit, lffs, 0)
        csel = jnp.where(hit, cf, 0)
        bit = jnp.where(lanes == lsel,
                        jnp.left_shift(jnp.int32(1), csel), 0)
        return jnp.minimum(m, BIG), exmask | bit

    def batch_body(i, acc_vec):
        def step(j, carry):
            accs, exs = carry
            jc = j & (N - L)
            jl = jnp.full((L,), j & (L - 1))
            res = [stream_scan(i + s * QPW, jc, jl, exs[s])
                   for s in range(NSTR)]
            new_accs, new_exs = [], []
            for s in range(NSTR):
                se, ex = stream_tail(res[s][0], res[s][1], exs[s])
                new_accs.append(accs[s] + se)
                new_exs.append(ex)
            return tuple(new_accs), tuple(new_exs)

        izero = jnp.zeros((L,), jnp.int32)
        accs, _ = lax.fori_loop(
            0, N, step, ((zeros,) * NSTR, (izero,) * NSTR))
        return acc_vec + jnp.where(lanes == jnp.full((L,), i % L),
                                   sum(accs[1:], accs[0]), zeros)

    acc_vec = lax.fori_loop(0, BPW // NSTR, batch_body, zeros)
    acc_v[...] = acc_vec
    pltpu.sync_copy(acc_v, out_hbm.at[wid])


def kernel(input, targets):
    inp = input.reshape(B, N, 2)
    tgt = targets.reshape(B, N, 2)
    ixt = inp[:, :, 0].reshape(B, L, NCHUNK).swapaxes(1, 2).reshape(B, N)
    iyt = inp[:, :, 1].reshape(B, L, NCHUNK).swapaxes(1, 2).reshape(B, N)
    partial = _greedy_match(ixt, iyt, tgt[:, :, 0], tgt[:, :, 1])
    return jnp.sum(partial) / B / 512.0

# --- scband reference (transcript-rebuilt; emitter-appended) ---
"""Pipeline reference for scband-mix-mse-loss-64922725646764 (READ-ONLY COPY).

The authoritative reference and input builder live on the scoring server;
editing this copy changes nothing except your own understanding.
"""

import jax, jax.numpy as jnp
import numpy as np


def setup_inputs(seed: int = 0) -> dict:
    key = jax.random.key(seed)
    k1, k2 = jax.random.split(key)
    inp = jax.random.normal(k1, (1024, 1, 512), dtype=jnp.float32)
    tgt = jax.random.normal(k2, (1024, 1, 512), dtype=jnp.float32)
    return {"input": inp, "targets": tgt}


def _mix_mse(inp, tgt):
    # inp, tgt: (B, 1, 512) interleaved (x, y) coordinates of 256 points each.
    B = inp.shape[0]
    ix = inp[:, 0, 0::2]  # (B, 256)
    iy = inp[:, 0, 1::2]  # (B, 256)
    tx = tgt[:, 0, 0::2]  # (B, 256)
    ty = tgt[:, 0, 1::2]  # (B, 256)
    BIG = jnp.float32(257.0 ** 2)
    INF = jnp.float32(np.inf)
    batch_ids = jnp.arange(B)

    def step(carry, j):
        ignored, acc = carry  # ignored: (B, 256) bool, acc: (B,) float
        # squared distance from target point j to every candidate input point k
        d = (tx[:, j][:, None] - ix) ** 2 + (ty[:, j][:, None] - iy) ** 2  # (B, 256)
        dm = jnp.where(ignored, INF, d)
        kbest = jnp.argmin(dm, axis=1)  # first minimizer, matching the loop's strict '<' scan order
        se = jnp.take_along_axis(dm, kbest[:, None], axis=1)[:, 0]
        hit = se < BIG
        SE = jnp.where(hit, se, BIG)
        k_sel = jnp.where(hit, kbest, 0)  # loop default k_tmp = 0 when no se < 257**2
        ignored = ignored.at[batch_ids, k_sel].set(True)
        return (ignored, acc + SE), None

    init = (jnp.zeros((B, 256), dtype=bool), jnp.zeros((B,), dtype=jnp.float32))
    (_, acc), _ = jax.lax.scan(step, init, jnp.arange(256))
    loss = jnp.sum(acc) / B / 512.0
    return loss


def reference(input, targets):
    return _mix_mse(input, targets)

if __name__ == "__main__":
    import jax
    _d = setup_inputs()
    print(jax.jit(kernel)(*tuple(_d.values())))

</pallas_src>

<mosaic_0001>
#map = affine_map<(d0, d1) -> (0, 0)>
module attributes {stable_mosaic.version = 14 : i64} {
  func.func @_greedy_match(%arg0: i32, %arg1: i32, %arg2: memref<1024x256xf32, #tpu.memory_space<hbm>>, %arg3: memref<1024x256xf32, #tpu.memory_space<hbm>>, %arg4: memref<1024x256xf32, #tpu.memory_space<hbm>>, %arg5: memref<1024x256xf32, #tpu.memory_space<hbm>>, %arg6: memref<32x16xf32, #tpu.memory_space<hbm>>, %arg7: memref<32x256xf32, #tpu.memory_space<vmem>>, %arg8: memref<32x256xf32, #tpu.memory_space<vmem>>, %arg9: memref<32x256xf32, #tpu.memory_space<vmem>>, %arg10: memref<32x256xf32, #tpu.memory_space<vmem>>, %arg11: memref<16xf32, #tpu.memory_space<vmem>>) attributes {dimension_semantics = [#tpu.dimension_semantics<core_parallel>, #tpu.dimension_semantics<subcore_parallel>], iteration_bounds = array<i64: 2, 16>, scalar_prefetch = 0 : i64, scratch_operands = 5 : i64, tpu.core_type = #tpu.core_type<sc_vector_subcore>, window_params = [{transform_indices = #map}, {transform_indices = #map}, {transform_indices = #map}, {transform_indices = #map}, {transform_indices = #map}]} {
    %mul3A = arith.constant 2 : i32
    %mul3A_0 = arith.muli %arg1, %mul3A : i32
    %add3A = arith.addi %mul3A_0, %arg0 : i32
    %mul3A_1 = arith.constant 32 : i32
    %mul3A_2 = arith.muli %add3A, %mul3A_1 : i32
    "tpu.region"() ({
      %run_scoped3A = tpu.sem_alloc : memref<!tpu.dma_semaphore, #tpu.memory_space<semaphore_mem>>
      %dma_start3A = arith.constant 0 : i32
      %dma_start3A_23 = tpu.memref_slice %arg2[%mul3A_2, %dma_start3A] : memref<1024x256xf32, #tpu.memory_space<hbm>> -> memref<32x256xf32, #tpu.memory_space<hbm>>
      %dma_start3A_24 = arith.constant 0 : i32
      %dma_start3A_25 = tpu.memref_slice %arg2[%mul3A_2, %dma_start3A_24] : memref<1024x256xf32, #tpu.memory_space<hbm>> -> memref<32x256xf32, #tpu.memory_space<hbm>>
      tpu.enqueue_dma source(%dma_start3A_25 : memref<32x256xf32, #tpu.memory_space<hbm>>) target(%arg7 : memref<32x256xf32, #tpu.memory_space<vmem>>) target_semaphore(%run_scoped3A : memref<!tpu.dma_semaphore, #tpu.memory_space<semaphore_mem>>)
      %dma_wait3A = arith.constant 0 : i32
      %dma_wait3A_26 = tpu.memref_slice %arg2[%mul3A_2, %dma_wait3A] : memref<1024x256xf32, #tpu.memory_space<hbm>> -> memref<32x256xf32, #tpu.memory_space<hbm>>
      %dma_wait3A_27 = arith.constant 0 : i32
      %dma_wait3A_28 = tpu.memref_slice %arg2[%mul3A_2, %dma_wait3A_27] : memref<1024x256xf32, #tpu.memory_space<hbm>> -> memref<32x256xf32, #tpu.memory_space<hbm>>
      tpu.wait_dma2 semaphore(%run_scoped3A : memref<!tpu.dma_semaphore, #tpu.memory_space<semaphore_mem>>) src(%dma_wait3A_28 : memref<32x256xf32, #tpu.memory_space<hbm>>) dst(%arg7 : memref<32x256xf32, #tpu.memory_space<vmem>>)
      tpu.yield
    }) : () -> ()
    "tpu.region"() ({
      %run_scoped3A = tpu.sem_alloc : memref<!tpu.dma_semaphore, #tpu.memory_space<semaphore_mem>>
      %dma_start3A = arith.constant 0 : i32
      %dma_start3A_23 = tpu.memref_slice %arg3[%mul3A_2, %dma_start3A] : memref<1024x256xf32, #tpu.memory_space<hbm>> -> memref<32x256xf32, #tpu.memory_space<hbm>>
      %dma_start3A_24 = arith.constant 0 : i32
      %dma_start3A_25 = tpu.memref_slice %arg3[%mul3A_2, %dma_start3A_24] : memref<1024x256xf32, #tpu.memory_space<hbm>> -> memref<32x256xf32, #tpu.memory_space<hbm>>
      tpu.enqueue_dma source(%dma_start3A_25 : memref<32x256xf32, #tpu.memory_space<hbm>>) target(%arg8 : memref<32x256xf32, #tpu.memory_space<vmem>>) target_semaphore(%run_scoped3A : memref<!tpu.dma_semaphore, #tpu.memory_space<semaphore_mem>>)
      %dma_wait3A = arith.constant 0 : i32
      %dma_wait3A_26 = tpu.memref_slice %arg3[%mul3A_2, %dma_wait3A] : memref<1024x256xf32, #tpu.memory_space<hbm>> -> memref<32x256xf32, #tpu.memory_space<hbm>>
      %dma_wait3A_27 = arith.constant 0 : i32
      %dma_wait3A_28 = tpu.memref_slice %arg3[%mul3A_2, %dma_wait3A_27] : memref<1024x256xf32, #tpu.memory_space<hbm>> -> memref<32x256xf32, #tpu.memory_space<hbm>>
      tpu.wait_dma2 semaphore(%run_scoped3A : memref<!tpu.dma_semaphore, #tpu.memory_space<semaphore_mem>>) src(%dma_wait3A_28 : memref<32x256xf32, #tpu.memory_space<hbm>>) dst(%arg8 : memref<32x256xf32, #tpu.memory_space<vmem>>)
      tpu.yield
    }) : () -> ()
    "tpu.region"() ({
      %run_scoped3A = tpu.sem_alloc : memref<!tpu.dma_semaphore, #tpu.memory_space<semaphore_mem>>
      %dma_start3A = arith.constant 0 : i32
      %dma_start3A_23 = tpu.memref_slice %arg4[%mul3A_2, %dma_start3A] : memref<1024x256xf32, #tpu.memory_space<hbm>> -> memref<32x256xf32, #tpu.memory_space<hbm>>
      %dma_start3A_24 = arith.constant 0 : i32
      %dma_start3A_25 = tpu.memref_slice %arg4[%mul3A_2, %dma_start3A_24] : memref<1024x256xf32, #tpu.memory_space<hbm>> -> memref<32x256xf32, #tpu.memory_space<hbm>>
      tpu.enqueue_dma source(%dma_start3A_25 : memref<32x256xf32, #tpu.memory_space<hbm>>) target(%arg9 : memref<32x256xf32, #tpu.memory_space<vmem>>) target_semaphore(%run_scoped3A : memref<!tpu.dma_semaphore, #tpu.memory_space<semaphore_mem>>)
      %dma_wait3A = arith.constant 0 : i32
      %dma_wait3A_26 = tpu.memref_slice %arg4[%mul3A_2, %dma_wait3A] : memref<1024x256xf32, #tpu.memory_space<hbm>> -> memref<32x256xf32, #tpu.memory_space<hbm>>
      %dma_wait3A_27 = arith.constant 0 : i32
      %dma_wait3A_28 = tpu.memref_slice %arg4[%mul3A_2, %dma_wait3A_27] : memref<1024x256xf32, #tpu.memory_space<hbm>> -> memref<32x256xf32, #tpu.memory_space<hbm>>
      tpu.wait_dma2 semaphore(%run_scoped3A : memref<!tpu.dma_semaphore, #tpu.memory_space<semaphore_mem>>) src(%dma_wait3A_28 : memref<32x256xf32, #tpu.memory_space<hbm>>) dst(%arg9 : memref<32x256xf32, #tpu.memory_space<vmem>>)
      tpu.yield
    }) : () -> ()
    "tpu.region"() ({
      %run_scoped3A = tpu.sem_alloc : memref<!tpu.dma_semaphore, #tpu.memory_space<semaphore_mem>>
      %dma_start3A = arith.constant 0 : i32
      %dma_start3A_23 = tpu.memref_slice %arg5[%mul3A_2, %dma_start3A] : memref<1024x256xf32, #tpu.memory_space<hbm>> -> memref<32x256xf32, #tpu.memory_space<hbm>>
      %dma_start3A_24 = arith.constant 0 : i32
      %dma_start3A_25 = tpu.memref_slice %arg5[%mul3A_2, %dma_start3A_24] : memref<1024x256xf32, #tpu.memory_space<hbm>> -> memref<32x256xf32, #tpu.memory_space<hbm>>
      tpu.enqueue_dma source(%dma_start3A_25 : memref<32x256xf32, #tpu.memory_space<hbm>>) target(%arg10 : memref<32x256xf32, #tpu.memory_space<vmem>>) target_semaphore(%run_scoped3A : memref<!tpu.dma_semaphore, #tpu.memory_space<semaphore_mem>>)
      %dma_wait3A = arith.constant 0 : i32
      %dma_wait3A_26 = tpu.memref_slice %arg5[%mul3A_2, %dma_wait3A] : memref<1024x256xf32, #tpu.memory_space<hbm>> -> memref<32x256xf32, #tpu.memory_space<hbm>>
      %dma_wait3A_27 = arith.constant 0 : i32
      %dma_wait3A_28 = tpu.memref_slice %arg5[%mul3A_2, %dma_wait3A_27] : memref<1024x256xf32, #tpu.memory_space<hbm>> -> memref<32x256xf32, #tpu.memory_space<hbm>>
      tpu.wait_dma2 semaphore(%run_scoped3A : memref<!tpu.dma_semaphore, #tpu.memory_space<semaphore_mem>>) src(%dma_wait3A_28 : memref<32x256xf32, #tpu.memory_space<hbm>>) dst(%arg10 : memref<32x256xf32, #tpu.memory_space<vmem>>)
      tpu.yield
    }) : () -> ()
    %iota3A = tpu.iota {dimensions = array<i32: 0>} : vector<16xi32>
    %broadcast_in_dim3A = arith.constant 0.000000e+00 : f32
    %broadcast_in_dim3A_3 = vector.broadcast %broadcast_in_dim3A : f32 to vector<16xf32>
    %broadcast_in_dim3A_4 = arith.constant 0x7F800000 : f32
    %broadcast_in_dim3A_5 = vector.broadcast %broadcast_in_dim3A_4 : f32 to vector<16xf32>
    %xor3A = arith.constant 8 : i32
    %xor3A_6 = vector.broadcast %xor3A : i32 to vector<16xi32>
    %xor3A_7 = arith.xori %iota3A, %xor3A_6 : vector<16xi32>
    %xor3A_8 = arith.constant 4 : i32
    %xor3A_9 = vector.broadcast %xor3A_8 : i32 to vector<16xi32>
    %xor3A_10 = arith.xori %iota3A, %xor3A_9 : vector<16xi32>
    %xor3A_11 = arith.constant 2 : i32
    %xor3A_12 = vector.broadcast %xor3A_11 : i32 to vector<16xi32>
    %xor3A_13 = arith.xori %iota3A, %xor3A_12 : vector<16xi32>
    %xor3A_14 = arith.constant 1 : i32
    %xor3A_15 = vector.broadcast %xor3A_14 : i32 to vector<16xi32>
    %xor3A_16 = arith.xori %iota3A, %xor3A_15 : vector<16xi32>
    %scan3A = arith.constant 0 : i32
    %scan3A_17 = arith.constant 4 : i32
    %scan3A_18 = arith.addi %scan3A, %scan3A_17 : i32
    %scan3A_19 = arith.constant 1 : i32
    %scan3A_20 = scf.for %scan3A_23 = %scan3A to %scan3A_18 step %scan3A_19 iter_args(%scan3A_24 = %broadcast_in_dim3A_3) -> (vector<16xf32>)  : i32 {
      %broadcast_in_dim3A_25 = arith.constant 0 : i32
      %broadcast_in_dim3A_26 = vector.broadcast %broadcast_in_dim3A_25 : i32 to vector<16xi32>
      %scan3A_27 = arith.constant 0 : i32
      %scan3A_28 = arith.constant 256 : i32
      %scan3A_29 = arith.addi %scan3A_27, %scan3A_28 : i32
      %scan3A_30 = arith.constant 1 : i32
      %scan3A_31:16 = scf.for %scan3A_53 = %scan3A_27 to %scan3A_29 step %scan3A_30 iter_args(%scan3A_54 = %broadcast_in_dim3A_3, %scan3A_55 = %broadcast_in_dim3A_3, %scan3A_56 = %broadcast_in_dim3A_3, %scan3A_57 = %broadcast_in_dim3A_3, %scan3A_58 = %broadcast_in_dim3A_3, %scan3A_59 = %broadcast_in_dim3A_3, %scan3A_60 = %broadcast_in_dim3A_3, %scan3A_61 = %broadcast_in_dim3A_3, %scan3A_62 = %broadcast_in_dim3A_26, %scan3A_63 = %broadcast_in_dim3A_26, %scan3A_64 = %broadcast_in_dim3A_26, %scan3A_65 = %broadcast_in_dim3A_26, %scan3A_66 = %broadcast_in_dim3A_26, %scan3A_67 = %broadcast_in_dim3A_26, %scan3A_68 = %broadcast_in_dim3A_26, %scan3A_69 = %broadcast_in_dim3A_26) -> (vector<16xf32>, vector<16xf32>, vector<16xf32>, vector<16xf32>, vector<16xf32>, vector<16xf32>, vector<16xf32>, vector<16xf32>, vector<16xi32>, vector<16xi32>, vector<16xi32>, vector<16xi32>, vector<16xi32>, vector<16xi32>, vector<16xi32>, vector<16xi32>)  : i32 {
        %and3A_70 = arith.constant 240 : i32
        %and3A_71 = arith.andi %scan3A_53, %and3A_70 : i32
        %and3A_72 = arith.constant 15 : i32
        %and3A_73 = arith.andi %scan3A_53, %and3A_72 : i32
        %broadcast_in_dim3A_74 = vector.broadcast %and3A_73 : i32 to vector<16xi32>
        %add3A_75 = arith.constant 0 : i32
        %add3A_76 = arith.addi %scan3A_23, %add3A_75 : i32
        %get3A = arith.index_cast %add3A_76 : i32 to index
        %get3A_77 = arith.index_cast %and3A_71 : i32 to index
        %get3A_78 = tpu.vector_load %arg9[%get3A, %get3A_77] {strides = array<i32>} : memref<32x256xf32, #tpu.memory_space<vmem>>, vector<16xf32>,
        %lt3A_79 = arith.constant 0 : i32
        %lt3A_80 = vector.broadcast %lt3A_79 : i32 to vector<16xi32>
        %lt3A_81 = arith.cmpi slt, %broadcast_in_dim3A_74, %lt3A_80 : vector<16xi32>
        %add3A_82 = arith.constant 16 : i32
        %add3A_83 = vector.broadcast %add3A_82 : i32 to vector<16xi32>
        %add3A_84 = arith.addi %broadcast_in_dim3A_74, %add3A_83 : vector<16xi32>
        %select_n3A_85 = arith.select %lt3A_81, %add3A_84, %broadcast_in_dim3A_74 : vector<16xi1>, vector<16xi32>
        %broadcast_in_dim3A_86 = vector.shape_cast %select_n3A_85 : vector<16xi32> to vector<16x1xi32>
        %gather3A = vector.shape_cast %broadcast_in_dim3A_86 : vector<16x1xi32> to vector<16xi32>
        %gather3A_87 = tpu.dynamic_gather %get3A_78[%gather3A] in [0] : vector<16xf32>, vector<16xi32> -> vector<16xf32>
        %get3A_88 = arith.index_cast %add3A_76 : i32 to index
        %get3A_89 = arith.index_cast %and3A_71 : i32 to index
        %get3A_90 = tpu.vector_load %arg10[%get3A_88, %get3A_89] {strides = array<i32>} : memref<32x256xf32, #tpu.memory_space<vmem>>, vector<16xf32>,
        %lt3A_91 = arith.constant 0 : i32
        %lt3A_92 = vector.broadcast %lt3A_91 : i32 to vector<16xi32>
        %lt3A_93 = arith.cmpi slt, %broadcast_in_dim3A_74, %lt3A_92 : vector<16xi32>
        %add3A_94 = arith.constant 16 : i32
        %add3A_95 = vector.broadcast %add3A_94 : i32 to vector<16xi32>
        %add3A_96 = arith.addi %broadcast_in_dim3A_74, %add3A_95 : vector<16xi32>
        %select_n3A_97 = arith.select %lt3A_93, %add3A_96, %broadcast_in_dim3A_74 : vector<16xi1>, vector<16xi32>
        %broadcast_in_dim3A_98 = vector.shape_cast %select_n3A_97 : vector<16xi32> to vector<16x1xi32>
        %gather3A_99 = vector.shape_cast %broadcast_in_dim3A_98 : vector<16x1xi32> to vector<16xi32>
        %gather3A_100 = tpu.dynamic_gather %get3A_90[%gather3A_99] in [0] : vector<16xf32>, vector<16xi32> -> vector<16xf32>
        %broadcast_in_dim3A_101 = arith.constant 0 : i32
        %broadcast_in_dim3A_102 = vector.broadcast %broadcast_in_dim3A_101 : i32 to vector<16xi32>
        %get3A_103 = arith.index_cast %add3A_76 : i32 to index
        %get3A_104 = arith.constant 0 : index
        %get3A_105 = tpu.vector_load %arg7[%get3A_103, %get3A_104] {strides = array<i32>} : memref<32x256xf32, #tpu.memory_space<vmem>>, vector<16xf32>,
        %sub3A = arith.subf %gather3A_87, %get3A_105 : vector<16xf32>
        %get3A_106 = arith.index_cast %add3A_76 : i32 to index
        %get3A_107 = arith.constant 0 : index
        %get3A_108 = tpu.vector_load %arg8[%get3A_106, %get3A_107] {strides = array<i32>} : memref<32x256xf32, #tpu.memory_space<vmem>>, vector<16xf32>,
        %sub3A_109 = arith.subf %gather3A_100, %get3A_108 : vector<16xf32>
        %mul3A_110 = arith.mulf %sub3A, %sub3A : vector<16xf32>
        %mul3A_111 = arith.mulf %sub3A_109, %sub3A_109 : vector<16xf32>
        %add3A_112 = arith.addf %mul3A_110, %mul3A_111 : vector<16xf32>
        %shift_left3A = arith.constant 31 : i32
        %shift_left3A_113 = vector.broadcast %shift_left3A : i32 to vector<16xi32>
        %shift_left3A_114 = arith.shli %scan3A_62, %shift_left3A_113 : vector<16xi32>
        %ge3A = arith.constant 0 : i32
        %ge3A_115 = vector.broadcast %ge3A : i32 to vector<16xi32>
        %ge3A_116 = arith.cmpi sge, %shift_left3A_114, %ge3A_115 : vector<16xi32>
        %lt3A_117 = arith.cmpf olt, %add3A_112, %broadcast_in_dim3A_5 : vector<16xf32>
        %and3A_118 = arith.andi %lt3A_117, %ge3A_116 : vector<16xi1>
        %jit3A_119 = arith.constant 0 : i32
        %broadcast_in_dim3A_120 = vector.broadcast %jit3A_119 : i32 to vector<16xi32>
        %select_n3A_121 = arith.select %and3A_118, %broadcast_in_dim3A_120, %broadcast_in_dim3A_102 : vector<16xi1>, vector<16xi32>
        %select_n3A_122 = arith.select %and3A_118, %add3A_112, %broadcast_in_dim3A_5 : vector<16xi1>, vector<16xf32>
        %get3A_123 = arith.index_cast %add3A_76 : i32 to index
        %get3A_124 = arith.constant 16 : index
        %get3A_125 = tpu.vector_load %arg7[%get3A_123, %get3A_124] {strides = array<i32>} : memref<32x256xf32, #tpu.memory_space<vmem>>, vector<16xf32>,
        %sub3A_126 = arith.subf %gather3A_87, %get3A_125 : vector<16xf32>
        %get3A_127 = arith.index_cast %add3A_76 : i32 to index
        %get3A_128 = arith.constant 16 : index
        %get3A_129 = tpu.vector_load %arg8[%get3A_127, %get3A_128] {strides = array<i32>} : memref<32x256xf32, #tpu.memory_space<vmem>>, vector<16xf32>,
        %sub3A_130 = arith.subf %gather3A_100, %get3A_129 : vector<16xf32>
        %mul3A_131 = arith.mulf %sub3A_126, %sub3A_126 : vector<16xf32>
        %mul3A_132 = arith.mulf %sub3A_130, %sub3A_130 : vector<16xf32>
        %add3A_133 = arith.addf %mul3A_131, %mul3A_132 : vector<16xf32>
        %shift_left3A_134 = arith.constant 30 : i32
        %shift_left3A_135 = vector.broadcast %shift_left3A_134 : i32 to vector<16xi32>
        %shift_left3A_136 = arith.shli %scan3A_62, %shift_left3A_135 : vector<16xi32>
        %ge3A_137 = arith.constant 0 : i32
        %ge3A_138 = vector.broadcast %ge3A_137 : i32 to vector<16xi32>
        %ge3A_139 = arith.cmpi sge, %shift_left3A_136, %ge3A_138 : vector<16xi32>
        %lt3A_140 = arith.cmpf olt, %add3A_133, %select_n3A_122 : vector<16xf32>
        %and3A_141 = arith.andi %lt3A_140, %ge3A_139 : vector<16xi1>
        %jit3A_142 = arith.constant 1 : i32
        %broadcast_in_dim3A_143 = vector.broadcast %jit3A_142 : i32 to vector<16xi32>
        %select_n3A_144 = arith.select %and3A_141, %broadcast_in_dim3A_143, %select_n3A_121 : vector<16xi1>, vector<16xi32>
        %select_n3A_145 = arith.select %and3A_141, %add3A_133, %select_n3A_122 : vector<16xi1>, vector<16xf32>
        %get3A_146 = arith.index_cast %add3A_76 : i32 to index
        %get3A_147 = arith.constant 32 : index
        %get3A_148 = tpu.vector_load %arg7[%get3A_146, %get3A_147] {strides = array<i32>} : memref<32x256xf32, #tpu.memory_space<vmem>>, vector<16xf32>,
        %sub3A_149 = arith.subf %gather3A_87, %get3A_148 : vector<16xf32>
        %get3A_150 = arith.index_cast %add3A_76 : i32 to index
        %get3A_151 = arith.constant 32 : index
        %get3A_152 = tpu.vector_load %arg8[%get3A_150, %get3A_151] {strides = array<i32>} : memref<32x256xf32, #tpu.memory_space<vmem>>, vector<16xf32>,
        %sub3A_153 = arith.subf %gather3A_100, %get3A_152 : vector<16xf32>
        %mul3A_154 = arith.mulf %sub3A_149, %sub3A_149 : vector<16xf32>
        %mul3A_155 = arith.mulf %sub3A_153, %sub3A_153 : vector<16xf32>
        %add3A_156 = arith.addf %mul3A_154, %mul3A_155 : vector<16xf32>
        %shift_left3A_157 = arith.constant 29 : i32
        %shift_left3A_158 = vector.broadcast %shift_left3A_157 : i32 to vector<16xi32>
        %shift_left3A_159 = arith.shli %scan3A_62, %shift_left3A_158 : vector<16xi32>
        %ge3A_160 = arith.constant 0 : i32
        %ge3A_161 = vector.broadcast %ge3A_160 : i32 to vector<16xi32>
        %ge3A_162 = arith.cmpi sge, %shift_left3A_159, %ge3A_161 : vector<16xi32>
        %lt3A_163 = arith.cmpf olt, %add3A_156, %select_n3A_145 : vector<16xf32>
        %and3A_164 = arith.andi %lt3A_163, %ge3A_162 : vector<16xi1>
        %jit3A_165 = arith.constant 2 : i32
        %broadcast_in_dim3A_166 = vector.broadcast %jit3A_165 : i32 to vector<16xi32>
        %select_n3A_167 = arith.select %and3A_164, %broadcast_in_dim3A_166, %select_n3A_144 : vector<16xi1>, vector<16xi32>
        %select_n3A_168 = arith.select %and3A_164, %add3A_156, %select_n3A_145 : vector<16xi1>, vector<16xf32>
        %get3A_169 = arith.index_cast %add3A_76 : i32 to index
        %get3A_170 = arith.constant 48 : index
        %get3A_171 = tpu.vector_load %arg7[%get3A_169, %get3A_170] {strides = array<i32>} : memref<32x256xf32, #tpu.memory_space<vmem>>, vector<16xf32>,
        %sub3A_172 = arith.subf %gather3A_87, %get3A_171 : vector<16xf32>
        %get3A_173 = arith.index_cast %add3A_76 : i32 to index
        %get3A_174 = arith.constant 48 : index
        %get3A_175 = tpu.vector_load %arg8[%get3A_173, %get3A_174] {strides = array<i32>} : memref<32x256xf32, #tpu.memory_space<vmem>>, vector<16xf32>,
        %sub3A_176 = arith.subf %gather3A_100, %get3A_175 : vector<16xf32>
        %mul3A_177 = arith.mulf %sub3A_172, %sub3A_172 : vector<16xf32>
        %mul3A_178 = arith.mulf %sub3A_176, %sub3A_176 : vector<16xf32>
        %add3A_179 = arith.addf %mul3A_177, %mul3A_178 : vector<16xf32>
        %shift_left3A_180 = arith.constant 28 : i32
        %shift_left3A_181 = vector.broadcast %shift_left3A_180 : i32 to vector<16xi32>
        %shift_left3A_182 = arith.shli %scan3A_62, %shift_left3A_181 : vector<16xi32>
        %ge3A_183 = arith.constant 0 : i32
        %ge3A_184 = vector.broadcast %ge3A_183 : i32 to vector<16xi32>
        %ge3A_185 = arith.cmpi sge, %shift_left3A_182, %ge3A_184 : vector<16xi32>
        %lt3A_186 = arith.cmpf olt, %add3A_179, %select_n3A_168 : vector<16xf32>
        %and3A_187 = arith.andi %lt3A_186, %ge3A_185 : vector<16xi1>
        %jit3A_188 = arith.constant 3 : i32
        %broadcast_in_dim3A_189 = vector.broadcast %jit3A_188 : i32 to vector<16xi32>
        %select_n3A_190 = arith.select %and3A_187, %broadcast_in_dim3A_189, %select_n3A_167 : vector<16xi1>, vector<16xi32>
        %select_n3A_191 = arith.select %and3A_187, %add3A_179, %select_n3A_168 : vector<16xi1>, vector<16xf32>
        %broadcast_in_dim3A_192 = arith.constant 0 : i32
        %broadcast_in_dim3A_193 = vector.broadcast %broadcast_in_dim3A_192 : i32 to vector<16xi32>
        %get3A_194 = arith.index_cast %add3A_76 : i32 to index
        %get3A_195 = arith.constant 64 : index
        %get3A_196 = tpu.vector_load %arg7[%get3A_194, %get3A_195] {strides = array<i32>} : memref<32x256xf32, #tpu.memory_space<vmem>>, vector<16xf32>,
        %sub3A_197 = arith.subf %gather3A_87, %get3A_196 : vector<16xf32>
        %get3A_198 = arith.index_cast %add3A_76 : i32 to index
        %get3A_199 = arith.constant 64 : index
        %get3A_200 = tpu.vector_load %arg8[%get3A_198, %get3A_199] {strides = array<i32>} : memref<32x256xf32, #tpu.memory_space<vmem>>, vector<16xf32>,
        %sub3A_201 = arith.subf %gather3A_100, %get3A_200 : vector<16xf32>
        %mul3A_202 = arith.mulf %sub3A_197, %sub3A_197 : vector<16xf32>
        %mul3A_203 = arith.mulf %sub3A_201, %sub3A_201 : vector<16xf32>
        %add3A_204 = arith.addf %mul3A_202, %mul3A_203 : vector<16xf32>
        %shift_left3A_205 = arith.constant 27 : i32
        %shift_left3A_206 = vector.broadcast %shift_left3A_205 : i32 to vector<16xi32>
        %shift_left3A_207 = arith.shli %scan3A_62, %shift_left3A_206 : vector<16xi32>
        %ge3A_208 = arith.constant 0 : i32
        %ge3A_209 = vector.broadcast %ge3A_208 : i32 to vector<16xi32>
        %ge3A_210 = arith.cmpi sge, %shift_left3A_207, %ge3A_209 : vector<16xi32>
        %lt3A_211 = arith.cmpf olt, %add3A_204, %broadcast_in_dim3A_5 : vector<16xf32>
        %and3A_212 = arith.andi %lt3A_211, %ge3A_210 : vector<16xi1>
        %jit3A_213 = arith.constant 4 : i32
        %broadcast_in_dim3A_214 = vector.broadcast %jit3A_213 : i32 to vector<16xi32>
        %select_n3A_215 = arith.select %and3A_212, %broadcast_in_dim3A_214, %broadcast_in_dim3A_193 : vector<16xi1>, vector<16xi32>
        %select_n3A_216 = arith.select %and3A_212, %add3A_204, %broadcast_in_dim3A_5 : vector<16xi1>, vector<16xf32>
        %get3A_217 = arith.index_cast %add3A_76 : i32 to index
        %get3A_218 = arith.constant 80 : index
        %get3A_219 = tpu.vector_load %arg7[%get3A_217, %get3A_218] {strides = array<i32>} : memref<32x256xf32, #tpu.memory_space<vmem>>, vector<16xf32>,
        %sub3A_220 = arith.subf %gather3A_87, %get3A_219 : vector<16xf32>
        %get3A_221 = arith.index_cast %add3A_76 : i32 to index
        %get3A_222 = arith.constant 80 : index
        %get3A_223 = tpu.vector_load %arg8[%get3A_221, %get3A_222] {strides = array<i32>} : memref<32x256xf32, #tpu.memory_space<vmem>>, vector<16xf32>,
        %sub3A_224 = arith.subf %gather3A_100, %get3A_223 : vector<16xf32>
        %mul3A_225 = arith.mulf %sub3A_220, %sub3A_220 : vector<16xf32>
        %mul3A_226 = arith.mulf %sub3A_224, %sub3A_224 : vector<16xf32>
        %add3A_227 = arith.addf %mul3A_225, %mul3A_226 : vector<16xf32>
        %shift_left3A_228 = arith.constant 26 : i32
        %shift_left3A_229 = vector.broadcast %shift_left3A_228 : i32 to vector<16xi32>
        %shift_left3A_230 = arith.shli %scan3A_62, %shift_left3A_229 : vector<16xi32>
        %ge3A_231 = arith.constant 0 : i32
        %ge3A_232 = vector.broadcast %ge3A_231 : i32 to vector<16xi32>
        %ge3A_233 = arith.cmpi sge, %shift_left3A_230, %ge3A_232 : vector<16xi32>
        %lt3A_234 = arith.cmpf olt, %add3A_227, %select_n3A_216 : vector<16xf32>
        %and3A_235 = arith.andi %lt3A_234, %ge3A_233 : vector<16xi1>
        %jit3A_236 = arith.constant 5 : i32
        %broadcast_in_dim3A_237 = vector.broadcast %jit3A_236 : i32 to vector<16xi32>
        %select_n3A_238 = arith.select %and3A_235, %broadcast_in_dim3A_237, %select_n3A_215 : vector<16xi1>, vector<16xi32>
        %select_n3A_239 = arith.select %and3A_235, %add3A_227, %select_n3A_216 : vector<16xi1>, vector<16xf32>
        %get3A_240 = arith.index_cast %add3A_76 : i32 to index
        %get3A_241 = arith.constant 96 : index
        %get3A_242 = tpu.vector_load %arg7[%get3A_240, %get3A_241] {strides = array<i32>} : memref<32x256xf32, #tpu.memory_space<vmem>>, vector<16xf32>,
        %sub3A_243 = arith.subf %gather3A_87, %get3A_242 : vector<16xf32>
        %get3A_244 = arith.index_cast %add3A_76 : i32 to index
        %get3A_245 = arith.constant 96 : index
        %get3A_246 = tpu.vector_load %arg8[%get3A_244, %get3A_245] {strides = array<i32>} : memref<32x256xf32, #tpu.memory_space<vmem>>, vector<16xf32>,
        %sub3A_247 = arith.subf %gather3A_100, %get3A_246 : vector<16xf32>
        %mul3A_248 = arith.mulf %sub3A_243, %sub3A_243 : vector<16xf32>
        %mul3A_249 = arith.mulf %sub3A_247, %sub3A_247 : vector<16xf32>
        %add3A_250 = arith.addf %mul3A_248, %mul3A_249 : vector<16xf32>
        %shift_left3A_251 = arith.constant 25 : i32
        %shift_left3A_252 = vector.broadcast %shift_left3A_251 : i32 to vector<16xi32>
        %shift_left3A_253 = arith.shli %scan3A_62, %shift_left3A_252 : vector<16xi32>
        %ge3A_254 = arith.constant 0 : i32
        %ge3A_255 = vector.broadcast %ge3A_254 : i32 to vector<16xi32>
        %ge3A_256 = arith.cmpi sge, %shift_left3A_253, %ge3A_255 : vector<16xi32>
        %lt3A_257 = arith.cmpf olt, %add3A_250, %select_n3A_239 : vector<16xf32>
        %and3A_258 = arith.andi %lt3A_257, %ge3A_256 : vector<16xi1>
        %jit3A_259 = arith.constant 6 : i32
        %broadcast_in_dim3A_260 = vector.broadcast %jit3A_259 : i32 to vector<16xi32>
        %select_n3A_261 = arith.select %and3A_258, %broadcast_in_dim3A_260, %select_n3A_238 : vector<16xi1>, vector<16xi32>
        %select_n3A_262 = arith.select %and3A_258, %add3A_250, %select_n3A_239 : vector<16xi1>, vector<16xf32>
        %get3A_263 = arith.index_cast %add3A_76 : i32 to index
        %get3A_264 = arith.constant 112 : index
        %get3A_265 = tpu.vector_load %arg7[%get3A_263, %get3A_264] {strides = array<i32>} : memref<32x256xf32, #tpu.memory_space<vmem>>, vector<16xf32>,
        %sub3A_266 = arith.subf %gather3A_87, %get3A_265 : vector<16xf32>
        %get3A_267 = arith.index_cast %add3A_76 : i32 to index
        %get3A_268 = arith.constant 112 : index
        %get3A_269 = tpu.vector_load %arg8[%get3A_267, %get3A_268] {strides = array<i32>} : memref<32x256xf32, #tpu.memory_space<vmem>>, vector<16xf32>,
        %sub3A_270 = arith.subf %gather3A_100, %get3A_269 : vector<16xf32>
        %mul3A_271 = arith.mulf %sub3A_266, %sub3A_266 : vector<16xf32>
        %mul3A_272 = arith.mulf %sub3A_270, %sub3A_270 : vector<16xf32>
        %add3A_273 = arith.addf %mul3A_271, %mul3A_272 : vector<16xf32>
        %shift_left3A_274 = arith.constant 24 : i32
        %shift_left3A_275 = vector.broadcast %shift_left3A_274 : i32 to vector<16xi32>
        %shift_left3A_276 = arith.shli %scan3A_62, %shift_left3A_275 : vector<16xi32>
        %ge3A_277 = arith.constant 0 : i32
        %ge3A_278 = vector.broadcast %ge3A_277 : i32 to vector<16xi32>
        %ge3A_279 = arith.cmpi sge, %shift_left3A_276, %ge3A_278 : vector<16xi32>
        %lt3A_280 = arith.cmpf olt, %add3A_273, %select_n3A_262 : vector<16xf32>
        %and3A_281 = arith.andi %lt3A_280, %ge3A_279 : vector<16xi1>
        %jit3A_282 = arith.constant 7 : i32
        %broadcast_in_dim3A_283 = vector.broadcast %jit3A_282 : i32 to vector<16xi32>
        %select_n3A_284 = arith.select %and3A_281, %broadcast_in_dim3A_283, %select_n3A_261 : vector<16xi1>, vector<16xi32>
        %select_n3A_285 = arith.select %and3A_281, %add3A_273, %select_n3A_262 : vector<16xi1>, vector<16xf32>
        %broadcast_in_dim3A_286 = arith.constant 0 : i32
        %broadcast_in_dim3A_287 = vector.broadcast %broadcast_in_dim3A_286 : i32 to vector<16xi32>
        %get3A_288 = arith.index_cast %add3A_76 : i32 to index
        %get3A_289 = arith.constant 128 : index
        %get3A_290 = tpu.vector_load %arg7[%get3A_288, %get3A_289] {strides = array<i32>} : memref<32x256xf32, #tpu.memory_space<vmem>>, vector<16xf32>,
        %sub3A_291 = arith.subf %gather3A_87, %get3A_290 : vector<16xf32>
        %get3A_292 = arith.index_cast %add3A_76 : i32 to index
        %get3A_293 = arith.constant 128 : index
        %get3A_294 = tpu.vector_load %arg8[%get3A_292, %get3A_293] {strides = array<i32>} : memref<32x256xf32, #tpu.memory_space<vmem>>, vector<16xf32>,
        %sub3A_295 = arith.subf %gather3A_100, %get3A_294 : vector<16xf32>
        %mul3A_296 = arith.mulf %sub3A_291, %sub3A_291 : vector<16xf32>
        %mul3A_297 = arith.mulf %sub3A_295, %sub3A_295 : vector<16xf32>
        %add3A_298 = arith.addf %mul3A_296, %mul3A_297 : vector<16xf32>
        %shift_left3A_299 = arith.constant 23 : i32
        %shift_left3A_300 = vector.broadcast %shift_left3A_299 : i32 to vector<16xi32>
        %shift_left3A_301 = arith.shli %scan3A_62, %shift_left3A_300 : vector<16xi32>
        %ge3A_302 = arith.constant 0 : i32
        %ge3A_303 = vector.broadcast %ge3A_302 : i32 to vector<16xi32>
        %ge3A_304 = arith.cmpi sge, %shift_left3A_301, %ge3A_303 : vector<16xi32>
        %lt3A_305 = arith.cmpf olt, %add3A_298, %broadcast_in_dim3A_5 : vector<16xf32>
        %and3A_306 = arith.andi %lt3A_305, %ge3A_304 : vector<16xi1>
        %jit3A_307 = arith.constant 8 : i32
        %broadcast_in_dim3A_308 = vector.broadcast %jit3A_307 : i32 to vector<16xi32>
        %select_n3A_309 = arith.select %and3A_306, %broadcast_in_dim3A_308, %broadcast_in_dim3A_287 : vector<16xi1>, vector<16xi32>
        %select_n3A_310 = arith.select %and3A_306, %add3A_298, %broadcast_in_dim3A_5 : vector<16xi1>, vector<16xf32>
        %get3A_311 = arith.index_cast %add3A_76 : i32 to index
        %get3A_312 = arith.constant 144 : index
        %get3A_313 = tpu.vector_load %arg7[%get3A_311, %get3A_312] {strides = array<i32>} : memref<32x256xf32, #tpu.memory_space<vmem>>, vector<16xf32>,
        %sub3A_314 = arith.subf %gather3A_87, %get3A_313 : vector<16xf32>
        %get3A_315 = arith.index_cast %add3A_76 : i32 to index
        %get3A_316 = arith.constant 144 : index
        %get3A_317 = tpu.vector_load %arg8[%get3A_315, %get3A_316] {strides = array<i32>} : memref<32x256xf32, #tpu.memory_space<vmem>>, vector<16xf32>,
        %sub3A_318 = arith.subf %gather3A_100, %get3A_317 : vector<16xf32>
        %mul3A_319 = arith.mulf %sub3A_314, %sub3A_314 : vector<16xf32>
        %mul3A_320 = arith.mulf %sub3A_318, %sub3A_318 : vector<16xf32>
        %add3A_321 = arith.addf %mul3A_319, %mul3A_320 : vector<16xf32>
        %shift_left3A_322 = arith.constant 22 : i32
        %shift_left3A_323 = vector.broadcast %shift_left3A_322 : i32 to vector<16xi32>
        %shift_left3A_324 = arith.shli %scan3A_62, %shift_left3A_323 : vector<16xi32>
        %ge3A_325 = arith.constant 0 : i32
        %ge3A_326 = vector.broadcast %ge3A_325 : i32 to vector<16xi32>
        %ge3A_327 = arith.cmpi sge, %shift_left3A_324, %ge3A_326 : vector<16xi32>
        %lt3A_328 = arith.cmpf olt, %add3A_321, %select_n3A_310 : vector<16xf32>
        %and3A_329 = arith.andi %lt3A_328, %ge3A_327 : vector<16xi1>
        %jit3A_330 = arith.constant 9 : i32
        %broadcast_in_dim3A_331 = vector.broadcast %jit3A_330 : i32 to vector<16xi32>
        %select_n3A_332 = arith.select %and3A_329, %broadcast_in_dim3A_331, %select_n3A_309 : vector<16xi1>, vector<16xi32>
        %select_n3A_333 = arith.select %and3A_329, %add3A_321, %select_n3A_310 : vector<16xi1>, vector<16xf32>
        %get3A_334 = arith.index_cast %add3A_76 : i32 to index
        %get3A_335 = arith.constant 160 : index
        %get3A_336 = tpu.vector_load %arg7[%get3A_334, %get3A_335] {strides = array<i32>} : memref<32x256xf32, #tpu.memory_space<vmem>>, vector<16xf32>,
        %sub3A_337 = arith.subf %gather3A_87, %get3A_336 : vector<16xf32>
        %get3A_338 = arith.index_cast %add3A_76 : i32 to index
        %get3A_339 = arith.constant 160 : index
        %get3A_340 = tpu.vector_load %arg8[%get3A_338, %get3A_339] {strides = array<i32>} : memref<32x256xf32, #tpu.memory_space<vmem>>, vector<16xf32>,
        %sub3A_341 = arith.subf %gather3A_100, %get3A_340 : vector<16xf32>
        %mul3A_342 = arith.mulf %sub3A_337, %sub3A_337 : vector<16xf32>
        %mul3A_343 = arith.mulf %sub3A_341, %sub3A_341 : vector<16xf32>
        %add3A_344 = arith.addf %mul3A_342, %mul3A_343 : vector<16xf32>
        %shift_left3A_345 = arith.constant 21 : i32
        %shift_left3A_346 = vector.broadcast %shift_left3A_345 : i32 to vector<16xi32>
        %shift_left3A_347 = arith.shli %scan3A_62, %shift_left3A_346 : vector<16xi32>
        %ge3A_348 = arith.constant 0 : i32
        %ge3A_349 = vector.broadcast %ge3A_348 : i32 to vector<16xi32>
        %ge3A_350 = arith.cmpi sge, %shift_left3A_347, %ge3A_349 : vector<16xi32>
        %lt3A_351 = arith.cmpf olt, %add3A_344, %select_n3A_333 : vector<16xf32>
        %and3A_352 = arith.andi %lt3A_351, %ge3A_350 : vector<16xi1>
        %jit3A_353 = arith.constant 10 : i32
        %broadcast_in_dim3A_354 = vector.broadcast %jit3A_353 : i32 to vector<16xi32>
        %select_n3A_355 = arith.select %and3A_352, %broadcast_in_dim3A_354, %select_n3A_332 : vector<16xi1>, vector<16xi32>
        %select_n3A_356 = arith.select %and3A_352, %add3A_344, %select_n3A_333 : vector<16xi1>, vector<16xf32>
        %get3A_357 = arith.index_cast %add3A_76 : i32 to index
        %get3A_358 = arith.constant 176 : index
        %get3A_359 = tpu.vector_load %arg7[%get3A_357, %get3A_358] {strides = array<i32>} : memref<32x256xf32, #tpu.memory_space<vmem>>, vector<16xf32>,
        %sub3A_360 = arith.subf %gather3A_87, %get3A_359 : vector<16xf32>
        %get3A_361 = arith.index_cast %add3A_76 : i32 to index
        %get3A_362 = arith.constant 176 : index
        %get3A_363 = tpu.vector_load %arg8[%get3A_361, %get3A_362] {strides = array<i32>} : memref<32x256xf32, #tpu.memory_space<vmem>>, vector<16xf32>,
        %sub3A_364 = arith.subf %gather3A_100, %get3A_363 : vector<16xf32>
        %mul3A_365 = arith.mulf %sub3A_360, %sub3A_360 : vector<16xf32>
        %mul3A_366 = arith.mulf %sub3A_364, %sub3A_364 : vector<16xf32>
        %add3A_367 = arith.addf %mul3A_365, %mul3A_366 : vector<16xf32>
        %shift_left3A_368 = arith.constant 20 : i32
        %shift_left3A_369 = vector.broadcast %shift_left3A_368 : i32 to vector<16xi32>
        %shift_left3A_370 = arith.shli %scan3A_62, %shift_left3A_369 : vector<16xi32>
        %ge3A_371 = arith.constant 0 : i32
        %ge3A_372 = vector.broadcast %ge3A_371 : i32 to vector<16xi32>
        %ge3A_373 = arith.cmpi sge, %shift_left3A_370, %ge3A_372 : vector<16xi32>
        %lt3A_374 = arith.cmpf olt, %add3A_367, %select_n3A_356 : vector<16xf32>
        %and3A_375 = arith.andi %lt3A_374, %ge3A_373 : vector<16xi1>
        %jit3A_376 = arith.constant 11 : i32
        %broadcast_in_dim3A_377 = vector.broadcast %jit3A_376 : i32 to vector<16xi32>
        %select_n3A_378 = arith.select %and3A_375, %broadcast_in_dim3A_377, %select_n3A_355 : vector<16xi1>, vector<16xi32>
        %select_n3A_379 = arith.select %and3A_375, %add3A_367, %select_n3A_356 : vector<16xi1>, vector<16xf32>
        %broadcast_in_dim3A_380 = arith.constant 0 : i32
        %broadcast_in_dim3A_381 = vector.broadcast %broadcast_in_dim3A_380 : i32 to vector<16xi32>
        %get3A_382 = arith.index_cast %add3A_76 : i32 to index
        %get3A_383 = arith.constant 192 : index
        %get3A_384 = tpu.vector_load %arg7[%get3A_382, %get3A_383] {strides = array<i32>} : memref<32x256xf32, #tpu.memory_space<vmem>>, vector<16xf32>,
        %sub3A_385 = arith.subf %gather3A_87, %get3A_384 : vector<16xf32>
        %get3A_386 = arith.index_cast %add3A_76 : i32 to index
        %get3A_387 = arith.constant 192 : index
        %get3A_388 = tpu.vector_load %arg8[%get3A_386, %get3A_387] {strides = array<i32>} : memref<32x256xf32, #tpu.memory_space<vmem>>, vector<16xf32>,
        %sub3A_389 = arith.subf %gather3A_100, %get3A_388 : vector<16xf32>
        %mul3A_390 = arith.mulf %sub3A_385, %sub3A_385 : vector<16xf32>
        %mul3A_391 = arith.mulf %sub3A_389, %sub3A_389 : vector<16xf32>
        %add3A_392 = arith.addf %mul3A_390, %mul3A_391 : vector<16xf32>
        %shift_left3A_393 = arith.constant 19 : i32
        %shift_left3A_394 = vector.broadcast %shift_left3A_393 : i32 to vector<16xi32>
        %shift_left3A_395 = arith.shli %scan3A_62, %shift_left3A_394 : vector<16xi32>
        %ge3A_396 = arith.constant 0 : i32
        %ge3A_397 = vector.broadcast %ge3A_396 : i32 to vector<16xi32>
        %ge3A_398 = arith.cmpi sge, %shift_left3A_395, %ge3A_397 : vector<16xi32>
        %lt3A_399 = arith.cmpf olt, %add3A_392, %broadcast_in_dim3A_5 : vector<16xf32>
        %and3A_400 = arith.andi %lt3A_399, %ge3A_398 : vector<16xi1>
        %jit3A_401 = arith.constant 12 : i32
        %broadcast_in_dim3A_402 = vector.broadcast %jit3A_401 : i32 to vector<16xi32>
        %select_n3A_403 = arith.select %and3A_400, %broadcast_in_dim3A_402, %broadcast_in_dim3A_381 : vector<16xi1>, vector<16xi32>
        %select_n3A_404 = arith.select %and3A_400, %add3A_392, %broadcast_in_dim3A_5 : vector<16xi1>, vector<16xf32>
        %get3A_405 = arith.index_cast %add3A_76 : i32 to index
        %get3A_406 = arith.constant 208 : index
        %get3A_407 = tpu.vector_load %arg7[%get3A_405, %get3A_406] {strides = array<i32>} : memref<32x256xf32, #tpu.memory_space<vmem>>, vector<16xf32>,
        %sub3A_408 = arith.subf %gather3A_87, %get3A_407 : vector<16xf32>
        %get3A_409 = arith.index_cast %add3A_76 : i32 to index
        %get3A_410 = arith.constant 208 : index
        %get3A_411 = tpu.vector_load %arg8[%get3A_409, %get3A_410] {strides = array<i32>} : memref<32x256xf32, #tpu.memory_space<vmem>>, vector<16xf32>,
        %sub3A_412 = arith.subf %gather3A_100, %get3A_411 : vector<16xf32>
        %mul3A_413 = arith.mulf %sub3A_408, %sub3A_408 : vector<16xf32>
        %mul3A_414 = arith.mulf %sub3A_412, %sub3A_412 : vector<16xf32>
        %add3A_415 = arith.addf %mul3A_413, %mul3A_414 : vector<16xf32>
        %shift_left3A_416 = arith.constant 18 : i32
        %shift_left3A_417 = vector.broadcast %shift_left3A_416 : i32 to vector<16xi32>
        %shift_left3A_418 = arith.shli %scan3A_62, %shift_left3A_417 : vector<16xi32>
        %ge3A_419 = arith.constant 0 : i32
        %ge3A_420 = vector.broadcast %ge3A_419 : i32 to vector<16xi32>
        %ge3A_421 = arith.cmpi sge, %shift_left3A_418, %ge3A_420 : vector<16xi32>
        %lt3A_422 = arith.cmpf olt, %add3A_415, %select_n3A_404 : vector<16xf32>
        %and3A_423 = arith.andi %lt3A_422, %ge3A_421 : vector<16xi1>
        %jit3A_424 = arith.constant 13 : i32
        %broadcast_in_dim3A_425 = vector.broadcast %jit3A_424 : i32 to vector<16xi32>
        %select_n3A_426 = arith.select %and3A_423, %broadcast_in_dim3A_425, %select_n3A_403 : vector<16xi1>, vector<16xi32>
        %select_n3A_427 = arith.select %and3A_423, %add3A_415, %select_n3A_404 : vector<16xi1>, vector<16xf32>
        %get3A_428 = arith.index_cast %add3A_76 : i32 to index
        %get3A_429 = arith.constant 224 : index
        %get3A_430 = tpu.vector_load %arg7[%get3A_428, %get3A_429] {strides = array<i32>} : memref<32x256xf32, #tpu.memory_space<vmem>>, vector<16xf32>,
        %sub3A_431 = arith.subf %gather3A_87, %get3A_430 : vector<16xf32>
        %get3A_432 = arith.index_cast %add3A_76 : i32 to index
        %get3A_433 = arith.constant 224 : index
        %get3A_434 = tpu.vector_load %arg8[%get3A_432, %get3A_433] {strides = array<i32>} : memref<32x256xf32, #tpu.memory_space<vmem>>, vector<16xf32>,
        %sub3A_435 = arith.subf %gather3A_100, %get3A_434 : vector<16xf32>
        %mul3A_436 = arith.mulf %sub3A_431, %sub3A_431 : vector<16xf32>
        %mul3A_437 = arith.mulf %sub3A_435, %sub3A_435 : vector<16xf32>
        %add3A_438 = arith.addf %mul3A_436, %mul3A_437 : vector<16xf32>
        %shift_left3A_439 = arith.constant 17 : i32
        %shift_left3A_440 = vector.broadcast %shift_left3A_439 : i32 to vector<16xi32>
        %shift_left3A_441 = arith.shli %scan3A_62, %shift_left3A_440 : vector<16xi32>
        %ge3A_442 = arith.constant 0 : i32
        %ge3A_443 = vector.broadcast %ge3A_442 : i32 to vector<16xi32>
        %ge3A_444 = arith.cmpi sge, %shift_left3A_441, %ge3A_443 : vector<16xi32>
        %lt3A_445 = arith.cmpf olt, %add3A_438, %select_n3A_427 : vector<16xf32>
        %and3A_446 = arith.andi %lt3A_445, %ge3A_444 : vector<16xi1>
        %jit3A_447 = arith.constant 14 : i32
        %broadcast_in_dim3A_448 = vector.broadcast %jit3A_447 : i32 to vector<16xi32>
        %select_n3A_449 = arith.select %and3A_446, %broadcast_in_dim3A_448, %select_n3A_426 : vector<16xi1>, vector<16xi32>
        %select_n3A_450 = arith.select %and3A_446, %add3A_438, %select_n3A_427 : vector<16xi1>, vector<16xf32>
        %get3A_451 = arith.index_cast %add3A_76 : i32 to index
        %get3A_452 = arith.constant 240 : index
        %get3A_453 = tpu.vector_load %arg7[%get3A_451, %get3A_452] {strides = array<i32>} : memref<32x256xf32, #tpu.memory_space<vmem>>, vector<16xf32>,
        %sub3A_454 = arith.subf %gather3A_87, %get3A_453 : vector<16xf32>
        %get3A_455 = arith.index_cast %add3A_76 : i32 to index
        %get3A_456 = arith.constant 240 : index
        %get3A_457 = tpu.vector_load %arg8[%get3A_455, %get3A_456] {strides = array<i32>} : memref<32x256xf32, #tpu.memory_space<vmem>>, vector<16xf32>,
        %sub3A_458 = arith.subf %gather3A_100, %get3A_457 : vector<16xf32>
        %mul3A_459 = arith.mulf %sub3A_454, %sub3A_454 : vector<16xf32>
        %mul3A_460 = arith.mulf %sub3A_458, %sub3A_458 : vector<16xf32>
        %add3A_461 = arith.addf %mul3A_459, %mul3A_460 : vector<16xf32>
        %shift_left3A_462 = arith.constant 16 : i32
        %shift_left3A_463 = vector.broadcast %shift_left3A_462 : i32 to vector<16xi32>
        %shift_left3A_464 = arith.shli %scan3A_62, %shift_left3A_463 : vector<16xi32>
        %ge3A_465 = arith.constant 0 : i32
        %ge3A_466 = vector.broadcast %ge3A_465 : i32 to vector<16xi32>
        %ge3A_467 = arith.cmpi sge, %shift_left3A_464, %ge3A_466 : vector<16xi32>
        %lt3A_468 = arith.cmpf olt, %add3A_461, %select_n3A_450 : vector<16xf32>
        %and3A_469 = arith.andi %lt3A_468, %ge3A_467 : vector<16xi1>
        %jit3A_470 = arith.constant 15 : i32
        %broadcast_in_dim3A_471 = vector.broadcast %jit3A_470 : i32 to vector<16xi32>
        %select_n3A_472 = arith.select %and3A_469, %broadcast_in_dim3A_471, %select_n3A_449 : vector<16xi1>, vector<16xi32>
        %select_n3A_473 = arith.select %and3A_469, %add3A_461, %select_n3A_450 : vector<16xi1>, vector<16xf32>
        %lt3A_474 = arith.cmpf olt, %select_n3A_285, %select_n3A_191 : vector<16xf32>
        %select_n3A_475 = arith.select %lt3A_474, %select_n3A_285, %select_n3A_191 : vector<16xi1>, vector<16xf32>
        %select_n3A_476 = arith.select %lt3A_474, %select_n3A_284, %select_n3A_190 : vector<16xi1>, vector<16xi32>
        %lt3A_477 = arith.cmpf olt, %select_n3A_473, %select_n3A_379 : vector<16xf32>
        %select_n3A_478 = arith.select %lt3A_477, %select_n3A_473, %select_n3A_379 : vector<16xi1>, vector<16xf32>
        %select_n3A_479 = arith.select %lt3A_477, %select_n3A_472, %select_n3A_378 : vector<16xi1>, vector<16xi32>
        %lt3A_480 = arith.cmpf olt, %select_n3A_478, %select_n3A_475 : vector<16xf32>
        %select_n3A_481 = arith.select %lt3A_480, %select_n3A_478, %select_n3A_475 : vector<16xi1>, vector<16xf32>
        %select_n3A_482 = arith.select %lt3A_480, %select_n3A_479, %select_n3A_476 : vector<16xi1>, vector<16xi32>
        %add3A_483 = arith.constant 4 : i32
        %add3A_484 = arith.addi %scan3A_23, %add3A_483 : i32
        %get3A_485 = arith.index_cast %add3A_484 : i32 to index
        %get3A_486 = arith.index_cast %and3A_71 : i32 to index
        %get3A_487 = tpu.vector_load %arg9[%get3A_485, %get3A_486] {strides = array<i32>} : memref<32x256xf32, #tpu.memory_space<vmem>>, vector<16xf32>,
        %lt3A_488 = arith.constant 0 : i32
        %lt3A_489 = vector.broadcast %lt3A_488 : i32 to vector<16xi32>
        %lt3A_490 = arith.cmpi slt, %broadcast_in_dim3A_74, %lt3A_489 : vector<16xi32>
        %add3A_491 = arith.constant 16 : i32
        %add3A_492 = vector.broadcast %add3A_491 : i32 to vector<16xi32>
        %add3A_493 = arith.addi %broadcast_in_dim3A_74, %add3A_492 : vector<16xi32>
        %select_n3A_494 = arith.select %lt3A_490, %add3A_493, %broadcast_in_dim3A_74 : vector<16xi1>, vector<16xi32>
        %broadcast_in_dim3A_495 = vector.shape_cast %select_n3A_494 : vector<16xi32> to vector<16x1xi32>
        %gather3A_496 = vector.shape_cast %broadcast_in_dim3A_495 : vector<16x1xi32> to vector<16xi32>
        %gather3A_497 = tpu.dynamic_gather %get3A_487[%gather3A_496] in [0] : vector<16xf32>, vector<16xi32> -> vector<16xf32>
        %get3A_498 = arith.index_cast %add3A_484 : i32 to index
        %get3A_499 = arith.index_cast %and3A_71 : i32 to index
        %get3A_500 = tpu.vector_load %arg10[%get3A_498, %get3A_499] {strides = array<i32>} : memref<32x256xf32, #tpu.memory_space<vmem>>, vector<16xf32>,
        %lt3A_501 = arith.constant 0 : i32
        %lt3A_502 = vector.broadcast %lt3A_501 : i32 to vector<16xi32>
        %lt3A_503 = arith.cmpi slt, %broadcast_in_dim3A_74, %lt3A_502 : vector<16xi32>
        %add3A_504 = arith.constant 16 : i32
        %add3A_505 = vector.broadcast %add3A_504 : i32 to vector<16xi32>
        %add3A_506 = arith.addi %broadcast_in_dim3A_74, %add3A_505 : vector<16xi32>
        %select_n3A_507 = arith.select %lt3A_503, %add3A_506, %broadcast_in_dim3A_74 : vector<16xi1>, vector<16xi32>
        %broadcast_in_dim3A_508 = vector.shape_cast %select_n3A_507 : vector<16xi32> to vector<16x1xi32>
        %gather3A_509 = vector.shape_cast %broadcast_in_dim3A_508 : vector<16x1xi32> to vector<16xi32>
        %gather3A_510 = tpu.dynamic_gather %get3A_500[%gather3A_509] in [0] : vector<16xf32>, vector<16xi32> -> vector<16xf32>
        %broadcast_in_dim3A_511 = arith.constant 0 : i32
        %broadcast_in_dim3A_512 = vector.broadcast %broadcast_in_dim3A_511 : i32 to vector<16xi32>
        %get3A_513 = arith.index_cast %add3A_484 : i32 to index
        %get3A_514 = arith.constant 0 : index
        %get3A_515 = tpu.vector_load %arg7[%get3A_513, %get3A_514] {strides = array<i32>} : memref<32x256xf32, #tpu.memory_space<vmem>>, vector<16xf32>,
        %sub3A_516 = arith.subf %gather3A_497, %get3A_515 : vector<16xf32>
        %get3A_517 = arith.index_cast %add3A_484 : i32 to index
        %get3A_518 = arith.constant 0 : index
        %get3A_519 = tpu.vector_load %arg8[%get3A_517, %get3A_518] {strides = array<i32>} : memref<32x256xf32, #tpu.memory_space<vmem>>, vector<16xf32>,
        %sub3A_520 = arith.subf %gather3A_510, %get3A_519 : vector<16xf32>
        %mul3A_521 = arith.mulf %sub3A_516, %sub3A_516 : vector<16xf32>
        %mul3A_522 = arith.mulf %sub3A_520, %sub3A_520 : vector<16xf32>
        %add3A_523 = arith.addf %mul3A_521, %mul3A_522 : vector<16xf32>
        %shift_left3A_524 = arith.constant 31 : i32
        %shift_left3A_525 = vector.broadcast %shift_left3A_524 : i32 to vector<16xi32>
        %shift_left3A_526 = arith.shli %scan3A_63, %shift_left3A_525 : vector<16xi32>
        %ge3A_527 = arith.constant 0 : i32
        %ge3A_528 = vector.broadcast %ge3A_527 : i32 to vector<16xi32>
        %ge3A_529 = arith.cmpi sge, %shift_left3A_526, %ge3A_528 : vector<16xi32>
        %lt3A_530 = arith.cmpf olt, %add3A_523, %broadcast_in_dim3A_5 : vector<16xf32>
        %and3A_531 = arith.andi %lt3A_530, %ge3A_529 : vector<16xi1>
        %jit3A_532 = arith.constant 0 : i32
        %broadcast_in_dim3A_533 = vector.broadcast %jit3A_532 : i32 to vector<16xi32>
        %select_n3A_534 = arith.select %and3A_531, %broadcast_in_dim3A_533, %broadcast_in_dim3A_512 : vector<16xi1>, vector<16xi32>
        %select_n3A_535 = arith.select %and3A_531, %add3A_523, %broadcast_in_dim3A_5 : vector<16xi1>, vector<16xf32>
        %get3A_536 = arith.index_cast %add3A_484 : i32 to index
        %get3A_537 = arith.constant 16 : index
        %get3A_538 = tpu.vector_load %arg7[%get3A_536, %get3A_537] {strides = array<i32>} : memref<32x256xf32, #tpu.memory_space<vmem>>, vector<16xf32>,
        %sub3A_539 = arith.subf %gather3A_497, %get3A_538 : vector<16xf32>
        %get3A_540 = arith.index_cast %add3A_484 : i32 to index
        %get3A_541 = arith.constant 16 : index
        %get3A_542 = tpu.vector_load %arg8[%get3A_540, %get3A_541] {strides = array<i32>} : memref<32x256xf32, #tpu.memory_space<vmem>>, vector<16xf32>,
        %sub3A_543 = arith.subf %gather3A_510, %get3A_542 : vector<16xf32>
        %mul3A_544 = arith.mulf %sub3A_539, %sub3A_539 : vector<16xf32>
        %mul3A_545 = arith.mulf %sub3A_543, %sub3A_543 : vector<16xf32>
        %add3A_546 = arith.addf %mul3A_544, %mul3A_545 : vector<16xf32>
        %shift_left3A_547 = arith.constant 30 : i32
        %shift_left3A_548 = vector.broadcast %shift_left3A_547 : i32 to vector<16xi32>
        %shift_left3A_549 = arith.shli %scan3A_63, %shift_left3A_548 : vector<16xi32>
        %ge3A_550 = arith.constant 0 : i32
        %ge3A_551 = vector.broadcast %ge3A_550 : i32 to vector<16xi32>
        %ge3A_552 = arith.cmpi sge, %shift_left3A_549, %ge3A_551 : vector<16xi32>
        %lt3A_553 = arith.cmpf olt, %add3A_546, %select_n3A_535 : vector<16xf32>
        %and3A_554 = arith.andi %lt3A_553, %ge3A_552 : vector<16xi1>
        %jit3A_555 = arith.constant 1 : i32
        %broadcast_in_dim3A_556 = vector.broadcast %jit3A_555 : i32 to vector<16xi32>
        %select_n3A_557 = arith.select %and3A_554, %broadcast_in_dim3A_556, %select_n3A_534 : vector<16xi1>, vector<16xi32>
        %select_n3A_558 = arith.select %and3A_554, %add3A_546, %select_n3A_535 : vector<16xi1>, vector<16xf32>
        %get3A_559 = arith.index_cast %add3A_484 : i32 to index
        %get3A_560 = arith.constant 32 : index
        %get3A_561 = tpu.vector_load %arg7[%get3A_559, %get3A_560] {strides = array<i32>} : memref<32x256xf32, #tpu.memory_space<vmem>>, vector<16xf32>,
        %sub3A_562 = arith.subf %gather3A_497, %get3A_561 : vector<16xf32>
        %get3A_563 = arith.index_cast %add3A_484 : i32 to index
        %get3A_564 = arith.constant 32 : index
        %get3A_565 = tpu.vector_load %arg8[%get3A_563, %get3A_564] {strides = array<i32>} : memref<32x256xf32, #tpu.memory_space<vmem>>, vector<16xf32>,
        %sub3A_566 = arith.subf %gather3A_510, %get3A_565 : vector<16xf32>
        %mul3A_567 = arith.mulf %sub3A_562, %sub3A_562 : vector<16xf32>
        %mul3A_568 = arith.mulf %sub3A_566, %sub3A_566 : vector<16xf32>
        %add3A_569 = arith.addf %mul3A_567, %mul3A_568 : vector<16xf32>
        %shift_left3A_570 = arith.constant 29 : i32
        %shift_left3A_571 = vector.broadcast %shift_left3A_570 : i32 to vector<16xi32>
        %shift_left3A_572 = arith.shli %scan3A_63, %shift_left3A_571 : vector<16xi32>
        %ge3A_573 = arith.constant 0 : i32
        %ge3A_574 = vector.broadcast %ge3A_573 : i32 to vector<16xi32>
        %ge3A_575 = arith.cmpi sge, %shift_left3A_572, %ge3A_574 : vector<16xi32>
        %lt3A_576 = arith.cmpf olt, %add3A_569, %select_n3A_558 : vector<16xf32>
        %and3A_577 = arith.andi %lt3A_576, %ge3A_575 : vector<16xi1>
        %jit3A_578 = arith.constant 2 : i32
        %broadcast_in_dim3A_579 = vector.broadcast %jit3A_578 : i32 to vector<16xi32>
        %select_n3A_580 = arith.select %and3A_577, %broadcast_in_dim3A_579, %select_n3A_557 : vector<16xi1>, vector<16xi32>
        %select_n3A_581 = arith.select %and3A_577, %add3A_569, %select_n3A_558 : vector<16xi1>, vector<16xf32>
        %get3A_582 = arith.index_cast %add3A_484 : i32 to index
        %get3A_583 = arith.constant 48 : index
        %get3A_584 = tpu.vector_load %arg7[%get3A_582, %get3A_583] {strides = array<i32>} : memref<32x256xf32, #tpu.memory_space<vmem>>, vector<16xf32>,
        %sub3A_585 = arith.subf %gather3A_497, %get3A_584 : vector<16xf32>
        %get3A_586 = arith.index_cast %add3A_484 : i32 to index
        %get3A_587 = arith.constant 48 : index
        %get3A_588 = tpu.vector_load %arg8[%get3A_586, %get3A_587] {strides = array<i32>} : memref<32x256xf32, #tpu.memory_space<vmem>>, vector<16xf32>,
        %sub3A_589 = arith.subf %gather3A_510, %get3A_588 : vector<16xf32>
        %mul3A_590 = arith.mulf %sub3A_585, %sub3A_585 : vector<16xf32>
        %mul3A_591 = arith.mulf %sub3A_589, %sub3A_589 : vector<16xf32>
        %add3A_592 = arith.addf %mul3A_590, %mul3A_591 : vector<16xf32>
        %shift_left3A_593 = arith.constant 28 : i32
        %shift_left3A_594 = vector.broadcast %shift_left3A_593 : i32 to vector<16xi32>
        %shift_left3A_595 = arith.shli %scan3A_63, %shift_left3A_594 : vector<16xi32>
        %ge3A_596 = arith.constant 0 : i32
        %ge3A_597 = vector.broadcast %ge3A_596 : i32 to vector<16xi32>
        %ge3A_598 = arith.cmpi sge, %shift_left3A_595, %ge3A_597 : vector<16xi32>
        %lt3A_599 = arith.cmpf olt, %add3A_592, %select_n3A_581 : vector<16xf32>
        %and3A_600 = arith.andi %lt3A_599, %ge3A_598 : vector<16xi1>
        %jit3A_601 = arith.constant 3 : i32
        %broadcast_in_dim3A_602 = vector.broadcast %jit3A_601 : i32 to vector<16xi32>
        %select_n3A_603 = arith.select %and3A_600, %broadcast_in_dim3A_602, %select_n3A_580 : vector<16xi1>, vector<16xi32>
        %select_n3A_604 = arith.select %and3A_600, %add3A_592, %select_n3A_581 : vector<16xi1>, vector<16xf32>
        %broadcast_in_dim3A_605 = arith.constant 0 : i32
        %broadcast_in_dim3A_606 = vector.broadcast %broadcast_in_dim3A_605 : i32 to vector<16xi32>
        %get3A_607 = arith.index_cast %add3A_484 : i32 to index
        %get3A_608 = arith.constant 64 : index
        %get3A_609 = tpu.vector_load %arg7[%get3A_607, %get3A_608] {strides = array<i32>} : memref<32x256xf32, #tpu.memory_space<vmem>>, vector<16xf32>,
        %sub3A_610 = arith.subf %gather3A_497, %get3A_609 : vector<16xf32>
        %get3A_611 = arith.index_cast %add3A_484 : i32 to index
        %get3A_612 = arith.constant 64 : index
        %get3A_613 = tpu.vector_load %arg8[%get3A_611, %get3A_612] {strides = array<i32>} : memref<32x256xf32, #tpu.memory_space<vmem>>, vector<16xf32>,
        %sub3A_614 = arith.subf %gather3A_510, %get3A_613 : vector<16xf32>
        %mul3A_615 = arith.mulf %sub3A_610, %sub3A_610 : vector<16xf32>
        %mul3A_616 = arith.mulf %sub3A_614, %sub3A_614 : vector<16xf32>
        %add3A_617 = arith.addf %mul3A_615, %mul3A_616 : vector<16xf32>
        %shift_left3A_618 = arith.constant 27 : i32
        %shift_left3A_619 = vector.broadcast %shift_left3A_618 : i32 to vector<16xi32>
        %shift_left3A_620 = arith.shli %scan3A_63, %shift_left3A_619 : vector<16xi32>
        %ge3A_621 = arith.constant 0 : i32
        %ge3A_622 = vector.broadcast %ge3A_621 : i32 to vector<16xi32>
        %ge3A_623 = arith.cmpi sge, %shift_left3A_620, %ge3A_622 : vector<16xi32>
        %lt3A_624 = arith.cmpf olt, %add3A_617, %broadcast_in_dim3A_5 : vector<16xf32>
        %and3A_625 = arith.andi %lt3A_624, %ge3A_623 : vector<16xi1>
        %jit3A_626 = arith.constant 4 : i32
        %broadcast_in_dim3A_627 = vector.broadcast %jit3A_626 : i32 to vector<16xi32>
        %select_n3A_628 = arith.select %and3A_625, %broadcast_in_dim3A_627, %broadcast_in_dim3A_606 : vector<16xi1>, vector<16xi32>
        %select_n3A_629 = arith.select %and3A_625, %add3A_617, %broadcast_in_dim3A_5 : vector<16xi1>, vector<16xf32>
        %get3A_630 = arith.index_cast %add3A_484 : i32 to index
        %get3A_631 = arith.constant 80 : index
        %get3A_632 = tpu.vector_load %arg7[%get3A_630, %get3A_631] {strides = array<i32>} : memref<32x256xf32, #tpu.memory_space<vmem>>, vector<16xf32>,
        %sub3A_633 = arith.subf %gather3A_497, %get3A_632 : vector<16xf32>
        %get3A_634 = arith.index_cast %add3A_484 : i32 to index
        %get3A_635 = arith.constant 80 : index
        %get3A_636 = tpu.vector_load %arg8[%get3A_634, %get3A_635] {strides = array<i32>} : memref<32x256xf32, #tpu.memory_space<vmem>>, vector<16xf32>,
        %sub3A_637 = arith.subf %gather3A_510, %get3A_636 : vector<16xf32>
        %mul3A_638 = arith.mulf %sub3A_633, %sub3A_633 : vector<16xf32>
        %mul3A_639 = arith.mulf %sub3A_637, %sub3A_637 : vector<16xf32>
        %add3A_640 = arith.addf %mul3A_638, %mul3A_639 : vector<16xf32>
        %shift_left3A_641 = arith.constant 26 : i32
        %shift_left3A_642 = vector.broadcast %shift_left3A_641 : i32 to vector<16xi32>
        %shift_left3A_643 = arith.shli %scan3A_63, %shift_left3A_642 : vector<16xi32>
        %ge3A_644 = arith.constant 0 : i32
        %ge3A_645 = vector.broadcast %ge3A_644 : i32 to vector<16xi32>
        %ge3A_646 = arith.cmpi sge, %shift_left3A_643, %ge3A_645 : vector<16xi32>
        %lt3A_647 = arith.cmpf olt, %add3A_640, %select_n3A_629 : vector<16xf32>
        %and3A_648 = arith.andi %lt3A_647, %ge3A_646 : vector<16xi1>
        %jit3A_649 = arith.constant 5 : i32
        %broadcast_in_dim3A_650 = vector.broadcast %jit3A_649 : i32 to vector<16xi32>
        %select_n3A_651 = arith.select %and3A_648, %broadcast_in_dim3A_650, %select_n3A_628 : vector<16xi1>, vector<16xi32>
        %select_n3A_652 = arith.select %and3A_648, %add3A_640, %select_n3A_629 : vector<16xi1>, vector<16xf32>
        %get3A_653 = arith.index_cast %add3A_484 : i32 to index
        %get3A_654 = arith.constant 96 : index
        %get3A_655 = tpu.vector_load %arg7[%get3A_653, %get3A_654] {strides = array<i32>} : memref<32x256xf32, #tpu.memory_space<vmem>>, vector<16xf32>,
        %sub3A_656 = arith.subf %gather3A_497, %get3A_655 : vector<16xf32>
        %get3A_657 = arith.index_cast %add3A_484 : i32 to index
        %get3A_658 = arith.constant 96 : index
        %get3A_659 = tpu.vector_load %arg8[%get3A_657, %get3A_658] {strides = array<i32>} : memref<32x256xf32, #tpu.memory_space<vmem>>, vector<16xf32>,
        %sub3A_660 = arith.subf %gather3A_510, %get3A_659 : vector<16xf32>
        %mul3A_661 = arith.mulf %sub3A_656, %sub3A_656 : vector<16xf32>
        %mul3A_662 = arith.mulf %sub3A_660, %sub3A_660 : vector<16xf32>
        %add3A_663 = arith.addf %mul3A_661, %mul3A_662 : vector<16xf32>
        %shift_left3A_664 = arith.constant 25 : i32
        %shift_left3A_665 = vector.broadcast %shift_left3A_664 : i32 to vector<16xi32>
        %shift_left3A_666 = arith.shli %scan3A_63, %shift_left3A_665 : vector<16xi32>
        %ge3A_667 = arith.constant 0 : i32
        %ge3A_668 = vector.broadcast %ge3A_667 : i32 to vector<16xi32>
        %ge3A_669 = arith.cmpi sge, %shift_left3A_666, %ge3A_668 : vector<16xi32>
        %lt3A_670 = arith.cmpf olt, %add3A_663, %select_n3A_652 : vector<16xf32>
        %and3A_671 = arith.andi %lt3A_670, %ge3A_669 : vector<16xi1>
        %jit3A_672 = arith.constant 6 : i32
        %broadcast_in_dim3A_673 = vector.broadcast %jit3A_672 : i32 to vector<16xi32>
        %select_n3A_674 = arith.select %and3A_671, %broadcast_in_dim3A_673, %select_n3A_651 : vector<16xi1>, vector<16xi32>
        %select_n3A_675 = arith.select %and3A_671, %add3A_663, %select_n3A_652 : vector<16xi1>, vector<16xf32>
        %get3A_676 = arith.index_cast %add3A_484 : i32 to index
        %get3A_677 = arith.constant 112 : index
        %get3A_678 = tpu.vector_load %arg7[%get3A_676, %get3A_677] {strides = array<i32>} : memref<32x256xf32, #tpu.memory_space<vmem>>, vector<16xf32>,
        %sub3A_679 = arith.subf %gather3A_497, %get3A_678 : vector<16xf32>
        %get3A_680 = arith.index_cast %add3A_484 : i32 to index
        %get3A_681 = arith.constant 112 : index
        %get3A_682 = tpu.vector_load %arg8[%get3A_680, %get3A_681] {strides = array<i32>} : memref<32x256xf32, #tpu.memory_space<vmem>>, vector<16xf32>,
        %sub3A_683 = arith.subf %gather3A_510, %get3A_682 : vector<16xf32>
        %mul3A_684 = arith.mulf %sub3A_679, %sub3A_679 : vector<16xf32>
        %mul3A_685 = arith.mulf %sub3A_683, %sub3A_683 : vector<16xf32>
        %add3A_686 = arith.addf %mul3A_684, %mul3A_685 : vector<16xf32>
        %shift_left3A_687 = arith.constant 24 : i32
        %shift_left3A_688 = vector.broadcast %shift_left3A_687 : i32 to vector<16xi32>
        %shift_left3A_689 = arith.shli %scan3A_63, %shift_left3A_688 : vector<16xi32>
        %ge3A_690 = arith.constant 0 : i32
        %ge3A_691 = vector.broadcast %ge3A_690 : i32 to vector<16xi32>
        %ge3A_692 = arith.cmpi sge, %shift_left3A_689, %ge3A_691 : vector<16xi32>
        %lt3A_693 = arith.cmpf olt, %add3A_686, %select_n3A_675 : vector<16xf32>
        %and3A_694 = arith.andi %lt3A_693, %ge3A_692 : vector<16xi1>
        %jit3A_695 = arith.constant 7 : i32
        %broadcast_in_dim3A_696 = vector.broadcast %jit3A_695 : i32 to vector<16xi32>
        %select_n3A_697 = arith.select %and3A_694, %broadcast_in_dim3A_696, %select_n3A_674 : vector<16xi1>, vector<16xi32>
        %select_n3A_698 = arith.select %and3A_694, %add3A_686, %select_n3A_675 : vector<16xi1>, vector<16xf32>
        %broadcast_in_dim3A_699 = arith.constant 0 : i32
        %broadcast_in_dim3A_700 = vector.broadcast %broadcast_in_dim3A_699 : i32 to vector<16xi32>
        %get3A_701 = arith.index_cast %add3A_484 : i32 to index
        %get3A_702 = arith.constant 128 : index
        %get3A_703 = tpu.vector_load %arg7[%get3A_701, %get3A_702] {strides = array<i32>} : memref<32x256xf32, #tpu.memory_space<vmem>>, vector<16xf32>,
        %sub3A_704 = arith.subf %gather3A_497, %get3A_703 : vector<16xf32>
        %get3A_705 = arith.index_cast %add3A_484 : i32 to index
        %get3A_706 = arith.constant 128 : index
        %get3A_707 = tpu.vector_load %arg8[%get3A_705, %get3A_706] {strides = array<i32>} : memref<32x256xf32, #tpu.memory_space<vmem>>, vector<16xf32>,
        %sub3A_708 = arith.subf %gather3A_510, %get3A_707 : vector<16xf32>
        %mul3A_709 = arith.mulf %sub3A_704, %sub3A_704 : vector<16xf32>
        %mul3A_710 = arith.mulf %sub3A_708, %sub3A_708 : vector<16xf32>
        %add3A_711 = arith.addf %mul3A_709, %mul3A_710 : vector<16xf32>
        %shift_left3A_712 = arith.constant 23 : i32
        %shift_left3A_713 = vector.broadcast %shift_left3A_712 : i32 to vector<16xi32>
        %shift_left3A_714 = arith.shli %scan3A_63, %shift_left3A_713 : vector<16xi32>
        %ge3A_715 = arith.constant 0 : i32
        %ge3A_716 = vector.broadcast %ge3A_715 : i32 to vector<16xi32>
        %ge3A_717 = arith.cmpi sge, %shift_left3A_714, %ge3A_716 : vector<16xi32>
        %lt3A_718 = arith.cmpf olt, %add3A_711, %broadcast_in_dim3A_5 : vector<16xf32>
        %and3A_719 = arith.andi %lt3A_718, %ge3A_717 : vector<16xi1>
        %jit3A_720 = arith.constant 8 : i32
        %broadcast_in_dim3A_721 = vector.broadcast %jit3A_720 : i32 to vector<16xi32>
        %select_n3A_722 = arith.select %and3A_719, %broadcast_in_dim3A_721, %broadcast_in_dim3A_700 : vector<16xi1>, vector<16xi32>
        %select_n3A_723 = arith.select %and3A_719, %add3A_711, %broadcast_in_dim3A_5 : vector<16xi1>, vector<16xf32>
        %get3A_724 = arith.index_cast %add3A_484 : i32 to index
        %get3A_725 = arith.constant 144 : index
        %get3A_726 = tpu.vector_load %arg7[%get3A_724, %get3A_725] {strides = array<i32>} : memref<32x256xf32, #tpu.memory_space<vmem>>, vector<16xf32>,
        %sub3A_727 = arith.subf %gather3A_497, %get3A_726 : vector<16xf32>
        %get3A_728 = arith.index_cast %add3A_484 : i32 to index
        %get3A_729 = arith.constant 144 : index
        %get3A_730 = tpu.vector_load %arg8[%get3A_728, %get3A_729] {strides = array<i32>} : memref<32x256xf32, #tpu.memory_space<vmem>>, vector<16xf32>,
        %sub3A_731 = arith.subf %gather3A_510, %get3A_730 : vector<16xf32>
        %mul3A_732 = arith.mulf %sub3A_727, %sub3A_727 : vector<16xf32>
        %mul3A_733 = arith.mulf %sub3A_731, %sub3A_731 : vector<16xf32>
        %add3A_734 = arith.addf %mul3A_732, %mul3A_733 : vector<16xf32>
        %shift_left3A_735 = arith.constant 22 : i32
        %shift_left3A_736 = vector.broadcast %shift_left3A_735 : i32 to vector<16xi32>
        %shift_left3A_737 = arith.shli %scan3A_63, %shift_left3A_736 : vector<16xi32>
        %ge3A_738 = arith.constant 0 : i32
        %ge3A_739 = vector.broadcast %ge3A_738 : i32 to vector<16xi32>
        %ge3A_740 = arith.cmpi sge, %shift_left3A_737, %ge3A_739 : vector<16xi32>
        %lt3A_741 = arith.cmpf olt, %add3A_734, %select_n3A_723 : vector<16xf32>
        %and3A_742 = arith.andi %lt3A_741, %ge3A_740 : vector<16xi1>
        %jit3A_743 = arith.constant 9 : i32
        %broadcast_in_dim3A_744 = vector.broadcast %jit3A_743 : i32 to vector<16xi32>
        %select_n3A_745 = arith.select %and3A_742, %broadcast_in_dim3A_744, %select_n3A_722 : vector<16xi1>, vector<16xi32>
        %select_n3A_746 = arith.select %and3A_742, %add3A_734, %select_n3A_723 : vector<16xi1>, vector<16xf32>
        %get3A_747 = arith.index_cast %add3A_484 : i32 to index
        %get3A_748 = arith.constant 160 : index
        %get3A_749 = tpu.vector_load %arg7[%get3A_747, %get3A_748] {strides = array<i32>} : memref<32x256xf32, #tpu.memory_space<vmem>>, vector<16xf32>,
        %sub3A_750 = arith.subf %gather3A_497, %get3A_749 : vector<16xf32>
        %get3A_751 = arith.index_cast %add3A_484 : i32 to index
        %get3A_752 = arith.constant 160 : index
        %get3A_753 = tpu.vector_load %arg8[%get3A_751, %get3A_752] {strides = array<i32>} : memref<32x256xf32, #tpu.memory_space<vmem>>, vector<16xf32>,
        %sub3A_754 = arith.subf %gather3A_510, %get3A_753 : vector<16xf32>
        %mul3A_755 = arith.mulf %sub3A_750, %sub3A_750 : vector<16xf32>
        %mul3A_756 = arith.mulf %sub3A_754, %sub3A_754 : vector<16xf32>
        %add3A_757 = arith.addf %mul3A_755, %mul3A_756 : vector<16xf32>
        %shift_left3A_758 = arith.constant 21 : i32
        %shift_left3A_759 = vector.broadcast %shift_left3A_758 : i32 to vector<16xi32>
        %shift_left3A_760 = arith.shli %scan3A_63, %shift_left3A_759 : vector<16xi32>
        %ge3A_761 = arith.constant 0 : i32
        %ge3A_762 = vector.broadcast %ge3A_761 : i32 to vector<16xi32>
        %ge3A_763 = arith.cmpi sge, %shift_left3A_760, %ge3A_762 : vector<16xi32>
        %lt3A_764 = arith.cmpf olt, %add3A_757, %select_n3A_746 : vector<16xf32>
        %and3A_765 = arith.andi %lt3A_764, %ge3A_763 : vector<16xi1>
        %jit3A_766 = arith.constant 10 : i32
        %broadcast_in_dim3A_767 = vector.broadcast %jit3A_766 : i32 to vector<16xi32>
        %select_n3A_768 = arith.select %and3A_765, %broadcast_in_dim3A_767, %select_n3A_745 : vector<16xi1>, vector<16xi32>
        %select_n3A_769 = arith.select %and3A_765, %add3A_757, %select_n3A_746 : vector<16xi1>, vector<16xf32>
        %get3A_770 = arith.index_cast %add3A_484 : i32 to index
        %get3A_771 = arith.constant 176 : index
        %get3A_772 = tpu.vector_load %arg7[%get3A_770, %get3A_771] {strides = array<i32>} : memref<32x256xf32, #tpu.memory_space<vmem>>, vector<16xf32>,
        %sub3A_773 = arith.subf %gather3A_497, %get3A_772 : vector<16xf32>
        %get3A_774 = arith.index_cast %add3A_484 : i32 to index
        %get3A_775 = arith.constant 176 : index
        %get3A_776 = tpu.vector_load %arg8[%get3A_774, %get3A_775] {strides = array<i32>} : memref<32x256xf32, #tpu.memory_space<vmem>>, vector<16xf32>,
        %sub3A_777 = arith.subf %gather3A_510, %get3A_776 : vector<16xf32>
        %mul3A_778 = arith.mulf %sub3A_773, %sub3A_773 : vector<16xf32>
        %mul3A_779 = arith.mulf %sub3A_777, %sub3A_777 : vector<16xf32>
        %add3A_780 = arith.addf %mul3A_778, %mul3A_779 : vector<16xf32>
        %shift_left3A_781 = arith.constant 20 : i32
        %shift_left3A_782 = vector.broadcast %shift_left3A_781 : i32 to vector<16xi32>
        %shift_left3A_783 = arith.shli %scan3A_63, %shift_left3A_782 : vector<16xi32>
        %ge3A_784 = arith.constant 0 : i32
        %ge3A_785 = vector.broadcast %ge3A_784 : i32 to vector<16xi32>
        %ge3A_786 = arith.cmpi sge, %shift_left3A_783, %ge3A_785 : vector<16xi32>
        %lt3A_787 = arith.cmpf olt, %add3A_780, %select_n3A_769 : vector<16xf32>
        %and3A_788 = arith.andi %lt3A_787, %ge3A_786 : vector<16xi1>
        %jit3A_789 = arith.constant 11 : i32
        %broadcast_in_dim3A_790 = vector.broadcast %jit3A_789 : i32 to vector<16xi32>
        %select_n3A_791 = arith.select %and3A_788, %broadcast_in_dim3A_790, %select_n3A_768 : vector<16xi1>, vector<16xi32>
        %select_n3A_792 = arith.select %and3A_788, %add3A_780, %select_n3A_769 : vector<16xi1>, vector<16xf32>
        %broadcast_in_dim3A_793 = arith.constant 0 : i32
        %broadcast_in_dim3A_794 = vector.broadcast %broadcast_in_dim3A_793 : i32 to vector<16xi32>
        %get3A_795 = arith.index_cast %add3A_484 : i32 to index
        %get3A_796 = arith.constant 192 : index
        %get3A_797 = tpu.vector_load %arg7[%get3A_795, %get3A_796] {strides = array<i32>} : memref<32x256xf32, #tpu.memory_space<vmem>>, vector<16xf32>,
        %sub3A_798 = arith.subf %gather3A_497, %get3A_797 : vector<16xf32>
        %get3A_799 = arith.index_cast %add3A_484 : i32 to index
        %get3A_800 = arith.constant 192 : index
        %get3A_801 = tpu.vector_load %arg8[%get3A_799, %get3A_800] {strides = array<i32>} : memref<32x256xf32, #tpu.memory_space<vmem>>, vector<16xf32>,
        %sub3A_802 = arith.subf %gather3A_510, %get3A_801 : vector<16xf32>
        %mul3A_803 = arith.mulf %sub3A_798, %sub3A_798 : vector<16xf32>
        %mul3A_804 = arith.mulf %sub3A_802, %sub3A_802 : vector<16xf32>
        %add3A_805 = arith.addf %mul3A_803, %mul3A_804 : vector<16xf32>
        %shift_left3A_806 = arith.constant 19 : i32
        %shift_left3A_807 = vector.broadcast %shift_left3A_806 : i32 to vector<16xi32>
        %shift_left3A_808 = arith.shli %scan3A_63, %shift_left3A_807 : vector<16xi32>
        %ge3A_809 = arith.constant 0 : i32
        %ge3A_810 = vector.broadcast %ge3A_809 : i32 to vector<16xi32>
        %ge3A_811 = arith.cmpi sge, %shift_left3A_808, %ge3A_810 : vector<16xi32>
        %lt3A_812 = arith.cmpf olt, %add3A_805, %broadcast_in_dim3A_5 : vector<16xf32>
        %and3A_813 = arith.andi %lt3A_812, %ge3A_811 : vector<16xi1>
        %jit3A_814 = arith.constant 12 : i32
        %broadcast_in_dim3A_815 = vector.broadcast %jit3A_814 : i32 to vector<16xi32>
        %select_n3A_816 = arith.select %and3A_813, %broadcast_in_dim3A_815, %broadcast_in_dim3A_794 : vector<16xi1>, vector<16xi32>
        %select_n3A_817 = arith.select %and3A_813, %add3A_805, %broadcast_in_dim3A_5 : vector<16xi1>, vector<16xf32>
        %get3A_818 = arith.index_cast %add3A_484 : i32 to index
        %get3A_819 = arith.constant 208 : index
        %get3A_820 = tpu.vector_load %arg7[%get3A_818, %get3A_819] {strides = array<i32>} : memref<32x256xf32, #tpu.memory_space<vmem>>, vector<16xf32>,
        %sub3A_821 = arith.subf %gather3A_497, %get3A_820 : vector<16xf32>
        %get3A_822 = arith.index_cast %add3A_484 : i32 to index
        %get3A_823 = arith.constant 208 : index
        %get3A_824 = tpu.vector_load %arg8[%get3A_822, %get3A_823] {strides = array<i32>} : memref<32x256xf32, #tpu.memory_space<vmem>>, vector<16xf32>,
        %sub3A_825 = arith.subf %gather3A_510, %get3A_824 : vector<16xf32>
        %mul3A_826 = arith.mulf %sub3A_821, %sub3A_821 : vector<16xf32>
        %mul3A_827 = arith.mulf %sub3A_825, %sub3A_825 : vector<16xf32>
        %add3A_828 = arith.addf %mul3A_826, %mul3A_827 : vector<16xf32>
        %shift_left3A_829 = arith.constant 18 : i32
        %shift_left3A_830 = vector.broadcast %shift_left3A_829 : i32 to vector<16xi32>
        %shift_left3A_831 = arith.shli %scan3A_63, %shift_left3A_830 : vector<16xi32>
        %ge3A_832 = arith.constant 0 : i32
        %ge3A_833 = vector.broadcast %ge3A_832 : i32 to vector<16xi32>
        %ge3A_834 = arith.cmpi sge, %shift_left3A_831, %ge3A_833 : vector<16xi32>
        %lt3A_835 = arith.cmpf olt, %add3A_828, %select_n3A_817 : vector<16xf32>
        %and3A_836 = arith.andi %lt3A_835, %ge3A_834 : vector<16xi1>
        %jit3A_837 = arith.constant 13 : i32
        %broadcast_in_dim3A_838 = vector.broadcast %jit3A_837 : i32 to vector<16xi32>
        %select_n3A_839 = arith.select %and3A_836, %broadcast_in_dim3A_838, %select_n3A_816 : vector<16xi1>, vector<16xi32>
        %select_n3A_840 = arith.select %and3A_836, %add3A_828, %select_n3A_817 : vector<16xi1>, vector<16xf32>
        %get3A_841 = arith.index_cast %add3A_484 : i32 to index
        %get3A_842 = arith.constant 224 : index
        %get3A_843 = tpu.vector_load %arg7[%get3A_841, %get3A_842] {strides = array<i32>} : memref<32x256xf32, #tpu.memory_space<vmem>>, vector<16xf32>,
        %sub3A_844 = arith.subf %gather3A_497, %get3A_843 : vector<16xf32>
        %get3A_845 = arith.index_cast %add3A_484 : i32 to index
        %get3A_846 = arith.constant 224 : index
        %get3A_847 = tpu.vector_load %arg8[%get3A_845, %get3A_846] {strides = array<i32>} : memref<32x256xf32, #tpu.memory_space<vmem>>, vector<16xf32>,
        %sub3A_848 = arith.subf %gather3A_510, %get3A_847 : vector<16xf32>
        %mul3A_849 = arith.mulf %sub3A_844, %sub3A_844 : vector<16xf32>
        %mul3A_850 = arith.mulf %sub3A_848, %sub3A_848 : vector<16xf32>
        %add3A_851 = arith.addf %mul3A_849, %mul3A_850 : vector<16xf32>
        %shift_left3A_852 = arith.constant 17 : i32
        %shift_left3A_853 = vector.broadcast %shift_left3A_852 : i32 to vector<16xi32>
        %shift_left3A_854 = arith.shli %scan3A_63, %shift_left3A_853 : vector<16xi32>
        %ge3A_855 = arith.constant 0 : i32
        %ge3A_856 = vector.broadcast %ge3A_855 : i32 to vector<16xi32>
        %ge3A_857 = arith.cmpi sge, %shift_left3A_854, %ge3A_856 : vector<16xi32>
        %lt3A_858 = arith.cmpf olt, %add3A_851, %select_n3A_840 : vector<16xf32>
        %and3A_859 = arith.andi %lt3A_858, %ge3A_857 : vector<16xi1>
        %jit3A_860 = arith.constant 14 : i32
        %broadcast_in_dim3A_861 = vector.broadcast %jit3A_860 : i32 to vector<16xi32>
        %select_n3A_862 = arith.select %and3A_859, %broadcast_in_dim3A_861, %select_n3A_839 : vector<16xi1>, vector<16xi32>
        %select_n3A_863 = arith.select %and3A_859, %add3A_851, %select_n3A_840 : vector<16xi1>, vector<16xf32>
        %get3A_864 = arith.index_cast %add3A_484 : i32 to index
        %get3A_865 = arith.constant 240 : index
        %get3A_866 = tpu.vector_load %arg7[%get3A_864, %get3A_865] {strides = array<i32>} : memref<32x256xf32, #tpu.memory_space<vmem>>, vector<16xf32>,
        %sub3A_867 = arith.subf %gather3A_497, %get3A_866 : vector<16xf32>
        %get3A_868 = arith.index_cast %add3A_484 : i32 to index
        %get3A_869 = arith.constant 240 : index
        %get3A_870 = tpu.vector_load %arg8[%get3A_868, %get3A_869] {strides = array<i32>} : memref<32x256xf32, #tpu.memory_space<vmem>>, vector<16xf32>,
        %sub3A_871 = arith.subf %gather3A_510, %get3A_870 : vector<16xf32>
        %mul3A_872 = arith.mulf %sub3A_867, %sub3A_867 : vector<16xf32>
        %mul3A_873 = arith.mulf %sub3A_871, %sub3A_871 : vector<16xf32>
        %add3A_874 = arith.addf %mul3A_872, %mul3A_873 : vector<16xf32>
        %shift_left3A_875 = arith.constant 16 : i32
        %shift_left3A_876 = vector.broadcast %shift_left3A_875 : i32 to vector<16xi32>
        %shift_left3A_877 = arith.shli %scan3A_63, %shift_left3A_876 : vector<16xi32>
        %ge3A_878 = arith.constant 0 : i32
        %ge3A_879 = vector.broadcast %ge3A_878 : i32 to vector<16xi32>
        %ge3A_880 = arith.cmpi sge, %shift_left3A_877, %ge3A_879 : vector<16xi32>
        %lt3A_881 = arith.cmpf olt, %add3A_874, %select_n3A_863 : vector<16xf32>
        %and3A_882 = arith.andi %lt3A_881, %ge3A_880 : vector<16xi1>
        %jit3A_883 = arith.constant 15 : i32
        %broadcast_in_dim3A_884 = vector.broadcast %jit3A_883 : i32 to vector<16xi32>
        %select_n3A_885 = arith.select %and3A_882, %broadcast_in_dim3A_884, %select_n3A_862 : vector<16xi1>, vector<16xi32>
        %select_n3A_886 = arith.select %and3A_882, %add3A_874, %select_n3A_863 : vector<16xi1>, vector<16xf32>
        %lt3A_887 = arith.cmpf olt, %select_n3A_698, %select_n3A_604 : vector<16xf32>
        %select_n3A_888 = arith.select %lt3A_887, %select_n3A_698, %select_n3A_604 : vector<16xi1>, vector<16xf32>
        %select_n3A_889 = arith.select %lt3A_887, %select_n3A_697, %select_n3A_603 : vector<16xi1>, vector<16xi32>
        %lt3A_890 = arith.cmpf olt, %select_n3A_886, %select_n3A_792 : vector<16xf32>
        %select_n3A_891 = arith.select %lt3A_890, %select_n3A_886, %select_n3A_792 : vector<16xi1>, vector<16xf32>
        %select_n3A_892 = arith.select %lt3A_890, %select_n3A_885, %select_n3A_791 : vector<16xi1>, vector<16xi32>
        %lt3A_893 = arith.cmpf olt, %select_n3A_891, %select_n3A_888 : vector<16xf32>
        %select_n3A_894 = arith.select %lt3A_893, %select_n3A_891, %select_n3A_888 : vector<16xi1>, vector<16xf32>
        %select_n3A_895 = arith.select %lt3A_893, %select_n3A_892, %select_n3A_889 : vector<16xi1>, vector<16xi32>
        %add3A_896 = arith.constant 8 : i32
        %add3A_897 = arith.addi %scan3A_23, %add3A_896 : i32
        %get3A_898 = arith.index_cast %add3A_897 : i32 to index
        %get3A_899 = arith.index_cast %and3A_71 : i32 to index
        %get3A_900 = tpu.vector_load %arg9[%get3A_898, %get3A_899] {strides = array<i32>} : memref<32x256xf32, #tpu.memory_space<vmem>>, vector<16xf32>,
        %lt3A_901 = arith.constant 0 : i32
        %lt3A_902 = vector.broadcast %lt3A_901 : i32 to vector<16xi32>
        %lt3A_903 = arith.cmpi slt, %broadcast_in_dim3A_74, %lt3A_902 : vector<16xi32>
        %add3A_904 = arith.constant 16 : i32
        %add3A_905 = vector.broadcast %add3A_904 : i32 to vector<16xi32>
        %add3A_906 = arith.addi %broadcast_in_dim3A_74, %add3A_905 : vector<16xi32>
        %select_n3A_907 = arith.select %lt3A_903, %add3A_906, %broadcast_in_dim3A_74 : vector<16xi1>, vector<16xi32>
        %broadcast_in_dim3A_908 = vector.shape_cast %select_n3A_907 : vector<16xi32> to vector<16x1xi32>
        %gather3A_909 = vector.shape_cast %broadcast_in_dim3A_908 : vector<16x1xi32> to vector<16xi32>
        %gather3A_910 = tpu.dynamic_gather %get3A_900[%gather3A_909] in [0] : vector<16xf32>, vector<16xi32> -> vector<16xf32>
        %get3A_911 = arith.index_cast %add3A_897 : i32 to index
        %get3A_912 = arith.index_cast %and3A_71 : i32 to index
        %get3A_913 = tpu.vector_load %arg10[%get3A_911, %get3A_912] {strides = array<i32>} : memref<32x256xf32, #tpu.memory_space<vmem>>, vector<16xf32>,
        %lt3A_914 = arith.constant 0 : i32
        %lt3A_915 = vector.broadcast %lt3A_914 : i32 to vector<16xi32>
        %lt3A_916 = arith.cmpi slt, %broadcast_in_dim3A_74, %lt3A_915 : vector<16xi32>
        %add3A_917 = arith.constant 16 : i32
        %add3A_918 = vector.broadcast %add3A_917 : i32 to vector<16xi32>
        %add3A_919 = arith.addi %broadcast_in_dim3A_74, %add3A_918 : vector<16xi32>
        %select_n3A_920 = arith.select %lt3A_916, %add3A_919, %broadcast_in_dim3A_74 : vector<16xi1>, vector<16xi32>
        %broadcast_in_dim3A_921 = vector.shape_cast %select_n3A_920 : vector<16xi32> to vector<16x1xi32>
        %gather3A_922 = vector.shape_cast %broadcast_in_dim3A_921 : vector<16x1xi32> to vector<16xi32>
        %gather3A_923 = tpu.dynamic_gather %get3A_913[%gather3A_922] in [0] : vector<16xf32>, vector<16xi32> -> vector<16xf32>
        %broadcast_in_dim3A_924 = arith.constant 0 : i32
        %broadcast_in_dim3A_925 = vector.broadcast %broadcast_in_dim3A_924 : i32 to vector<16xi32>
        %get3A_926 = arith.index_cast %add3A_897 : i32 to index
        %get3A_927 = arith.constant 0 : index
        %get3A_928 = tpu.vector_load %arg7[%get3A_926, %get3A_927] {strides = array<i32>} : memref<32x256xf32, #tpu.memory_space<vmem>>, vector<16xf32>,
        %sub3A_929 = arith.subf %gather3A_910, %get3A_928 : vector<16xf32>
        %get3A_930 = arith.index_cast %add3A_897 : i32 to index
        %get3A_931 = arith.constant 0 : index
        %get3A_932 = tpu.vector_load %arg8[%get3A_930, %get3A_931] {strides = array<i32>} : memref<32x256xf32, #tpu.memory_space<vmem>>, vector<16xf32>,
        %sub3A_933 = arith.subf %gather3A_923, %get3A_932 : vector<16xf32>
        %mul3A_934 = arith.mulf %sub3A_929, %sub3A_929 : vector<16xf32>
        %mul3A_935 = arith.mulf %sub3A_933, %sub3A_933 : vector<16xf32>
        %add3A_936 = arith.addf %mul3A_934, %mul3A_935 : vector<16xf32>
        %shift_left3A_937 = arith.constant 31 : i32
        %shift_left3A_938 = vector.broadcast %shift_left3A_937 : i32 to vector<16xi32>
        %shift_left3A_939 = arith.shli %scan3A_64, %shift_left3A_938 : vector<16xi32>
        %ge3A_940 = arith.constant 0 : i32
        %ge3A_941 = vector.broadcast %ge3A_940 : i32 to vector<16xi32>
        %ge3A_942 = arith.cmpi sge, %shift_left3A_939, %ge3A_941 : vector<16xi32>
        %lt3A_943 = arith.cmpf olt, %add3A_936, %broadcast_in_dim3A_5 : vector<16xf32>
        %and3A_944 = arith.andi %lt3A_943, %ge3A_942 : vector<16xi1>
        %jit3A_945 = arith.constant 0 : i32
        %broadcast_in_dim3A_946 = vector.broadcast %jit3A_945 : i32 to vector<16xi32>
        %select_n3A_947 = arith.select %and3A_944, %broadcast_in_dim3A_946, %broadcast_in_dim3A_925 : vector<16xi1>, vector<16xi32>
        %select_n3A_948 = arith.select %and3A_944, %add3A_936, %broadcast_in_dim3A_5 : vector<16xi1>, vector<16xf32>
        %get3A_949 = arith.index_cast %add3A_897 : i32 to index
        %get3A_950 = arith.constant 16 : index
        %get3A_951 = tpu.vector_load %arg7[%get3A_949, %get3A_950] {strides = array<i32>} : memref<32x256xf32, #tpu.memory_space<vmem>>, vector<16xf32>,
        %sub3A_952 = arith.subf %gather3A_910, %get3A_951 : vector<16xf32>
        %get3A_953 = arith.index_cast %add3A_897 : i32 to index
        %get3A_954 = arith.constant 16 : index
        %get3A_955 = tpu.vector_load %arg8[%get3A_953, %get3A_954] {strides = array<i32>} : memref<32x256xf32, #tpu.memory_space<vmem>>, vector<16xf32>,
        %sub3A_956 = arith.subf %gather3A_923, %get3A_955 : vector<16xf32>
        %mul3A_957 = arith.mulf %sub3A_952, %sub3A_952 : vector<16xf32>
        %mul3A_958 = arith.mulf %sub3A_956, %sub3A_956 : vector<16xf32>
        %add3A_959 = arith.addf %mul3A_957, %mul3A_958 : vector<16xf32>
        %shift_left3A_960 = arith.constant 30 : i32
        %shift_left3A_961 = vector.broadcast %shift_left3A_960 : i32 to vector<16xi32>
        %shift_left3A_962 = arith.shli %scan3A_64, %shift_left3A_961 : vector<16xi32>
        %ge3A_963 = arith.constant 0 : i32
        %ge3A_964 = vector.broadcast %ge3A_963 : i32 to vector<16xi32>
        %ge3A_965 = arith.cmpi sge, %shift_left3A_962, %ge3A_964 : vector<16xi32>
        %lt3A_966 = arith.cmpf olt, %add3A_959, %select_n3A_948 : vector<16xf32>
        %and3A_967 = arith.andi %lt3A_966, %ge3A_965 : vector<16xi1>
        %jit3A_968 = arith.constant 1 : i32
        %broadcast_in_dim3A_969 = vector.broadcast %jit3A_968 : i32 to vector<16xi32>
        %select_n3A_970 = arith.select %and3A_967, %broadcast_in_dim3A_969, %select_n3A_947 : vector<16xi1>, vector<16xi32>
        %select_n3A_971 = arith.select %and3A_967, %add3A_959, %select_n3A_948 : vector<16xi1>, vector<16xf32>
        %get3A_972 = arith.index_cast %add3A_897 : i32 to index
        %get3A_973 = arith.constant 32 : index
        %get3A_974 = tpu.vector_load %arg7[%get3A_972, %get3A_973] {strides = array<i32>} : memref<32x256xf32, #tpu.memory_space<vmem>>, vector<16xf32>,
        %sub3A_975 = arith.subf %gather3A_910, %get3A_974 : vector<16xf32>
        %get3A_976 = arith.index_cast %add3A_897 : i32 to index
        %get3A_977 = arith.constant 32 : index
        %get3A_978 = tpu.vector_load %arg8[%get3A_976, %get3A_977] {strides = array<i32>} : memref<32x256xf32, #tpu.memory_space<vmem>>, vector<16xf32>,
        %sub3A_979 = arith.subf %gather3A_923, %get3A_978 : vector<16xf32>
        %mul3A_980 = arith.mulf %sub3A_975, %sub3A_975 : vector<16xf32>
        %mul3A_981 = arith.mulf %sub3A_979, %sub3A_979 : vector<16xf32>
        %add3A_982 = arith.addf %mul3A_980, %mul3A_981 : vector<16xf32>
        %shift_left3A_983 = arith.constant 29 : i32
        %shift_left3A_984 = vector.broadcast %shift_left3A_983 : i32 to vector<16xi32>
        %shift_left3A_985 = arith.shli %scan3A_64, %shift_left3A_984 : vector<16xi32>
        %ge3A_986 = arith.constant 0 : i32
        %ge3A_987 = vector.broadcast %ge3A_986 : i32 to vector<16xi32>
        %ge3A_988 = arith.cmpi sge, %shift_left3A_985, %ge3A_987 : vector<16xi32>
        %lt3A_989 = arith.cmpf olt, %add3A_982, %select_n3A_971 : vector<16xf32>
        %and3A_990 = arith.andi %lt3A_989, %ge3A_988 : vector<16xi1>
        %jit3A_991 = arith.constant 2 : i32
        %broadcast_in_dim3A_992 = vector.broadcast %jit3A_991 : i32 to vector<16xi32>
        %select_n3A_993 = arith.select %and3A_990, %broadcast_in_dim3A_992, %select_n3A_970 : vector<16xi1>, vector<16xi32>
        %select_n3A_994 = arith.select %and3A_990, %add3A_982, %select_n3A_971 : vector<16xi1>, vector<16xf32>
        %get3A_995 = arith.index_cast %add3A_897 : i32 to index
        %get3A_996 = arith.constant 48 : index
        %get3A_997 = tpu.vector_load %arg7[%get3A_995, %get3A_996] {strides = array<i32>} : memref<32x256xf32, #tpu.memory_space<vmem>>, vector<16xf32>,
        %sub3A_998 = arith.subf %gather3A_910, %get3A_997 : vector<16xf32>
        %get3A_999 = arith.index_cast %add3A_897 : i32 to index
        %get3A_1000 = arith.constant 48 : index
        %get3A_1001 = tpu.vector_load %arg8[%get3A_999, %get3A_1000] {strides = array<i32>} : memref<32x256xf32, #tpu.memory_space<vmem>>, vector<16xf32>,
        %sub3A_1002 = arith.subf %gather3A_923, %get3A_1001 : vector<16xf32>
        %mul3A_1003 = arith.mulf %sub3A_998, %sub3A_998 : vector<16xf32>
        %mul3A_1004 = arith.mulf %sub3A_1002, %sub3A_1002 : vector<16xf32>
        %add3A_1005 = arith.addf %mul3A_1003, %mul3A_1004 : vector<16xf32>
        %shift_left3A_1006 = arith.constant 28 : i32
        %shift_left3A_1007 = vector.broadcast %shift_left3A_1006 : i32 to vector<16xi32>
        %shift_left3A_1008 = arith.shli %scan3A_64, %shift_left3A_1007 : vector<16xi32>
        %ge3A_1009 = arith.constant 0 : i32
        %ge3A_1010 = vector.broadcast %ge3A_1009 : i32 to vector<16xi32>
        %ge3A_1011 = arith.cmpi sge, %shift_left3A_1008, %ge3A_1010 : vector<16xi32>
        %lt3A_1012 = arith.cmpf olt, %add3A_1005, %select_n3A_994 : vector<16xf32>
        %and3A_1013 = arith.andi %lt3A_1012, %ge3A_1011 : vector<16xi1>
        %jit3A_1014 = arith.constant 3 : i32
        %broadcast_in_dim3A_1015 = vector.broadcast %jit3A_1014 : i32 to vector<16xi32>
        %select_n3A_1016 = arith.select %and3A_1013, %broadcast_in_dim3A_1015, %select_n3A_993 : vector<16xi1>, vector<16xi32>
        %select_n3A_1017 = arith.select %and3A_1013, %add3A_1005, %select_n3A_994 : vector<16xi1>, vector<16xf32>
        %broadcast_in_dim3A_1018 = arith.constant 0 : i32
        %broadcast_in_dim3A_1019 = vector.broadcast %broadcast_in_dim3A_1018 : i32 to vector<16xi32>
        %get3A_1020 = arith.index_cast %add3A_897 : i32 to index
        %get3A_1021 = arith.constant 64 : index
        %get3A_1022 = tpu.vector_load %arg7[%get3A_1020, %get3A_1021] {strides = array<i32>} : memref<32x256xf32, #tpu.memory_space<vmem>>, vector<16xf32>,
        %sub3A_1023 = arith.subf %gather3A_910, %get3A_1022 : vector<16xf32>
        %get3A_1024 = arith.index_cast %add3A_897 : i32 to index
        %get3A_1025 = arith.constant 64 : index
        %get3A_1026 = tpu.vector_load %arg8[%get3A_1024, %get3A_1025] {strides = array<i32>} : memref<32x256xf32, #tpu.memory_space<vmem>>, vector<16xf32>,
        %sub3A_1027 = arith.subf %gather3A_923, %get3A_1026 : vector<16xf32>
        %mul3A_1028 = arith.mulf %sub3A_1023, %sub3A_1023 : vector<16xf32>
        %mul3A_1029 = arith.mulf %sub3A_1027, %sub3A_1027 : vector<16xf32>
        %add3A_1030 = arith.addf %mul3A_1028, %mul3A_1029 : vector<16xf32>
        %shift_left3A_1031 = arith.constant 27 : i32
        %shift_left3A_1032 = vector.broadcast %shift_left3A_1031 : i32 to vector<16xi32>
        %shift_left3A_1033 = arith.shli %scan3A_64, %shift_left3A_1032 : vector<16xi32>
        %ge3A_1034 = arith.constant 0 : i32
        %ge3A_1035 = vector.broadcast %ge3A_1034 : i32 to vector<16xi32>
        %ge3A_1036 = arith.cmpi sge, %shift_left3A_1033, %ge3A_1035 : vector<16xi32>
        %lt3A_1037 = arith.cmpf olt, %add3A_1030, %broadcast_in_dim3A_5 : vector<16xf32>
        %and3A_1038 = arith.andi %lt3A_1037, %ge3A_1036 : vector<16xi1>
        %jit3A_1039 = arith.constant 4 : i32
        %broadcast_in_dim3A_1040 = vector.broadcast %jit3A_1039 : i32 to vector<16xi32>
        %select_n3A_1041 = arith.select %and3A_1038, %broadcast_in_dim3A_1040, %broadcast_in_dim3A_1019 : vector<16xi1>, vector<16xi32>
        %select_n3A_1042 = arith.select %and3A_1038, %add3A_1030, %broadcast_in_dim3A_5 : vector<16xi1>, vector<16xf32>
        %get3A_1043 = arith.index_cast %add3A_897 : i32 to index
        %get3A_1044 = arith.constant 80 : index
        %get3A_1045 = tpu.vector_load %arg7[%get3A_1043, %get3A_1044] {strides = array<i32>} : memref<32x256xf32, #tpu.memory_space<vmem>>, vector<16xf32>,
        %sub3A_1046 = arith.subf %gather3A_910, %get3A_1045 : vector<16xf32>
        %get3A_1047 = arith.index_cast %add3A_897 : i32 to index
        %get3A_1048 = arith.constant 80 : index
        %get3A_1049 = tpu.vector_load %arg8[%get3A_1047, %get3A_1048] {strides = array<i32>} : memref<32x256xf32, #tpu.memory_space<vmem>>, vector<16xf32>,
        %sub3A_1050 = arith.subf %gather3A_923, %get3A_1049 : vector<16xf32>
        %mul3A_1051 = arith.mulf %sub3A_1046, %sub3A_1046 : vector<16xf32>
        %mul3A_1052 = arith.mulf %sub3A_1050, %sub3A_1050 : vector<16xf32>
        %add3A_1053 = arith.addf %mul3A_1051, %mul3A_1052 : vector<16xf32>
        %shift_left3A_1054 = arith.constant 26 : i32
        %shift_left3A_1055 = vector.broadcast %shift_left3A_1054 : i32 to vector<16xi32>
        %shift_left3A_1056 = arith.shli %scan3A_64, %shift_left3A_1055 : vector<16xi32>
        %ge3A_1057 = arith.constant 0 : i32
        %ge3A_1058 = vector.broadcast %ge3A_1057 : i32 to vector<16xi32>
        %ge3A_1059 = arith.cmpi sge, %shift_left3A_1056, %ge3A_1058 : vector<16xi32>
        %lt3A_1060 = arith.cmpf olt, %add3A_1053, %select_n3A_1042 : vector<16xf32>
        %and3A_1061 = arith.andi %lt3A_1060, %ge3A_1059 : vector<16xi1>
        %jit3A_1062 = arith.constant 5 : i32
        %broadcast_in_dim3A_1063 = vector.broadcast %jit3A_1062 : i32 to vector<16xi32>
        %select_n3A_1064 = arith.select %and3A_1061, %broadcast_in_dim3A_1063, %select_n3A_1041 : vector<16xi1>, vector<16xi32>
        %select_n3A_1065 = arith.select %and3A_1061, %add3A_1053, %select_n3A_1042 : vector<16xi1>, vector<16xf32>
        %get3A_1066 = arith.index_cast %add3A_897 : i32 to index
        %get3A_1067 = arith.constant 96 : index
        %get3A_1068 = tpu.vector_load %arg7[%get3A_1066, %get3A_1067] {strides = array<i32>} : memref<32x256xf32, #tpu.memory_space<vmem>>, vector<16xf32>,
        %sub3A_1069 = arith.subf %gather3A_910, %get3A_1068 : vector<16xf32>
        %get3A_1070 = arith.index_cast %add3A_897 : i32 to index
        %get3A_1071 = arith.constant 96 : index
        %get3A_1072 = tpu.vector_load %arg8[%get3A_1070, %get3A_1071] {strides = array<i32>} : memref<32x256xf32, #tpu.memory_space<vmem>>, vector<16xf32>,
        %sub3A_1073 = arith.subf %gather3A_923, %get3A_1072 : vector<16xf32>
        %mul3A_1074 = arith.mulf %sub3A_1069, %sub3A_1069 : vector<16xf32>
        %mul3A_1075 = arith.mulf %sub3A_1073, %sub3A_1073 : vector<16xf32>
        %add3A_1076 = arith.addf %mul3A_1074, %mul3A_1075 : vector<16xf32>
        %shift_left3A_1077 = arith.constant 25 : i32
        %shift_left3A_1078 = vector.broadcast %shift_left3A_1077 : i32 to vector<16xi32>
        %shift_left3A_1079 = arith.shli %scan3A_64, %shift_left3A_1078 : vector<16xi32>
        %ge3A_1080 = arith.constant 0 : i32
        %ge3A_1081 = vector.broadcast %ge3A_1080 : i32 to vector<16xi32>
        %ge3A_1082 = arith.cmpi sge, %shift_left3A_1079, %ge3A_1081 : vector<16xi32>
        %lt3A_1083 = arith.cmpf olt, %add3A_1076, %select_n3A_1065 : vector<16xf32>
        %and3A_1084 = arith.andi %lt3A_1083, %ge3A_1082 : vector<16xi1>
        %jit3A_1085 = arith.constant 6 : i32
        %broadcast_in_dim3A_1086 = vector.broadcast %jit3A_1085 : i32 to vector<16xi32>
        %select_n3A_1087 = arith.select %and3A_1084, %broadcast_in_dim3A_1086, %select_n3A_1064 : vector<16xi1>, vector<16xi32>
        %select_n3A_1088 = arith.select %and3A_1084, %add3A_1076, %select_n3A_1065 : vector<16xi1>, vector<16xf32>
        %get3A_1089 = arith.index_cast %add3A_897 : i32 to index
        %get3A_1090 = arith.constant 112 : index
        %get3A_1091 = tpu.vector_load %arg7[%get3A_1089, %get3A_1090] {strides = array<i32>} : memref<32x256xf32, #tpu.memory_space<vmem>>, vector<16xf32>,
        %sub3A_1092 = arith.subf %gather3A_910, %get3A_1091 : vector<16xf32>
        %get3A_1093 = arith.index_cast %add3A_897 : i32 to index
        %get3A_1094 = arith.constant 112 : index
        %get3A_1095 = tpu.vector_load %arg8[%get3A_1093, %get3A_1094] {strides = array<i32>} : memref<32x256xf32, #tpu.memory_space<vmem>>, vector<16xf32>,
        %sub3A_1096 = arith.subf %gather3A_923, %get3A_1095 : vector<16xf32>
        %mul3A_1097 = arith.mulf %sub3A_1092, %sub3A_1092 : vector<16xf32>
        %mul3A_1098 = arith.mulf %sub3A_1096, %sub3A_1096 : vector<16xf32>
        %add3A_1099 = arith.addf %mul3A_1097, %mul3A_1098 : vector<16xf32>
        %shift_left3A_1100 = arith.constant 24 : i32
        %shift_left3A_1101 = vector.broadcast %shift_left3A_1100 : i32 to vector<16xi32>
        %shift_left3A_1102 = arith.shli %scan3A_64, %shift_left3A_1101 : vector<16xi32>
        %ge3A_1103 = arith.constant 0 : i32
        %ge3A_1104 = vector.broadcast %ge3A_1103 : i32 to vector<16xi32>
        %ge3A_1105 = arith.cmpi sge, %shift_left3A_1102, %ge3A_1104 : vector<16xi32>
        %lt3A_1106 = arith.cmpf olt, %add3A_1099, %select_n3A_1088 : vector<16xf32>
        %and3A_1107 = arith.andi %lt3A_1106, %ge3A_1105 : vector<16xi1>
        %jit3A_1108 = arith.constant 7 : i32
        %broadcast_in_dim3A_1109 = vector.broadcast %jit3A_1108 : i32 to vector<16xi32>
        %select_n3A_1110 = arith.select %and3A_1107, %broadcast_in_dim3A_1109, %select_n3A_1087 : vector<16xi1>, vector<16xi32>
        %select_n3A_1111 = arith.select %and3A_1107, %add3A_1099, %select_n3A_1088 : vector<16xi1>, vector<16xf32>
        %broadcast_in_dim3A_1112 = arith.constant 0 : i32
        %broadcast_in_dim3A_1113 = vector.broadcast %broadcast_in_dim3A_1112 : i32 to vector<16xi32>
        %get3A_1114 = arith.index_cast %add3A_897 : i32 to index
        %get3A_1115 = arith.constant 128 : index
        %get3A_1116 = tpu.vector_load %arg7[%get3A_1114, %get3A_1115] {strides = array<i32>} : memref<32x256xf32, #tpu.memory_space<vmem>>, vector<16xf32>,
        %sub3A_1117 = arith.subf %gather3A_910, %get3A_1116 : vector<16xf32>
        %get3A_1118 = arith.index_cast %add3A_897 : i32 to index
        %get3A_1119 = arith.constant 128 : index
        %get3A_1120 = tpu.vector_load %arg8[%get3A_1118, %get3A_1119] {strides = array<i32>} : memref<32x256xf32, #tpu.memory_space<vmem>>, vector<16xf32>,
        %sub3A_1121 = arith.subf %gather3A_923, %get3A_1120 : vector<16xf32>
        %mul3A_1122 = arith.mulf %sub3A_1117, %sub3A_1117 : vector<16xf32>
        %mul3A_1123 = arith.mulf %sub3A_1121, %sub3A_1121 : vector<16xf32>
        %add3A_1124 = arith.addf %mul3A_1122, %mul3A_1123 : vector<16xf32>
        %shift_left3A_1125 = arith.constant 23 : i32
        %shift_left3A_1126 = vector.broadcast %shift_left3A_1125 : i32 to vector<16xi32>
        %shift_left3A_1127 = arith.shli %scan3A_64, %shift_left3A_1126 : vector<16xi32>
        %ge3A_1128 = arith.constant 0 : i32
        %ge3A_1129 = vector.broadcast %ge3A_1128 : i32 to vector<16xi32>
        %ge3A_1130 = arith.cmpi sge, %shift_left3A_1127, %ge3A_1129 : vector<16xi32>
        %lt3A_1131 = arith.cmpf olt, %add3A_1124, %broadcast_in_dim3A_5 : vector<16xf32>
        %and3A_1132 = arith.andi %lt3A_1131, %ge3A_1130 : vector<16xi1>
        %jit3A_1133 = arith.constant 8 : i32
        %broadcast_in_dim3A_1134 = vector.broadcast %jit3A_1133 : i32 to vector<16xi32>
        %select_n3A_1135 = arith.select %and3A_1132, %broadcast_in_dim3A_1134, %broadcast_in_dim3A_1113 : vector<16xi1>, vector<16xi32>
        %select_n3A_1136 = arith.select %and3A_1132, %add3A_1124, %broadcast_in_dim3A_5 : vector<16xi1>, vector<16xf32>
        %get3A_1137 = arith.index_cast %add3A_897 : i32 to index
        %get3A_1138 = arith.constant 144 : index
        %get3A_1139 = tpu.vector_load %arg7[%get3A_1137, %get3A_1138] {strides = array<i32>} : memref<32x256xf32, #tpu.memory_space<vmem>>, vector<16xf32>,
        %sub3A_1140 = arith.subf %gather3A_910, %get3A_1139 : vector<16xf32>
        %get3A_1141 = arith.index_cast %add3A_897 : i32 to index
        %get3A_1142 = arith.constant 144 : index
        %get3A_1143 = tpu.vector_load %arg8[%get3A_1141, %get3A_1142] {strides = array<i32>} : memref<32x256xf32, #tpu.memory_space<vmem>>, vector<16xf32>,
        %sub3A_1144 = arith.subf %gather3A_923, %get3A_1143 : vector<16xf32>
        %mul3A_1145 = arith.mulf %sub3A_1140, %sub3A_1140 : vector<16xf32>
        %mul3A_1146 = arith.mulf %sub3A_1144, %sub3A_1144 : vector<16xf32>
        %add3A_1147 = arith.addf %mul3A_1145, %mul3A_1146 : vector<16xf32>
        %shift_left3A_1148 = arith.constant 22 : i32
        %shift_left3A_1149 = vector.broadcast %shift_left3A_1148 : i32 to vector<16xi32>
        %shift_left3A_1150 = arith.shli %scan3A_64, %shift_left3A_1149 : vector<16xi32>
        %ge3A_1151 = arith.constant 0 : i32
        %ge3A_1152 = vector.broadcast %ge3A_1151 : i32 to vector<16xi32>
        %ge3A_1153 = arith.cmpi sge, %shift_left3A_1150, %ge3A_1152 : vector<16xi32>
        %lt3A_1154 = arith.cmpf olt, %add3A_1147, %select_n3A_1136 : vector<16xf32>
        %and3A_1155 = arith.andi %lt3A_1154, %ge3A_1153 : vector<16xi1>
        %jit3A_1156 = arith.constant 9 : i32
        %broadcast_in_dim3A_1157 = vector.broadcast %jit3A_1156 : i32 to vector<16xi32>
        %select_n3A_1158 = arith.select %and3A_1155, %broadcast_in_dim3A_1157, %select_n3A_1135 : vector<16xi1>, vector<16xi32>
        %select_n3A_1159 = arith.select %and3A_1155, %add3A_1147, %select_n3A_1136 : vector<16xi1>, vector<16xf32>
        %get3A_1160 = arith.index_cast %add3A_897 : i32 to index
        %get3A_1161 = arith.constant 160 : index
        %get3A_1162 = tpu.vector_load %arg7[%get3A_1160, %get3A_1161] {strides = array<i32>} : memref<32x256xf32, #tpu.memory_space<vmem>>, vector<16xf32>,
        %sub3A_1163 = arith.subf %gather3A_910, %get3A_1162 : vector<16xf32>
        %get3A_1164 = arith.index_cast %add3A_897 : i32 to index
        %get3A_1165 = arith.constant 160 : index
        %get3A_1166 = tpu.vector_load %arg8[%get3A_1164, %get3A_1165] {strides = array<i32>} : memref<32x256xf32, #tpu.memory_space<vmem>>, vector<16xf32>,
        %sub3A_1167 = arith.subf %gather3A_923, %get3A_1166 : vector<16xf32>
        %mul3A_1168 = arith.mulf %sub3A_1163, %sub3A_1163 : vector<16xf32>
        %mul3A_1169 = arith.mulf %sub3A_1167, %sub3A_1167 : vector<16xf32>
        %add3A_1170 = arith.addf %mul3A_1168, %mul3A_1169 : vector<16xf32>
        %shift_left3A_1171 = arith.constant 21 : i32
        %shift_left3A_1172 = vector.broadcast %shift_left3A_1171 : i32 to vector<16xi32>
        %shift_left3A_1173 = arith.shli %scan3A_64, %shift_left3A_1172 : vector<16xi32>
        %ge3A_1174 = arith.constant 0 : i32
        %ge3A_1175 = vector.broadcast %ge3A_1174 : i32 to vector<16xi32>
        %ge3A_1176 = arith.cmpi sge, %shift_left3A_1173, %ge3A_1175 : vector<16xi32>
        %lt3A_1177 = arith.cmpf olt, %add3A_1170, %select_n3A_1159 : vector<16xf32>
        %and3A_1178 = arith.andi %lt3A_1177, %ge3A_1176 : vector<16xi1>
        %jit3A_1179 = arith.constant 10 : i32
        %broadcast_in_dim3A_1180 = vector.broadcast %jit3A_1179 : i32 to vector<16xi32>
        %select_n3A_1181 = arith.select %and3A_1178, %broadcast_in_dim3A_1180, %select_n3A_1158 : vector<16xi1>, vector<16xi32>
        %select_n3A_1182 = arith.select %and3A_1178, %add3A_1170, %select_n3A_1159 : vector<16xi1>, vector<16xf32>
        %get3A_1183 = arith.index_cast %add3A_897 : i32 to index
        %get3A_1184 = arith.constant 176 : index
        %get3A_1185 = tpu.vector_load %arg7[%get3A_1183, %get3A_1184] {strides = array<i32>} : memref<32x256xf32, #tpu.memory_space<vmem>>, vector<16xf32>,
        %sub3A_1186 = arith.subf %gather3A_910, %get3A_1185 : vector<16xf32>
        %get3A_1187 = arith.index_cast %add3A_897 : i32 to index
        %get3A_1188 = arith.constant 176 : index
        %get3A_1189 = tpu.vector_load %arg8[%get3A_1187, %get3A_1188] {strides = array<i32>} : memref<32x256xf32, #tpu.memory_space<vmem>>, vector<16xf32>,
        %sub3A_1190 = arith.subf %gather3A_923, %get3A_1189 : vector<16xf32>
        %mul3A_1191 = arith.mulf %sub3A_1186, %sub3A_1186 : vector<16xf32>
        %mul3A_1192 = arith.mulf %sub3A_1190, %sub3A_1190 : vector<16xf32>
        %add3A_1193 = arith.addf %mul3A_1191, %mul3A_1192 : vector<16xf32>
        %shift_left3A_1194 = arith.constant 20 : i32
        %shift_left3A_1195 = vector.broadcast %shift_left3A_1194 : i32 to vector<16xi32>
        %shift_left3A_1196 = arith.shli %scan3A_64, %shift_left3A_1195 : vector<16xi32>
        %ge3A_1197 = arith.constant 0 : i32
        %ge3A_1198 = vector.broadcast %ge3A_1197 : i32 to vector<16xi32>
        %ge3A_1199 = arith.cmpi sge, %shift_left3A_1196, %ge3A_1198 : vector<16xi32>
        %lt3A_1200 = arith.cmpf olt, %add3A_1193, %select_n3A_1182 : vector<16xf32>
        %and3A_1201 = arith.andi %lt3A_1200, %ge3A_1199 : vector<16xi1>
        %jit3A_1202 = arith.constant 11 : i32
        %broadcast_in_dim3A_1203 = vector.broadcast %jit3A_1202 : i32 to vector<16xi32>
        %select_n3A_1204 = arith.select %and3A_1201, %broadcast_in_dim3A_1203, %select_n3A_1181 : vector<16xi1>, vector<16xi32>
        %select_n3A_1205 = arith.select %and3A_1201, %add3A_1193, %select_n3A_1182 : vector<16xi1>, vector<16xf32>
        %broadcast_in_dim3A_1206 = arith.constant 0 : i32
        %broadcast_in_dim3A_1207 = vector.broadcast %broadcast_in_dim3A_1206 : i32 to vector<16xi32>
        %get3A_1208 = arith.index_cast %add3A_897 : i32 to index
        %get3A_1209 = arith.constant 192 : index
        %get3A_1210 = tpu.vector_load %arg7[%get3A_1208, %get3A_1209] {strides = array<i32>} : memref<32x256xf32, #tpu.memory_space<vmem>>, vector<16xf32>,
        %sub3A_1211 = arith.subf %gather3A_910, %get3A_1210 : vector<16xf32>
        %get3A_1212 = arith.index_cast %add3A_897 : i32 to index
        %get3A_1213 = arith.constant 192 : index
        %get3A_1214 = tpu.vector_load %arg8[%get3A_1212, %get3A_1213] {strides = array<i32>} : memref<32x256xf32, #tpu.memory_space<vmem>>, vector<16xf32>,
        %sub3A_1215 = arith.subf %gather3A_923, %get3A_1214 : vector<16xf32>
        %mul3A_1216 = arith.mulf %sub3A_1211, %sub3A_1211 : vector<16xf32>
        %mul3A_1217 = arith.mulf %sub3A_1215, %sub3A_1215 : vector<16xf32>
        %add3A_1218 = arith.addf %mul3A_1216, %mul3A_1217 : vector<16xf32>
        %shift_left3A_1219 = arith.constant 19 : i32
        %shift_left3A_1220 = vector.broadcast %shift_left3A_1219 : i32 to vector<16xi32>
        %shift_left3A_1221 = arith.shli %scan3A_64, %shift_left3A_1220 : vector<16xi32>
        %ge3A_1222 = arith.constant 0 : i32
        %ge3A_1223 = vector.broadcast %ge3A_1222 : i32 to vector<16xi32>
        %ge3A_1224 = arith.cmpi sge, %shift_left3A_1221, %ge3A_1223 : vector<16xi32>
        %lt3A_1225 = arith.cmpf olt, %add3A_1218, %broadcast_in_dim3A_5 : vector<16xf32>
        %and3A_1226 = arith.andi %lt3A_1225, %ge3A_1224 : vector<16xi1>
        %jit3A_1227 = arith.constant 12 : i32
        %broadcast_in_dim3A_1228 = vector.broadcast %jit3A_1227 : i32 to vector<16xi32>
        %select_n3A_1229 = arith.select %and3A_1226, %broadcast_in_dim3A_1228, %broadcast_in_dim3A_1207 : vector<16xi1>, vector<16xi32>
        %select_n3A_1230 = arith.select %and3A_1226, %add3A_1218, %broadcast_in_dim3A_5 : vector<16xi1>, vector<16xf32>
        %get3A_1231 = arith.index_cast %add3A_897 : i32 to index
        %get3A_1232 = arith.constant 208 : index
        %get3A_1233 = tpu.vector_load %arg7[%get3A_1231, %get3A_1232] {strides = array<i32>} : memref<32x256xf32, #tpu.memory_space<vmem>>, vector<16xf32>,
        %sub3A_1234 = arith.subf %gather3A_910, %get3A_1233 : vector<16xf32>
        %get3A_1235 = arith.index_cast %add3A_897 : i32 to index
        %get3A_1236 = arith.constant 208 : index
        %get3A_1237 = tpu.vector_load %arg8[%get3A_1235, %get3A_1236] {strides = array<i32>} : memref<32x256xf32, #tpu.memory_space<vmem>>, vector<16xf32>,
        %sub3A_1238 = arith.subf %gather3A_923, %get3A_1237 : vector<16xf32>
        %mul3A_1239 = arith.mulf %sub3A_1234, %sub3A_1234 : vector<16xf32>
        %mul3A_1240 = arith.mulf %sub3A_1238, %sub3A_1238 : vector<16xf32>
        %add3A_1241 = arith.addf %mul3A_1239, %mul3A_1240 : vector<16xf32>
        %shift_left3A_1242 = arith.constant 18 : i32
        %shift_left3A_1243 = vector.broadcast %shift_left3A_1242 : i32 to vector<16xi32>
        %shift_left3A_1244 = arith.shli %scan3A_64, %shift_left3A_1243 : vector<16xi32>
        %ge3A_1245 = arith.constant 0 : i32
        %ge3A_1246 = vector.broadcast %ge3A_1245 : i32 to vector<16xi32>
        %ge3A_1247 = arith.cmpi sge, %shift_left3A_1244, %ge3A_1246 : vector<16xi32>
        %lt3A_1248 = arith.cmpf olt, %add3A_1241, %select_n3A_1230 : vector<16xf32>
        %and3A_1249 = arith.andi %lt3A_1248, %ge3A_1247 : vector<16xi1>
        %jit3A_1250 = arith.constant 13 : i32
        %broadcast_in_dim3A_1251 = vector.broadcast %jit3A_1250 : i32 to vector<16xi32>
        %select_n3A_1252 = arith.select %and3A_1249, %broadcast_in_dim3A_1251, %select_n3A_1229 : vector<16xi1>, vector<16xi32>
        %select_n3A_1253 = arith.select %and3A_1249, %add3A_1241, %select_n3A_1230 : vector<16xi1>, vector<16xf32>
        %get3A_1254 = arith.index_cast %add3A_897 : i32 to index
        %get3A_1255 = arith.constant 224 : index
        %get3A_1256 = tpu.vector_load %arg7[%get3A_1254, %get3A_1255] {strides = array<i32>} : memref<32x256xf32, #tpu.memory_space<vmem>>, vector<16xf32>,
        %sub3A_1257 = arith.subf %gather3A_910, %get3A_1256 : vector<16xf32>
        %get3A_1258 = arith.index_cast %add3A_897 : i32 to index
        %get3A_1259 = arith.constant 224 : index
        %get3A_1260 = tpu.vector_load %arg8[%get3A_1258, %get3A_1259] {strides = array<i32>} : memref<32x256xf32, #tpu.memory_space<vmem>>, vector<16xf32>,
        %sub3A_1261 = arith.subf %gather3A_923, %get3A_1260 : vector<16xf32>
        %mul3A_1262 = arith.mulf %sub3A_1257, %sub3A_1257 : vector<16xf32>
        %mul3A_1263 = arith.mulf %sub3A_1261, %sub3A_1261 : vector<16xf32>
        %add3A_1264 = arith.addf %mul3A_1262, %mul3A_1263 : vector<16xf32>
        %shift_left3A_1265 = arith.constant 17 : i32
        %shift_left3A_1266 = vector.broadcast %shift_left3A_1265 : i32 to vector<16xi32>
        %shift_left3A_1267 = arith.shli %scan3A_64, %shift_left3A_1266 : vector<16xi32>
        %ge3A_1268 = arith.constant 0 : i32
        %ge3A_1269 = vector.broadcast %ge3A_1268 : i32 to vector<16xi32>
        %ge3A_1270 = arith.cmpi sge, %shift_left3A_1267, %ge3A_1269 : vector<16xi32>
        %lt3A_1271 = arith.cmpf olt, %add3A_1264, %select_n3A_1253 : vector<16xf32>
        %and3A_1272 = arith.andi %lt3A_1271, %ge3A_1270 : vector<16xi1>
        %jit3A_1273 = arith.constant 14 : i32
        %broadcast_in_dim3A_1274 = vector.broadcast %jit3A_1273 : i32 to vector<16xi32>
        %select_n3A_1275 = arith.select %and3A_1272, %broadcast_in_dim3A_1274, %select_n3A_1252 : vector<16xi1>, vector<16xi32>
        %select_n3A_1276 = arith.select %and3A_1272, %add3A_1264, %select_n3A_1253 : vector<16xi1>, vector<16xf32>
        %get3A_1277 = arith.index_cast %add3A_897 : i32 to index
        %get3A_1278 = arith.constant 240 : index
        %get3A_1279 = tpu.vector_load %arg7[%get3A_1277, %get3A_1278] {strides = array<i32>} : memref<32x256xf32, #tpu.memory_space<vmem>>, vector<16xf32>,
        %sub3A_1280 = arith.subf %gather3A_910, %get3A_1279 : vector<16xf32>
        %get3A_1281 = arith.index_cast %add3A_897 : i32 to index
        %get3A_1282 = arith.constant 240 : index
        %get3A_1283 = tpu.vector_load %arg8[%get3A_1281, %get3A_1282] {strides = array<i32>} : memref<32x256xf32, #tpu.memory_space<vmem>>, vector<16xf32>,
        %sub3A_1284 = arith.subf %gather3A_923, %get3A_1283 : vector<16xf32>
        %mul3A_1285 = arith.mulf %sub3A_1280, %sub3A_1280 : vector<16xf32>
        %mul3A_1286 = arith.mulf %sub3A_1284, %sub3A_1284 : vector<16xf32>
        %add3A_1287 = arith.addf %mul3A_1285, %mul3A_1286 : vector<16xf32>
        %shift_left3A_1288 = arith.constant 16 : i32
        %shift_left3A_1289 = vector.broadcast %shift_left3A_1288 : i32 to vector<16xi32>
        %shift_left3A_1290 = arith.shli %scan3A_64, %shift_left3A_1289 : vector<16xi32>
        %ge3A_1291 = arith.constant 0 : i32
        %ge3A_1292 = vector.broadcast %ge3A_1291 : i32 to vector<16xi32>
        %ge3A_1293 = arith.cmpi sge, %shift_left3A_1290, %ge3A_1292 : vector<16xi32>
        %lt3A_1294 = arith.cmpf olt, %add3A_1287, %select_n3A_1276 : vector<16xf32>
        %and3A_1295 = arith.andi %lt3A_1294, %ge3A_1293 : vector<16xi1>
        %jit3A_1296 = arith.constant 15 : i32
        %broadcast_in_dim3A_1297 = vector.broadcast %jit3A_1296 : i32 to vector<16xi32>
        %select_n3A_1298 = arith.select %and3A_1295, %broadcast_in_dim3A_1297, %select_n3A_1275 : vector<16xi1>, vector<16xi32>
        %select_n3A_1299 = arith.select %and3A_1295, %add3A_1287, %select_n3A_1276 : vector<16xi1>, vector<16xf32>
        %lt3A_1300 = arith.cmpf olt, %select_n3A_1111, %select_n3A_1017 : vector<16xf32>
        %select_n3A_1301 = arith.select %lt3A_1300, %select_n3A_1111, %select_n3A_1017 : vector<16xi1>, vector<16xf32>
        %select_n3A_1302 = arith.select %lt3A_1300, %select_n3A_1110, %select_n3A_1016 : vector<16xi1>, vector<16xi32>
        %lt3A_1303 = arith.cmpf olt, %select_n3A_1299, %select_n3A_1205 : vector<16xf32>
        %select_n3A_1304 = arith.select %lt3A_1303, %select_n3A_1299, %select_n3A_1205 : vector<16xi1>, vector<16xf32>
        %select_n3A_1305 = arith.select %lt3A_1303, %select_n3A_1298, %select_n3A_1204 : vector<16xi1>, vector<16xi32>
        %lt3A_1306 = arith.cmpf olt, %select_n3A_1304, %select_n3A_1301 : vector<16xf32>
        %select_n3A_1307 = arith.select %lt3A_1306, %select_n3A_1304, %select_n3A_1301 : vector<16xi1>, vector<16xf32>
        %select_n3A_1308 = arith.select %lt3A_1306, %select_n3A_1305, %select_n3A_1302 : vector<16xi1>, vector<16xi32>
        %add3A_1309 = arith.constant 12 : i32
        %add3A_1310 = arith.addi %scan3A_23, %add3A_1309 : i32
        %get3A_1311 = arith.index_cast %add3A_1310 : i32 to index
        %get3A_1312 = arith.index_cast %and3A_71 : i32 to index
        %get3A_1313 = tpu.vector_load %arg9[%get3A_1311, %get3A_1312] {strides = array<i32>} : memref<32x256xf32, #tpu.memory_space<vmem>>, vector<16xf32>,
        %lt3A_1314 = arith.constant 0 : i32
        %lt3A_1315 = vector.broadcast %lt3A_1314 : i32 to vector<16xi32>
        %lt3A_1316 = arith.cmpi slt, %broadcast_in_dim3A_74, %lt3A_1315 : vector<16xi32>
        %add3A_1317 = arith.constant 16 : i32
        %add3A_1318 = vector.broadcast %add3A_1317 : i32 to vector<16xi32>
        %add3A_1319 = arith.addi %broadcast_in_dim3A_74, %add3A_1318 : vector<16xi32>
        %select_n3A_1320 = arith.select %lt3A_1316, %add3A_1319, %broadcast_in_dim3A_74 : vector<16xi1>, vector<16xi32>
        %broadcast_in_dim3A_1321 = vector.shape_cast %select_n3A_1320 : vector<16xi32> to vector<16x1xi32>
        %gather3A_1322 = vector.shape_cast %broadcast_in_dim3A_1321 : vector<16x1xi32> to vector<16xi32>
        %gather3A_1323 = tpu.dynamic_gather %get3A_1313[%gather3A_1322] in [0] : vector<16xf32>, vector<16xi32> -> vector<16xf32>
        %get3A_1324 = arith.index_cast %add3A_1310 : i32 to index
        %get3A_1325 = arith.index_cast %and3A_71 : i32 to index
        %get3A_1326 = tpu.vector_load %arg10[%get3A_1324, %get3A_1325] {strides = array<i32>} : memref<32x256xf32, #tpu.memory_space<vmem>>, vector<16xf32>,
        %lt3A_1327 = arith.constant 0 : i32
        %lt3A_1328 = vector.broadcast %lt3A_1327 : i32 to vector<16xi32>
        %lt3A_1329 = arith.cmpi slt, %broadcast_in_dim3A_74, %lt3A_1328 : vector<16xi32>
        %add3A_1330 = arith.constant 16 : i32
        %add3A_1331 = vector.broadcast %add3A_1330 : i32 to vector<16xi32>
        %add3A_1332 = arith.addi %broadcast_in_dim3A_74, %add3A_1331 : vector<16xi32>
        %select_n3A_1333 = arith.select %lt3A_1329, %add3A_1332, %broadcast_in_dim3A_74 : vector<16xi1>, vector<16xi32>
        %broadcast_in_dim3A_1334 = vector.shape_cast %select_n3A_1333 : vector<16xi32> to vector<16x1xi32>
        %gather3A_1335 = vector.shape_cast %broadcast_in_dim3A_1334 : vector<16x1xi32> to vector<16xi32>
        %gather3A_1336 = tpu.dynamic_gather %get3A_1326[%gather3A_1335] in [0] : vector<16xf32>, vector<16xi32> -> vector<16xf32>
        %broadcast_in_dim3A_1337 = arith.constant 0 : i32
        %broadcast_in_dim3A_1338 = vector.broadcast %broadcast_in_dim3A_1337 : i32 to vector<16xi32>
        %get3A_1339 = arith.index_cast %add3A_1310 : i32 to index
        %get3A_1340 = arith.constant 0 : index
        %get3A_1341 = tpu.vector_load %arg7[%get3A_1339, %get3A_1340] {strides = array<i32>} : memref<32x256xf32, #tpu.memory_space<vmem>>, vector<16xf32>,
        %sub3A_1342 = arith.subf %gather3A_1323, %get3A_1341 : vector<16xf32>
        %get3A_1343 = arith.index_cast %add3A_1310 : i32 to index
        %get3A_1344 = arith.constant 0 : index
        %get3A_1345 = tpu.vector_load %arg8[%get3A_1343, %get3A_1344] {strides = array<i32>} : memref<32x256xf32, #tpu.memory_space<vmem>>, vector<16xf32>,
        %sub3A_1346 = arith.subf %gather3A_1336, %get3A_1345 : vector<16xf32>
        %mul3A_1347 = arith.mulf %sub3A_1342, %sub3A_1342 : vector<16xf32>
        %mul3A_1348 = arith.mulf %sub3A_1346, %sub3A_1346 : vector<16xf32>
        %add3A_1349 = arith.addf %mul3A_1347, %mul3A_1348 : vector<16xf32>
        %shift_left3A_1350 = arith.constant 31 : i32
        %shift_left3A_1351 = vector.broadcast %shift_left3A_1350 : i32 to vector<16xi32>
        %shift_left3A_1352 = arith.shli %scan3A_65, %shift_left3A_1351 : vector<16xi32>
        %ge3A_1353 = arith.constant 0 : i32
        %ge3A_1354 = vector.broadcast %ge3A_1353 : i32 to vector<16xi32>
        %ge3A_1355 = arith.cmpi sge, %shift_left3A_1352, %ge3A_1354 : vector<16xi32>
        %lt3A_1356 = arith.cmpf olt, %add3A_1349, %broadcast_in_dim3A_5 : vector<16xf32>
        %and3A_1357 = arith.andi %lt3A_1356, %ge3A_1355 : vector<16xi1>
        %jit3A_1358 = arith.constant 0 : i32
        %broadcast_in_dim3A_1359 = vector.broadcast %jit3A_1358 : i32 to vector<16xi32>
        %select_n3A_1360 = arith.select %and3A_1357, %broadcast_in_dim3A_1359, %broadcast_in_dim3A_1338 : vector<16xi1>, vector<16xi32>
        %select_n3A_1361 = arith.select %and3A_1357, %add3A_1349, %broadcast_in_dim3A_5 : vector<16xi1>, vector<16xf32>
        %get3A_1362 = arith.index_cast %add3A_1310 : i32 to index
        %get3A_1363 = arith.constant 16 : index
        %get3A_1364 = tpu.vector_load %arg7[%get3A_1362, %get3A_1363] {strides = array<i32>} : memref<32x256xf32, #tpu.memory_space<vmem>>, vector<16xf32>,
        %sub3A_1365 = arith.subf %gather3A_1323, %get3A_1364 : vector<16xf32>
        %get3A_1366 = arith.index_cast %add3A_1310 : i32 to index
        %get3A_1367 = arith.constant 16 : index
        %get3A_1368 = tpu.vector_load %arg8[%get3A_1366, %get3A_1367] {strides = array<i32>} : memref<32x256xf32, #tpu.memory_space<vmem>>, vector<16xf32>,
        %sub3A_1369 = arith.subf %gather3A_1336, %get3A_1368 : vector<16xf32>
        %mul3A_1370 = arith.mulf %sub3A_1365, %sub3A_1365 : vector<16xf32>
        %mul3A_1371 = arith.mulf %sub3A_1369, %sub3A_1369 : vector<16xf32>
        %add3A_1372 = arith.addf %mul3A_1370, %mul3A_1371 : vector<16xf32>
        %shift_left3A_1373 = arith.constant 30 : i32
        %shift_left3A_1374 = vector.broadcast %shift_left3A_1373 : i32 to vector<16xi32>
        %shift_left3A_1375 = arith.shli %scan3A_65, %shift_left3A_1374 : vector<16xi32>
        %ge3A_1376 = arith.constant 0 : i32
        %ge3A_1377 = vector.broadcast %ge3A_1376 : i32 to vector<16xi32>
        %ge3A_1378 = arith.cmpi sge, %shift_left3A_1375, %ge3A_1377 : vector<16xi32>
        %lt3A_1379 = arith.cmpf olt, %add3A_1372, %select_n3A_1361 : vector<16xf32>
        %and3A_1380 = arith.andi %lt3A_1379, %ge3A_1378 : vector<16xi1>
        %jit3A_1381 = arith.constant 1 : i32
        %broadcast_in_dim3A_1382 = vector.broadcast %jit3A_1381 : i32 to vector<16xi32>
        %select_n3A_1383 = arith.select %and3A_1380, %broadcast_in_dim3A_1382, %select_n3A_1360 : vector<16xi1>, vector<16xi32>
        %select_n3A_1384 = arith.select %and3A_1380, %add3A_1372, %select_n3A_1361 : vector<16xi1>, vector<16xf32>
        %get3A_1385 = arith.index_cast %add3A_1310 : i32 to index
        %get3A_1386 = arith.constant 32 : index
        %get3A_1387 = tpu.vector_load %arg7[%get3A_1385, %get3A_1386] {strides = array<i32>} : memref<32x256xf32, #tpu.memory_space<vmem>>, vector<16xf32>,
        %sub3A_1388 = arith.subf %gather3A_1323, %get3A_1387 : vector<16xf32>
        %get3A_1389 = arith.index_cast %add3A_1310 : i32 to index
        %get3A_1390 = arith.constant 32 : index
        %get3A_1391 = tpu.vector_load %arg8[%get3A_1389, %get3A_1390] {strides = array<i32>} : memref<32x256xf32, #tpu.memory_space<vmem>>, vector<16xf32>,
        %sub3A_1392 = arith.subf %gather3A_1336, %get3A_1391 : vector<16xf32>
        %mul3A_1393 = arith.mulf %sub3A_1388, %sub3A_1388 : vector<16xf32>
        %mul3A_1394 = arith.mulf %sub3A_1392, %sub3A_1392 : vector<16xf32>
        %add3A_1395 = arith.addf %mul3A_1393, %mul3A_1394 : vector<16xf32>
        %shift_left3A_1396 = arith.constant 29 : i32
        %shift_left3A_1397 = vector.broadcast %shift_left3A_1396 : i32 to vector<16xi32>
        %shift_left3A_1398 = arith.shli %scan3A_65, %shift_left3A_1397 : vector<16xi32>
        %ge3A_1399 = arith.constant 0 : i32
        %ge3A_1400 = vector.broadcast %ge3A_1399 : i32 to vector<16xi32>
        %ge3A_1401 = arith.cmpi sge, %shift_left3A_1398, %ge3A_1400 : vector<16xi32>
        %lt3A_1402 = arith.cmpf olt, %add3A_1395, %select_n3A_1384 : vector<16xf32>
        %and3A_1403 = arith.andi %lt3A_1402, %ge3A_1401 : vector<16xi1>
        %jit3A_1404 = arith.constant 2 : i32
        %broadcast_in_dim3A_1405 = vector.broadcast %jit3A_1404 : i32 to vector<16xi32>
        %select_n3A_1406 = arith.select %and3A_1403, %broadcast_in_dim3A_1405, %select_n3A_1383 : vector<16xi1>, vector<16xi32>
        %select_n3A_1407 = arith.select %and3A_1403, %add3A_1395, %select_n3A_1384 : vector<16xi1>, vector<16xf32>
        %get3A_1408 = arith.index_cast %add3A_1310 : i32 to index
        %get3A_1409 = arith.constant 48 : index
        %get3A_1410 = tpu.vector_load %arg7[%get3A_1408, %get3A_1409] {strides = array<i32>} : memref<32x256xf32, #tpu.memory_space<vmem>>, vector<16xf32>,
        %sub3A_1411 = arith.subf %gather3A_1323, %get3A_1410 : vector<16xf32>
        %get3A_1412 = arith.index_cast %add3A_1310 : i32 to index
        %get3A_1413 = arith.constant 48 : index
        %get3A_1414 = tpu.vector_load %arg8[%get3A_1412, %get3A_1413] {strides = array<i32>} : memref<32x256xf32, #tpu.memory_space<vmem>>, vector<16xf32>,
        %sub3A_1415 = arith.subf %gather3A_1336, %get3A_1414 : vector<16xf32>
        %mul3A_1416 = arith.mulf %sub3A_1411, %sub3A_1411 : vector<16xf32>
        %mul3A_1417 = arith.mulf %sub3A_1415, %sub3A_1415 : vector<16xf32>
        %add3A_1418 = arith.addf %mul3A_1416, %mul3A_1417 : vector<16xf32>
        %shift_left3A_1419 = arith.constant 28 : i32
        %shift_left3A_1420 = vector.broadcast %shift_left3A_1419 : i32 to vector<16xi32>
        %shift_left3A_1421 = arith.shli %scan3A_65, %shift_left3A_1420 : vector<16xi32>
        %ge3A_1422 = arith.constant 0 : i32
        %ge3A_1423 = vector.broadcast %ge3A_1422 : i32 to vector<16xi32>
        %ge3A_1424 = arith.cmpi sge, %shift_left3A_1421, %ge3A_1423 : vector<16xi32>
        %lt3A_1425 = arith.cmpf olt, %add3A_1418, %select_n3A_1407 : vector<16xf32>
        %and3A_1426 = arith.andi %lt3A_1425, %ge3A_1424 : vector<16xi1>
        %jit3A_1427 = arith.constant 3 : i32
        %broadcast_in_dim3A_1428 = vector.broadcast %jit3A_1427 : i32 to vector<16xi32>
        %select_n3A_1429 = arith.select %and3A_1426, %broadcast_in_dim3A_1428, %select_n3A_1406 : vector<16xi1>, vector<16xi32>
        %select_n3A_1430 = arith.select %and3A_1426, %add3A_1418, %select_n3A_1407 : vector<16xi1>, vector<16xf32>
        %broadcast_in_dim3A_1431 = arith.constant 0 : i32
        %broadcast_in_dim3A_1432 = vector.broadcast %broadcast_in_dim3A_1431 : i32 to vector<16xi32>
        %get3A_1433 = arith.index_cast %add3A_1310 : i32 to index
        %get3A_1434 = arith.constant 64 : index
        %get3A_1435 = tpu.vector_load %arg7[%get3A_1433, %get3A_1434] {strides = array<i32>} : memref<32x256xf32, #tpu.memory_space<vmem>>, vector<16xf32>,
        %sub3A_1436 = arith.subf %gather3A_1323, %get3A_1435 : vector<16xf32>
        %get3A_1437 = arith.index_cast %add3A_1310 : i32 to index
        %get3A_1438 = arith.constant 64 : index
        %get3A_1439 = tpu.vector_load %arg8[%get3A_1437, %get3A_1438] {strides = array<i32>} : memref<32x256xf32, #tpu.memory_space<vmem>>, vector<16xf32>,
        %sub3A_1440 = arith.subf %gather3A_1336, %get3A_1439 : vector<16xf32>
        %mul3A_1441 = arith.mulf %sub3A_1436, %sub3A_1436 : vector<16xf32>
        %mul3A_1442 = arith.mulf %sub3A_1440, %sub3A_1440 : vector<16xf32>
        %add3A_1443 = arith.addf %mul3A_1441, %mul3A_1442 : vector<16xf32>
        %shift_left3A_1444 = arith.constant 27 : i32
        %shift_left3A_1445 = vector.broadcast %shift_left3A_1444 : i32 to vector<16xi32>
        %shift_left3A_1446 = arith.shli %scan3A_65, %shift_left3A_1445 : vector<16xi32>
        %ge3A_1447 = arith.constant 0 : i32
        %ge3A_1448 = vector.broadcast %ge3A_1447 : i32 to vector<16xi32>
        %ge3A_1449 = arith.cmpi sge, %shift_left3A_1446, %ge3A_1448 : vector<16xi32>
        %lt3A_1450 = arith.cmpf olt, %add3A_1443, %broadcast_in_dim3A_5 : vector<16xf32>
        %and3A_1451 = arith.andi %lt3A_1450, %ge3A_1449 : vector<16xi1>
        %jit3A_1452 = arith.constant 4 : i32
        %broadcast_in_dim3A_1453 = vector.broadcast %jit3A_1452 : i32 to vector<16xi32>
        %select_n3A_1454 = arith.select %and3A_1451, %broadcast_in_dim3A_1453, %broadcast_in_dim3A_1432 : vector<16xi1>, vector<16xi32>
        %select_n3A_1455 = arith.select %and3A_1451, %add3A_1443, %broadcast_in_dim3A_5 : vector<16xi1>, vector<16xf32>
        %get3A_1456 = arith.index_cast %add3A_1310 : i32 to index
        %get3A_1457 = arith.constant 80 : index
        %get3A_1458 = tpu.vector_load %arg7[%get3A_1456, %get3A_1457] {strides = array<i32>} : memref<32x256xf32, #tpu.memory_space<vmem>>, vector<16xf32>,
        %sub3A_1459 = arith.subf %gather3A_1323, %get3A_1458 : vector<16xf32>
        %get3A_1460 = arith.index_cast %add3A_1310 : i32 to index
        %get3A_1461 = arith.constant 80 : index
        %get3A_1462 = tpu.vector_load %arg8[%get3A_1460, %get3A_1461] {strides = array<i32>} : memref<32x256xf32, #tpu.memory_space<vmem>>, vector<16xf32>,
        %sub3A_1463 = arith.subf %gather3A_1336, %get3A_1462 : vector<16xf32>
        %mul3A_1464 = arith.mulf %sub3A_1459, %sub3A_1459 : vector<16xf32>
        %mul3A_1465 = arith.mulf %sub3A_1463, %sub3A_1463 : vector<16xf32>
        %add3A_1466 = arith.addf %mul3A_1464, %mul3A_1465 : vector<16xf32>
        %shift_left3A_1467 = arith.constant 26 : i32
        %shift_left3A_1468 = vector.broadcast %shift_left3A_1467 : i32 to vector<16xi32>
        %shift_left3A_1469 = arith.shli %scan3A_65, %shift_left3A_1468 : vector<16xi32>
        %ge3A_1470 = arith.constant 0 : i32
        %ge3A_1471 = vector.broadcast %ge3A_1470 : i32 to vector<16xi32>
        %ge3A_1472 = arith.cmpi sge, %shift_left3A_1469, %ge3A_1471 : vector<16xi32>
        %lt3A_1473 = arith.cmpf olt, %add3A_1466, %select_n3A_1455 : vector<16xf32>
        %and3A_1474 = arith.andi %lt3A_1473, %ge3A_1472 : vector<16xi1>
        %jit3A_1475 = arith.constant 5 : i32
        %broadcast_in_dim3A_1476 = vector.broadcast %jit3A_1475 : i32 to vector<16xi32>
        %select_n3A_1477 = arith.select %and3A_1474, %broadcast_in_dim3A_1476, %select_n3A_1454 : vector<16xi1>, vector<16xi32>
        %select_n3A_1478 = arith.select %and3A_1474, %add3A_1466, %select_n3A_1455 : vector<16xi1>, vector<16xf32>
        %get3A_1479 = arith.index_cast %add3A_1310 : i32 to index
        %get3A_1480 = arith.constant 96 : index
        %get3A_1481 = tpu.vector_load %arg7[%get3A_1479, %get3A_1480] {strides = array<i32>} : memref<32x256xf32, #tpu.memory_space<vmem>>, vector<16xf32>,
        %sub3A_1482 = arith.subf %gather3A_1323, %get3A_1481 : vector<16xf32>
        %get3A_1483 = arith.index_cast %add3A_1310 : i32 to index
        %get3A_1484 = arith.constant 96 : index
        %get3A_1485 = tpu.vector_load %arg8[%get3A_1483, %get3A_1484] {strides = array<i32>} : memref<32x256xf32, #tpu.memory_space<vmem>>, vector<16xf32>,
        %sub3A_1486 = arith.subf %gather3A_1336, %get3A_1485 : vector<16xf32>
        %mul3A_1487 = arith.mulf %sub3A_1482, %sub3A_1482 : vector<16xf32>
        %mul3A_1488 = arith.mulf %sub3A_1486, %sub3A_1486 : vector<16xf32>
        %add3A_1489 = arith.addf %mul3A_1487, %mul3A_1488 : vector<16xf32>
        %shift_left3A_1490 = arith.constant 25 : i32
        %shift_left3A_1491 = vector.broadcast %shift_left3A_1490 : i32 to vector<16xi32>
        %shift_left3A_1492 = arith.shli %scan3A_65, %shift_left3A_1491 : vector<16xi32>
        %ge3A_1493 = arith.constant 0 : i32
        %ge3A_1494 = vector.broadcast %ge3A_1493 : i32 to vector<16xi32>
        %ge3A_1495 = arith.cmpi sge, %shift_left3A_1492, %ge3A_1494 : vector<16xi32>
        %lt3A_1496 = arith.cmpf olt, %add3A_1489, %select_n3A_1478 : vector<16xf32>
        %and3A_1497 = arith.andi %lt3A_1496, %ge3A_1495 : vector<16xi1>
        %jit3A_1498 = arith.constant 6 : i32
        %broadcast_in_dim3A_1499 = vector.broadcast %jit3A_1498 : i32 to vector<16xi32>
        %select_n3A_1500 = arith.select %and3A_1497, %broadcast_in_dim3A_1499, %select_n3A_1477 : vector<16xi1>, vector<16xi32>
        %select_n3A_1501 = arith.select %and3A_1497, %add3A_1489, %select_n3A_1478 : vector<16xi1>, vector<16xf32>
        %get3A_1502 = arith.index_cast %add3A_1310 : i32 to index
        %get3A_1503 = arith.constant 112 : index
        %get3A_1504 = tpu.vector_load %arg7[%get3A_1502, %get3A_1503] {strides = array<i32>} : memref<32x256xf32, #tpu.memory_space<vmem>>, vector<16xf32>,
        %sub3A_1505 = arith.subf %gather3A_1323, %get3A_1504 : vector<16xf32>
        %get3A_1506 = arith.index_cast %add3A_1310 : i32 to index
        %get3A_1507 = arith.constant 112 : index
        %get3A_1508 = tpu.vector_load %arg8[%get3A_1506, %get3A_1507] {strides = array<i32>} : memref<32x256xf32, #tpu.memory_space<vmem>>, vector<16xf32>,
        %sub3A_1509 = arith.subf %gather3A_1336, %get3A_1508 : vector<16xf32>
        %mul3A_1510 = arith.mulf %sub3A_1505, %sub3A_1505 : vector<16xf32>
        %mul3A_1511 = arith.mulf %sub3A_1509, %sub3A_1509 : vector<16xf32>
        %add3A_1512 = arith.addf %mul3A_1510, %mul3A_1511 : vector<16xf32>
        %shift_left3A_1513 = arith.constant 24 : i32
        %shift_left3A_1514 = vector.broadcast %shift_left3A_1513 : i32 to vector<16xi32>
        %shift_left3A_1515 = arith.shli %scan3A_65, %shift_left3A_1514 : vector<16xi32>
        %ge3A_1516 = arith.constant 0 : i32
        %ge3A_1517 = vector.broadcast %ge3A_1516 : i32 to vector<16xi32>
        %ge3A_1518 = arith.cmpi sge, %shift_left3A_1515, %ge3A_1517 : vector<16xi32>
        %lt3A_1519 = arith.cmpf olt, %add3A_1512, %select_n3A_1501 : vector<16xf32>
        %and3A_1520 = arith.andi %lt3A_1519, %ge3A_1518 : vector<16xi1>
        %jit3A_1521 = arith.constant 7 : i32
        %broadcast_in_dim3A_1522 = vector.broadcast %jit3A_1521 : i32 to vector<16xi32>
        %select_n3A_1523 = arith.select %and3A_1520, %broadcast_in_dim3A_1522, %select_n3A_1500 : vector<16xi1>, vector<16xi32>
        %select_n3A_1524 = arith.select %and3A_1520, %add3A_1512, %select_n3A_1501 : vector<16xi1>, vector<16xf32>
        %broadcast_in_dim3A_1525 = arith.constant 0 : i32
        %broadcast_in_dim3A_1526 = vector.broadcast %broadcast_in_dim3A_1525 : i32 to vector<16xi32>
        %get3A_1527 = arith.index_cast %add3A_1310 : i32 to index
        %get3A_1528 = arith.constant 128 : index
        %get3A_1529 = tpu.vector_load %arg7[%get3A_1527, %get3A_1528] {strides = array<i32>} : memref<32x256xf32, #tpu.memory_space<vmem>>, vector<16xf32>,
        %sub3A_1530 = arith.subf %gather3A_1323, %get3A_1529 : vector<16xf32>
        %get3A_1531 = arith.index_cast %add3A_1310 : i32 to index
        %get3A_1532 = arith.constant 128 : index
        %get3A_1533 = tpu.vector_load %arg8[%get3A_1531, %get3A_1532] {strides = array<i32>} : memref<32x256xf32, #tpu.memory_space<vmem>>, vector<16xf32>,
        %sub3A_1534 = arith.subf %gather3A_1336, %get3A_1533 : vector<16xf32>
        %mul3A_1535 = arith.mulf %sub3A_1530, %sub3A_1530 : vector<16xf32>
        %mul3A_1536 = arith.mulf %sub3A_1534, %sub3A_1534 : vector<16xf32>
        %add3A_1537 = arith.addf %mul3A_1535, %mul3A_1536 : vector<16xf32>
        %shift_left3A_1538 = arith.constant 23 : i32
        %shift_left3A_1539 = vector.broadcast %shift_left3A_1538 : i32 to vector<16xi32>
        %shift_left3A_1540 = arith.shli %scan3A_65, %shift_left3A_1539 : vector<16xi32>
        %ge3A_1541 = arith.constant 0 : i32
        %ge3A_1542 = vector.broadcast %ge3A_1541 : i32 to vector<16xi32>
        %ge3A_1543 = arith.cmpi sge, %shift_left3A_1540, %ge3A_1542 : vector<16xi32>
        %lt3A_1544 = arith.cmpf olt, %add3A_1537, %broadcast_in_dim3A_5 : vector<16xf32>
        %and3A_1545 = arith.andi %lt3A_1544, %ge3A_1543 : vector<16xi1>
        %jit3A_1546 = arith.constant 8 : i32
        %broadcast_in_dim3A_1547 = vector.broadcast %jit3A_1546 : i32 to vector<16xi32>
        %select_n3A_1548 = arith.select %and3A_1545, %broadcast_in_dim3A_1547, %broadcast_in_dim3A_1526 : vector<16xi1>, vector<16xi32>
        %select_n3A_1549 = arith.select %and3A_1545, %add3A_1537, %broadcast_in_dim3A_5 : vector<16xi1>, vector<16xf32>
        %get3A_1550 = arith.index_cast %add3A_1310 : i32 to index
        %get3A_1551 = arith.constant 144 : index
        %get3A_1552 = tpu.vector_load %arg7[%get3A_1550, %get3A_1551] {strides = array<i32>} : memref<32x256xf32, #tpu.memory_space<vmem>>, vector<16xf32>,
        %sub3A_1553 = arith.subf %gather3A_1323, %get3A_1552 : vector<16xf32>
        %get3A_1554 = arith.index_cast %add3A_1310 : i32 to index
        %get3A_1555 = arith.constant 144 : index
        %get3A_1556 = tpu.vector_load %arg8[%get3A_1554, %get3A_1555] {strides = array<i32>} : memref<32x256xf32, #tpu.memory_space<vmem>>, vector<16xf32>,
        %sub3A_1557 = arith.subf %gather3A_1336, %get3A_1556 : vector<16xf32>
        %mul3A_1558 = arith.mulf %sub3A_1553, %sub3A_1553 : vector<16xf32>
        %mul3A_1559 = arith.mulf %sub3A_1557, %sub3A_1557 : vector<16xf32>
        %add3A_1560 = arith.addf %mul3A_1558, %mul3A_1559 : vector<16xf32>
        %shift_left3A_1561 = arith.constant 22 : i32
        %shift_left3A_1562 = vector.broadcast %shift_left3A_1561 : i32 to vector<16xi32>
        %shift_left3A_1563 = arith.shli %scan3A_65, %shift_left3A_1562 : vector<16xi32>
        %ge3A_1564 = arith.constant 0 : i32
        %ge3A_1565 = vector.broadcast %ge3A_1564 : i32 to vector<16xi32>
        %ge3A_1566 = arith.cmpi sge, %shift_left3A_1563, %ge3A_1565 : vector<16xi32>
        %lt3A_1567 = arith.cmpf olt, %add3A_1560, %select_n3A_1549 : vector<16xf32>
        %and3A_1568 = arith.andi %lt3A_1567, %ge3A_1566 : vector<16xi1>
        %jit3A_1569 = arith.constant 9 : i32
        %broadcast_in_dim3A_1570 = vector.broadcast %jit3A_1569 : i32 to vector<16xi32>
        %select_n3A_1571 = arith.select %and3A_1568, %broadcast_in_dim3A_1570, %select_n3A_1548 : vector<16xi1>, vector<16xi32>
        %select_n3A_1572 = arith.select %and3A_1568, %add3A_1560, %select_n3A_1549 : vector<16xi1>, vector<16xf32>
        %get3A_1573 = arith.index_cast %add3A_1310 : i32 to index
        %get3A_1574 = arith.constant 160 : index
        %get3A_1575 = tpu.vector_load %arg7[%get3A_1573, %get3A_1574] {strides = array<i32>} : memref<32x256xf32, #tpu.memory_space<vmem>>, vector<16xf32>,
        %sub3A_1576 = arith.subf %gather3A_1323, %get3A_1575 : vector<16xf32>
        %get3A_1577 = arith.index_cast %add3A_1310 : i32 to index
        %get3A_1578 = arith.constant 160 : index
        %get3A_1579 = tpu.vector_load %arg8[%get3A_1577, %get3A_1578] {strides = array<i32>} : memref<32x256xf32, #tpu.memory_space<vmem>>, vector<16xf32>,
        %sub3A_1580 = arith.subf %gather3A_1336, %get3A_1579 : vector<16xf32>
        %mul3A_1581 = arith.mulf %sub3A_1576, %sub3A_1576 : vector<16xf32>
        %mul3A_1582 = arith.mulf %sub3A_1580, %sub3A_1580 : vector<16xf32>
        %add3A_1583 = arith.addf %mul3A_1581, %mul3A_1582 : vector<16xf32>
        %shift_left3A_1584 = arith.constant 21 : i32
        %shift_left3A_1585 = vector.broadcast %shift_left3A_1584 : i32 to vector<16xi32>
        %shift_left3A_1586 = arith.shli %scan3A_65, %shift_left3A_1585 : vector<16xi32>
        %ge3A_1587 = arith.constant 0 : i32
        %ge3A_1588 = vector.broadcast %ge3A_1587 : i32 to vector<16xi32>
        %ge3A_1589 = arith.cmpi sge, %shift_left3A_1586, %ge3A_1588 : vector<16xi32>
        %lt3A_1590 = arith.cmpf olt, %add3A_1583, %select_n3A_1572 : vector<16xf32>
        %and3A_1591 = arith.andi %lt3A_1590, %ge3A_1589 : vector<16xi1>
        %jit3A_1592 = arith.constant 10 : i32
        %broadcast_in_dim3A_1593 = vector.broadcast %jit3A_1592 : i32 to vector<16xi32>
        %select_n3A_1594 = arith.select %and3A_1591, %broadcast_in_dim3A_1593, %select_n3A_1571 : vector<16xi1>, vector<16xi32>
        %select_n3A_1595 = arith.select %and3A_1591, %add3A_1583, %select_n3A_1572 : vector<16xi1>, vector<16xf32>
        %get3A_1596 = arith.index_cast %add3A_1310 : i32 to index
        %get3A_1597 = arith.constant 176 : index
        %get3A_1598 = tpu.vector_load %arg7[%get3A_1596, %get3A_1597] {strides = array<i32>} : memref<32x256xf32, #tpu.memory_space<vmem>>, vector<16xf32>,
        %sub3A_1599 = arith.subf %gather3A_1323, %get3A_1598 : vector<16xf32>
        %get3A_1600 = arith.index_cast %add3A_1310 : i32 to index
        %get3A_1601 = arith.constant 176 : index
        %get3A_1602 = tpu.vector_load %arg8[%get3A_1600, %get3A_1601] {strides = array<i32>} : memref<32x256xf32, #tpu.memory_space<vmem>>, vector<16xf32>,
        %sub3A_1603 = arith.subf %gather3A_1336, %get3A_1602 : vector<16xf32>
        %mul3A_1604 = arith.mulf %sub3A_1599, %sub3A_1599 : vector<16xf32>
        %mul3A_1605 = arith.mulf %sub3A_1603, %sub3A_1603 : vector<16xf32>
        %add3A_1606 = arith.addf %mul3A_1604, %mul3A_1605 : vector<16xf32>
        %shift_left3A_1607 = arith.constant 20 : i32
        %shift_left3A_1608 = vector.broadcast %shift_left3A_1607 : i32 to vector<16xi32>
        %shift_left3A_1609 = arith.shli %scan3A_65, %shift_left3A_1608 : vector<16xi32>
        %ge3A_1610 = arith.constant 0 : i32
        %ge3A_1611 = vector.broadcast %ge3A_1610 : i32 to vector<16xi32>
        %ge3A_1612 = arith.cmpi sge, %shift_left3A_1609, %ge3A_1611 : vector<16xi32>
        %lt3A_1613 = arith.cmpf olt, %add3A_1606, %select_n3A_1595 : vector<16xf32>
        %and3A_1614 = arith.andi %lt3A_1613, %ge3A_1612 : vector<16xi1>
        %jit3A_1615 = arith.constant 11 : i32
        %broadcast_in_dim3A_1616 = vector.broadcast %jit3A_1615 : i32 to vector<16xi32>
        %select_n3A_1617 = arith.select %and3A_1614, %broadcast_in_dim3A_1616, %select_n3A_1594 : vector<16xi1>, vector<16xi32>
        %select_n3A_1618 = arith.select %and3A_1614, %add3A_1606, %select_n3A_1595 : vector<16xi1>, vector<16xf32>
        %broadcast_in_dim3A_1619 = arith.constant 0 : i32
        %broadcast_in_dim3A_1620 = vector.broadcast %broadcast_in_dim3A_1619 : i32 to vector<16xi32>
        %get3A_1621 = arith.index_cast %add3A_1310 : i32 to index
        %get3A_1622 = arith.constant 192 : index
        %get3A_1623 = tpu.vector_load %arg7[%get3A_1621, %get3A_1622] {strides = array<i32>} : memref<32x256xf32, #tpu.memory_space<vmem>>, vector<16xf32>,
        %sub3A_1624 = arith.subf %gather3A_1323, %get3A_1623 : vector<16xf32>
        %get3A_1625 = arith.index_cast %add3A_1310 : i32 to index
        %get3A_1626 = arith.constant 192 : index
        %get3A_1627 = tpu.vector_load %arg8[%get3A_1625, %get3A_1626] {strides = array<i32>} : memref<32x256xf32, #tpu.memory_space<vmem>>, vector<16xf32>,
        %sub3A_1628 = arith.subf %gather3A_1336, %get3A_1627 : vector<16xf32>
        %mul3A_1629 = arith.mulf %sub3A_1624, %sub3A_1624 : vector<16xf32>
        %mul3A_1630 = arith.mulf %sub3A_1628, %sub3A_1628 : vector<16xf32>
        %add3A_1631 = arith.addf %mul3A_1629, %mul3A_1630 : vector<16xf32>
        %shift_left3A_1632 = arith.constant 19 : i32
        %shift_left3A_1633 = vector.broadcast %shift_left3A_1632 : i32 to vector<16xi32>
        %shift_left3A_1634 = arith.shli %scan3A_65, %shift_left3A_1633 : vector<16xi32>
        %ge3A_1635 = arith.constant 0 : i32
        %ge3A_1636 = vector.broadcast %ge3A_1635 : i32 to vector<16xi32>
        %ge3A_1637 = arith.cmpi sge, %shift_left3A_1634, %ge3A_1636 : vector<16xi32>
        %lt3A_1638 = arith.cmpf olt, %add3A_1631, %broadcast_in_dim3A_5 : vector<16xf32>
        %and3A_1639 = arith.andi %lt3A_1638, %ge3A_1637 : vector<16xi1>
        %jit3A_1640 = arith.constant 12 : i32
        %broadcast_in_dim3A_1641 = vector.broadcast %jit3A_1640 : i32 to vector<16xi32>
        %select_n3A_1642 = arith.select %and3A_1639, %broadcast_in_dim3A_1641, %broadcast_in_dim3A_1620 : vector<16xi1>, vector<16xi32>
        %select_n3A_1643 = arith.select %and3A_1639, %add3A_1631, %broadcast_in_dim3A_5 : vector<16xi1>, vector<16xf32>
        %get3A_1644 = arith.index_cast %add3A_1310 : i32 to index
        %get3A_1645 = arith.constant 208 : index
        %get3A_1646 = tpu.vector_load %arg7[%get3A_1644, %get3A_1645] {strides = array<i32>} : memref<32x256xf32, #tpu.memory_space<vmem>>, vector<16xf32>,
        %sub3A_1647 = arith.subf %gather3A_1323, %get3A_1646 : vector<16xf32>
        %get3A_1648 = arith.index_cast %add3A_1310 : i32 to index
        %get3A_1649 = arith.constant 208 : index
        %get3A_1650 = tpu.vector_load %arg8[%get3A_1648, %get3A_1649] {strides = array<i32>} : memref<32x256xf32, #tpu.memory_space<vmem>>, vector<16xf32>,
        %sub3A_1651 = arith.subf %gather3A_1336, %get3A_1650 : vector<16xf32>
        %mul3A_1652 = arith.mulf %sub3A_1647, %sub3A_1647 : vector<16xf32>
        %mul3A_1653 = arith.mulf %sub3A_1651, %sub3A_1651 : vector<16xf32>
        %add3A_1654 = arith.addf %mul3A_1652, %mul3A_1653 : vector<16xf32>
        %shift_left3A_1655 = arith.constant 18 : i32
        %shift_left3A_1656 = vector.broadcast %shift_left3A_1655 : i32 to vector<16xi32>
        %shift_left3A_1657 = arith.shli %scan3A_65, %shift_left3A_1656 : vector<16xi32>
        %ge3A_1658 = arith.constant 0 : i32
        %ge3A_1659 = vector.broadcast %ge3A_1658 : i32 to vector<16xi32>
        %ge3A_1660 = arith.cmpi sge, %shift_left3A_1657, %ge3A_1659 : vector<16xi32>
        %lt3A_1661 = arith.cmpf olt, %add3A_1654, %select_n3A_1643 : vector<16xf32>
        %and3A_1662 = arith.andi %lt3A_1661, %ge3A_1660 : vector<16xi1>
        %jit3A_1663 = arith.constant 13 : i32
        %broadcast_in_dim3A_1664 = vector.broadcast %jit3A_1663 : i32 to vector<16xi32>
        %select_n3A_1665 = arith.select %and3A_1662, %broadcast_in_dim3A_1664, %select_n3A_1642 : vector<16xi1>, vector<16xi32>
        %select_n3A_1666 = arith.select %and3A_1662, %add3A_1654, %select_n3A_1643 : vector<16xi1>, vector<16xf32>
        %get3A_1667 = arith.index_cast %add3A_1310 : i32 to index
        %get3A_1668 = arith.constant 224 : index
        %get3A_1669 = tpu.vector_load %arg7[%get3A_1667, %get3A_1668] {strides = array<i32>} : memref<32x256xf32, #tpu.memory_space<vmem>>, vector<16xf32>,
        %sub3A_1670 = arith.subf %gather3A_1323, %get3A_1669 : vector<16xf32>
        %get3A_1671 = arith.index_cast %add3A_1310 : i32 to index
        %get3A_1672 = arith.constant 224 : index
        %get3A_1673 = tpu.vector_load %arg8[%get3A_1671, %get3A_1672] {strides = array<i32>} : memref<32x256xf32, #tpu.memory_space<vmem>>, vector<16xf32>,
        %sub3A_1674 = arith.subf %gather3A_1336, %get3A_1673 : vector<16xf32>
        %mul3A_1675 = arith.mulf %sub3A_1670, %sub3A_1670 : vector<16xf32>
        %mul3A_1676 = arith.mulf %sub3A_1674, %sub3A_1674 : vector<16xf32>
        %add3A_1677 = arith.addf %mul3A_1675, %mul3A_1676 : vector<16xf32>
        %shift_left3A_1678 = arith.constant 17 : i32
        %shift_left3A_1679 = vector.broadcast %shift_left3A_1678 : i32 to vector<16xi32>
        %shift_left3A_1680 = arith.shli %scan3A_65, %shift_left3A_1679 : vector<16xi32>
        %ge3A_1681 = arith.constant 0 : i32
        %ge3A_1682 = vector.broadcast %ge3A_1681 : i32 to vector<16xi32>
        %ge3A_1683 = arith.cmpi sge, %shift_left3A_1680, %ge3A_1682 : vector<16xi32>
        %lt3A_1684 = arith.cmpf olt, %add3A_1677, %select_n3A_1666 : vector<16xf32>
        %and3A_1685 = arith.andi %lt3A_1684, %ge3A_1683 : vector<16xi1>
        %jit3A_1686 = arith.constant 14 : i32
        %broadcast_in_dim3A_1687 = vector.broadcast %jit3A_1686 : i32 to vector<16xi32>
        %select_n3A_1688 = arith.select %and3A_1685, %broadcast_in_dim3A_1687, %select_n3A_1665 : vector<16xi1>, vector<16xi32>
        %select_n3A_1689 = arith.select %and3A_1685, %add3A_1677, %select_n3A_1666 : vector<16xi1>, vector<16xf32>
        %get3A_1690 = arith.index_cast %add3A_1310 : i32 to index
        %get3A_1691 = arith.constant 240 : index
        %get3A_1692 = tpu.vector_load %arg7[%get3A_1690, %get3A_1691] {strides = array<i32>} : memref<32x256xf32, #tpu.memory_space<vmem>>, vector<16xf32>,
        %sub3A_1693 = arith.subf %gather3A_1323, %get3A_1692 : vector<16xf32>
        %get3A_1694 = arith.index_cast %add3A_1310 : i32 to index
        %get3A_1695 = arith.constant 240 : index
        %get3A_1696 = tpu.vector_load %arg8[%get3A_1694, %get3A_1695] {strides = array<i32>} : memref<32x256xf32, #tpu.memory_space<vmem>>, vector<16xf32>,
        %sub3A_1697 = arith.subf %gather3A_1336, %get3A_1696 : vector<16xf32>
        %mul3A_1698 = arith.mulf %sub3A_1693, %sub3A_1693 : vector<16xf32>
        %mul3A_1699 = arith.mulf %sub3A_1697, %sub3A_1697 : vector<16xf32>
        %add3A_1700 = arith.addf %mul3A_1698, %mul3A_1699 : vector<16xf32>
        %shift_left3A_1701 = arith.constant 16 : i32
        %shift_left3A_1702 = vector.broadcast %shift_left3A_1701 : i32 to vector<16xi32>
        %shift_left3A_1703 = arith.shli %scan3A_65, %shift_left3A_1702 : vector<16xi32>
        %ge3A_1704 = arith.constant 0 : i32
        %ge3A_1705 = vector.broadcast %ge3A_1704 : i32 to vector<16xi32>
        %ge3A_1706 = arith.cmpi sge, %shift_left3A_1703, %ge3A_1705 : vector<16xi32>
        %lt3A_1707 = arith.cmpf olt, %add3A_1700, %select_n3A_1689 : vector<16xf32>
        %and3A_1708 = arith.andi %lt3A_1707, %ge3A_1706 : vector<16xi1>
        %jit3A_1709 = arith.constant 15 : i32
        %broadcast_in_dim3A_1710 = vector.broadcast %jit3A_1709 : i32 to vector<16xi32>
        %select_n3A_1711 = arith.select %and3A_1708, %broadcast_in_dim3A_1710, %select_n3A_1688 : vector<16xi1>, vector<16xi32>
        %select_n3A_1712 = arith.select %and3A_1708, %add3A_1700, %select_n3A_1689 : vector<16xi1>, vector<16xf32>
        %lt3A_1713 = arith.cmpf olt, %select_n3A_1524, %select_n3A_1430 : vector<16xf32>
        %select_n3A_1714 = arith.select %lt3A_1713, %select_n3A_1524, %select_n3A_1430 : vector<16xi1>, vector<16xf32>
        %select_n3A_1715 = arith.select %lt3A_1713, %select_n3A_1523, %select_n3A_1429 : vector<16xi1>, vector<16xi32>
        %lt3A_1716 = arith.cmpf olt, %select_n3A_1712, %select_n3A_1618 : vector<16xf32>
        %select_n3A_1717 = arith.select %lt3A_1716, %select_n3A_1712, %select_n3A_1618 : vector<16xi1>, vector<16xf32>
        %select_n3A_1718 = arith.select %lt3A_1716, %select_n3A_1711, %select_n3A_1617 : vector<16xi1>, vector<16xi32>
        %lt3A_1719 = arith.cmpf olt, %select_n3A_1717, %select_n3A_1714 : vector<16xf32>
        %select_n3A_1720 = arith.select %lt3A_1719, %select_n3A_1717, %select_n3A_1714 : vector<16xi1>, vector<16xf32>
        %select_n3A_1721 = arith.select %lt3A_1719, %select_n3A_1718, %select_n3A_1715 : vector<16xi1>, vector<16xi32>
        %add3A_1722 = arith.constant 16 : i32
        %add3A_1723 = arith.addi %scan3A_23, %add3A_1722 : i32
        %get3A_1724 = arith.index_cast %add3A_1723 : i32 to index
        %get3A_1725 = arith.index_cast %and3A_71 : i32 to index
        %get3A_1726 = tpu.vector_load %arg9[%get3A_1724, %get3A_1725] {strides = array<i32>} : memref<32x256xf32, #tpu.memory_space<vmem>>, vector<16xf32>,
        %lt3A_1727 = arith.constant 0 : i32
        %lt3A_1728 = vector.broadcast %lt3A_1727 : i32 to vector<16xi32>
        %lt3A_1729 = arith.cmpi slt, %broadcast_in_dim3A_74, %lt3A_1728 : vector<16xi32>
        %add3A_1730 = arith.constant 16 : i32
        %add3A_1731 = vector.broadcast %add3A_1730 : i32 to vector<16xi32>
        %add3A_1732 = arith.addi %broadcast_in_dim3A_74, %add3A_1731 : vector<16xi32>
        %select_n3A_1733 = arith.select %lt3A_1729, %add3A_1732, %broadcast_in_dim3A_74 : vector<16xi1>, vector<16xi32>
        %broadcast_in_dim3A_1734 = vector.shape_cast %select_n3A_1733 : vector<16xi32> to vector<16x1xi32>
        %gather3A_1735 = vector.shape_cast %broadcast_in_dim3A_1734 : vector<16x1xi32> to vector<16xi32>
        %gather3A_1736 = tpu.dynamic_gather %get3A_1726[%gather3A_1735] in [0] : vector<16xf32>, vector<16xi32> -> vector<16xf32>
        %get3A_1737 = arith.index_cast %add3A_1723 : i32 to index
        %get3A_1738 = arith.index_cast %and3A_71 : i32 to index
        %get3A_1739 = tpu.vector_load %arg10[%get3A_1737, %get3A_1738] {strides = array<i32>} : memref<32x256xf32, #tpu.memory_space<vmem>>, vector<16xf32>,
        %lt3A_1740 = arith.constant 0 : i32
        %lt3A_1741 = vector.broadcast %lt3A_1740 : i32 to vector<16xi32>
        %lt3A_1742 = arith.cmpi slt, %broadcast_in_dim3A_74, %lt3A_1741 : vector<16xi32>
        %add3A_1743 = arith.constant 16 : i32
        %add3A_1744 = vector.broadcast %add3A_1743 : i32 to vector<16xi32>
        %add3A_1745 = arith.addi %broadcast_in_dim3A_74, %add3A_1744 : vector<16xi32>
        %select_n3A_1746 = arith.select %lt3A_1742, %add3A_1745, %broadcast_in_dim3A_74 : vector<16xi1>, vector<16xi32>
        %broadcast_in_dim3A_1747 = vector.shape_cast %select_n3A_1746 : vector<16xi32> to vector<16x1xi32>
        %gather3A_1748 = vector.shape_cast %broadcast_in_dim3A_1747 : vector<16x1xi32> to vector<16xi32>
        %gather3A_1749 = tpu.dynamic_gather %get3A_1739[%gather3A_1748] in [0] : vector<16xf32>, vector<16xi32> -> vector<16xf32>
        %broadcast_in_dim3A_1750 = arith.constant 0 : i32
        %broadcast_in_dim3A_1751 = vector.broadcast %broadcast_in_dim3A_1750 : i32 to vector<16xi32>
        %get3A_1752 = arith.index_cast %add3A_1723 : i32 to index
        %get3A_1753 = arith.constant 0 : index
        %get3A_1754 = tpu.vector_load %arg7[%get3A_1752, %get3A_1753] {strides = array<i32>} : memref<32x256xf32, #tpu.memory_space<vmem>>, vector<16xf32>,
        %sub3A_1755 = arith.subf %gather3A_1736, %get3A_1754 : vector<16xf32>
        %get3A_1756 = arith.index_cast %add3A_1723 : i32 to index
        %get3A_1757 = arith.constant 0 : index
        %get3A_1758 = tpu.vector_load %arg8[%get3A_1756, %get3A_1757] {strides = array<i32>} : memref<32x256xf32, #tpu.memory_space<vmem>>, vector<16xf32>,
        %sub3A_1759 = arith.subf %gather3A_1749, %get3A_1758 : vector<16xf32>
        %mul3A_1760 = arith.mulf %sub3A_1755, %sub3A_1755 : vector<16xf32>
        %mul3A_1761 = arith.mulf %sub3A_1759, %sub3A_1759 : vector<16xf32>
        %add3A_1762 = arith.addf %mul3A_1760, %mul3A_1761 : vector<16xf32>
        %shift_left3A_1763 = arith.constant 31 : i32
        %shift_left3A_1764 = vector.broadcast %shift_left3A_1763 : i32 to vector<16xi32>
        %shift_left3A_1765 = arith.shli %scan3A_66, %shift_left3A_1764 : vector<16xi32>
        %ge3A_1766 = arith.constant 0 : i32
        %ge3A_1767 = vector.broadcast %ge3A_1766 : i32 to vector<16xi32>
        %ge3A_1768 = arith.cmpi sge, %shift_left3A_1765, %ge3A_1767 : vector<16xi32>
        %lt3A_1769 = arith.cmpf olt, %add3A_1762, %broadcast_in_dim3A_5 : vector<16xf32>
        %and3A_1770 = arith.andi %lt3A_1769, %ge3A_1768 : vector<16xi1>
        %jit3A_1771 = arith.constant 0 : i32
        %broadcast_in_dim3A_1772 = vector.broadcast %jit3A_1771 : i32 to vector<16xi32>
        %select_n3A_1773 = arith.select %and3A_1770, %broadcast_in_dim3A_1772, %broadcast_in_dim3A_1751 : vector<16xi1>, vector<16xi32>
        %select_n3A_1774 = arith.select %and3A_1770, %add3A_1762, %broadcast_in_dim3A_5 : vector<16xi1>, vector<16xf32>
        %get3A_1775 = arith.index_cast %add3A_1723 : i32 to index
        %get3A_1776 = arith.constant 16 : index
        %get3A_1777 = tpu.vector_load %arg7[%get3A_1775, %get3A_1776] {strides = array<i32>} : memref<32x256xf32, #tpu.memory_space<vmem>>, vector<16xf32>,
        %sub3A_1778 = arith.subf %gather3A_1736, %get3A_1777 : vector<16xf32>
        %get3A_1779 = arith.index_cast %add3A_1723 : i32 to index
        %get3A_1780 = arith.constant 16 : index
        %get3A_1781 = tpu.vector_load %arg8[%get3A_1779, %get3A_1780] {strides = array<i32>} : memref<32x256xf32, #tpu.memory_space<vmem>>, vector<16xf32>,
        %sub3A_1782 = arith.subf %gather3A_1749, %get3A_1781 : vector<16xf32>
        %mul3A_1783 = arith.mulf %sub3A_1778, %sub3A_1778 : vector<16xf32>
        %mul3A_1784 = arith.mulf %sub3A_1782, %sub3A_1782 : vector<16xf32>
        %add3A_1785 = arith.addf %mul3A_1783, %mul3A_1784 : vector<16xf32>
        %shift_left3A_1786 = arith.constant 30 : i32
        %shift_left3A_1787 = vector.broadcast %shift_left3A_1786 : i32 to vector<16xi32>
        %shift_left3A_1788 = arith.shli %scan3A_66, %shift_left3A_1787 : vector<16xi32>
        %ge3A_1789 = arith.constant 0 : i32
        %ge3A_1790 = vector.broadcast %ge3A_1789 : i32 to vector<16xi32>
        %ge3A_1791 = arith.cmpi sge, %shift_left3A_1788, %ge3A_1790 : vector<16xi32>
        %lt3A_1792 = arith.cmpf olt, %add3A_1785, %select_n3A_1774 : vector<16xf32>
        %and3A_1793 = arith.andi %lt3A_1792, %ge3A_1791 : vector<16xi1>
        %jit3A_1794 = arith.constant 1 : i32
        %broadcast_in_dim3A_1795 = vector.broadcast %jit3A_1794 : i32 to vector<16xi32>
        %select_n3A_1796 = arith.select %and3A_1793, %broadcast_in_dim3A_1795, %select_n3A_1773 : vector<16xi1>, vector<16xi32>
        %select_n3A_1797 = arith.select %and3A_1793, %add3A_1785, %select_n3A_1774 : vector<16xi1>, vector<16xf32>
        %get3A_1798 = arith.index_cast %add3A_1723 : i32 to index
        %get3A_1799 = arith.constant 32 : index
        %get3A_1800 = tpu.vector_load %arg7[%get3A_1798, %get3A_1799] {strides = array<i32>} : memref<32x256xf32, #tpu.memory_space<vmem>>, vector<16xf32>,
        %sub3A_1801 = arith.subf %gather3A_1736, %get3A_1800 : vector<16xf32>
        %get3A_1802 = arith.index_cast %add3A_1723 : i32 to index
        %get3A_1803 = arith.constant 32 : index
        %get3A_1804 = tpu.vector_load %arg8[%get3A_1802, %get3A_1803] {strides = array<i32>} : memref<32x256xf32, #tpu.memory_space<vmem>>, vector<16xf32>,
        %sub3A_1805 = arith.subf %gather3A_1749, %get3A_1804 : vector<16xf32>
        %mul3A_1806 = arith.mulf %sub3A_1801, %sub3A_1801 : vector<16xf32>
        %mul3A_1807 = arith.mulf %sub3A_1805, %sub3A_1805 : vector<16xf32>
        %add3A_1808 = arith.addf %mul3A_1806, %mul3A_1807 : vector<16xf32>
        %shift_left3A_1809 = arith.constant 29 : i32
        %shift_left3A_1810 = vector.broadcast %shift_left3A_1809 : i32 to vector<16xi32>
        %shift_left3A_1811 = arith.shli %scan3A_66, %shift_left3A_1810 : vector<16xi32>
        %ge3A_1812 = arith.constant 0 : i32
        %ge3A_1813 = vector.broadcast %ge3A_1812 : i32 to vector<16xi32>
        %ge3A_1814 = arith.cmpi sge, %shift_left3A_1811, %ge3A_1813 : vector<16xi32>
        %lt3A_1815 = arith.cmpf olt, %add3A_1808, %select_n3A_1797 : vector<16xf32>
        %and3A_1816 = arith.andi %lt3A_1815, %ge3A_1814 : vector<16xi1>
        %jit3A_1817 = arith.constant 2 : i32
        %broadcast_in_dim3A_1818 = vector.broadcast %jit3A_1817 : i32 to vector<16xi32>
        %select_n3A_1819 = arith.select %and3A_1816, %broadcast_in_dim3A_1818, %select_n3A_1796 : vector<16xi1>, vector<16xi32>
        %select_n3A_1820 = arith.select %and3A_1816, %add3A_1808, %select_n3A_1797 : vector<16xi1>, vector<16xf32>
        %get3A_1821 = arith.index_cast %add3A_1723 : i32 to index
        %get3A_1822 = arith.constant 48 : index
        %get3A_1823 = tpu.vector_load %arg7[%get3A_1821, %get3A_1822] {strides = array<i32>} : memref<32x256xf32, #tpu.memory_space<vmem>>, vector<16xf32>,
        %sub3A_1824 = arith.subf %gather3A_1736, %get3A_1823 : vector<16xf32>
        %get3A_1825 = arith.index_cast %add3A_1723 : i32 to index
        %get3A_1826 = arith.constant 48 : index
        %get3A_1827 = tpu.vector_load %arg8[%get3A_1825, %get3A_1826] {strides = array<i32>} : memref<32x256xf32, #tpu.memory_space<vmem>>, vector<16xf32>,
        %sub3A_1828 = arith.subf %gather3A_1749, %get3A_1827 : vector<16xf32>
        %mul3A_1829 = arith.mulf %sub3A_1824, %sub3A_1824 : vector<16xf32>
        %mul3A_1830 = arith.mulf %sub3A_1828, %sub3A_1828 : vector<16xf32>
        %add3A_1831 = arith.addf %mul3A_1829, %mul3A_1830 : vector<16xf32>
        %shift_left3A_1832 = arith.constant 28 : i32
        %shift_left3A_1833 = vector.broadcast %shift_left3A_1832 : i32 to vector<16xi32>
        %shift_left3A_1834 = arith.shli %scan3A_66, %shift_left3A_1833 : vector<16xi32>
        %ge3A_1835 = arith.constant 0 : i32
        %ge3A_1836 = vector.broadcast %ge3A_1835 : i32 to vector<16xi32>
        %ge3A_1837 = arith.cmpi sge, %shift_left3A_1834, %ge3A_1836 : vector<16xi32>
        %lt3A_1838 = arith.cmpf olt, %add3A_1831, %select_n3A_1820 : vector<16xf32>
        %and3A_1839 = arith.andi %lt3A_1838, %ge3A_1837 : vector<16xi1>
        %jit3A_1840 = arith.constant 3 : i32
        %broadcast_in_dim3A_1841 = vector.broadcast %jit3A_1840 : i32 to vector<16xi32>
        %select_n3A_1842 = arith.select %and3A_1839, %broadcast_in_dim3A_1841, %select_n3A_1819 : vector<16xi1>, vector<16xi32>
        %select_n3A_1843 = arith.select %and3A_1839, %add3A_1831, %select_n3A_1820 : vector<16xi1>, vector<16xf32>
        %broadcast_in_dim3A_1844 = arith.constant 0 : i32
        %broadcast_in_dim3A_1845 = vector.broadcast %broadcast_in_dim3A_1844 : i32 to vector<16xi32>
        %get3A_1846 = arith.index_cast %add3A_1723 : i32 to index
        %get3A_1847 = arith.constant 64 : index
        %get3A_1848 = tpu.vector_load %arg7[%get3A_1846, %get3A_1847] {strides = array<i32>} : memref<32x256xf32, #tpu.memory_space<vmem>>, vector<16xf32>,
        %sub3A_1849 = arith.subf %gather3A_1736, %get3A_1848 : vector<16xf32>
        %get3A_1850 = arith.index_cast %add3A_1723 : i32 to index
        %get3A_1851 = arith.constant 64 : index
        %get3A_1852 = tpu.vector_load %arg8[%get3A_1850, %get3A_1851] {strides = array<i32>} : memref<32x256xf32, #tpu.memory_space<vmem>>, vector<16xf32>,
        %sub3A_1853 = arith.subf %gather3A_1749, %get3A_1852 : vector<16xf32>
        %mul3A_1854 = arith.mulf %sub3A_1849, %sub3A_1849 : vector<16xf32>
        %mul3A_1855 = arith.mulf %sub3A_1853, %sub3A_1853 : vector<16xf32>
        %add3A_1856 = arith.addf %mul3A_1854, %mul3A_1855 : vector<16xf32>
        %shift_left3A_1857 = arith.constant 27 : i32
        %shift_left3A_1858 = vector.broadcast %shift_left3A_1857 : i32 to vector<16xi32>
        %shift_left3A_1859 = arith.shli %scan3A_66, %shift_left3A_1858 : vector<16xi32>
        %ge3A_1860 = arith.constant 0 : i32
        %ge3A_1861 = vector.broadcast %ge3A_1860 : i32 to vector<16xi32>
        %ge3A_1862 = arith.cmpi sge, %shift_left3A_1859, %ge3A_1861 : vector<16xi32>
        %lt3A_1863 = arith.cmpf olt, %add3A_1856, %broadcast_in_dim3A_5 : vector<16xf32>
        %and3A_1864 = arith.andi %lt3A_1863, %ge3A_1862 : vector<16xi1>
        %jit3A_1865 = arith.constant 4 : i32
        %broadcast_in_dim3A_1866 = vector.broadcast %jit3A_1865 : i32 to vector<16xi32>
        %select_n3A_1867 = arith.select %and3A_1864, %broadcast_in_dim3A_1866, %broadcast_in_dim3A_1845 : vector<16xi1>, vector<16xi32>
        %select_n3A_1868 = arith.select %and3A_1864, %add3A_1856, %broadcast_in_dim3A_5 : vector<16xi1>, vector<16xf32>
        %get3A_1869 = arith.index_cast %add3A_1723 : i32 to index
        %get3A_1870 = arith.constant 80 : index
        %get3A_1871 = tpu.vector_load %arg7[%get3A_1869, %get3A_1870] {strides = array<i32>} : memref<32x256xf32, #tpu.memory_space<vmem>>, vector<16xf32>,
        %sub3A_1872 = arith.subf %gather3A_1736, %get3A_1871 : vector<16xf32>
        %get3A_1873 = arith.index_cast %add3A_1723 : i32 to index
        %get3A_1874 = arith.constant 80 : index
        %get3A_1875 = tpu.vector_load %arg8[%get3A_1873, %get3A_1874] {strides = array<i32>} : memref<32x256xf32, #tpu.memory_space<vmem>>, vector<16xf32>,
        %sub3A_1876 = arith.subf %gather3A_1749, %get3A_1875 : vector<16xf32>
        %mul3A_1877 = arith.mulf %sub3A_1872, %sub3A_1872 : vector<16xf32>
        %mul3A_1878 = arith.mulf %sub3A_1876, %sub3A_1876 : vector<16xf32>
        %add3A_1879 = arith.addf %mul3A_1877, %mul3A_1878 : vector<16xf32>
        %shift_left3A_1880 = arith.constant 26 : i32
        %shift_left3A_1881 = vector.broadcast %shift_left3A_1880 : i32 to vector<16xi32>
        %shift_left3A_1882 = arith.shli %scan3A_66, %shift_left3A_1881 : vector<16xi32>
        %ge3A_1883 = arith.constant 0 : i32
        %ge3A_1884 = vector.broadcast %ge3A_1883 : i32 to vector<16xi32>
        %ge3A_1885 = arith.cmpi sge, %shift_left3A_1882, %ge3A_1884 : vector<16xi32>
        %lt3A_1886 = arith.cmpf olt, %add3A_1879, %select_n3A_1868 : vector<16xf32>
        %and3A_1887 = arith.andi %lt3A_1886, %ge3A_1885 : vector<16xi1>
        %jit3A_1888 = arith.constant 5 : i32
        %broadcast_in_dim3A_1889 = vector.broadcast %jit3A_1888 : i32 to vector<16xi32>
        %select_n3A_1890 = arith.select %and3A_1887, %broadcast_in_dim3A_1889, %select_n3A_1867 : vector<16xi1>, vector<16xi32>
        %select_n3A_1891 = arith.select %and3A_1887, %add3A_1879, %select_n3A_1868 : vector<16xi1>, vector<16xf32>
        %get3A_1892 = arith.index_cast %add3A_1723 : i32 to index
        %get3A_1893 = arith.constant 96 : index
        %get3A_1894 = tpu.vector_load %arg7[%get3A_1892, %get3A_1893] {strides = array<i32>} : memref<32x256xf32, #tpu.memory_space<vmem>>, vector<16xf32>,
        %sub3A_1895 = arith.subf %gather3A_1736, %get3A_1894 : vector<16xf32>
        %get3A_1896 = arith.index_cast %add3A_1723 : i32 to index
        %get3A_1897 = arith.constant 96 : index
        %get3A_1898 = tpu.vector_load %arg8[%get3A_1896, %get3A_1897] {strides = array<i32>} : memref<32x256xf32, #tpu.memory_space<vmem>>, vector<16xf32>,
        %sub3A_1899 = arith.subf %gather3A_1749, %get3A_1898 : vector<16xf32>
        %mul3A_1900 = arith.mulf %sub3A_1895, %sub3A_1895 : vector<16xf32>
        %mul3A_1901 = arith.mulf %sub3A_1899, %sub3A_1899 : vector<16xf32>
        %add3A_1902 = arith.addf %mul3A_1900, %mul3A_1901 : vector<16xf32>
        %shift_left3A_1903 = arith.constant 25 : i32
        %shift_left3A_1904 = vector.broadcast %shift_left3A_1903 : i32 to vector<16xi32>
        %shift_left3A_1905 = arith.shli %scan3A_66, %shift_left3A_1904 : vector<16xi32>
        %ge3A_1906 = arith.constant 0 : i32
        %ge3A_1907 = vector.broadcast %ge3A_1906 : i32 to vector<16xi32>
        %ge3A_1908 = arith.cmpi sge, %shift_left3A_1905, %ge3A_1907 : vector<16xi32>
        %lt3A_1909 = arith.cmpf olt, %add3A_1902, %select_n3A_1891 : vector<16xf32>
        %and3A_1910 = arith.andi %lt3A_1909, %ge3A_1908 : vector<16xi1>
        %jit3A_1911 = arith.constant 6 : i32
        %broadcast_in_dim3A_1912 = vector.broadcast %jit3A_1911 : i32 to vector<16xi32>
        %select_n3A_1913 = arith.select %and3A_1910, %broadcast_in_dim3A_1912, %select_n3A_1890 : vector<16xi1>, vector<16xi32>
        %select_n3A_1914 = arith.select %and3A_1910, %add3A_1902, %select_n3A_1891 : vector<16xi1>, vector<16xf32>
        %get3A_1915 = arith.index_cast %add3A_1723 : i32 to index
        %get3A_1916 = arith.constant 112 : index
        %get3A_1917 = tpu.vector_load %arg7[%get3A_1915, %get3A_1916] {strides = array<i32>} : memref<32x256xf32, #tpu.memory_space<vmem>>, vector<16xf32>,
        %sub3A_1918 = arith.subf %gather3A_1736, %get3A_1917 : vector<16xf32>
        %get3A_1919 = arith.index_cast %add3A_1723 : i32 to index
        %get3A_1920 = arith.constant 112 : index
        %get3A_1921 = tpu.vector_load %arg8[%get3A_1919, %get3A_1920] {strides = array<i32>} : memref<32x256xf32, #tpu.memory_space<vmem>>, vector<16xf32>,
        %sub3A_1922 = arith.subf %gather3A_1749, %get3A_1921 : vector<16xf32>
        %mul3A_1923 = arith.mulf %sub3A_1918, %sub3A_1918 : vector<16xf32>
        %mul3A_1924 = arith.mulf %sub3A_1922, %sub3A_1922 : vector<16xf32>
        %add3A_1925 = arith.addf %mul3A_1923, %mul3A_1924 : vector<16xf32>
        %shift_left3A_1926 = arith.constant 24 : i32
        %shift_left3A_1927 = vector.broadcast %shift_left3A_1926 : i32 to vector<16xi32>
        %shift_left3A_1928 = arith.shli %scan3A_66, %shift_left3A_1927 : vector<16xi32>
        %ge3A_1929 = arith.constant 0 : i32
        %ge3A_1930 = vector.broadcast %ge3A_1929 : i32 to vector<16xi32>
        %ge3A_1931 = arith.cmpi sge, %shift_left3A_1928, %ge3A_1930 : vector<16xi32>
        %lt3A_1932 = arith.cmpf olt, %add3A_1925, %select_n3A_1914 : vector<16xf32>
        %and3A_1933 = arith.andi %lt3A_1932, %ge3A_1931 : vector<16xi1>
        %jit3A_1934 = arith.constant 7 : i32
        %broadcast_in_dim3A_1935 = vector.broadcast %jit3A_1934 : i32 to vector<16xi32>
        %select_n3A_1936 = arith.select %and3A_1933, %broadcast_in_dim3A_1935, %select_n3A_1913 : vector<16xi1>, vector<16xi32>
        %select_n3A_1937 = arith.select %and3A_1933, %add3A_1925, %select_n3A_1914 : vector<16xi1>, vector<16xf32>
        %broadcast_in_dim3A_1938 = arith.constant 0 : i32
        %broadcast_in_dim3A_1939 = vector.broadcast %broadcast_in_dim3A_1938 : i32 to vector<16xi32>
        %get3A_1940 = arith.index_cast %add3A_1723 : i32 to index
        %get3A_1941 = arith.constant 128 : index
        %get3A_1942 = tpu.vector_load %arg7[%get3A_1940, %get3A_1941] {strides = array<i32>} : memref<32x256xf32, #tpu.memory_space<vmem>>, vector<16xf32>,
        %sub3A_1943 = arith.subf %gather3A_1736, %get3A_1942 : vector<16xf32>
        %get3A_1944 = arith.index_cast %add3A_1723 : i32 to index
        %get3A_1945 = arith.constant 128 : index
        %get3A_1946 = tpu.vector_load %arg8[%get3A_1944, %get3A_1945] {strides = array<i32>} : memref<32x256xf32, #tpu.memory_space<vmem>>, vector<16xf32>,
        %sub3A_1947 = arith.subf %gather3A_1749, %get3A_1946 : vector<16xf32>
        %mul3A_1948 = arith.mulf %sub3A_1943, %sub3A_1943 : vector<16xf32>
        %mul3A_1949 = arith.mulf %sub3A_1947, %sub3A_1947 : vector<16xf32>
        %add3A_1950 = arith.addf %mul3A_1948, %mul3A_1949 : vector<16xf32>
        %shift_left3A_1951 = arith.constant 23 : i32
        %shift_left3A_1952 = vector.broadcast %shift_left3A_1951 : i32 to vector<16xi32>
        %shift_left3A_1953 = arith.shli %scan3A_66, %shift_left3A_1952 : vector<16xi32>
        %ge3A_1954 = arith.constant 0 : i32
        %ge3A_1955 = vector.broadcast %ge3A_1954 : i32 to vector<16xi32>
        %ge3A_1956 = arith.cmpi sge, %shift_left3A_1953, %ge3A_1955 : vector<16xi32>
        %lt3A_1957 = arith.cmpf olt, %add3A_1950, %broadcast_in_dim3A_5 : vector<16xf32>
        %and3A_1958 = arith.andi %lt3A_1957, %ge3A_1956 : vector<16xi1>
        %jit3A_1959 = arith.constant 8 : i32
        %broadcast_in_dim3A_1960 = vector.broadcast %jit3A_1959 : i32 to vector<16xi32>
        %select_n3A_1961 = arith.select %and3A_1958, %broadcast_in_dim3A_1960, %broadcast_in_dim3A_1939 : vector<16xi1>, vector<16xi32>
        %select_n3A_1962 = arith.select %and3A_1958, %add3A_1950, %broadcast_in_dim3A_5 : vector<16xi1>, vector<16xf32>
        %get3A_1963 = arith.index_cast %add3A_1723 : i32 to index
        %get3A_1964 = arith.constant 144 : index
        %get3A_1965 = tpu.vector_load %arg7[%get3A_1963, %get3A_1964] {strides = array<i32>} : memref<32x256xf32, #tpu.memory_space<vmem>>, vector<16xf32>,
        %sub3A_1966 = arith.subf %gather3A_1736, %get3A_1965 : vector<16xf32>
        %get3A_1967 = arith.index_cast %add3A_1723 : i32 to index
        %get3A_1968 = arith.constant 144 : index
        %get3A_1969 = tpu.vector_load %arg8[%get3A_1967, %get3A_1968] {strides = array<i32>} : memref<32x256xf32, #tpu.memory_space<vmem>>, vector<16xf32>,
        %sub3A_1970 = arith.subf %gather3A_1749, %get3A_1969 : vector<16xf32>
        %mul3A_1971 = arith.mulf %sub3A_1966, %sub3A_1966 : vector<16xf32>
        %mul3A_1972 = arith.mulf %sub3A_1970, %sub3A_1970 : vector<16xf32>
        %add3A_1973 = arith.addf %mul3A_1971, %mul3A_1972 : vector<16xf32>
        %shift_left3A_1974 = arith.constant 22 : i32
        %shift_left3A_1975 = vector.broadcast %shift_left3A_1974 : i32 to vector<16xi32>
        %shift_left3A_1976 = arith.shli %scan3A_66, %shift_left3A_1975 : vector<16xi32>
        %ge3A_1977 = arith.constant 0 : i32
        %ge3A_1978 = vector.broadcast %ge3A_1977 : i32 to vector<16xi32>
        %ge3A_1979 = arith.cmpi sge, %shift_left3A_1976, %ge3A_1978 : vector<16xi32>
        %lt3A_1980 = arith.cmpf olt, %add3A_1973, %select_n3A_1962 : vector<16xf32>
        %and3A_1981 = arith.andi %lt3A_1980, %ge3A_1979 : vector<16xi1>
        %jit3A_1982 = arith.constant 9 : i32
        %broadcast_in_dim3A_1983 = vector.broadcast %jit3A_1982 : i32 to vector<16xi32>
        %select_n3A_1984 = arith.select %and3A_1981, %broadcast_in_dim3A_1983, %select_n3A_1961 : vector<16xi1>, vector<16xi32>
        %select_n3A_1985 = arith.select %and3A_1981, %add3A_1973, %select_n3A_1962 : vector<16xi1>, vector<16xf32>
        %get3A_1986 = arith.index_cast %add3A_1723 : i32 to index
        %get3A_1987 = arith.constant 160 : index
        %get3A_1988 = tpu.vector_load %arg7[%get3A_1986, %get3A_1987] {strides = array<i32>} : memref<32x256xf32, #tpu.memory_space<vmem>>, vector<16xf32>,
        %sub3A_1989 = arith.subf %gather3A_1736, %get3A_1988 : vector<16xf32>
        %get3A_1990 = arith.index_cast %add3A_1723 : i32 to index
        %get3A_1991 = arith.constant 160 : index
        %get3A_1992 = tpu.vector_load %arg8[%get3A_1990, %get3A_1991] {strides = array<i32>} : memref<32x256xf32, #tpu.memory_space<vmem>>, vector<16xf32>,
        %sub3A_1993 = arith.subf %gather3A_1749, %get3A_1992 : vector<16xf32>
        %mul3A_1994 = arith.mulf %sub3A_1989, %sub3A_1989 : vector<16xf32>
        %mul3A_1995 = arith.mulf %sub3A_1993, %sub3A_1993 : vector<16xf32>
        %add3A_1996 = arith.addf %mul3A_1994, %mul3A_1995 : vector<16xf32>
        %shift_left3A_1997 = arith.constant 21 : i32
        %shift_left3A_1998 = vector.broadcast %shift_left3A_1997 : i32 to vector<16xi32>
        %shift_left3A_1999 = arith.shli %scan3A_66, %shift_left3A_1998 : vector<16xi32>
        %ge3A_2000 = arith.constant 0 : i32
        %ge3A_2001 = vector.broadcast %ge3A_2000 : i32 to vector<16xi32>
        %ge3A_2002 = arith.cmpi sge, %shift_left3A_1999, %ge3A_2001 : vector<16xi32>
        %lt3A_2003 = arith.cmpf olt, %add3A_1996, %select_n3A_1985 : vector<16xf32>
        %and3A_2004 = arith.andi %lt3A_2003, %ge3A_2002 : vector<16xi1>
        %jit3A_2005 = arith.constant 10 : i32
        %broadcast_in_dim3A_2006 = vector.broadcast %jit3A_2005 : i32 to vector<16xi32>
        %select_n3A_2007 = arith.select %and3A_2004, %broadcast_in_dim3A_2006, %select_n3A_1984 : vector<16xi1>, vector<16xi32>
        %select_n3A_2008 = arith.select %and3A_2004, %add3A_1996, %select_n3A_1985 : vector<16xi1>, vector<16xf32>
        %get3A_2009 = arith.index_cast %add3A_1723 : i32 to index
        %get3A_2010 = arith.constant 176 : index
        %get3A_2011 = tpu.vector_load %arg7[%get3A_2009, %get3A_2010] {strides = array<i32>} : memref<32x256xf32, #tpu.memory_space<vmem>>, vector<16xf32>,
        %sub3A_2012 = arith.subf %gather3A_1736, %get3A_2011 : vector<16xf32>
        %get3A_2013 = arith.index_cast %add3A_1723 : i32 to index
        %get3A_2014 = arith.constant 176 : index
        %get3A_2015 = tpu.vector_load %arg8[%get3A_2013, %get3A_2014] {strides = array<i32>} : memref<32x256xf32, #tpu.memory_space<vmem>>, vector<16xf32>,
        %sub3A_2016 = arith.subf %gather3A_1749, %get3A_2015 : vector<16xf32>
        %mul3A_2017 = arith.mulf %sub3A_2012, %sub3A_2012 : vector<16xf32>
        %mul3A_2018 = arith.mulf %sub3A_2016, %sub3A_2016 : vector<16xf32>
        %add3A_2019 = arith.addf %mul3A_2017, %mul3A_2018 : vector<16xf32>
        %shift_left3A_2020 = arith.constant 20 : i32
        %shift_left3A_2021 = vector.broadcast %shift_left3A_2020 : i32 to vector<16xi32>
        %shift_left3A_2022 = arith.shli %scan3A_66, %shift_left3A_2021 : vector<16xi32>
        %ge3A_2023 = arith.constant 0 : i32
        %ge3A_2024 = vector.broadcast %ge3A_2023 : i32 to vector<16xi32>
        %ge3A_2025 = arith.cmpi sge, %shift_left3A_2022, %ge3A_2024 : vector<16xi32>
        %lt3A_2026 = arith.cmpf olt, %add3A_2019, %select_n3A_2008 : vector<16xf32>
        %and3A_2027 = arith.andi %lt3A_2026, %ge3A_2025 : vector<16xi1>
        %jit3A_2028 = arith.constant 11 : i32
        %broadcast_in_dim3A_2029 = vector.broadcast %jit3A_2028 : i32 to vector<16xi32>
        %select_n3A_2030 = arith.select %and3A_2027, %broadcast_in_dim3A_2029, %select_n3A_2007 : vector<16xi1>, vector<16xi32>
        %select_n3A_2031 = arith.select %and3A_2027, %add3A_2019, %select_n3A_2008 : vector<16xi1>, vector<16xf32>
        %broadcast_in_dim3A_2032 = arith.constant 0 : i32
        %broadcast_in_dim3A_2033 = vector.broadcast %broadcast_in_dim3A_2032 : i32 to vector<16xi32>
        %get3A_2034 = arith.index_cast %add3A_1723 : i32 to index
        %get3A_2035 = arith.constant 192 : index
        %get3A_2036 = tpu.vector_load %arg7[%get3A_2034, %get3A_2035] {strides = array<i32>} : memref<32x256xf32, #tpu.memory_space<vmem>>, vector<16xf32>,
        %sub3A_2037 = arith.subf %gather3A_1736, %get3A_2036 : vector<16xf32>
        %get3A_2038 = arith.index_cast %add3A_1723 : i32 to index
        %get3A_2039 = arith.constant 192 : index
        %get3A_2040 = tpu.vector_load %arg8[%get3A_2038, %get3A_2039] {strides = array<i32>} : memref<32x256xf32, #tpu.memory_space<vmem>>, vector<16xf32>,
        %sub3A_2041 = arith.subf %gather3A_1749, %get3A_2040 : vector<16xf32>
        %mul3A_2042 = arith.mulf %sub3A_2037, %sub3A_2037 : vector<16xf32>
        %mul3A_2043 = arith.mulf %sub3A_2041, %sub3A_2041 : vector<16xf32>
        %add3A_2044 = arith.addf %mul3A_2042, %mul3A_2043 : vector<16xf32>
        %shift_left3A_2045 = arith.constant 19 : i32
        %shift_left3A_2046 = vector.broadcast %shift_left3A_2045 : i32 to vector<16xi32>
        %shift_left3A_2047 = arith.shli %scan3A_66, %shift_left3A_2046 : vector<16xi32>
        %ge3A_2048 = arith.constant 0 : i32
        %ge3A_2049 = vector.broadcast %ge3A_2048 : i32 to vector<16xi32>
        %ge3A_2050 = arith.cmpi sge, %shift_left3A_2047, %ge3A_2049 : vector<16xi32>
        %lt3A_2051 = arith.cmpf olt, %add3A_2044, %broadcast_in_dim3A_5 : vector<16xf32>
        %and3A_2052 = arith.andi %lt3A_2051, %ge3A_2050 : vector<16xi1>
        %jit3A_2053 = arith.constant 12 : i32
        %broadcast_in_dim3A_2054 = vector.broadcast %jit3A_2053 : i32 to vector<16xi32>
        %select_n3A_2055 = arith.select %and3A_2052, %broadcast_in_dim3A_2054, %broadcast_in_dim3A_2033 : vector<16xi1>, vector<16xi32>
        %select_n3A_2056 = arith.select %and3A_2052, %add3A_2044, %broadcast_in_dim3A_5 : vector<16xi1>, vector<16xf32>
        %get3A_2057 = arith.index_cast %add3A_1723 : i32 to index
        %get3A_2058 = arith.constant 208 : index
        %get3A_2059 = tpu.vector_load %arg7[%get3A_2057, %get3A_2058] {strides = array<i32>} : memref<32x256xf32, #tpu.memory_space<vmem>>, vector<16xf32>,
        %sub3A_2060 = arith.subf %gather3A_1736, %get3A_2059 : vector<16xf32>
        %get3A_2061 = arith.index_cast %add3A_1723 : i32 to index
        %get3A_2062 = arith.constant 208 : index
        %get3A_2063 = tpu.vector_load %arg8[%get3A_2061, %get3A_2062] {strides = array<i32>} : memref<32x256xf32, #tpu.memory_space<vmem>>, vector<16xf32>,
        %sub3A_2064 = arith.subf %gather3A_1749, %get3A_2063 : vector<16xf32>
        %mul3A_2065 = arith.mulf %sub3A_2060, %sub3A_2060 : vector<16xf32>
        %mul3A_2066 = arith.mulf %sub3A_2064, %sub3A_2064 : vector<16xf32>
        %add3A_2067 = arith.addf %mul3A_2065, %mul3A_2066 : vector<16xf32>
        %shift_left3A_2068 = arith.constant 18 : i32
        %shift_left3A_2069 = vector.broadcast %shift_left3A_2068 : i32 to vector<16xi32>
        %shift_left3A_2070 = arith.shli %scan3A_66, %shift_left3A_2069 : vector<16xi32>
        %ge3A_2071 = arith.constant 0 : i32
        %ge3A_2072 = vector.broadcast %ge3A_2071 : i32 to vector<16xi32>
        %ge3A_2073 = arith.cmpi sge, %shift_left3A_2070, %ge3A_2072 : vector<16xi32>
        %lt3A_2074 = arith.cmpf olt, %add3A_2067, %select_n3A_2056 : vector<16xf32>
        %and3A_2075 = arith.andi %lt3A_2074, %ge3A_2073 : vector<16xi1>
        %jit3A_2076 = arith.constant 13 : i32
        %broadcast_in_dim3A_2077 = vector.broadcast %jit3A_2076 : i32 to vector<16xi32>
        %select_n3A_2078 = arith.select %and3A_2075, %broadcast_in_dim3A_2077, %select_n3A_2055 : vector<16xi1>, vector<16xi32>
        %select_n3A_2079 = arith.select %and3A_2075, %add3A_2067, %select_n3A_2056 : vector<16xi1>, vector<16xf32>
        %get3A_2080 = arith.index_cast %add3A_1723 : i32 to index
        %get3A_2081 = arith.constant 224 : index
        %get3A_2082 = tpu.vector_load %arg7[%get3A_2080, %get3A_2081] {strides = array<i32>} : memref<32x256xf32, #tpu.memory_space<vmem>>, vector<16xf32>,
        %sub3A_2083 = arith.subf %gather3A_1736, %get3A_2082 : vector<16xf32>
        %get3A_2084 = arith.index_cast %add3A_1723 : i32 to index
        %get3A_2085 = arith.constant 224 : index
        %get3A_2086 = tpu.vector_load %arg8[%get3A_2084, %get3A_2085] {strides = array<i32>} : memref<32x256xf32, #tpu.memory_space<vmem>>, vector<16xf32>,
        %sub3A_2087 = arith.subf %gather3A_1749, %get3A_2086 : vector<16xf32>
        %mul3A_2088 = arith.mulf %sub3A_2083, %sub3A_2083 : vector<16xf32>
        %mul3A_2089 = arith.mulf %sub3A_2087, %sub3A_2087 : vector<16xf32>
        %add3A_2090 = arith.addf %mul3A_2088, %mul3A_2089 : vector<16xf32>
        %shift_left3A_2091 = arith.constant 17 : i32
        %shift_left3A_2092 = vector.broadcast %shift_left3A_2091 : i32 to vector<16xi32>
        %shift_left3A_2093 = arith.shli %scan3A_66, %shift_left3A_2092 : vector<16xi32>
        %ge3A_2094 = arith.constant 0 : i32
        %ge3A_2095 = vector.broadcast %ge3A_2094 : i32 to vector<16xi32>
        %ge3A_2096 = arith.cmpi sge, %shift_left3A_2093, %ge3A_2095 : vector<16xi32>
        %lt3A_2097 = arith.cmpf olt, %add3A_2090, %select_n3A_2079 : vector<16xf32>
        %and3A_2098 = arith.andi %lt3A_2097, %ge3A_2096 : vector<16xi1>
        %jit3A_2099 = arith.constant 14 : i32
        %broadcast_in_dim3A_2100 = vector.broadcast %jit3A_2099 : i32 to vector<16xi32>
        %select_n3A_2101 = arith.select %and3A_2098, %broadcast_in_dim3A_2100, %select_n3A_2078 : vector<16xi1>, vector<16xi32>
        %select_n3A_2102 = arith.select %and3A_2098, %add3A_2090, %select_n3A_2079 : vector<16xi1>, vector<16xf32>
        %get3A_2103 = arith.index_cast %add3A_1723 : i32 to index
        %get3A_2104 = arith.constant 240 : index
        %get3A_2105 = tpu.vector_load %arg7[%get3A_2103, %get3A_2104] {strides = array<i32>} : memref<32x256xf32, #tpu.memory_space<vmem>>, vector<16xf32>,
        %sub3A_2106 = arith.subf %gather3A_1736, %get3A_2105 : vector<16xf32>
        %get3A_2107 = arith.index_cast %add3A_1723 : i32 to index
        %get3A_2108 = arith.constant 240 : index
        %get3A_2109 = tpu.vector_load %arg8[%get3A_2107, %get3A_2108] {strides = array<i32>} : memref<32x256xf32, #tpu.memory_space<vmem>>, vector<16xf32>,
        %sub3A_2110 = arith.subf %gather3A_1749, %get3A_2109 : vector<16xf32>
        %mul3A_2111 = arith.mulf %sub3A_2106, %sub3A_2106 : vector<16xf32>
        %mul3A_2112 = arith.mulf %sub3A_2110, %sub3A_2110 : vector<16xf32>
        %add3A_2113 = arith.addf %mul3A_2111, %mul3A_2112 : vector<16xf32>
        %shift_left3A_2114 = arith.constant 16 : i32
        %shift_left3A_2115 = vector.broadcast %shift_left3A_2114 : i32 to vector<16xi32>
        %shift_left3A_2116 = arith.shli %scan3A_66, %shift_left3A_2115 : vector<16xi32>
        %ge3A_2117 = arith.constant 0 : i32
        %ge3A_2118 = vector.broadcast %ge3A_2117 : i32 to vector<16xi32>
        %ge3A_2119 = arith.cmpi sge, %shift_left3A_2116, %ge3A_2118 : vector<16xi32>
        %lt3A_2120 = arith.cmpf olt, %add3A_2113, %select_n3A_2102 : vector<16xf32>
        %and3A_2121 = arith.andi %lt3A_2120, %ge3A_2119 : vector<16xi1>
        %jit3A_2122 = arith.constant 15 : i32
        %broadcast_in_dim3A_2123 = vector.broadcast %jit3A_2122 : i32 to vector<16xi32>
        %select_n3A_2124 = arith.select %and3A_2121, %broadcast_in_dim3A_2123, %select_n3A_2101 : vector<16xi1>, vector<16xi32>
        %select_n3A_2125 = arith.select %and3A_2121, %add3A_2113, %select_n3A_2102 : vector<16xi1>, vector<16xf32>
        %lt3A_2126 = arith.cmpf olt, %select_n3A_1937, %select_n3A_1843 : vector<16xf32>
        %select_n3A_2127 = arith.select %lt3A_2126, %select_n3A_1937, %select_n3A_1843 : vector<16xi1>, vector<16xf32>
        %select_n3A_2128 = arith.select %lt3A_2126, %select_n3A_1936, %select_n3A_1842 : vector<16xi1>, vector<16xi32>
        %lt3A_2129 = arith.cmpf olt, %select_n3A_2125, %select_n3A_2031 : vector<16xf32>
        %select_n3A_2130 = arith.select %lt3A_2129, %select_n3A_2125, %select_n3A_2031 : vector<16xi1>, vector<16xf32>
        %select_n3A_2131 = arith.select %lt3A_2129, %select_n3A_2124, %select_n3A_2030 : vector<16xi1>, vector<16xi32>
        %lt3A_2132 = arith.cmpf olt, %select_n3A_2130, %select_n3A_2127 : vector<16xf32>
        %select_n3A_2133 = arith.select %lt3A_2132, %select_n3A_2130, %select_n3A_2127 : vector<16xi1>, vector<16xf32>
        %select_n3A_2134 = arith.select %lt3A_2132, %select_n3A_2131, %select_n3A_2128 : vector<16xi1>, vector<16xi32>
        %add3A_2135 = arith.constant 20 : i32
        %add3A_2136 = arith.addi %scan3A_23, %add3A_2135 : i32
        %get3A_2137 = arith.index_cast %add3A_2136 : i32 to index
        %get3A_2138 = arith.index_cast %and3A_71 : i32 to index
        %get3A_2139 = tpu.vector_load %arg9[%get3A_2137, %get3A_2138] {strides = array<i32>} : memref<32x256xf32, #tpu.memory_space<vmem>>, vector<16xf32>,
        %lt3A_2140 = arith.constant 0 : i32
        %lt3A_2141 = vector.broadcast %lt3A_2140 : i32 to vector<16xi32>
        %lt3A_2142 = arith.cmpi slt, %broadcast_in_dim3A_74, %lt3A_2141 : vector<16xi32>
        %add3A_2143 = arith.constant 16 : i32
        %add3A_2144 = vector.broadcast %add3A_2143 : i32 to vector<16xi32>
        %add3A_2145 = arith.addi %broadcast_in_dim3A_74, %add3A_2144 : vector<16xi32>
        %select_n3A_2146 = arith.select %lt3A_2142, %add3A_2145, %broadcast_in_dim3A_74 : vector<16xi1>, vector<16xi32>
        %broadcast_in_dim3A_2147 = vector.shape_cast %select_n3A_2146 : vector<16xi32> to vector<16x1xi32>
        %gather3A_2148 = vector.shape_cast %broadcast_in_dim3A_2147 : vector<16x1xi32> to vector<16xi32>
        %gather3A_2149 = tpu.dynamic_gather %get3A_2139[%gather3A_2148] in [0] : vector<16xf32>, vector<16xi32> -> vector<16xf32>
        %get3A_2150 = arith.index_cast %add3A_2136 : i32 to index
        %get3A_2151 = arith.index_cast %and3A_71 : i32 to index
        %get3A_2152 = tpu.vector_load %arg10[%get3A_2150, %get3A_2151] {strides = array<i32>} : memref<32x256xf32, #tpu.memory_space<vmem>>, vector<16xf32>,
        %lt3A_2153 = arith.constant 0 : i32
        %lt3A_2154 = vector.broadcast %lt3A_2153 : i32 to vector<16xi32>
        %lt3A_2155 = arith.cmpi slt, %broadcast_in_dim3A_74, %lt3A_2154 : vector<16xi32>
        %add3A_2156 = arith.constant 16 : i32
        %add3A_2157 = vector.broadcast %add3A_2156 : i32 to vector<16xi32>
        %add3A_2158 = arith.addi %broadcast_in_dim3A_74, %add3A_2157 : vector<16xi32>
        %select_n3A_2159 = arith.select %lt3A_2155, %add3A_2158, %broadcast_in_dim3A_74 : vector<16xi1>, vector<16xi32>
        %broadcast_in_dim3A_2160 = vector.shape_cast %select_n3A_2159 : vector<16xi32> to vector<16x1xi32>
        %gather3A_2161 = vector.shape_cast %broadcast_in_dim3A_2160 : vector<16x1xi32> to vector<16xi32>
        %gather3A_2162 = tpu.dynamic_gather %get3A_2152[%gather3A_2161] in [0] : vector<16xf32>, vector<16xi32> -> vector<16xf32>
        %broadcast_in_dim3A_2163 = arith.constant 0 : i32
        %broadcast_in_dim3A_2164 = vector.broadcast %broadcast_in_dim3A_2163 : i32 to vector<16xi32>
        %get3A_2165 = arith.index_cast %add3A_2136 : i32 to index
        %get3A_2166 = arith.constant 0 : index
        %get3A_2167 = tpu.vector_load %arg7[%get3A_2165, %get3A_2166] {strides = array<i32>} : memref<32x256xf32, #tpu.memory_space<vmem>>, vector<16xf32>,
        %sub3A_2168 = arith.subf %gather3A_2149, %get3A_2167 : vector<16xf32>
        %get3A_2169 = arith.index_cast %add3A_2136 : i32 to index
        %get3A_2170 = arith.constant 0 : index
        %get3A_2171 = tpu.vector_load %arg8[%get3A_2169, %get3A_2170] {strides = array<i32>} : memref<32x256xf32, #tpu.memory_space<vmem>>, vector<16xf32>,
        %sub3A_2172 = arith.subf %gather3A_2162, %get3A_2171 : vector<16xf32>
        %mul3A_2173 = arith.mulf %sub3A_2168, %sub3A_2168 : vector<16xf32>
        %mul3A_2174 = arith.mulf %sub3A_2172, %sub3A_2172 : vector<16xf32>
        %add3A_2175 = arith.addf %mul3A_2173, %mul3A_2174 : vector<16xf32>
        %shift_left3A_2176 = arith.constant 31 : i32
        %shift_left3A_2177 = vector.broadcast %shift_left3A_2176 : i32 to vector<16xi32>
        %shift_left3A_2178 = arith.shli %scan3A_67, %shift_left3A_2177 : vector<16xi32>
        %ge3A_2179 = arith.constant 0 : i32
        %ge3A_2180 = vector.broadcast %ge3A_2179 : i32 to vector<16xi32>
        %ge3A_2181 = arith.cmpi sge, %shift_left3A_2178, %ge3A_2180 : vector<16xi32>
        %lt3A_2182 = arith.cmpf olt, %add3A_2175, %broadcast_in_dim3A_5 : vector<16xf32>
        %and3A_2183 = arith.andi %lt3A_2182, %ge3A_2181 : vector<16xi1>
        %jit3A_2184 = arith.constant 0 : i32
        %broadcast_in_dim3A_2185 = vector.broadcast %jit3A_2184 : i32 to vector<16xi32>
        %select_n3A_2186 = arith.select %and3A_2183, %broadcast_in_dim3A_2185, %broadcast_in_dim3A_2164 : vector<16xi1>, vector<16xi32>
        %select_n3A_2187 = arith.select %and3A_2183, %add3A_2175, %broadcast_in_dim3A_5 : vector<16xi1>, vector<16xf32>
        %get3A_2188 = arith.index_cast %add3A_2136 : i32 to index
        %get3A_2189 = arith.constant 16 : index
        %get3A_2190 = tpu.vector_load %arg7[%get3A_2188, %get3A_2189] {strides = array<i32>} : memref<32x256xf32, #tpu.memory_space<vmem>>, vector<16xf32>,
        %sub3A_2191 = arith.subf %gather3A_2149, %get3A_2190 : vector<16xf32>
        %get3A_2192 = arith.index_cast %add3A_2136 : i32 to index
        %get3A_2193 = arith.constant 16 : index
        %get3A_2194 = tpu.vector_load %arg8[%get3A_2192, %get3A_2193] {strides = array<i32>} : memref<32x256xf32, #tpu.memory_space<vmem>>, vector<16xf32>,
        %sub3A_2195 = arith.subf %gather3A_2162, %get3A_2194 : vector<16xf32>
        %mul3A_2196 = arith.mulf %sub3A_2191, %sub3A_2191 : vector<16xf32>
        %mul3A_2197 = arith.mulf %sub3A_2195, %sub3A_2195 : vector<16xf32>
        %add3A_2198 = arith.addf %mul3A_2196, %mul3A_2197 : vector<16xf32>
        %shift_left3A_2199 = arith.constant 30 : i32
        %shift_left3A_2200 = vector.broadcast %shift_left3A_2199 : i32 to vector<16xi32>
        %shift_left3A_2201 = arith.shli %scan3A_67, %shift_left3A_2200 : vector<16xi32>
        %ge3A_2202 = arith.constant 0 : i32
        %ge3A_2203 = vector.broadcast %ge3A_2202 : i32 to vector<16xi32>
        %ge3A_2204 = arith.cmpi sge, %shift_left3A_2201, %ge3A_2203 : vector<16xi32>
        %lt3A_2205 = arith.cmpf olt, %add3A_2198, %select_n3A_2187 : vector<16xf32>
        %and3A_2206 = arith.andi %lt3A_2205, %ge3A_2204 : vector<16xi1>
        %jit3A_2207 = arith.constant 1 : i32
        %broadcast_in_dim3A_2208 = vector.broadcast %jit3A_2207 : i32 to vector<16xi32>
        %select_n3A_2209 = arith.select %and3A_2206, %broadcast_in_dim3A_2208, %select_n3A_2186 : vector<16xi1>, vector<16xi32>
        %select_n3A_2210 = arith.select %and3A_2206, %add3A_2198, %select_n3A_2187 : vector<16xi1>, vector<16xf32>
        %get3A_2211 = arith.index_cast %add3A_2136 : i32 to index
        %get3A_2212 = arith.constant 32 : index
        %get3A_2213 = tpu.vector_load %arg7[%get3A_2211, %get3A_2212] {strides = array<i32>} : memref<32x256xf32, #tpu.memory_space<vmem>>, vector<16xf32>,
        %sub3A_2214 = arith.subf %gather3A_2149, %get3A_2213 : vector<16xf32>
        %get3A_2215 = arith.index_cast %add3A_2136 : i32 to index
        %get3A_2216 = arith.constant 32 : index
        %get3A_2217 = tpu.vector_load %arg8[%get3A_2215, %get3A_2216] {strides = array<i32>} : memref<32x256xf32, #tpu.memory_space<vmem>>, vector<16xf32>,
        %sub3A_2218 = arith.subf %gather3A_2162, %get3A_2217 : vector<16xf32>
        %mul3A_2219 = arith.mulf %sub3A_2214, %sub3A_2214 : vector<16xf32>
        %mul3A_2220 = arith.mulf %sub3A_2218, %sub3A_2218 : vector<16xf32>
        %add3A_2221 = arith.addf %mul3A_2219, %mul3A_2220 : vector<16xf32>
        %shift_left3A_2222 = arith.constant 29 : i32
        %shift_left3A_2223 = vector.broadcast %shift_left3A_2222 : i32 to vector<16xi32>
        %shift_left3A_2224 = arith.shli %scan3A_67, %shift_left3A_2223 : vector<16xi32>
        %ge3A_2225 = arith.constant 0 : i32
        %ge3A_2226 = vector.broadcast %ge3A_2225 : i32 to vector<16xi32>
        %ge3A_2227 = arith.cmpi sge, %shift_left3A_2224, %ge3A_2226 : vector<16xi32>
        %lt3A_2228 = arith.cmpf olt, %add3A_2221, %select_n3A_2210 : vector<16xf32>
        %and3A_2229 = arith.andi %lt3A_2228, %ge3A_2227 : vector<16xi1>
        %jit3A_2230 = arith.constant 2 : i32
        %broadcast_in_dim3A_2231 = vector.broadcast %jit3A_2230 : i32 to vector<16xi32>
        %select_n3A_2232 = arith.select %and3A_2229, %broadcast_in_dim3A_2231, %select_n3A_2209 : vector<16xi1>, vector<16xi32>
        %select_n3A_2233 = arith.select %and3A_2229, %add3A_2221, %select_n3A_2210 : vector<16xi1>, vector<16xf32>
        %get3A_2234 = arith.index_cast %add3A_2136 : i32 to index
        %get3A_2235 = arith.constant 48 : index
        %get3A_2236 = tpu.vector_load %arg7[%get3A_2234, %get3A_2235] {strides = array<i32>} : memref<32x256xf32, #tpu.memory_space<vmem>>, vector<16xf32>,
        %sub3A_2237 = arith.subf %gather3A_2149, %get3A_2236 : vector<16xf32>
        %get3A_2238 = arith.index_cast %add3A_2136 : i32 to index
        %get3A_2239 = arith.constant 48 : index
        %get3A_2240 = tpu.vector_load %arg8[%get3A_2238, %get3A_2239] {strides = array<i32>} : memref<32x256xf32, #tpu.memory_space<vmem>>, vector<16xf32>,
        %sub3A_2241 = arith.subf %gather3A_2162, %get3A_2240 : vector<16xf32>
        %mul3A_2242 = arith.mulf %sub3A_2237, %sub3A_2237 : vector<16xf32>
        %mul3A_2243 = arith.mulf %sub3A_2241, %sub3A_2241 : vector<16xf32>
        %add3A_2244 = arith.addf %mul3A_2242, %mul3A_2243 : vector<16xf32>
        %shift_left3A_2245 = arith.constant 28 : i32
        %shift_left3A_2246 = vector.broadcast %shift_left3A_2245 : i32 to vector<16xi32>
        %shift_left3A_2247 = arith.shli %scan3A_67, %shift_left3A_2246 : vector<16xi32>
        %ge3A_2248 = arith.constant 0 : i32
        %ge3A_2249 = vector.broadcast %ge3A_2248 : i32 to vector<16xi32>
        %ge3A_2250 = arith.cmpi sge, %shift_left3A_2247, %ge3A_2249 : vector<16xi32>
        %lt3A_2251 = arith.cmpf olt, %add3A_2244, %select_n3A_2233 : vector<16xf32>
        %and3A_2252 = arith.andi %lt3A_2251, %ge3A_2250 : vector<16xi1>
        %jit3A_2253 = arith.constant 3 : i32
        %broadcast_in_dim3A_2254 = vector.broadcast %jit3A_2253 : i32 to vector<16xi32>
        %select_n3A_2255 = arith.select %and3A_2252, %broadcast_in_dim3A_2254, %select_n3A_2232 : vector<16xi1>, vector<16xi32>
        %select_n3A_2256 = arith.select %and3A_2252, %add3A_2244, %select_n3A_2233 : vector<16xi1>, vector<16xf32>
        %broadcast_in_dim3A_2257 = arith.constant 0 : i32
        %broadcast_in_dim3A_2258 = vector.broadcast %broadcast_in_dim3A_2257 : i32 to vector<16xi32>
        %get3A_2259 = arith.index_cast %add3A_2136 : i32 to index
        %get3A_2260 = arith.constant 64 : index
        %get3A_2261 = tpu.vector_load %arg7[%get3A_2259, %get3A_2260] {strides = array<i32>} : memref<32x256xf32, #tpu.memory_space<vmem>>, vector<16xf32>,
        %sub3A_2262 = arith.subf %gather3A_2149, %get3A_2261 : vector<16xf32>
        %get3A_2263 = arith.index_cast %add3A_2136 : i32 to index
        %get3A_2264 = arith.constant 64 : index
        %get3A_2265 = tpu.vector_load %arg8[%get3A_2263, %get3A_2264] {strides = array<i32>} : memref<32x256xf32, #tpu.memory_space<vmem>>, vector<16xf32>,
        %sub3A_2266 = arith.subf %gather3A_2162, %get3A_2265 : vector<16xf32>
        %mul3A_2267 = arith.mulf %sub3A_2262, %sub3A_2262 : vector<16xf32>
        %mul3A_2268 = arith.mulf %sub3A_2266, %sub3A_2266 : vector<16xf32>
        %add3A_2269 = arith.addf %mul3A_2267, %mul3A_2268 : vector<16xf32>
        %shift_left3A_2270 = arith.constant 27 : i32
        %shift_left3A_2271 = vector.broadcast %shift_left3A_2270 : i32 to vector<16xi32>
        %shift_left3A_2272 = arith.shli %scan3A_67, %shift_left3A_2271 : vector<16xi32>
        %ge3A_2273 = arith.constant 0 : i32
        %ge3A_2274 = vector.broadcast %ge3A_2273 : i32 to vector<16xi32>
        %ge3A_2275 = arith.cmpi sge, %shift_left3A_2272, %ge3A_2274 : vector<16xi32>
        %lt3A_2276 = arith.cmpf olt, %add3A_2269, %broadcast_in_dim3A_5 : vector<16xf32>
        %and3A_2277 = arith.andi %lt3A_2276, %ge3A_2275 : vector<16xi1>
        %jit3A_2278 = arith.constant 4 : i32
        %broadcast_in_dim3A_2279 = vector.broadcast %jit3A_2278 : i32 to vector<16xi32>
        %select_n3A_2280 = arith.select %and3A_2277, %broadcast_in_dim3A_2279, %broadcast_in_dim3A_2258 : vector<16xi1>, vector<16xi32>
        %select_n3A_2281 = arith.select %and3A_2277, %add3A_2269, %broadcast_in_dim3A_5 : vector<16xi1>, vector<16xf32>
        %get3A_2282 = arith.index_cast %add3A_2136 : i32 to index
        %get3A_2283 = arith.constant 80 : index
        %get3A_2284 = tpu.vector_load %arg7[%get3A_2282, %get3A_2283] {strides = array<i32>} : memref<32x256xf32, #tpu.memory_space<vmem>>, vector<16xf32>,
        %sub3A_2285 = arith.subf %gather3A_2149, %get3A_2284 : vector<16xf32>
        %get3A_2286 = arith.index_cast %add3A_2136 : i32 to index
        %get3A_2287 = arith.constant 80 : index
        %get3A_2288 = tpu.vector_load %arg8[%get3A_2286, %get3A_2287] {strides = array<i32>} : memref<32x256xf32, #tpu.memory_space<vmem>>, vector<16xf32>,
        %sub3A_2289 = arith.subf %gather3A_2162, %get3A_2288 : vector<16xf32>
        %mul3A_2290 = arith.mulf %sub3A_2285, %sub3A_2285 : vector<16xf32>
        %mul3A_2291 = arith.mulf %sub3A_2289, %sub3A_2289 : vector<16xf32>
        %add3A_2292 = arith.addf %mul3A_2290, %mul3A_2291 : vector<16xf32>
        %shift_left3A_2293 = arith.constant 26 : i32
        %shift_left3A_2294 = vector.broadcast %shift_left3A_2293 : i32 to vector<16xi32>
        %shift_left3A_2295 = arith.shli %scan3A_67, %shift_left3A_2294 : vector<16xi32>
        %ge3A_2296 = arith.constant 0 : i32
        %ge3A_2297 = vector.broadcast %ge3A_2296 : i32 to vector<16xi32>
        %ge3A_2298 = arith.cmpi sge, %shift_left3A_2295, %ge3A_2297 : vector<16xi32>
        %lt3A_2299 = arith.cmpf olt, %add3A_2292, %select_n3A_2281 : vector<16xf32>
        %and3A_2300 = arith.andi %lt3A_2299, %ge3A_2298 : vector<16xi1>
        %jit3A_2301 = arith.constant 5 : i32
        %broadcast_in_dim3A_2302 = vector.broadcast %jit3A_2301 : i32 to vector<16xi32>
        %select_n3A_2303 = arith.select %and3A_2300, %broadcast_in_dim3A_2302, %select_n3A_2280 : vector<16xi1>, vector<16xi32>
        %select_n3A_2304 = arith.select %and3A_2300, %add3A_2292, %select_n3A_2281 : vector<16xi1>, vector<16xf32>
        %get3A_2305 = arith.index_cast %add3A_2136 : i32 to index
        %get3A_2306 = arith.constant 96 : index
        %get3A_2307 = tpu.vector_load %arg7[%get3A_2305, %get3A_2306] {strides = array<i32>} : memref<32x256xf32, #tpu.memory_space<vmem>>, vector<16xf32>,
        %sub3A_2308 = arith.subf %gather3A_2149, %get3A_2307 : vector<16xf32>
        %get3A_2309 = arith.index_cast %add3A_2136 : i32 to index
        %get3A_2310 = arith.constant 96 : index
        %get3A_2311 = tpu.vector_load %arg8[%get3A_2309, %get3A_2310] {strides = array<i32>} : memref<32x256xf32, #tpu.memory_space<vmem>>, vector<16xf32>,
        %sub3A_2312 = arith.subf %gather3A_2162, %get3A_2311 : vector<16xf32>
        %mul3A_2313 = arith.mulf %sub3A_2308, %sub3A_2308 : vector<16xf32>
        %mul3A_2314 = arith.mulf %sub3A_2312, %sub3A_2312 : vector<16xf32>
        %add3A_2315 = arith.addf %mul3A_2313, %mul3A_2314 : vector<16xf32>
        %shift_left3A_2316 = arith.constant 25 : i32
        %shift_left3A_2317 = vector.broadcast %shift_left3A_2316 : i32 to vector<16xi32>
        %shift_left3A_2318 = arith.shli %scan3A_67, %shift_left3A_2317 : vector<16xi32>
        %ge3A_2319 = arith.constant 0 : i32
        %ge3A_2320 = vector.broadcast %ge3A_2319 : i32 to vector<16xi32>
        %ge3A_2321 = arith.cmpi sge, %shift_left3A_2318, %ge3A_2320 : vector<16xi32>
        %lt3A_2322 = arith.cmpf olt, %add3A_2315, %select_n3A_2304 : vector<16xf32>
        %and3A_2323 = arith.andi %lt3A_2322, %ge3A_2321 : vector<16xi1>
        %jit3A_2324 = arith.constant 6 : i32
        %broadcast_in_dim3A_2325 = vector.broadcast %jit3A_2324 : i32 to vector<16xi32>
        %select_n3A_2326 = arith.select %and3A_2323, %broadcast_in_dim3A_2325, %select_n3A_2303 : vector<16xi1>, vector<16xi32>
        %select_n3A_2327 = arith.select %and3A_2323, %add3A_2315, %select_n3A_2304 : vector<16xi1>, vector<16xf32>
        %get3A_2328 = arith.index_cast %add3A_2136 : i32 to index
        %get3A_2329 = arith.constant 112 : index
        %get3A_2330 = tpu.vector_load %arg7[%get3A_2328, %get3A_2329] {strides = array<i32>} : memref<32x256xf32, #tpu.memory_space<vmem>>, vector<16xf32>,
        %sub3A_2331 = arith.subf %gather3A_2149, %get3A_2330 : vector<16xf32>
        %get3A_2332 = arith.index_cast %add3A_2136 : i32 to index
        %get3A_2333 = arith.constant 112 : index
        %get3A_2334 = tpu.vector_load %arg8[%get3A_2332, %get3A_2333] {strides = array<i32>} : memref<32x256xf32, #tpu.memory_space<vmem>>, vector<16xf32>,
        %sub3A_2335 = arith.subf %gather3A_2162, %get3A_2334 : vector<16xf32>
        %mul3A_2336 = arith.mulf %sub3A_2331, %sub3A_2331 : vector<16xf32>
        %mul3A_2337 = arith.mulf %sub3A_2335, %sub3A_2335 : vector<16xf32>
        %add3A_2338 = arith.addf %mul3A_2336, %mul3A_2337 : vector<16xf32>
        %shift_left3A_2339 = arith.constant 24 : i32
        %shift_left3A_2340 = vector.broadcast %shift_left3A_2339 : i32 to vector<16xi32>
        %shift_left3A_2341 = arith.shli %scan3A_67, %shift_left3A_2340 : vector<16xi32>
        %ge3A_2342 = arith.constant 0 : i32
        %ge3A_2343 = vector.broadcast %ge3A_2342 : i32 to vector<16xi32>
        %ge3A_2344 = arith.cmpi sge, %shift_left3A_2341, %ge3A_2343 : vector<16xi32>
        %lt3A_2345 = arith.cmpf olt, %add3A_2338, %select_n3A_2327 : vector<16xf32>
        %and3A_2346 = arith.andi %lt3A_2345, %ge3A_2344 : vector<16xi1>
        %jit3A_2347 = arith.constant 7 : i32
        %broadcast_in_dim3A_2348 = vector.broadcast %jit3A_2347 : i32 to vector<16xi32>
        %select_n3A_2349 = arith.select %and3A_2346, %broadcast_in_dim3A_2348, %select_n3A_2326 : vector<16xi1>, vector<16xi32>
        %select_n3A_2350 = arith.select %and3A_2346, %add3A_2338, %select_n3A_2327 : vector<16xi1>, vector<16xf32>
        %broadcast_in_dim3A_2351 = arith.constant 0 : i32
        %broadcast_in_dim3A_2352 = vector.broadcast %broadcast_in_dim3A_2351 : i32 to vector<16xi32>
        %get3A_2353 = arith.index_cast %add3A_2136 : i32 to index
        %get3A_2354 = arith.constant 128 : index
        %get3A_2355 = tpu.vector_load %arg7[%get3A_2353, %get3A_2354] {strides = array<i32>} : memref<32x256xf32, #tpu.memory_space<vmem>>, vector<16xf32>,
        %sub3A_2356 = arith.subf %gather3A_2149, %get3A_2355 : vector<16xf32>
        %get3A_2357 = arith.index_cast %add3A_2136 : i32 to index
        %get3A_2358 = arith.constant 128 : index
        %get3A_2359 = tpu.vector_load %arg8[%get3A_2357, %get3A_2358] {strides = array<i32>} : memref<32x256xf32, #tpu.memory_space<vmem>>, vector<16xf32>,
        %sub3A_2360 = arith.subf %gather3A_2162, %get3A_2359 : vector<16xf32>
        %mul3A_2361 = arith.mulf %sub3A_2356, %sub3A_2356 : vector<16xf32>
        %mul3A_2362 = arith.mulf %sub3A_2360, %sub3A_2360 : vector<16xf32>
        %add3A_2363 = arith.addf %mul3A_2361, %mul3A_2362 : vector<16xf32>
        %shift_left3A_2364 = arith.constant 23 : i32
        %shift_left3A_2365 = vector.broadcast %shift_left3A_2364 : i32 to vector<16xi32>
        %shift_left3A_2366 = arith.shli %scan3A_67, %shift_left3A_2365 : vector<16xi32>
        %ge3A_2367 = arith.constant 0 : i32
        %ge3A_2368 = vector.broadcast %ge3A_2367 : i32 to vector<16xi32>
        %ge3A_2369 = arith.cmpi sge, %shift_left3A_2366, %ge3A_2368 : vector<16xi32>
        %lt3A_2370 = arith.cmpf olt, %add3A_2363, %broadcast_in_dim3A_5 : vector<16xf32>
        %and3A_2371 = arith.andi %lt3A_2370, %ge3A_2369 : vector<16xi1>
        %jit3A_2372 = arith.constant 8 : i32
        %broadcast_in_dim3A_2373 = vector.broadcast %jit3A_2372 : i32 to vector<16xi32>
        %select_n3A_2374 = arith.select %and3A_2371, %broadcast_in_dim3A_2373, %broadcast_in_dim3A_2352 : vector<16xi1>, vector<16xi32>
        %select_n3A_2375 = arith.select %and3A_2371, %add3A_2363, %broadcast_in_dim3A_5 : vector<16xi1>, vector<16xf32>
        %get3A_2376 = arith.index_cast %add3A_2136 : i32 to index
        %get3A_2377 = arith.constant 144 : index
        %get3A_2378 = tpu.vector_load %arg7[%get3A_2376, %get3A_2377] {strides = array<i32>} : memref<32x256xf32, #tpu.memory_space<vmem>>, vector<16xf32>,
        %sub3A_2379 = arith.subf %gather3A_2149, %get3A_2378 : vector<16xf32>
        %get3A_2380 = arith.index_cast %add3A_2136 : i32 to index
        %get3A_2381 = arith.constant 144 : index
        %get3A_2382 = tpu.vector_load %arg8[%get3A_2380, %get3A_2381] {strides = array<i32>} : memref<32x256xf32, #tpu.memory_space<vmem>>, vector<16xf32>,
        %sub3A_2383 = arith.subf %gather3A_2162, %get3A_2382 : vector<16xf32>
        %mul3A_2384 = arith.mulf %sub3A_2379, %sub3A_2379 : vector<16xf32>
        %mul3A_2385 = arith.mulf %sub3A_2383, %sub3A_2383 : vector<16xf32>
        %add3A_2386 = arith.addf %mul3A_2384, %mul3A_2385 : vector<16xf32>
        %shift_left3A_2387 = arith.constant 22 : i32
        %shift_left3A_2388 = vector.broadcast %shift_left3A_2387 : i32 to vector<16xi32>
        %shift_left3A_2389 = arith.shli %scan3A_67, %shift_left3A_2388 : vector<16xi32>
        %ge3A_2390 = arith.constant 0 : i32
        %ge3A_2391 = vector.broadcast %ge3A_2390 : i32 to vector<16xi32>
        %ge3A_2392 = arith.cmpi sge, %shift_left3A_2389, %ge3A_2391 : vector<16xi32>
        %lt3A_2393 = arith.cmpf olt, %add3A_2386, %select_n3A_2375 : vector<16xf32>
        %and3A_2394 = arith.andi %lt3A_2393, %ge3A_2392 : vector<16xi1>
        %jit3A_2395 = arith.constant 9 : i32
        %broadcast_in_dim3A_2396 = vector.broadcast %jit3A_2395 : i32 to vector<16xi32>
        %select_n3A_2397 = arith.select %and3A_2394, %broadcast_in_dim3A_2396, %select_n3A_2374 : vector<16xi1>, vector<16xi32>
        %select_n3A_2398 = arith.select %and3A_2394, %add3A_2386, %select_n3A_2375 : vector<16xi1>, vector<16xf32>
        %get3A_2399 = arith.index_cast %add3A_2136 : i32 to index
        %get3A_2400 = arith.constant 160 : index
        %get3A_2401 = tpu.vector_load %arg7[%get3A_2399, %get3A_2400] {strides = array<i32>} : memref<32x256xf32, #tpu.memory_space<vmem>>, vector<16xf32>,
        %sub3A_2402 = arith.subf %gather3A_2149, %get3A_2401 : vector<16xf32>
        %get3A_2403 = arith.index_cast %add3A_2136 : i32 to index
        %get3A_2404 = arith.constant 160 : index
        %get3A_2405 = tpu.vector_load %arg8[%get3A_2403, %get3A_2404] {strides = array<i32>} : memref<32x256xf32, #tpu.memory_space<vmem>>, vector<16xf32>,
        %sub3A_2406 = arith.subf %gather3A_2162, %get3A_2405 : vector<16xf32>
        %mul3A_2407 = arith.mulf %sub3A_2402, %sub3A_2402 : vector<16xf32>
        %mul3A_2408 = arith.mulf %sub3A_2406, %sub3A_2406 : vector<16xf32>
        %add3A_2409 = arith.addf %mul3A_2407, %mul3A_2408 : vector<16xf32>
        %shift_left3A_2410 = arith.constant 21 : i32
        %shift_left3A_2411 = vector.broadcast %shift_left3A_2410 : i32 to vector<16xi32>
        %shift_left3A_2412 = arith.shli %scan3A_67, %shift_left3A_2411 : vector<16xi32>
        %ge3A_2413 = arith.constant 0 : i32
        %ge3A_2414 = vector.broadcast %ge3A_2413 : i32 to vector<16xi32>
        %ge3A_2415 = arith.cmpi sge, %shift_left3A_2412, %ge3A_2414 : vector<16xi32>
        %lt3A_2416 = arith.cmpf olt, %add3A_2409, %select_n3A_2398 : vector<16xf32>
        %and3A_2417 = arith.andi %lt3A_2416, %ge3A_2415 : vector<16xi1>
        %jit3A_2418 = arith.constant 10 : i32
        %broadcast_in_dim3A_2419 = vector.broadcast %jit3A_2418 : i32 to vector<16xi32>
        %select_n3A_2420 = arith.select %and3A_2417, %broadcast_in_dim3A_2419, %select_n3A_2397 : vector<16xi1>, vector<16xi32>
        %select_n3A_2421 = arith.select %and3A_2417, %add3A_2409, %select_n3A_2398 : vector<16xi1>, vector<16xf32>
        %get3A_2422 = arith.index_cast %add3A_2136 : i32 to index
        %get3A_2423 = arith.constant 176 : index
        %get3A_2424 = tpu.vector_load %arg7[%get3A_2422, %get3A_2423] {strides = array<i32>} : memref<32x256xf32, #tpu.memory_space<vmem>>, vector<16xf32>,
        %sub3A_2425 = arith.subf %gather3A_2149, %get3A_2424 : vector<16xf32>
        %get3A_2426 = arith.index_cast %add3A_2136 : i32 to index
        %get3A_2427 = arith.constant 176 : index
        %get3A_2428 = tpu.vector_load %arg8[%get3A_2426, %get3A_2427] {strides = array<i32>} : memref<32x256xf32, #tpu.memory_space<vmem>>, vector<16xf32>,
        %sub3A_2429 = arith.subf %gather3A_2162, %get3A_2428 : vector<16xf32>
        %mul3A_2430 = arith.mulf %sub3A_2425, %sub3A_2425 : vector<16xf32>
        %mul3A_2431 = arith.mulf %sub3A_2429, %sub3A_2429 : vector<16xf32>
        %add3A_2432 = arith.addf %mul3A_2430, %mul3A_2431 : vector<16xf32>
        %shift_left3A_2433 = arith.constant 20 : i32
        %shift_left3A_2434 = vector.broadcast %shift_left3A_2433 : i32 to vector<16xi32>
        %shift_left3A_2435 = arith.shli %scan3A_67, %shift_left3A_2434 : vector<16xi32>
        %ge3A_2436 = arith.constant 0 : i32
        %ge3A_2437 = vector.broadcast %ge3A_2436 : i32 to vector<16xi32>
        %ge3A_2438 = arith.cmpi sge, %shift_left3A_2435, %ge3A_2437 : vector<16xi32>
        %lt3A_2439 = arith.cmpf olt, %add3A_2432, %select_n3A_2421 : vector<16xf32>
        %and3A_2440 = arith.andi %lt3A_2439, %ge3A_2438 : vector<16xi1>
        %jit3A_2441 = arith.constant 11 : i32
        %broadcast_in_dim3A_2442 = vector.broadcast %jit3A_2441 : i32 to vector<16xi32>
        %select_n3A_2443 = arith.select %and3A_2440, %broadcast_in_dim3A_2442, %select_n3A_2420 : vector<16xi1>, vector<16xi32>
        %select_n3A_2444 = arith.select %and3A_2440, %add3A_2432, %select_n3A_2421 : vector<16xi1>, vector<16xf32>
        %broadcast_in_dim3A_2445 = arith.constant 0 : i32
        %broadcast_in_dim3A_2446 = vector.broadcast %broadcast_in_dim3A_2445 : i32 to vector<16xi32>
        %get3A_2447 = arith.index_cast %add3A_2136 : i32 to index
        %get3A_2448 = arith.constant 192 : index
        %get3A_2449 = tpu.vector_load %arg7[%get3A_2447, %get3A_2448] {strides = array<i32>} : memref<32x256xf32, #tpu.memory_space<vmem>>, vector<16xf32>,
        %sub3A_2450 = arith.subf %gather3A_2149, %get3A_2449 : vector<16xf32>
        %get3A_2451 = arith.index_cast %add3A_2136 : i32 to index
        %get3A_2452 = arith.constant 192 : index
        %get3A_2453 = tpu.vector_load %arg8[%get3A_2451, %get3A_2452] {strides = array<i32>} : memref<32x256xf32, #tpu.memory_space<vmem>>, vector<16xf32>,
        %sub3A_2454 = arith.subf %gather3A_2162, %get3A_2453 : vector<16xf32>
        %mul3A_2455 = arith.mulf %sub3A_2450, %sub3A_2450 : vector<16xf32>
        %mul3A_2456 = arith.mulf %sub3A_2454, %sub3A_2454 : vector<16xf32>
        %add3A_2457 = arith.addf %mul3A_2455, %mul3A_2456 : vector<16xf32>
        %shift_left3A_2458 = arith.constant 19 : i32
        %shift_left3A_2459 = vector.broadcast %shift_left3A_2458 : i32 to vector<16xi32>
        %shift_left3A_2460 = arith.shli %scan3A_67, %shift_left3A_2459 : vector<16xi32>
        %ge3A_2461 = arith.constant 0 : i32
        %ge3A_2462 = vector.broadcast %ge3A_2461 : i32 to vector<16xi32>
        %ge3A_2463 = arith.cmpi sge, %shift_left3A_2460, %ge3A_2462 : vector<16xi32>
        %lt3A_2464 = arith.cmpf olt, %add3A_2457, %broadcast_in_dim3A_5 : vector<16xf32>
        %and3A_2465 = arith.andi %lt3A_2464, %ge3A_2463 : vector<16xi1>
        %jit3A_2466 = arith.constant 12 : i32
        %broadcast_in_dim3A_2467 = vector.broadcast %jit3A_2466 : i32 to vector<16xi32>
        %select_n3A_2468 = arith.select %and3A_2465, %broadcast_in_dim3A_2467, %broadcast_in_dim3A_2446 : vector<16xi1>, vector<16xi32>
        %select_n3A_2469 = arith.select %and3A_2465, %add3A_2457, %broadcast_in_dim3A_5 : vector<16xi1>, vector<16xf32>
        %get3A_2470 = arith.index_cast %add3A_2136 : i32 to index
        %get3A_2471 = arith.constant 208 : index
        %get3A_2472 = tpu.vector_load %arg7[%get3A_2470, %get3A_2471] {strides = array<i32>} : memref<32x256xf32, #tpu.memory_space<vmem>>, vector<16xf32>,
        %sub3A_2473 = arith.subf %gather3A_2149, %get3A_2472 : vector<16xf32>
        %get3A_2474 = arith.index_cast %add3A_2136 : i32 to index
        %get3A_2475 = arith.constant 208 : index
        %get3A_2476 = tpu.vector_load %arg8[%get3A_2474, %get3A_2475] {strides = array<i32>} : memref<32x256xf32, #tpu.memory_space<vmem>>, vector<16xf32>,
        %sub3A_2477 = arith.subf %gather3A_2162, %get3A_2476 : vector<16xf32>
        %mul3A_2478 = arith.mulf %sub3A_2473, %sub3A_2473 : vector<16xf32>
        %mul3A_2479 = arith.mulf %sub3A_2477, %sub3A_2477 : vector<16xf32>
        %add3A_2480 = arith.addf %mul3A_2478, %mul3A_2479 : vector<16xf32>
        %shift_left3A_2481 = arith.constant 18 : i32
        %shift_left3A_2482 = vector.broadcast %shift_left3A_2481 : i32 to vector<16xi32>
        %shift_left3A_2483 = arith.shli %scan3A_67, %shift_left3A_2482 : vector<16xi32>
        %ge3A_2484 = arith.constant 0 : i32
        %ge3A_2485 = vector.broadcast %ge3A_2484 : i32 to vector<16xi32>
        %ge3A_2486 = arith.cmpi sge, %shift_left3A_2483, %ge3A_2485 : vector<16xi32>
        %lt3A_2487 = arith.cmpf olt, %add3A_2480, %select_n3A_2469 : vector<16xf32>
        %and3A_2488 = arith.andi %lt3A_2487, %ge3A_2486 : vector<16xi1>
        %jit3A_2489 = arith.constant 13 : i32
        %broadcast_in_dim3A_2490 = vector.broadcast %jit3A_2489 : i32 to vector<16xi32>
        %select_n3A_2491 = arith.select %and3A_2488, %broadcast_in_dim3A_2490, %select_n3A_2468 : vector<16xi1>, vector<16xi32>
        %select_n3A_2492 = arith.select %and3A_2488, %add3A_2480, %select_n3A_2469 : vector<16xi1>, vector<16xf32>
        %get3A_2493 = arith.index_cast %add3A_2136 : i32 to index
        %get3A_2494 = arith.constant 224 : index
        %get3A_2495 = tpu.vector_load %arg7[%get3A_2493, %get3A_2494] {strides = array<i32>} : memref<32x256xf32, #tpu.memory_space<vmem>>, vector<16xf32>,
        %sub3A_2496 = arith.subf %gather3A_2149, %get3A_2495 : vector<16xf32>
        %get3A_2497 = arith.index_cast %add3A_2136 : i32 to index
        %get3A_2498 = arith.constant 224 : index
        %get3A_2499 = tpu.vector_load %arg8[%get3A_2497, %get3A_2498] {strides = array<i32>} : memref<32x256xf32, #tpu.memory_space<vmem>>, vector<16xf32>,
        %sub3A_2500 = arith.subf %gather3A_2162, %get3A_2499 : vector<16xf32>
        %mul3A_2501 = arith.mulf %sub3A_2496, %sub3A_2496 : vector<16xf32>
        %mul3A_2502 = arith.mulf %sub3A_2500, %sub3A_2500 : vector<16xf32>
        %add3A_2503 = arith.addf %mul3A_2501, %mul3A_2502 : vector<16xf32>
        %shift_left3A_2504 = arith.constant 17 : i32
        %shift_left3A_2505 = vector.broadcast %shift_left3A_2504 : i32 to vector<16xi32>
        %shift_left3A_2506 = arith.shli %scan3A_67, %shift_left3A_2505 : vector<16xi32>
        %ge3A_2507 = arith.constant 0 : i32
        %ge3A_2508 = vector.broadcast %ge3A_2507 : i32 to vector<16xi32>
        %ge3A_2509 = arith.cmpi sge, %shift_left3A_2506, %ge3A_2508 : vector<16xi32>
        %lt3A_2510 = arith.cmpf olt, %add3A_2503, %select_n3A_2492 : vector<16xf32>
        %and3A_2511 = arith.andi %lt3A_2510, %ge3A_2509 : vector<16xi1>
        %jit3A_2512 = arith.constant 14 : i32
        %broadcast_in_dim3A_2513 = vector.broadcast %jit3A_2512 : i32 to vector<16xi32>
        %select_n3A_2514 = arith.select %and3A_2511, %broadcast_in_dim3A_2513, %select_n3A_2491 : vector<16xi1>, vector<16xi32>
        %select_n3A_2515 = arith.select %and3A_2511, %add3A_2503, %select_n3A_2492 : vector<16xi1>, vector<16xf32>
        %get3A_2516 = arith.index_cast %add3A_2136 : i32 to index
        %get3A_2517 = arith.constant 240 : index
        %get3A_2518 = tpu.vector_load %arg7[%get3A_2516, %get3A_2517] {strides = array<i32>} : memref<32x256xf32, #tpu.memory_space<vmem>>, vector<16xf32>,
        %sub3A_2519 = arith.subf %gather3A_2149, %get3A_2518 : vector<16xf32>
        %get3A_2520 = arith.index_cast %add3A_2136 : i32 to index
        %get3A_2521 = arith.constant 240 : index
        %get3A_2522 = tpu.vector_load %arg8[%get3A_2520, %get3A_2521] {strides = array<i32>} : memref<32x256xf32, #tpu.memory_space<vmem>>, vector<16xf32>,
        %sub3A_2523 = arith.subf %gather3A_2162, %get3A_2522 : vector<16xf32>
        %mul3A_2524 = arith.mulf %sub3A_2519, %sub3A_2519 : vector<16xf32>
        %mul3A_2525 = arith.mulf %sub3A_2523, %sub3A_2523 : vector<16xf32>
        %add3A_2526 = arith.addf %mul3A_2524, %mul3A_2525 : vector<16xf32>
        %shift_left3A_2527 = arith.constant 16 : i32
        %shift_left3A_2528 = vector.broadcast %shift_left3A_2527 : i32 to vector<16xi32>
        %shift_left3A_2529 = arith.shli %scan3A_67, %shift_left3A_2528 : vector<16xi32>
        %ge3A_2530 = arith.constant 0 : i32
        %ge3A_2531 = vector.broadcast %ge3A_2530 : i32 to vector<16xi32>
        %ge3A_2532 = arith.cmpi sge, %shift_left3A_2529, %ge3A_2531 : vector<16xi32>
        %lt3A_2533 = arith.cmpf olt, %add3A_2526, %select_n3A_2515 : vector<16xf32>
        %and3A_2534 = arith.andi %lt3A_2533, %ge3A_2532 : vector<16xi1>
        %jit3A_2535 = arith.constant 15 : i32
        %broadcast_in_dim3A_2536 = vector.broadcast %jit3A_2535 : i32 to vector<16xi32>
        %select_n3A_2537 = arith.select %and3A_2534, %broadcast_in_dim3A_2536, %select_n3A_2514 : vector<16xi1>, vector<16xi32>
        %select_n3A_2538 = arith.select %and3A_2534, %add3A_2526, %select_n3A_2515 : vector<16xi1>, vector<16xf32>
        %lt3A_2539 = arith.cmpf olt, %select_n3A_2350, %select_n3A_2256 : vector<16xf32>
        %select_n3A_2540 = arith.select %lt3A_2539, %select_n3A_2350, %select_n3A_2256 : vector<16xi1>, vector<16xf32>
        %select_n3A_2541 = arith.select %lt3A_2539, %select_n3A_2349, %select_n3A_2255 : vector<16xi1>, vector<16xi32>
        %lt3A_2542 = arith.cmpf olt, %select_n3A_2538, %select_n3A_2444 : vector<16xf32>
        %select_n3A_2543 = arith.select %lt3A_2542, %select_n3A_2538, %select_n3A_2444 : vector<16xi1>, vector<16xf32>
        %select_n3A_2544 = arith.select %lt3A_2542, %select_n3A_2537, %select_n3A_2443 : vector<16xi1>, vector<16xi32>
        %lt3A_2545 = arith.cmpf olt, %select_n3A_2543, %select_n3A_2540 : vector<16xf32>
        %select_n3A_2546 = arith.select %lt3A_2545, %select_n3A_2543, %select_n3A_2540 : vector<16xi1>, vector<16xf32>
        %select_n3A_2547 = arith.select %lt3A_2545, %select_n3A_2544, %select_n3A_2541 : vector<16xi1>, vector<16xi32>
        %add3A_2548 = arith.constant 24 : i32
        %add3A_2549 = arith.addi %scan3A_23, %add3A_2548 : i32
        %get3A_2550 = arith.index_cast %add3A_2549 : i32 to index
        %get3A_2551 = arith.index_cast %and3A_71 : i32 to index
        %get3A_2552 = tpu.vector_load %arg9[%get3A_2550, %get3A_2551] {strides = array<i32>} : memref<32x256xf32, #tpu.memory_space<vmem>>, vector<16xf32>,
        %lt3A_2553 = arith.constant 0 : i32
        %lt3A_2554 = vector.broadcast %lt3A_2553 : i32 to vector<16xi32>
        %lt3A_2555 = arith.cmpi slt, %broadcast_in_dim3A_74, %lt3A_2554 : vector<16xi32>
        %add3A_2556 = arith.constant 16 : i32
        %add3A_2557 = vector.broadcast %add3A_2556 : i32 to vector<16xi32>
        %add3A_2558 = arith.addi %broadcast_in_dim3A_74, %add3A_2557 : vector<16xi32>
        %select_n3A_2559 = arith.select %lt3A_2555, %add3A_2558, %broadcast_in_dim3A_74 : vector<16xi1>, vector<16xi32>
        %broadcast_in_dim3A_2560 = vector.shape_cast %select_n3A_2559 : vector<16xi32> to vector<16x1xi32>
        %gather3A_2561 = vector.shape_cast %broadcast_in_dim3A_2560 : vector<16x1xi32> to vector<16xi32>
        %gather3A_2562 = tpu.dynamic_gather %get3A_2552[%gather3A_2561] in [0] : vector<16xf32>, vector<16xi32> -> vector<16xf32>
        %get3A_2563 = arith.index_cast %add3A_2549 : i32 to index
        %get3A_2564 = arith.index_cast %and3A_71 : i32 to index
        %get3A_2565 = tpu.vector_load %arg10[%get3A_2563, %get3A_2564] {strides = array<i32>} : memref<32x256xf32, #tpu.memory_space<vmem>>, vector<16xf32>,
        %lt3A_2566 = arith.constant 0 : i32
        %lt3A_2567 = vector.broadcast %lt3A_2566 : i32 to vector<16xi32>
        %lt3A_2568 = arith.cmpi slt, %broadcast_in_dim3A_74, %lt3A_2567 : vector<16xi32>
        %add3A_2569 = arith.constant 16 : i32
        %add3A_2570 = vector.broadcast %add3A_2569 : i32 to vector<16xi32>
        %add3A_2571 = arith.addi %broadcast_in_dim3A_74, %add3A_2570 : vector<16xi32>
        %select_n3A_2572 = arith.select %lt3A_2568, %add3A_2571, %broadcast_in_dim3A_74 : vector<16xi1>, vector<16xi32>
        %broadcast_in_dim3A_2573 = vector.shape_cast %select_n3A_2572 : vector<16xi32> to vector<16x1xi32>
        %gather3A_2574 = vector.shape_cast %broadcast_in_dim3A_2573 : vector<16x1xi32> to vector<16xi32>
        %gather3A_2575 = tpu.dynamic_gather %get3A_2565[%gather3A_2574] in [0] : vector<16xf32>, vector<16xi32> -> vector<16xf32>
        %broadcast_in_dim3A_2576 = arith.constant 0 : i32
        %broadcast_in_dim3A_2577 = vector.broadcast %broadcast_in_dim3A_2576 : i32 to vector<16xi32>
        %get3A_2578 = arith.index_cast %add3A_2549 : i32 to index
        %get3A_2579 = arith.constant 0 : index
        %get3A_2580 = tpu.vector_load %arg7[%get3A_2578, %get3A_2579] {strides = array<i32>} : memref<32x256xf32, #tpu.memory_space<vmem>>, vector<16xf32>,
        %sub3A_2581 = arith.subf %gather3A_2562, %get3A_2580 : vector<16xf32>
        %get3A_2582 = arith.index_cast %add3A_2549 : i32 to index
        %get3A_2583 = arith.constant 0 : index
        %get3A_2584 = tpu.vector_load %arg8[%get3A_2582, %get3A_2583] {strides = array<i32>} : memref<32x256xf32, #tpu.memory_space<vmem>>, vector<16xf32>,
        %sub3A_2585 = arith.subf %gather3A_2575, %get3A_2584 : vector<16xf32>
        %mul3A_2586 = arith.mulf %sub3A_2581, %sub3A_2581 : vector<16xf32>
        %mul3A_2587 = arith.mulf %sub3A_2585, %sub3A_2585 : vector<16xf32>
        %add3A_2588 = arith.addf %mul3A_2586, %mul3A_2587 : vector<16xf32>
        %shift_left3A_2589 = arith.constant 31 : i32
        %shift_left3A_2590 = vector.broadcast %shift_left3A_2589 : i32 to vector<16xi32>
        %shift_left3A_2591 = arith.shli %scan3A_68, %shift_left3A_2590 : vector<16xi32>
        %ge3A_2592 = arith.constant 0 : i32
        %ge3A_2593 = vector.broadcast %ge3A_2592 : i32 to vector<16xi32>
        %ge3A_2594 = arith.cmpi sge, %shift_left3A_2591, %ge3A_2593 : vector<16xi32>
        %lt3A_2595 = arith.cmpf olt, %add3A_2588, %broadcast_in_dim3A_5 : vector<16xf32>
        %and3A_2596 = arith.andi %lt3A_2595, %ge3A_2594 : vector<16xi1>
        %jit3A_2597 = arith.constant 0 : i32
        %broadcast_in_dim3A_2598 = vector.broadcast %jit3A_2597 : i32 to vector<16xi32>
        %select_n3A_2599 = arith.select %and3A_2596, %broadcast_in_dim3A_2598, %broadcast_in_dim3A_2577 : vector<16xi1>, vector<16xi32>
        %select_n3A_2600 = arith.select %and3A_2596, %add3A_2588, %broadcast_in_dim3A_5 : vector<16xi1>, vector<16xf32>
        %get3A_2601 = arith.index_cast %add3A_2549 : i32 to index
        %get3A_2602 = arith.constant 16 : index
        %get3A_2603 = tpu.vector_load %arg7[%get3A_2601, %get3A_2602] {strides = array<i32>} : memref<32x256xf32, #tpu.memory_space<vmem>>, vector<16xf32>,
        %sub3A_2604 = arith.subf %gather3A_2562, %get3A_2603 : vector<16xf32>
        %get3A_2605 = arith.index_cast %add3A_2549 : i32 to index
        %get3A_2606 = arith.constant 16 : index
        %get3A_2607 = tpu.vector_load %arg8[%get3A_2605, %get3A_2606] {strides = array<i32>} : memref<32x256xf32, #tpu.memory_space<vmem>>, vector<16xf32>,
        %sub3A_2608 = arith.subf %gather3A_2575, %get3A_2607 : vector<16xf32>
        %mul3A_2609 = arith.mulf %sub3A_2604, %sub3A_2604 : vector<16xf32>
        %mul3A_2610 = arith.mulf %sub3A_2608, %sub3A_2608 : vector<16xf32>
        %add3A_2611 = arith.addf %mul3A_2609, %mul3A_2610 : vector<16xf32>
        %shift_left3A_2612 = arith.constant 30 : i32
        %shift_left3A_2613 = vector.broadcast %shift_left3A_2612 : i32 to vector<16xi32>
        %shift_left3A_2614 = arith.shli %scan3A_68, %shift_left3A_2613 : vector<16xi32>
        %ge3A_2615 = arith.constant 0 : i32
        %ge3A_2616 = vector.broadcast %ge3A_2615 : i32 to vector<16xi32>
        %ge3A_2617 = arith.cmpi sge, %shift_left3A_2614, %ge3A_2616 : vector<16xi32>
        %lt3A_2618 = arith.cmpf olt, %add3A_2611, %select_n3A_2600 : vector<16xf32>
        %and3A_2619 = arith.andi %lt3A_2618, %ge3A_2617 : vector<16xi1>
        %jit3A_2620 = arith.constant 1 : i32
        %broadcast_in_dim3A_2621 = vector.broadcast %jit3A_2620 : i32 to vector<16xi32>
        %select_n3A_2622 = arith.select %and3A_2619, %broadcast_in_dim3A_2621, %select_n3A_2599 : vector<16xi1>, vector<16xi32>
        %select_n3A_2623 = arith.select %and3A_2619, %add3A_2611, %select_n3A_2600 : vector<16xi1>, vector<16xf32>
        %get3A_2624 = arith.index_cast %add3A_2549 : i32 to index
        %get3A_2625 = arith.constant 32 : index
        %get3A_2626 = tpu.vector_load %arg7[%get3A_2624, %get3A_2625] {strides = array<i32>} : memref<32x256xf32, #tpu.memory_space<vmem>>, vector<16xf32>,
        %sub3A_2627 = arith.subf %gather3A_2562, %get3A_2626 : vector<16xf32>
        %get3A_2628 = arith.index_cast %add3A_2549 : i32 to index
        %get3A_2629 = arith.constant 32 : index
        %get3A_2630 = tpu.vector_load %arg8[%get3A_2628, %get3A_2629] {strides = array<i32>} : memref<32x256xf32, #tpu.memory_space<vmem>>, vector<16xf32>,
        %sub3A_2631 = arith.subf %gather3A_2575, %get3A_2630 : vector<16xf32>
        %mul3A_2632 = arith.mulf %sub3A_2627, %sub3A_2627 : vector<16xf32>
        %mul3A_2633 = arith.mulf %sub3A_2631, %sub3A_2631 : vector<16xf32>
        %add3A_2634 = arith.addf %mul3A_2632, %mul3A_2633 : vector<16xf32>
        %shift_left3A_2635 = arith.constant 29 : i32
        %shift_left3A_2636 = vector.broadcast %shift_left3A_2635 : i32 to vector<16xi32>
        %shift_left3A_2637 = arith.shli %scan3A_68, %shift_left3A_2636 : vector<16xi32>
        %ge3A_2638 = arith.constant 0 : i32
        %ge3A_2639 = vector.broadcast %ge3A_2638 : i32 to vector<16xi32>
        %ge3A_2640 = arith.cmpi sge, %shift_left3A_2637, %ge3A_2639 : vector<16xi32>
        %lt3A_2641 = arith.cmpf olt, %add3A_2634, %select_n3A_2623 : vector<16xf32>
        %and3A_2642 = arith.andi %lt3A_2641, %ge3A_2640 : vector<16xi1>
        %jit3A_2643 = arith.constant 2 : i32
        %broadcast_in_dim3A_2644 = vector.broadcast %jit3A_2643 : i32 to vector<16xi32>
        %select_n3A_2645 = arith.select %and3A_2642, %broadcast_in_dim3A_2644, %select_n3A_2622 : vector<16xi1>, vector<16xi32>
        %select_n3A_2646 = arith.select %and3A_2642, %add3A_2634, %select_n3A_2623 : vector<16xi1>, vector<16xf32>
        %get3A_2647 = arith.index_cast %add3A_2549 : i32 to index
        %get3A_2648 = arith.constant 48 : index
        %get3A_2649 = tpu.vector_load %arg7[%get3A_2647, %get3A_2648] {strides = array<i32>} : memref<32x256xf32, #tpu.memory_space<vmem>>, vector<16xf32>,
        %sub3A_2650 = arith.subf %gather3A_2562, %get3A_2649 : vector<16xf32>
        %get3A_2651 = arith.index_cast %add3A_2549 : i32 to index
        %get3A_2652 = arith.constant 48 : index
        %get3A_2653 = tpu.vector_load %arg8[%get3A_2651, %get3A_2652] {strides = array<i32>} : memref<32x256xf32, #tpu.memory_space<vmem>>, vector<16xf32>,
        %sub3A_2654 = arith.subf %gather3A_2575, %get3A_2653 : vector<16xf32>
        %mul3A_2655 = arith.mulf %sub3A_2650, %sub3A_2650 : vector<16xf32>
        %mul3A_2656 = arith.mulf %sub3A_2654, %sub3A_2654 : vector<16xf32>
        %add3A_2657 = arith.addf %mul3A_2655, %mul3A_2656 : vector<16xf32>
        %shift_left3A_2658 = arith.constant 28 : i32
        %shift_left3A_2659 = vector.broadcast %shift_left3A_2658 : i32 to vector<16xi32>
        %shift_left3A_2660 = arith.shli %scan3A_68, %shift_left3A_2659 : vector<16xi32>
        %ge3A_2661 = arith.constant 0 : i32
        %ge3A_2662 = vector.broadcast %ge3A_2661 : i32 to vector<16xi32>
        %ge3A_2663 = arith.cmpi sge, %shift_left3A_2660, %ge3A_2662 : vector<16xi32>
        %lt3A_2664 = arith.cmpf olt, %add3A_2657, %select_n3A_2646 : vector<16xf32>
        %and3A_2665 = arith.andi %lt3A_2664, %ge3A_2663 : vector<16xi1>
        %jit3A_2666 = arith.constant 3 : i32
        %broadcast_in_dim3A_2667 = vector.broadcast %jit3A_2666 : i32 to vector<16xi32>
        %select_n3A_2668 = arith.select %and3A_2665, %broadcast_in_dim3A_2667, %select_n3A_2645 : vector<16xi1>, vector<16xi32>
        %select_n3A_2669 = arith.select %and3A_2665, %add3A_2657, %select_n3A_2646 : vector<16xi1>, vector<16xf32>
        %broadcast_in_dim3A_2670 = arith.constant 0 : i32
        %broadcast_in_dim3A_2671 = vector.broadcast %broadcast_in_dim3A_2670 : i32 to vector<16xi32>
        %get3A_2672 = arith.index_cast %add3A_2549 : i32 to index
        %get3A_2673 = arith.constant 64 : index
        %get3A_2674 = tpu.vector_load %arg7[%get3A_2672, %get3A_2673] {strides = array<i32>} : memref<32x256xf32, #tpu.memory_space<vmem>>, vector<16xf32>,
        %sub3A_2675 = arith.subf %gather3A_2562, %get3A_2674 : vector<16xf32>
        %get3A_2676 = arith.index_cast %add3A_2549 : i32 to index
        %get3A_2677 = arith.constant 64 : index
        %get3A_2678 = tpu.vector_load %arg8[%get3A_2676, %get3A_2677] {strides = array<i32>} : memref<32x256xf32, #tpu.memory_space<vmem>>, vector<16xf32>,
        %sub3A_2679 = arith.subf %gather3A_2575, %get3A_2678 : vector<16xf32>
        %mul3A_2680 = arith.mulf %sub3A_2675, %sub3A_2675 : vector<16xf32>
        %mul3A_2681 = arith.mulf %sub3A_2679, %sub3A_2679 : vector<16xf32>
        %add3A_2682 = arith.addf %mul3A_2680, %mul3A_2681 : vector<16xf32>
        %shift_left3A_2683 = arith.constant 27 : i32
        %shift_left3A_2684 = vector.broadcast %shift_left3A_2683 : i32 to vector<16xi32>
        %shift_left3A_2685 = arith.shli %scan3A_68, %shift_left3A_2684 : vector<16xi32>
        %ge3A_2686 = arith.constant 0 : i32
        %ge3A_2687 = vector.broadcast %ge3A_2686 : i32 to vector<16xi32>
        %ge3A_2688 = arith.cmpi sge, %shift_left3A_2685, %ge3A_2687 : vector<16xi32>
        %lt3A_2689 = arith.cmpf olt, %add3A_2682, %broadcast_in_dim3A_5 : vector<16xf32>
        %and3A_2690 = arith.andi %lt3A_2689, %ge3A_2688 : vector<16xi1>
        %jit3A_2691 = arith.constant 4 : i32
        %broadcast_in_dim3A_2692 = vector.broadcast %jit3A_2691 : i32 to vector<16xi32>
        %select_n3A_2693 = arith.select %and3A_2690, %broadcast_in_dim3A_2692, %broadcast_in_dim3A_2671 : vector<16xi1>, vector<16xi32>
        %select_n3A_2694 = arith.select %and3A_2690, %add3A_2682, %broadcast_in_dim3A_5 : vector<16xi1>, vector<16xf32>
        %get3A_2695 = arith.index_cast %add3A_2549 : i32 to index
        %get3A_2696 = arith.constant 80 : index
        %get3A_2697 = tpu.vector_load %arg7[%get3A_2695, %get3A_2696] {strides = array<i32>} : memref<32x256xf32, #tpu.memory_space<vmem>>, vector<16xf32>,
        %sub3A_2698 = arith.subf %gather3A_2562, %get3A_2697 : vector<16xf32>
        %get3A_2699 = arith.index_cast %add3A_2549 : i32 to index
        %get3A_2700 = arith.constant 80 : index
        %get3A_2701 = tpu.vector_load %arg8[%get3A_2699, %get3A_2700] {strides = array<i32>} : memref<32x256xf32, #tpu.memory_space<vmem>>, vector<16xf32>,
        %sub3A_2702 = arith.subf %gather3A_2575, %get3A_2701 : vector<16xf32>
        %mul3A_2703 = arith.mulf %sub3A_2698, %sub3A_2698 : vector<16xf32>
        %mul3A_2704 = arith.mulf %sub3A_2702, %sub3A_2702 : vector<16xf32>
        %add3A_2705 = arith.addf %mul3A_2703, %mul3A_2704 : vector<16xf32>
        %shift_left3A_2706 = arith.constant 26 : i32
        %shift_left3A_2707 = vector.broadcast %shift_left3A_2706 : i32 to vector<16xi32>
        %shift_left3A_2708 = arith.shli %scan3A_68, %shift_left3A_2707 : vector<16xi32>
        %ge3A_2709 = arith.constant 0 : i32
        %ge3A_2710 = vector.broadcast %ge3A_2709 : i32 to vector<16xi32>
        %ge3A_2711 = arith.cmpi sge, %shift_left3A_2708, %ge3A_2710 : vector<16xi32>
        %lt3A_2712 = arith.cmpf olt, %add3A_2705, %select_n3A_2694 : vector<16xf32>
        %and3A_2713 = arith.andi %lt3A_2712, %ge3A_2711 : vector<16xi1>
        %jit3A_2714 = arith.constant 5 : i32
        %broadcast_in_dim3A_2715 = vector.broadcast %jit3A_2714 : i32 to vector<16xi32>
        %select_n3A_2716 = arith.select %and3A_2713, %broadcast_in_dim3A_2715, %select_n3A_2693 : vector<16xi1>, vector<16xi32>
        %select_n3A_2717 = arith.select %and3A_2713, %add3A_2705, %select_n3A_2694 : vector<16xi1>, vector<16xf32>
        %get3A_2718 = arith.index_cast %add3A_2549 : i32 to index
        %get3A_2719 = arith.constant 96 : index
        %get3A_2720 = tpu.vector_load %arg7[%get3A_2718, %get3A_2719] {strides = array<i32>} : memref<32x256xf32, #tpu.memory_space<vmem>>, vector<16xf32>,
        %sub3A_2721 = arith.subf %gather3A_2562, %get3A_2720 : vector<16xf32>
        %get3A_2722 = arith.index_cast %add3A_2549 : i32 to index
        %get3A_2723 = arith.constant 96 : index
        %get3A_2724 = tpu.vector_load %arg8[%get3A_2722, %get3A_2723] {strides = array<i32>} : memref<32x256xf32, #tpu.memory_space<vmem>>, vector<16xf32>,
        %sub3A_2725 = arith.subf %gather3A_2575, %get3A_2724 : vector<16xf32>
        %mul3A_2726 = arith.mulf %sub3A_2721, %sub3A_2721 : vector<16xf32>
        %mul3A_2727 = arith.mulf %sub3A_2725, %sub3A_2725 : vector<16xf32>
        %add3A_2728 = arith.addf %mul3A_2726, %mul3A_2727 : vector<16xf32>
        %shift_left3A_2729 = arith.constant 25 : i32
        %shift_left3A_2730 = vector.broadcast %shift_left3A_2729 : i32 to vector<16xi32>
        %shift_left3A_2731 = arith.shli %scan3A_68, %shift_left3A_2730 : vector<16xi32>
        %ge3A_2732 = arith.constant 0 : i32
        %ge3A_2733 = vector.broadcast %ge3A_2732 : i32 to vector<16xi32>
        %ge3A_2734 = arith.cmpi sge, %shift_left3A_2731, %ge3A_2733 : vector<16xi32>
        %lt3A_2735 = arith.cmpf olt, %add3A_2728, %select_n3A_2717 : vector<16xf32>
        %and3A_2736 = arith.andi %lt3A_2735, %ge3A_2734 : vector<16xi1>
        %jit3A_2737 = arith.constant 6 : i32
        %broadcast_in_dim3A_2738 = vector.broadcast %jit3A_2737 : i32 to vector<16xi32>
        %select_n3A_2739 = arith.select %and3A_2736, %broadcast_in_dim3A_2738, %select_n3A_2716 : vector<16xi1>, vector<16xi32>
        %select_n3A_2740 = arith.select %and3A_2736, %add3A_2728, %select_n3A_2717 : vector<16xi1>, vector<16xf32>
        %get3A_2741 = arith.index_cast %add3A_2549 : i32 to index
        %get3A_2742 = arith.constant 112 : index
        %get3A_2743 = tpu.vector_load %arg7[%get3A_2741, %get3A_2742] {strides = array<i32>} : memref<32x256xf32, #tpu.memory_space<vmem>>, vector<16xf32>,
        %sub3A_2744 = arith.subf %gather3A_2562, %get3A_2743 : vector<16xf32>
        %get3A_2745 = arith.index_cast %add3A_2549 : i32 to index
        %get3A_2746 = arith.constant 112 : index
        %get3A_2747 = tpu.vector_load %arg8[%get3A_2745, %get3A_2746] {strides = array<i32>} : memref<32x256xf32, #tpu.memory_space<vmem>>, vector<16xf32>,
        %sub3A_2748 = arith.subf %gather3A_2575, %get3A_2747 : vector<16xf32>
        %mul3A_2749 = arith.mulf %sub3A_2744, %sub3A_2744 : vector<16xf32>
        %mul3A_2750 = arith.mulf %sub3A_2748, %sub3A_2748 : vector<16xf32>
        %add3A_2751 = arith.addf %mul3A_2749, %mul3A_2750 : vector<16xf32>
        %shift_left3A_2752 = arith.constant 24 : i32
        %shift_left3A_2753 = vector.broadcast %shift_left3A_2752 : i32 to vector<16xi32>
        %shift_left3A_2754 = arith.shli %scan3A_68, %shift_left3A_2753 : vector<16xi32>
        %ge3A_2755 = arith.constant 0 : i32
        %ge3A_2756 = vector.broadcast %ge3A_2755 : i32 to vector<16xi32>
        %ge3A_2757 = arith.cmpi sge, %shift_left3A_2754, %ge3A_2756 : vector<16xi32>
        %lt3A_2758 = arith.cmpf olt, %add3A_2751, %select_n3A_2740 : vector<16xf32>
        %and3A_2759 = arith.andi %lt3A_2758, %ge3A_2757 : vector<16xi1>
        %jit3A_2760 = arith.constant 7 : i32
        %broadcast_in_dim3A_2761 = vector.broadcast %jit3A_2760 : i32 to vector<16xi32>
        %select_n3A_2762 = arith.select %and3A_2759, %broadcast_in_dim3A_2761, %select_n3A_2739 : vector<16xi1>, vector<16xi32>
        %select_n3A_2763 = arith.select %and3A_2759, %add3A_2751, %select_n3A_2740 : vector<16xi1>, vector<16xf32>
        %broadcast_in_dim3A_2764 = arith.constant 0 : i32
        %broadcast_in_dim3A_2765 = vector.broadcast %broadcast_in_dim3A_2764 : i32 to vector<16xi32>
        %get3A_2766 = arith.index_cast %add3A_2549 : i32 to index
        %get3A_2767 = arith.constant 128 : index
        %get3A_2768 = tpu.vector_load %arg7[%get3A_2766, %get3A_2767] {strides = array<i32>} : memref<32x256xf32, #tpu.memory_space<vmem>>, vector<16xf32>,
        %sub3A_2769 = arith.subf %gather3A_2562, %get3A_2768 : vector<16xf32>
        %get3A_2770 = arith.index_cast %add3A_2549 : i32 to index
        %get3A_2771 = arith.constant 128 : index
        %get3A_2772 = tpu.vector_load %arg8[%get3A_2770, %get3A_2771] {strides = array<i32>} : memref<32x256xf32, #tpu.memory_space<vmem>>, vector<16xf32>,
        %sub3A_2773 = arith.subf %gather3A_2575, %get3A_2772 : vector<16xf32>
        %mul3A_2774 = arith.mulf %sub3A_2769, %sub3A_2769 : vector<16xf32>
        %mul3A_2775 = arith.mulf %sub3A_2773, %sub3A_2773 : vector<16xf32>
        %add3A_2776 = arith.addf %mul3A_2774, %mul3A_2775 : vector<16xf32>
        %shift_left3A_2777 = arith.constant 23 : i32
        %shift_left3A_2778 = vector.broadcast %shift_left3A_2777 : i32 to vector<16xi32>
        %shift_left3A_2779 = arith.shli %scan3A_68, %shift_left3A_2778 : vector<16xi32>
        %ge3A_2780 = arith.constant 0 : i32
        %ge3A_2781 = vector.broadcast %ge3A_2780 : i32 to vector<16xi32>
        %ge3A_2782 = arith.cmpi sge, %shift_left3A_2779, %ge3A_2781 : vector<16xi32>
        %lt3A_2783 = arith.cmpf olt, %add3A_2776, %broadcast_in_dim3A_5 : vector<16xf32>
        %and3A_2784 = arith.andi %lt3A_2783, %ge3A_2782 : vector<16xi1>
        %jit3A_2785 = arith.constant 8 : i32
        %broadcast_in_dim3A_2786 = vector.broadcast %jit3A_2785 : i32 to vector<16xi32>
        %select_n3A_2787 = arith.select %and3A_2784, %broadcast_in_dim3A_2786, %broadcast_in_dim3A_2765 : vector<16xi1>, vector<16xi32>
        %select_n3A_2788 = arith.select %and3A_2784, %add3A_2776, %broadcast_in_dim3A_5 : vector<16xi1>, vector<16xf32>
        %get3A_2789 = arith.index_cast %add3A_2549 : i32 to index
        %get3A_2790 = arith.constant 144 : index
        %get3A_2791 = tpu.vector_load %arg7[%get3A_2789, %get3A_2790] {strides = array<i32>} : memref<32x256xf32, #tpu.memory_space<vmem>>, vector<16xf32>,
        %sub3A_2792 = arith.subf %gather3A_2562, %get3A_2791 : vector<16xf32>
        %get3A_2793 = arith.index_cast %add3A_2549 : i32 to index
        %get3A_2794 = arith.constant 144 : index
        %get3A_2795 = tpu.vector_load %arg8[%get3A_2793, %get3A_2794] {strides = array<i32>} : memref<32x256xf32, #tpu.memory_space<vmem>>, vector<16xf32>,
        %sub3A_2796 = arith.subf %gather3A_2575, %get3A_2795 : vector<16xf32>
        %mul3A_2797 = arith.mulf %sub3A_2792, %sub3A_2792 : vector<16xf32>
        %mul3A_2798 = arith.mulf %sub3A_2796, %sub3A_2796 : vector<16xf32>
        %add3A_2799 = arith.addf %mul3A_2797, %mul3A_2798 : vector<16xf32>
        %shift_left3A_2800 = arith.constant 22 : i32
        %shift_left3A_2801 = vector.broadcast %shift_left3A_2800 : i32 to vector<16xi32>
        %shift_left3A_2802 = arith.shli %scan3A_68, %shift_left3A_2801 : vector<16xi32>
        %ge3A_2803 = arith.constant 0 : i32
        %ge3A_2804 = vector.broadcast %ge3A_2803 : i32 to vector<16xi32>
        %ge3A_2805 = arith.cmpi sge, %shift_left3A_2802, %ge3A_2804 : vector<16xi32>
        %lt3A_2806 = arith.cmpf olt, %add3A_2799, %select_n3A_2788 : vector<16xf32>
        %and3A_2807 = arith.andi %lt3A_2806, %ge3A_2805 : vector<16xi1>
        %jit3A_2808 = arith.constant 9 : i32
        %broadcast_in_dim3A_2809 = vector.broadcast %jit3A_2808 : i32 to vector<16xi32>
        %select_n3A_2810 = arith.select %and3A_2807, %broadcast_in_dim3A_2809, %select_n3A_2787 : vector<16xi1>, vector<16xi32>
        %select_n3A_2811 = arith.select %and3A_2807, %add3A_2799, %select_n3A_2788 : vector<16xi1>, vector<16xf32>
        %get3A_2812 = arith.index_cast %add3A_2549 : i32 to index
        %get3A_2813 = arith.constant 160 : index
        %get3A_2814 = tpu.vector_load %arg7[%get3A_2812, %get3A_2813] {strides = array<i32>} : memref<32x256xf32, #tpu.memory_space<vmem>>, vector<16xf32>,
        %sub3A_2815 = arith.subf %gather3A_2562, %get3A_2814 : vector<16xf32>
        %get3A_2816 = arith.index_cast %add3A_2549 : i32 to index
        %get3A_2817 = arith.constant 160 : index
        %get3A_2818 = tpu.vector_load %arg8[%get3A_2816, %get3A_2817] {strides = array<i32>} : memref<32x256xf32, #tpu.memory_space<vmem>>, vector<16xf32>,
        %sub3A_2819 = arith.subf %gather3A_2575, %get3A_2818 : vector<16xf32>
        %mul3A_2820 = arith.mulf %sub3A_2815, %sub3A_2815 : vector<16xf32>
        %mul3A_2821 = arith.mulf %sub3A_2819, %sub3A_2819 : vector<16xf32>
        %add3A_2822 = arith.addf %mul3A_2820, %mul3A_2821 : vector<16xf32>
        %shift_left3A_2823 = arith.constant 21 : i32
        %shift_left3A_2824 = vector.broadcast %shift_left3A_2823 : i32 to vector<16xi32>
        %shift_left3A_2825 = arith.shli %scan3A_68, %shift_left3A_2824 : vector<16xi32>
        %ge3A_2826 = arith.constant 0 : i32
        %ge3A_2827 = vector.broadcast %ge3A_2826 : i32 to vector<16xi32>
        %ge3A_2828 = arith.cmpi sge, %shift_left3A_2825, %ge3A_2827 : vector<16xi32>
        %lt3A_2829 = arith.cmpf olt, %add3A_2822, %select_n3A_2811 : vector<16xf32>
        %and3A_2830 = arith.andi %lt3A_2829, %ge3A_2828 : vector<16xi1>
        %jit3A_2831 = arith.constant 10 : i32
        %broadcast_in_dim3A_2832 = vector.broadcast %jit3A_2831 : i32 to vector<16xi32>
        %select_n3A_2833 = arith.select %and3A_2830, %broadcast_in_dim3A_2832, %select_n3A_2810 : vector<16xi1>, vector<16xi32>
        %select_n3A_2834 = arith.select %and3A_2830, %add3A_2822, %select_n3A_2811 : vector<16xi1>, vector<16xf32>
        %get3A_2835 = arith.index_cast %add3A_2549 : i32 to index
        %get3A_2836 = arith.constant 176 : index
        %get3A_2837 = tpu.vector_load %arg7[%get3A_2835, %get3A_2836] {strides = array<i32>} : memref<32x256xf32, #tpu.memory_space<vmem>>, vector<16xf32>,
        %sub3A_2838 = arith.subf %gather3A_2562, %get3A_2837 : vector<16xf32>
        %get3A_2839 = arith.index_cast %add3A_2549 : i32 to index
        %get3A_2840 = arith.constant 176 : index
        %get3A_2841 = tpu.vector_load %arg8[%get3A_2839, %get3A_2840] {strides = array<i32>} : memref<32x256xf32, #tpu.memory_space<vmem>>, vector<16xf32>,
        %sub3A_2842 = arith.subf %gather3A_2575, %get3A_2841 : vector<16xf32>
        %mul3A_2843 = arith.mulf %sub3A_2838, %sub3A_2838 : vector<16xf32>
        %mul3A_2844 = arith.mulf %sub3A_2842, %sub3A_2842 : vector<16xf32>
        %add3A_2845 = arith.addf %mul3A_2843, %mul3A_2844 : vector<16xf32>
        %shift_left3A_2846 = arith.constant 20 : i32
        %shift_left3A_2847 = vector.broadcast %shift_left3A_2846 : i32 to vector<16xi32>
        %shift_left3A_2848 = arith.shli %scan3A_68, %shift_left3A_2847 : vector<16xi32>
        %ge3A_2849 = arith.constant 0 : i32
        %ge3A_2850 = vector.broadcast %ge3A_2849 : i32 to vector<16xi32>
        %ge3A_2851 = arith.cmpi sge, %shift_left3A_2848, %ge3A_2850 : vector<16xi32>
        %lt3A_2852 = arith.cmpf olt, %add3A_2845, %select_n3A_2834 : vector<16xf32>
        %and3A_2853 = arith.andi %lt3A_2852, %ge3A_2851 : vector<16xi1>
        %jit3A_2854 = arith.constant 11 : i32
        %broadcast_in_dim3A_2855 = vector.broadcast %jit3A_2854 : i32 to vector<16xi32>
        %select_n3A_2856 = arith.select %and3A_2853, %broadcast_in_dim3A_2855, %select_n3A_2833 : vector<16xi1>, vector<16xi32>
        %select_n3A_2857 = arith.select %and3A_2853, %add3A_2845, %select_n3A_2834 : vector<16xi1>, vector<16xf32>
        %broadcast_in_dim3A_2858 = arith.constant 0 : i32
        %broadcast_in_dim3A_2859 = vector.broadcast %broadcast_in_dim3A_2858 : i32 to vector<16xi32>
        %get3A_2860 = arith.index_cast %add3A_2549 : i32 to index
        %get3A_2861 = arith.constant 192 : index
        %get3A_2862 = tpu.vector_load %arg7[%get3A_2860, %get3A_2861] {strides = array<i32>} : memref<32x256xf32, #tpu.memory_space<vmem>>, vector<16xf32>,
        %sub3A_2863 = arith.subf %gather3A_2562, %get3A_2862 : vector<16xf32>
        %get3A_2864 = arith.index_cast %add3A_2549 : i32 to index
        %get3A_2865 = arith.constant 192 : index
        %get3A_2866 = tpu.vector_load %arg8[%get3A_2864, %get3A_2865] {strides = array<i32>} : memref<32x256xf32, #tpu.memory_space<vmem>>, vector<16xf32>,
        %sub3A_2867 = arith.subf %gather3A_2575, %get3A_2866 : vector<16xf32>
        %mul3A_2868 = arith.mulf %sub3A_2863, %sub3A_2863 : vector<16xf32>
        %mul3A_2869 = arith.mulf %sub3A_2867, %sub3A_2867 : vector<16xf32>
        %add3A_2870 = arith.addf %mul3A_2868, %mul3A_2869 : vector<16xf32>
        %shift_left3A_2871 = arith.constant 19 : i32
        %shift_left3A_2872 = vector.broadcast %shift_left3A_2871 : i32 to vector<16xi32>
        %shift_left3A_2873 = arith.shli %scan3A_68, %shift_left3A_2872 : vector<16xi32>
        %ge3A_2874 = arith.constant 0 : i32
        %ge3A_2875 = vector.broadcast %ge3A_2874 : i32 to vector<16xi32>
        %ge3A_2876 = arith.cmpi sge, %shift_left3A_2873, %ge3A_2875 : vector<16xi32>
        %lt3A_2877 = arith.cmpf olt, %add3A_2870, %broadcast_in_dim3A_5 : vector<16xf32>
        %and3A_2878 = arith.andi %lt3A_2877, %ge3A_2876 : vector<16xi1>
        %jit3A_2879 = arith.constant 12 : i32
        %broadcast_in_dim3A_2880 = vector.broadcast %jit3A_2879 : i32 to vector<16xi32>
        %select_n3A_2881 = arith.select %and3A_2878, %broadcast_in_dim3A_2880, %broadcast_in_dim3A_2859 : vector<16xi1>, vector<16xi32>
        %select_n3A_2882 = arith.select %and3A_2878, %add3A_2870, %broadcast_in_dim3A_5 : vector<16xi1>, vector<16xf32>
        %get3A_2883 = arith.index_cast %add3A_2549 : i32 to index
        %get3A_2884 = arith.constant 208 : index
        %get3A_2885 = tpu.vector_load %arg7[%get3A_2883, %get3A_2884] {strides = array<i32>} : memref<32x256xf32, #tpu.memory_space<vmem>>, vector<16xf32>,
        %sub3A_2886 = arith.subf %gather3A_2562, %get3A_2885 : vector<16xf32>
        %get3A_2887 = arith.index_cast %add3A_2549 : i32 to index
        %get3A_2888 = arith.constant 208 : index
        %get3A_2889 = tpu.vector_load %arg8[%get3A_2887, %get3A_2888] {strides = array<i32>} : memref<32x256xf32, #tpu.memory_space<vmem>>, vector<16xf32>,
        %sub3A_2890 = arith.subf %gather3A_2575, %get3A_2889 : vector<16xf32>
        %mul3A_2891 = arith.mulf %sub3A_2886, %sub3A_2886 : vector<16xf32>
        %mul3A_2892 = arith.mulf %sub3A_2890, %sub3A_2890 : vector<16xf32>
        %add3A_2893 = arith.addf %mul3A_2891, %mul3A_2892 : vector<16xf32>
        %shift_left3A_2894 = arith.constant 18 : i32
        %shift_left3A_2895 = vector.broadcast %shift_left3A_2894 : i32 to vector<16xi32>
        %shift_left3A_2896 = arith.shli %scan3A_68, %shift_left3A_2895 : vector<16xi32>
        %ge3A_2897 = arith.constant 0 : i32
        %ge3A_2898 = vector.broadcast %ge3A_2897 : i32 to vector<16xi32>
        %ge3A_2899 = arith.cmpi sge, %shift_left3A_2896, %ge3A_2898 : vector<16xi32>
        %lt3A_2900 = arith.cmpf olt, %add3A_2893, %select_n3A_2882 : vector<16xf32>
        %and3A_2901 = arith.andi %lt3A_2900, %ge3A_2899 : vector<16xi1>
        %jit3A_2902 = arith.constant 13 : i32
        %broadcast_in_dim3A_2903 = vector.broadcast %jit3A_2902 : i32 to vector<16xi32>
        %select_n3A_2904 = arith.select %and3A_2901, %broadcast_in_dim3A_2903, %select_n3A_2881 : vector<16xi1>, vector<16xi32>
        %select_n3A_2905 = arith.select %and3A_2901, %add3A_2893, %select_n3A_2882 : vector<16xi1>, vector<16xf32>
        %get3A_2906 = arith.index_cast %add3A_2549 : i32 to index
        %get3A_2907 = arith.constant 224 : index
        %get3A_2908 = tpu.vector_load %arg7[%get3A_2906, %get3A_2907] {strides = array<i32>} : memref<32x256xf32, #tpu.memory_space<vmem>>, vector<16xf32>,
        %sub3A_2909 = arith.subf %gather3A_2562, %get3A_2908 : vector<16xf32>
        %get3A_2910 = arith.index_cast %add3A_2549 : i32 to index
        %get3A_2911 = arith.constant 224 : index
        %get3A_2912 = tpu.vector_load %arg8[%get3A_2910, %get3A_2911] {strides = array<i32>} : memref<32x256xf32, #tpu.memory_space<vmem>>, vector<16xf32>,
        %sub3A_2913 = arith.subf %gather3A_2575, %get3A_2912 : vector<16xf32>
        %mul3A_2914 = arith.mulf %sub3A_2909, %sub3A_2909 : vector<16xf32>
        %mul3A_2915 = arith.mulf %sub3A_2913, %sub3A_2913 : vector<16xf32>
        %add3A_2916 = arith.addf %mul3A_2914, %mul3A_2915 : vector<16xf32>
        %shift_left3A_2917 = arith.constant 17 : i32
        %shift_left3A_2918 = vector.broadcast %shift_left3A_2917 : i32 to vector<16xi32>
        %shift_left3A_2919 = arith.shli %scan3A_68, %shift_left3A_2918 : vector<16xi32>
        %ge3A_2920 = arith.constant 0 : i32
        %ge3A_2921 = vector.broadcast %ge3A_2920 : i32 to vector<16xi32>
        %ge3A_2922 = arith.cmpi sge, %shift_left3A_2919, %ge3A_2921 : vector<16xi32>
        %lt3A_2923 = arith.cmpf olt, %add3A_2916, %select_n3A_2905 : vector<16xf32>
        %and3A_2924 = arith.andi %lt3A_2923, %ge3A_2922 : vector<16xi1>
        %jit3A_2925 = arith.constant 14 : i32
        %broadcast_in_dim3A_2926 = vector.broadcast %jit3A_2925 : i32 to vector<16xi32>
        %select_n3A_2927 = arith.select %and3A_2924, %broadcast_in_dim3A_2926, %select_n3A_2904 : vector<16xi1>, vector<16xi32>
        %select_n3A_2928 = arith.select %and3A_2924, %add3A_2916, %select_n3A_2905 : vector<16xi1>, vector<16xf32>
        %get3A_2929 = arith.index_cast %add3A_2549 : i32 to index
        %get3A_2930 = arith.constant 240 : index
        %get3A_2931 = tpu.vector_load %arg7[%get3A_2929, %get3A_2930] {strides = array<i32>} : memref<32x256xf32, #tpu.memory_space<vmem>>, vector<16xf32>,
        %sub3A_2932 = arith.subf %gather3A_2562, %get3A_2931 : vector<16xf32>
        %get3A_2933 = arith.index_cast %add3A_2549 : i32 to index
        %get3A_2934 = arith.constant 240 : index
        %get3A_2935 = tpu.vector_load %arg8[%get3A_2933, %get3A_2934] {strides = array<i32>} : memref<32x256xf32, #tpu.memory_space<vmem>>, vector<16xf32>,
        %sub3A_2936 = arith.subf %gather3A_2575, %get3A_2935 : vector<16xf32>
        %mul3A_2937 = arith.mulf %sub3A_2932, %sub3A_2932 : vector<16xf32>
        %mul3A_2938 = arith.mulf %sub3A_2936, %sub3A_2936 : vector<16xf32>
        %add3A_2939 = arith.addf %mul3A_2937, %mul3A_2938 : vector<16xf32>
        %shift_left3A_2940 = arith.constant 16 : i32
        %shift_left3A_2941 = vector.broadcast %shift_left3A_2940 : i32 to vector<16xi32>
        %shift_left3A_2942 = arith.shli %scan3A_68, %shift_left3A_2941 : vector<16xi32>
        %ge3A_2943 = arith.constant 0 : i32
        %ge3A_2944 = vector.broadcast %ge3A_2943 : i32 to vector<16xi32>
        %ge3A_2945 = arith.cmpi sge, %shift_left3A_2942, %ge3A_2944 : vector<16xi32>
        %lt3A_2946 = arith.cmpf olt, %add3A_2939, %select_n3A_2928 : vector<16xf32>
        %and3A_2947 = arith.andi %lt3A_2946, %ge3A_2945 : vector<16xi1>
        %jit3A_2948 = arith.constant 15 : i32
        %broadcast_in_dim3A_2949 = vector.broadcast %jit3A_2948 : i32 to vector<16xi32>
        %select_n3A_2950 = arith.select %and3A_2947, %broadcast_in_dim3A_2949, %select_n3A_2927 : vector<16xi1>, vector<16xi32>
        %select_n3A_2951 = arith.select %and3A_2947, %add3A_2939, %select_n3A_2928 : vector<16xi1>, vector<16xf32>
        %lt3A_2952 = arith.cmpf olt, %select_n3A_2763, %select_n3A_2669 : vector<16xf32>
        %select_n3A_2953 = arith.select %lt3A_2952, %select_n3A_2763, %select_n3A_2669 : vector<16xi1>, vector<16xf32>
        %select_n3A_2954 = arith.select %lt3A_2952, %select_n3A_2762, %select_n3A_2668 : vector<16xi1>, vector<16xi32>
        %lt3A_2955 = arith.cmpf olt, %select_n3A_2951, %select_n3A_2857 : vector<16xf32>
        %select_n3A_2956 = arith.select %lt3A_2955, %select_n3A_2951, %select_n3A_2857 : vector<16xi1>, vector<16xf32>
        %select_n3A_2957 = arith.select %lt3A_2955, %select_n3A_2950, %select_n3A_2856 : vector<16xi1>, vector<16xi32>
        %lt3A_2958 = arith.cmpf olt, %select_n3A_2956, %select_n3A_2953 : vector<16xf32>
        %select_n3A_2959 = arith.select %lt3A_2958, %select_n3A_2956, %select_n3A_2953 : vector<16xi1>, vector<16xf32>
        %select_n3A_2960 = arith.select %lt3A_2958, %select_n3A_2957, %select_n3A_2954 : vector<16xi1>, vector<16xi32>
        %add3A_2961 = arith.constant 28 : i32
        %add3A_2962 = arith.addi %scan3A_23, %add3A_2961 : i32
        %get3A_2963 = arith.index_cast %add3A_2962 : i32 to index
        %get3A_2964 = arith.index_cast %and3A_71 : i32 to index
        %get3A_2965 = tpu.vector_load %arg9[%get3A_2963, %get3A_2964] {strides = array<i32>} : memref<32x256xf32, #tpu.memory_space<vmem>>, vector<16xf32>,
        %lt3A_2966 = arith.constant 0 : i32
        %lt3A_2967 = vector.broadcast %lt3A_2966 : i32 to vector<16xi32>
        %lt3A_2968 = arith.cmpi slt, %broadcast_in_dim3A_74, %lt3A_2967 : vector<16xi32>
        %add3A_2969 = arith.constant 16 : i32
        %add3A_2970 = vector.broadcast %add3A_2969 : i32 to vector<16xi32>
        %add3A_2971 = arith.addi %broadcast_in_dim3A_74, %add3A_2970 : vector<16xi32>
        %select_n3A_2972 = arith.select %lt3A_2968, %add3A_2971, %broadcast_in_dim3A_74 : vector<16xi1>, vector<16xi32>
        %broadcast_in_dim3A_2973 = vector.shape_cast %select_n3A_2972 : vector<16xi32> to vector<16x1xi32>
        %gather3A_2974 = vector.shape_cast %broadcast_in_dim3A_2973 : vector<16x1xi32> to vector<16xi32>
        %gather3A_2975 = tpu.dynamic_gather %get3A_2965[%gather3A_2974] in [0] : vector<16xf32>, vector<16xi32> -> vector<16xf32>
        %get3A_2976 = arith.index_cast %add3A_2962 : i32 to index
        %get3A_2977 = arith.index_cast %and3A_71 : i32 to index
        %get3A_2978 = tpu.vector_load %arg10[%get3A_2976, %get3A_2977] {strides = array<i32>} : memref<32x256xf32, #tpu.memory_space<vmem>>, vector<16xf32>,
        %lt3A_2979 = arith.constant 0 : i32
        %lt3A_2980 = vector.broadcast %lt3A_2979 : i32 to vector<16xi32>
        %lt3A_2981 = arith.cmpi slt, %broadcast_in_dim3A_74, %lt3A_2980 : vector<16xi32>
        %add3A_2982 = arith.constant 16 : i32
        %add3A_2983 = vector.broadcast %add3A_2982 : i32 to vector<16xi32>
        %add3A_2984 = arith.addi %broadcast_in_dim3A_74, %add3A_2983 : vector<16xi32>
        %select_n3A_2985 = arith.select %lt3A_2981, %add3A_2984, %broadcast_in_dim3A_74 : vector<16xi1>, vector<16xi32>
        %broadcast_in_dim3A_2986 = vector.shape_cast %select_n3A_2985 : vector<16xi32> to vector<16x1xi32>
        %gather3A_2987 = vector.shape_cast %broadcast_in_dim3A_2986 : vector<16x1xi32> to vector<16xi32>
        %gather3A_2988 = tpu.dynamic_gather %get3A_2978[%gather3A_2987] in [0] : vector<16xf32>, vector<16xi32> -> vector<16xf32>
        %broadcast_in_dim3A_2989 = arith.constant 0 : i32
        %broadcast_in_dim3A_2990 = vector.broadcast %broadcast_in_dim3A_2989 : i32 to vector<16xi32>
        %get3A_2991 = arith.index_cast %add3A_2962 : i32 to index
        %get3A_2992 = arith.constant 0 : index
        %get3A_2993 = tpu.vector_load %arg7[%get3A_2991, %get3A_2992] {strides = array<i32>} : memref<32x256xf32, #tpu.memory_space<vmem>>, vector<16xf32>,
        %sub3A_2994 = arith.subf %gather3A_2975, %get3A_2993 : vector<16xf32>
        %get3A_2995 = arith.index_cast %add3A_2962 : i32 to index
        %get3A_2996 = arith.constant 0 : index
        %get3A_2997 = tpu.vector_load %arg8[%get3A_2995, %get3A_2996] {strides = array<i32>} : memref<32x256xf32, #tpu.memory_space<vmem>>, vector<16xf32>,
        %sub3A_2998 = arith.subf %gather3A_2988, %get3A_2997 : vector<16xf32>
        %mul3A_2999 = arith.mulf %sub3A_2994, %sub3A_2994 : vector<16xf32>
        %mul3A_3000 = arith.mulf %sub3A_2998, %sub3A_2998 : vector<16xf32>
        %add3A_3001 = arith.addf %mul3A_2999, %mul3A_3000 : vector<16xf32>
        %shift_left3A_3002 = arith.constant 31 : i32
        %shift_left3A_3003 = vector.broadcast %shift_left3A_3002 : i32 to vector<16xi32>
        %shift_left3A_3004 = arith.shli %scan3A_69, %shift_left3A_3003 : vector<16xi32>
        %ge3A_3005 = arith.constant 0 : i32
        %ge3A_3006 = vector.broadcast %ge3A_3005 : i32 to vector<16xi32>
        %ge3A_3007 = arith.cmpi sge, %shift_left3A_3004, %ge3A_3006 : vector<16xi32>
        %lt3A_3008 = arith.cmpf olt, %add3A_3001, %broadcast_in_dim3A_5 : vector<16xf32>
        %and3A_3009 = arith.andi %lt3A_3008, %ge3A_3007 : vector<16xi1>
        %jit3A_3010 = arith.constant 0 : i32
        %broadcast_in_dim3A_3011 = vector.broadcast %jit3A_3010 : i32 to vector<16xi32>
        %select_n3A_3012 = arith.select %and3A_3009, %broadcast_in_dim3A_3011, %broadcast_in_dim3A_2990 : vector<16xi1>, vector<16xi32>
        %select_n3A_3013 = arith.select %and3A_3009, %add3A_3001, %broadcast_in_dim3A_5 : vector<16xi1>, vector<16xf32>
        %get3A_3014 = arith.index_cast %add3A_2962 : i32 to index
        %get3A_3015 = arith.constant 16 : index
        %get3A_3016 = tpu.vector_load %arg7[%get3A_3014, %get3A_3015] {strides = array<i32>} : memref<32x256xf32, #tpu.memory_space<vmem>>, vector<16xf32>,
        %sub3A_3017 = arith.subf %gather3A_2975, %get3A_3016 : vector<16xf32>
        %get3A_3018 = arith.index_cast %add3A_2962 : i32 to index
        %get3A_3019 = arith.constant 16 : index
        %get3A_3020 = tpu.vector_load %arg8[%get3A_3018, %get3A_3019] {strides = array<i32>} : memref<32x256xf32, #tpu.memory_space<vmem>>, vector<16xf32>,
        %sub3A_3021 = arith.subf %gather3A_2988, %get3A_3020 : vector<16xf32>
        %mul3A_3022 = arith.mulf %sub3A_3017, %sub3A_3017 : vector<16xf32>
        %mul3A_3023 = arith.mulf %sub3A_3021, %sub3A_3021 : vector<16xf32>
        %add3A_3024 = arith.addf %mul3A_3022, %mul3A_3023 : vector<16xf32>
        %shift_left3A_3025 = arith.constant 30 : i32
        %shift_left3A_3026 = vector.broadcast %shift_left3A_3025 : i32 to vector<16xi32>
        %shift_left3A_3027 = arith.shli %scan3A_69, %shift_left3A_3026 : vector<16xi32>
        %ge3A_3028 = arith.constant 0 : i32
        %ge3A_3029 = vector.broadcast %ge3A_3028 : i32 to vector<16xi32>
        %ge3A_3030 = arith.cmpi sge, %shift_left3A_3027, %ge3A_3029 : vector<16xi32>
        %lt3A_3031 = arith.cmpf olt, %add3A_3024, %select_n3A_3013 : vector<16xf32>
        %and3A_3032 = arith.andi %lt3A_3031, %ge3A_3030 : vector<16xi1>
        %jit3A_3033 = arith.constant 1 : i32
        %broadcast_in_dim3A_3034 = vector.broadcast %jit3A_3033 : i32 to vector<16xi32>
        %select_n3A_3035 = arith.select %and3A_3032, %broadcast_in_dim3A_3034, %select_n3A_3012 : vector<16xi1>, vector<16xi32>
        %select_n3A_3036 = arith.select %and3A_3032, %add3A_3024, %select_n3A_3013 : vector<16xi1>, vector<16xf32>
        %get3A_3037 = arith.index_cast %add3A_2962 : i32 to index
        %get3A_3038 = arith.constant 32 : index
        %get3A_3039 = tpu.vector_load %arg7[%get3A_3037, %get3A_3038] {strides = array<i32>} : memref<32x256xf32, #tpu.memory_space<vmem>>, vector<16xf32>,
        %sub3A_3040 = arith.subf %gather3A_2975, %get3A_3039 : vector<16xf32>
        %get3A_3041 = arith.index_cast %add3A_2962 : i32 to index
        %get3A_3042 = arith.constant 32 : index
        %get3A_3043 = tpu.vector_load %arg8[%get3A_3041, %get3A_3042] {strides = array<i32>} : memref<32x256xf32, #tpu.memory_space<vmem>>, vector<16xf32>,
        %sub3A_3044 = arith.subf %gather3A_2988, %get3A_3043 : vector<16xf32>
        %mul3A_3045 = arith.mulf %sub3A_3040, %sub3A_3040 : vector<16xf32>
        %mul3A_3046 = arith.mulf %sub3A_3044, %sub3A_3044 : vector<16xf32>
        %add3A_3047 = arith.addf %mul3A_3045, %mul3A_3046 : vector<16xf32>
        %shift_left3A_3048 = arith.constant 29 : i32
        %shift_left3A_3049 = vector.broadcast %shift_left3A_3048 : i32 to vector<16xi32>
        %shift_left3A_3050 = arith.shli %scan3A_69, %shift_left3A_3049 : vector<16xi32>
        %ge3A_3051 = arith.constant 0 : i32
        %ge3A_3052 = vector.broadcast %ge3A_3051 : i32 to vector<16xi32>
        %ge3A_3053 = arith.cmpi sge, %shift_left3A_3050, %ge3A_3052 : vector<16xi32>
        %lt3A_3054 = arith.cmpf olt, %add3A_3047, %select_n3A_3036 : vector<16xf32>
        %and3A_3055 = arith.andi %lt3A_3054, %ge3A_3053 : vector<16xi1>
        %jit3A_3056 = arith.constant 2 : i32
        %broadcast_in_dim3A_3057 = vector.broadcast %jit3A_3056 : i32 to vector<16xi32>
        %select_n3A_3058 = arith.select %and3A_3055, %broadcast_in_dim3A_3057, %select_n3A_3035 : vector<16xi1>, vector<16xi32>
        %select_n3A_3059 = arith.select %and3A_3055, %add3A_3047, %select_n3A_3036 : vector<16xi1>, vector<16xf32>
        %get3A_3060 = arith.index_cast %add3A_2962 : i32 to index
        %get3A_3061 = arith.constant 48 : index
        %get3A_3062 = tpu.vector_load %arg7[%get3A_3060, %get3A_3061] {strides = array<i32>} : memref<32x256xf32, #tpu.memory_space<vmem>>, vector<16xf32>,
        %sub3A_3063 = arith.subf %gather3A_2975, %get3A_3062 : vector<16xf32>
        %get3A_3064 = arith.index_cast %add3A_2962 : i32 to index
        %get3A_3065 = arith.constant 48 : index
        %get3A_3066 = tpu.vector_load %arg8[%get3A_3064, %get3A_3065] {strides = array<i32>} : memref<32x256xf32, #tpu.memory_space<vmem>>, vector<16xf32>,
        %sub3A_3067 = arith.subf %gather3A_2988, %get3A_3066 : vector<16xf32>
        %mul3A_3068 = arith.mulf %sub3A_3063, %sub3A_3063 : vector<16xf32>
        %mul3A_3069 = arith.mulf %sub3A_3067, %sub3A_3067 : vector<16xf32>
        %add3A_3070 = arith.addf %mul3A_3068, %mul3A_3069 : vector<16xf32>
        %shift_left3A_3071 = arith.constant 28 : i32
        %shift_left3A_3072 = vector.broadcast %shift_left3A_3071 : i32 to vector<16xi32>
        %shift_left3A_3073 = arith.shli %scan3A_69, %shift_left3A_3072 : vector<16xi32>
        %ge3A_3074 = arith.constant 0 : i32
        %ge3A_3075 = vector.broadcast %ge3A_3074 : i32 to vector<16xi32>
        %ge3A_3076 = arith.cmpi sge, %shift_left3A_3073, %ge3A_3075 : vector<16xi32>
        %lt3A_3077 = arith.cmpf olt, %add3A_3070, %select_n3A_3059 : vector<16xf32>
        %and3A_3078 = arith.andi %lt3A_3077, %ge3A_3076 : vector<16xi1>
        %jit3A_3079 = arith.constant 3 : i32
        %broadcast_in_dim3A_3080 = vector.broadcast %jit3A_3079 : i32 to vector<16xi32>
        %select_n3A_3081 = arith.select %and3A_3078, %broadcast_in_dim3A_3080, %select_n3A_3058 : vector<16xi1>, vector<16xi32>
        %select_n3A_3082 = arith.select %and3A_3078, %add3A_3070, %select_n3A_3059 : vector<16xi1>, vector<16xf32>
        %broadcast_in_dim3A_3083 = arith.constant 0 : i32
        %broadcast_in_dim3A_3084 = vector.broadcast %broadcast_in_dim3A_3083 : i32 to vector<16xi32>
        %get3A_3085 = arith.index_cast %add3A_2962 : i32 to index
        %get3A_3086 = arith.constant 64 : index
        %get3A_3087 = tpu.vector_load %arg7[%get3A_3085, %get3A_3086] {strides = array<i32>} : memref<32x256xf32, #tpu.memory_space<vmem>>, vector<16xf32>,
        %sub3A_3088 = arith.subf %gather3A_2975, %get3A_3087 : vector<16xf32>
        %get3A_3089 = arith.index_cast %add3A_2962 : i32 to index
        %get3A_3090 = arith.constant 64 : index
        %get3A_3091 = tpu.vector_load %arg8[%get3A_3089, %get3A_3090] {strides = array<i32>} : memref<32x256xf32, #tpu.memory_space<vmem>>, vector<16xf32>,
        %sub3A_3092 = arith.subf %gather3A_2988, %get3A_3091 : vector<16xf32>
        %mul3A_3093 = arith.mulf %sub3A_3088, %sub3A_3088 : vector<16xf32>
        %mul3A_3094 = arith.mulf %sub3A_3092, %sub3A_3092 : vector<16xf32>
        %add3A_3095 = arith.addf %mul3A_3093, %mul3A_3094 : vector<16xf32>
        %shift_left3A_3096 = arith.constant 27 : i32
        %shift_left3A_3097 = vector.broadcast %shift_left3A_3096 : i32 to vector<16xi32>
        %shift_left3A_3098 = arith.shli %scan3A_69, %shift_left3A_3097 : vector<16xi32>
        %ge3A_3099 = arith.constant 0 : i32
        %ge3A_3100 = vector.broadcast %ge3A_3099 : i32 to vector<16xi32>
        %ge3A_3101 = arith.cmpi sge, %shift_left3A_3098, %ge3A_3100 : vector<16xi32>
        %lt3A_3102 = arith.cmpf olt, %add3A_3095, %broadcast_in_dim3A_5 : vector<16xf32>
        %and3A_3103 = arith.andi %lt3A_3102, %ge3A_3101 : vector<16xi1>
        %jit3A_3104 = arith.constant 4 : i32
        %broadcast_in_dim3A_3105 = vector.broadcast %jit3A_3104 : i32 to vector<16xi32>
        %select_n3A_3106 = arith.select %and3A_3103, %broadcast_in_dim3A_3105, %broadcast_in_dim3A_3084 : vector<16xi1>, vector<16xi32>
        %select_n3A_3107 = arith.select %and3A_3103, %add3A_3095, %broadcast_in_dim3A_5 : vector<16xi1>, vector<16xf32>
        %get3A_3108 = arith.index_cast %add3A_2962 : i32 to index
        %get3A_3109 = arith.constant 80 : index
        %get3A_3110 = tpu.vector_load %arg7[%get3A_3108, %get3A_3109] {strides = array<i32>} : memref<32x256xf32, #tpu.memory_space<vmem>>, vector<16xf32>,
        %sub3A_3111 = arith.subf %gather3A_2975, %get3A_3110 : vector<16xf32>
        %get3A_3112 = arith.index_cast %add3A_2962 : i32 to index
        %get3A_3113 = arith.constant 80 : index
        %get3A_3114 = tpu.vector_load %arg8[%get3A_3112, %get3A_3113] {strides = array<i32>} : memref<32x256xf32, #tpu.memory_space<vmem>>, vector<16xf32>,
        %sub3A_3115 = arith.subf %gather3A_2988, %get3A_3114 : vector<16xf32>
        %mul3A_3116 = arith.mulf %sub3A_3111, %sub3A_3111 : vector<16xf32>
        %mul3A_3117 = arith.mulf %sub3A_3115, %sub3A_3115 : vector<16xf32>
        %add3A_3118 = arith.addf %mul3A_3116, %mul3A_3117 : vector<16xf32>
        %shift_left3A_3119 = arith.constant 26 : i32
        %shift_left3A_3120 = vector.broadcast %shift_left3A_3119 : i32 to vector<16xi32>
        %shift_left3A_3121 = arith.shli %scan3A_69, %shift_left3A_3120 : vector<16xi32>
        %ge3A_3122 = arith.constant 0 : i32
        %ge3A_3123 = vector.broadcast %ge3A_3122 : i32 to vector<16xi32>
        %ge3A_3124 = arith.cmpi sge, %shift_left3A_3121, %ge3A_3123 : vector<16xi32>
        %lt3A_3125 = arith.cmpf olt, %add3A_3118, %select_n3A_3107 : vector<16xf32>
        %and3A_3126 = arith.andi %lt3A_3125, %ge3A_3124 : vector<16xi1>
        %jit3A_3127 = arith.constant 5 : i32
        %broadcast_in_dim3A_3128 = vector.broadcast %jit3A_3127 : i32 to vector<16xi32>
        %select_n3A_3129 = arith.select %and3A_3126, %broadcast_in_dim3A_3128, %select_n3A_3106 : vector<16xi1>, vector<16xi32>
        %select_n3A_3130 = arith.select %and3A_3126, %add3A_3118, %select_n3A_3107 : vector<16xi1>, vector<16xf32>
        %get3A_3131 = arith.index_cast %add3A_2962 : i32 to index
        %get3A_3132 = arith.constant 96 : index
        %get3A_3133 = tpu.vector_load %arg7[%get3A_3131, %get3A_3132] {strides = array<i32>} : memref<32x256xf32, #tpu.memory_space<vmem>>, vector<16xf32>,
        %sub3A_3134 = arith.subf %gather3A_2975, %get3A_3133 : vector<16xf32>
        %get3A_3135 = arith.index_cast %add3A_2962 : i32 to index
        %get3A_3136 = arith.constant 96 : index
        %get3A_3137 = tpu.vector_load %arg8[%get3A_3135, %get3A_3136] {strides = array<i32>} : memref<32x256xf32, #tpu.memory_space<vmem>>, vector<16xf32>,
        %sub3A_3138 = arith.subf %gather3A_2988, %get3A_3137 : vector<16xf32>
        %mul3A_3139 = arith.mulf %sub3A_3134, %sub3A_3134 : vector<16xf32>
        %mul3A_3140 = arith.mulf %sub3A_3138, %sub3A_3138 : vector<16xf32>
        %add3A_3141 = arith.addf %mul3A_3139, %mul3A_3140 : vector<16xf32>
        %shift_left3A_3142 = arith.constant 25 : i32
        %shift_left3A_3143 = vector.broadcast %shift_left3A_3142 : i32 to vector<16xi32>
        %shift_left3A_3144 = arith.shli %scan3A_69, %shift_left3A_3143 : vector<16xi32>
        %ge3A_3145 = arith.constant 0 : i32
        %ge3A_3146 = vector.broadcast %ge3A_3145 : i32 to vector<16xi32>
        %ge3A_3147 = arith.cmpi sge, %shift_left3A_3144, %ge3A_3146 : vector<16xi32>
        %lt3A_3148 = arith.cmpf olt, %add3A_3141, %select_n3A_3130 : vector<16xf32>
        %and3A_3149 = arith.andi %lt3A_3148, %ge3A_3147 : vector<16xi1>
        %jit3A_3150 = arith.constant 6 : i32
        %broadcast_in_dim3A_3151 = vector.broadcast %jit3A_3150 : i32 to vector<16xi32>
        %select_n3A_3152 = arith.select %and3A_3149, %broadcast_in_dim3A_3151, %select_n3A_3129 : vector<16xi1>, vector<16xi32>
        %select_n3A_3153 = arith.select %and3A_3149, %add3A_3141, %select_n3A_3130 : vector<16xi1>, vector<16xf32>
        %get3A_3154 = arith.index_cast %add3A_2962 : i32 to index
        %get3A_3155 = arith.constant 112 : index
        %get3A_3156 = tpu.vector_load %arg7[%get3A_3154, %get3A_3155] {strides = array<i32>} : memref<32x256xf32, #tpu.memory_space<vmem>>, vector<16xf32>,
        %sub3A_3157 = arith.subf %gather3A_2975, %get3A_3156 : vector<16xf32>
        %get3A_3158 = arith.index_cast %add3A_2962 : i32 to index
        %get3A_3159 = arith.constant 112 : index
        %get3A_3160 = tpu.vector_load %arg8[%get3A_3158, %get3A_3159] {strides = array<i32>} : memref<32x256xf32, #tpu.memory_space<vmem>>, vector<16xf32>,
        %sub3A_3161 = arith.subf %gather3A_2988, %get3A_3160 : vector<16xf32>
        %mul3A_3162 = arith.mulf %sub3A_3157, %sub3A_3157 : vector<16xf32>
        %mul3A_3163 = arith.mulf %sub3A_3161, %sub3A_3161 : vector<16xf32>
        %add3A_3164 = arith.addf %mul3A_3162, %mul3A_3163 : vector<16xf32>
        %shift_left3A_3165 = arith.constant 24 : i32
        %shift_left3A_3166 = vector.broadcast %shift_left3A_3165 : i32 to vector<16xi32>
        %shift_left3A_3167 = arith.shli %scan3A_69, %shift_left3A_3166 : vector<16xi32>
        %ge3A_3168 = arith.constant 0 : i32
        %ge3A_3169 = vector.broadcast %ge3A_3168 : i32 to vector<16xi32>
        %ge3A_3170 = arith.cmpi sge, %shift_left3A_3167, %ge3A_3169 : vector<16xi32>
        %lt3A_3171 = arith.cmpf olt, %add3A_3164, %select_n3A_3153 : vector<16xf32>
        %and3A_3172 = arith.andi %lt3A_3171, %ge3A_3170 : vector<16xi1>
        %jit3A_3173 = arith.constant 7 : i32
        %broadcast_in_dim3A_3174 = vector.broadcast %jit3A_3173 : i32 to vector<16xi32>
        %select_n3A_3175 = arith.select %and3A_3172, %broadcast_in_dim3A_3174, %select_n3A_3152 : vector<16xi1>, vector<16xi32>
        %select_n3A_3176 = arith.select %and3A_3172, %add3A_3164, %select_n3A_3153 : vector<16xi1>, vector<16xf32>
        %broadcast_in_dim3A_3177 = arith.constant 0 : i32
        %broadcast_in_dim3A_3178 = vector.broadcast %broadcast_in_dim3A_3177 : i32 to vector<16xi32>
        %get3A_3179 = arith.index_cast %add3A_2962 : i32 to index
        %get3A_3180 = arith.constant 128 : index
        %get3A_3181 = tpu.vector_load %arg7[%get3A_3179, %get3A_3180] {strides = array<i32>} : memref<32x256xf32, #tpu.memory_space<vmem>>, vector<16xf32>,
        %sub3A_3182 = arith.subf %gather3A_2975, %get3A_3181 : vector<16xf32>
        %get3A_3183 = arith.index_cast %add3A_2962 : i32 to index
        %get3A_3184 = arith.constant 128 : index
        %get3A_3185 = tpu.vector_load %arg8[%get3A_3183, %get3A_3184] {strides = array<i32>} : memref<32x256xf32, #tpu.memory_space<vmem>>, vector<16xf32>,
        %sub3A_3186 = arith.subf %gather3A_2988, %get3A_3185 : vector<16xf32>
        %mul3A_3187 = arith.mulf %sub3A_3182, %sub3A_3182 : vector<16xf32>
        %mul3A_3188 = arith.mulf %sub3A_3186, %sub3A_3186 : vector<16xf32>
        %add3A_3189 = arith.addf %mul3A_3187, %mul3A_3188 : vector<16xf32>
        %shift_left3A_3190 = arith.constant 23 : i32
        %shift_left3A_3191 = vector.broadcast %shift_left3A_3190 : i32 to vector<16xi32>
        %shift_left3A_3192 = arith.shli %scan3A_69, %shift_left3A_3191 : vector<16xi32>
        %ge3A_3193 = arith.constant 0 : i32
        %ge3A_3194 = vector.broadcast %ge3A_3193 : i32 to vector<16xi32>
        %ge3A_3195 = arith.cmpi sge, %shift_left3A_3192, %ge3A_3194 : vector<16xi32>
        %lt3A_3196 = arith.cmpf olt, %add3A_3189, %broadcast_in_dim3A_5 : vector<16xf32>
        %and3A_3197 = arith.andi %lt3A_3196, %ge3A_3195 : vector<16xi1>
        %jit3A_3198 = arith.constant 8 : i32
        %broadcast_in_dim3A_3199 = vector.broadcast %jit3A_3198 : i32 to vector<16xi32>
        %select_n3A_3200 = arith.select %and3A_3197, %broadcast_in_dim3A_3199, %broadcast_in_dim3A_3178 : vector<16xi1>, vector<16xi32>
        %select_n3A_3201 = arith.select %and3A_3197, %add3A_3189, %broadcast_in_dim3A_5 : vector<16xi1>, vector<16xf32>
        %get3A_3202 = arith.index_cast %add3A_2962 : i32 to index
        %get3A_3203 = arith.constant 144 : index
        %get3A_3204 = tpu.vector_load %arg7[%get3A_3202, %get3A_3203] {strides = array<i32>} : memref<32x256xf32, #tpu.memory_space<vmem>>, vector<16xf32>,
        %sub3A_3205 = arith.subf %gather3A_2975, %get3A_3204 : vector<16xf32>
        %get3A_3206 = arith.index_cast %add3A_2962 : i32 to index
        %get3A_3207 = arith.constant 144 : index
        %get3A_3208 = tpu.vector_load %arg8[%get3A_3206, %get3A_3207] {strides = array<i32>} : memref<32x256xf32, #tpu.memory_space<vmem>>, vector<16xf32>,
        %sub3A_3209 = arith.subf %gather3A_2988, %get3A_3208 : vector<16xf32>
        %mul3A_3210 = arith.mulf %sub3A_3205, %sub3A_3205 : vector<16xf32>
        %mul3A_3211 = arith.mulf %sub3A_3209, %sub3A_3209 : vector<16xf32>
        %add3A_3212 = arith.addf %mul3A_3210, %mul3A_3211 : vector<16xf32>
        %shift_left3A_3213 = arith.constant 22 : i32
        %shift_left3A_3214 = vector.broadcast %shift_left3A_3213 : i32 to vector<16xi32>
        %shift_left3A_3215 = arith.shli %scan3A_69, %shift_left3A_3214 : vector<16xi32>
        %ge3A_3216 = arith.constant 0 : i32
        %ge3A_3217 = vector.broadcast %ge3A_3216 : i32 to vector<16xi32>
        %ge3A_3218 = arith.cmpi sge, %shift_left3A_3215, %ge3A_3217 : vector<16xi32>
        %lt3A_3219 = arith.cmpf olt, %add3A_3212, %select_n3A_3201 : vector<16xf32>
        %and3A_3220 = arith.andi %lt3A_3219, %ge3A_3218 : vector<16xi1>
        %jit3A_3221 = arith.constant 9 : i32
        %broadcast_in_dim3A_3222 = vector.broadcast %jit3A_3221 : i32 to vector<16xi32>
        %select_n3A_3223 = arith.select %and3A_3220, %broadcast_in_dim3A_3222, %select_n3A_3200 : vector<16xi1>, vector<16xi32>
        %select_n3A_3224 = arith.select %and3A_3220, %add3A_3212, %select_n3A_3201 : vector<16xi1>, vector<16xf32>
        %get3A_3225 = arith.index_cast %add3A_2962 : i32 to index
        %get3A_3226 = arith.constant 160 : index
        %get3A_3227 = tpu.vector_load %arg7[%get3A_3225, %get3A_3226] {strides = array<i32>} : memref<32x256xf32, #tpu.memory_space<vmem>>, vector<16xf32>,
        %sub3A_3228 = arith.subf %gather3A_2975, %get3A_3227 : vector<16xf32>
        %get3A_3229 = arith.index_cast %add3A_2962 : i32 to index
        %get3A_3230 = arith.constant 160 : index
        %get3A_3231 = tpu.vector_load %arg8[%get3A_3229, %get3A_3230] {strides = array<i32>} : memref<32x256xf32, #tpu.memory_space<vmem>>, vector<16xf32>,
        %sub3A_3232 = arith.subf %gather3A_2988, %get3A_3231 : vector<16xf32>
        %mul3A_3233 = arith.mulf %sub3A_3228, %sub3A_3228 : vector<16xf32>
        %mul3A_3234 = arith.mulf %sub3A_3232, %sub3A_3232 : vector<16xf32>
        %add3A_3235 = arith.addf %mul3A_3233, %mul3A_3234 : vector<16xf32>
        %shift_left3A_3236 = arith.constant 21 : i32
        %shift_left3A_3237 = vector.broadcast %shift_left3A_3236 : i32 to vector<16xi32>
        %shift_left3A_3238 = arith.shli %scan3A_69, %shift_left3A_3237 : vector<16xi32>
        %ge3A_3239 = arith.constant 0 : i32
        %ge3A_3240 = vector.broadcast %ge3A_3239 : i32 to vector<16xi32>
        %ge3A_3241 = arith.cmpi sge, %shift_left3A_3238, %ge3A_3240 : vector<16xi32>
        %lt3A_3242 = arith.cmpf olt, %add3A_3235, %select_n3A_3224 : vector<16xf32>
        %and3A_3243 = arith.andi %lt3A_3242, %ge3A_3241 : vector<16xi1>
        %jit3A_3244 = arith.constant 10 : i32
        %broadcast_in_dim3A_3245 = vector.broadcast %jit3A_3244 : i32 to vector<16xi32>
        %select_n3A_3246 = arith.select %and3A_3243, %broadcast_in_dim3A_3245, %select_n3A_3223 : vector<16xi1>, vector<16xi32>
        %select_n3A_3247 = arith.select %and3A_3243, %add3A_3235, %select_n3A_3224 : vector<16xi1>, vector<16xf32>
        %get3A_3248 = arith.index_cast %add3A_2962 : i32 to index
        %get3A_3249 = arith.constant 176 : index
        %get3A_3250 = tpu.vector_load %arg7[%get3A_3248, %get3A_3249] {strides = array<i32>} : memref<32x256xf32, #tpu.memory_space<vmem>>, vector<16xf32>,
        %sub3A_3251 = arith.subf %gather3A_2975, %get3A_3250 : vector<16xf32>
        %get3A_3252 = arith.index_cast %add3A_2962 : i32 to index
        %get3A_3253 = arith.constant 176 : index
        %get3A_3254 = tpu.vector_load %arg8[%get3A_3252, %get3A_3253] {strides = array<i32>} : memref<32x256xf32, #tpu.memory_space<vmem>>, vector<16xf32>,
        %sub3A_3255 = arith.subf %gather3A_2988, %get3A_3254 : vector<16xf32>
        %mul3A_3256 = arith.mulf %sub3A_3251, %sub3A_3251 : vector<16xf32>
        %mul3A_3257 = arith.mulf %sub3A_3255, %sub3A_3255 : vector<16xf32>
        %add3A_3258 = arith.addf %mul3A_3256, %mul3A_3257 : vector<16xf32>
        %shift_left3A_3259 = arith.constant 20 : i32
        %shift_left3A_3260 = vector.broadcast %shift_left3A_3259 : i32 to vector<16xi32>
        %shift_left3A_3261 = arith.shli %scan3A_69, %shift_left3A_3260 : vector<16xi32>
        %ge3A_3262 = arith.constant 0 : i32
        %ge3A_3263 = vector.broadcast %ge3A_3262 : i32 to vector<16xi32>
        %ge3A_3264 = arith.cmpi sge, %shift_left3A_3261, %ge3A_3263 : vector<16xi32>
        %lt3A_3265 = arith.cmpf olt, %add3A_3258, %select_n3A_3247 : vector<16xf32>
        %and3A_3266 = arith.andi %lt3A_3265, %ge3A_3264 : vector<16xi1>
        %jit3A_3267 = arith.constant 11 : i32
        %broadcast_in_dim3A_3268 = vector.broadcast %jit3A_3267 : i32 to vector<16xi32>
        %select_n3A_3269 = arith.select %and3A_3266, %broadcast_in_dim3A_3268, %select_n3A_3246 : vector<16xi1>, vector<16xi32>
        %select_n3A_3270 = arith.select %and3A_3266, %add3A_3258, %select_n3A_3247 : vector<16xi1>, vector<16xf32>
        %broadcast_in_dim3A_3271 = arith.constant 0 : i32
        %broadcast_in_dim3A_3272 = vector.broadcast %broadcast_in_dim3A_3271 : i32 to vector<16xi32>
        %get3A_3273 = arith.index_cast %add3A_2962 : i32 to index
        %get3A_3274 = arith.constant 192 : index
        %get3A_3275 = tpu.vector_load %arg7[%get3A_3273, %get3A_3274] {strides = array<i32>} : memref<32x256xf32, #tpu.memory_space<vmem>>, vector<16xf32>,
        %sub3A_3276 = arith.subf %gather3A_2975, %get3A_3275 : vector<16xf32>
        %get3A_3277 = arith.index_cast %add3A_2962 : i32 to index
        %get3A_3278 = arith.constant 192 : index
        %get3A_3279 = tpu.vector_load %arg8[%get3A_3277, %get3A_3278] {strides = array<i32>} : memref<32x256xf32, #tpu.memory_space<vmem>>, vector<16xf32>,
        %sub3A_3280 = arith.subf %gather3A_2988, %get3A_3279 : vector<16xf32>
        %mul3A_3281 = arith.mulf %sub3A_3276, %sub3A_3276 : vector<16xf32>
        %mul3A_3282 = arith.mulf %sub3A_3280, %sub3A_3280 : vector<16xf32>
        %add3A_3283 = arith.addf %mul3A_3281, %mul3A_3282 : vector<16xf32>
        %shift_left3A_3284 = arith.constant 19 : i32
        %shift_left3A_3285 = vector.broadcast %shift_left3A_3284 : i32 to vector<16xi32>
        %shift_left3A_3286 = arith.shli %scan3A_69, %shift_left3A_3285 : vector<16xi32>
        %ge3A_3287 = arith.constant 0 : i32
        %ge3A_3288 = vector.broadcast %ge3A_3287 : i32 to vector<16xi32>
        %ge3A_3289 = arith.cmpi sge, %shift_left3A_3286, %ge3A_3288 : vector<16xi32>
        %lt3A_3290 = arith.cmpf olt, %add3A_3283, %broadcast_in_dim3A_5 : vector<16xf32>
        %and3A_3291 = arith.andi %lt3A_3290, %ge3A_3289 : vector<16xi1>
        %jit3A_3292 = arith.constant 12 : i32
        %broadcast_in_dim3A_3293 = vector.broadcast %jit3A_3292 : i32 to vector<16xi32>
        %select_n3A_3294 = arith.select %and3A_3291, %broadcast_in_dim3A_3293, %broadcast_in_dim3A_3272 : vector<16xi1>, vector<16xi32>
        %select_n3A_3295 = arith.select %and3A_3291, %add3A_3283, %broadcast_in_dim3A_5 : vector<16xi1>, vector<16xf32>
        %get3A_3296 = arith.index_cast %add3A_2962 : i32 to index
        %get3A_3297 = arith.constant 208 : index
        %get3A_3298 = tpu.vector_load %arg7[%get3A_3296, %get3A_3297] {strides = array<i32>} : memref<32x256xf32, #tpu.memory_space<vmem>>, vector<16xf32>,
        %sub3A_3299 = arith.subf %gather3A_2975, %get3A_3298 : vector<16xf32>
        %get3A_3300 = arith.index_cast %add3A_2962 : i32 to index
        %get3A_3301 = arith.constant 208 : index
        %get3A_3302 = tpu.vector_load %arg8[%get3A_3300, %get3A_3301] {strides = array<i32>} : memref<32x256xf32, #tpu.memory_space<vmem>>, vector<16xf32>,
        %sub3A_3303 = arith.subf %gather3A_2988, %get3A_3302 : vector<16xf32>
        %mul3A_3304 = arith.mulf %sub3A_3299, %sub3A_3299 : vector<16xf32>
        %mul3A_3305 = arith.mulf %sub3A_3303, %sub3A_3303 : vector<16xf32>
        %add3A_3306 = arith.addf %mul3A_3304, %mul3A_3305 : vector<16xf32>
        %shift_left3A_3307 = arith.constant 18 : i32
        %shift_left3A_3308 = vector.broadcast %shift_left3A_3307 : i32 to vector<16xi32>
        %shift_left3A_3309 = arith.shli %scan3A_69, %shift_left3A_3308 : vector<16xi32>
        %ge3A_3310 = arith.constant 0 : i32
        %ge3A_3311 = vector.broadcast %ge3A_3310 : i32 to vector<16xi32>
        %ge3A_3312 = arith.cmpi sge, %shift_left3A_3309, %ge3A_3311 : vector<16xi32>
        %lt3A_3313 = arith.cmpf olt, %add3A_3306, %select_n3A_3295 : vector<16xf32>
        %and3A_3314 = arith.andi %lt3A_3313, %ge3A_3312 : vector<16xi1>
        %jit3A_3315 = arith.constant 13 : i32
        %broadcast_in_dim3A_3316 = vector.broadcast %jit3A_3315 : i32 to vector<16xi32>
        %select_n3A_3317 = arith.select %and3A_3314, %broadcast_in_dim3A_3316, %select_n3A_3294 : vector<16xi1>, vector<16xi32>
        %select_n3A_3318 = arith.select %and3A_3314, %add3A_3306, %select_n3A_3295 : vector<16xi1>, vector<16xf32>
        %get3A_3319 = arith.index_cast %add3A_2962 : i32 to index
        %get3A_3320 = arith.constant 224 : index
        %get3A_3321 = tpu.vector_load %arg7[%get3A_3319, %get3A_3320] {strides = array<i32>} : memref<32x256xf32, #tpu.memory_space<vmem>>, vector<16xf32>,
        %sub3A_3322 = arith.subf %gather3A_2975, %get3A_3321 : vector<16xf32>
        %get3A_3323 = arith.index_cast %add3A_2962 : i32 to index
        %get3A_3324 = arith.constant 224 : index
        %get3A_3325 = tpu.vector_load %arg8[%get3A_3323, %get3A_3324] {strides = array<i32>} : memref<32x256xf32, #tpu.memory_space<vmem>>, vector<16xf32>,
        %sub3A_3326 = arith.subf %gather3A_2988, %get3A_3325 : vector<16xf32>
        %mul3A_3327 = arith.mulf %sub3A_3322, %sub3A_3322 : vector<16xf32>
        %mul3A_3328 = arith.mulf %sub3A_3326, %sub3A_3326 : vector<16xf32>
        %add3A_3329 = arith.addf %mul3A_3327, %mul3A_3328 : vector<16xf32>
        %shift_left3A_3330 = arith.constant 17 : i32
        %shift_left3A_3331 = vector.broadcast %shift_left3A_3330 : i32 to vector<16xi32>
        %shift_left3A_3332 = arith.shli %scan3A_69, %shift_left3A_3331 : vector<16xi32>
        %ge3A_3333 = arith.constant 0 : i32
        %ge3A_3334 = vector.broadcast %ge3A_3333 : i32 to vector<16xi32>
        %ge3A_3335 = arith.cmpi sge, %shift_left3A_3332, %ge3A_3334 : vector<16xi32>
        %lt3A_3336 = arith.cmpf olt, %add3A_3329, %select_n3A_3318 : vector<16xf32>
        %and3A_3337 = arith.andi %lt3A_3336, %ge3A_3335 : vector<16xi1>
        %jit3A_3338 = arith.constant 14 : i32
        %broadcast_in_dim3A_3339 = vector.broadcast %jit3A_3338 : i32 to vector<16xi32>
        %select_n3A_3340 = arith.select %and3A_3337, %broadcast_in_dim3A_3339, %select_n3A_3317 : vector<16xi1>, vector<16xi32>
        %select_n3A_3341 = arith.select %and3A_3337, %add3A_3329, %select_n3A_3318 : vector<16xi1>, vector<16xf32>
        %get3A_3342 = arith.index_cast %add3A_2962 : i32 to index
        %get3A_3343 = arith.constant 240 : index
        %get3A_3344 = tpu.vector_load %arg7[%get3A_3342, %get3A_3343] {strides = array<i32>} : memref<32x256xf32, #tpu.memory_space<vmem>>, vector<16xf32>,
        %sub3A_3345 = arith.subf %gather3A_2975, %get3A_3344 : vector<16xf32>
        %get3A_3346 = arith.index_cast %add3A_2962 : i32 to index
        %get3A_3347 = arith.constant 240 : index
        %get3A_3348 = tpu.vector_load %arg8[%get3A_3346, %get3A_3347] {strides = array<i32>} : memref<32x256xf32, #tpu.memory_space<vmem>>, vector<16xf32>,
        %sub3A_3349 = arith.subf %gather3A_2988, %get3A_3348 : vector<16xf32>
        %mul3A_3350 = arith.mulf %sub3A_3345, %sub3A_3345 : vector<16xf32>
        %mul3A_3351 = arith.mulf %sub3A_3349, %sub3A_3349 : vector<16xf32>
        %add3A_3352 = arith.addf %mul3A_3350, %mul3A_3351 : vector<16xf32>
        %shift_left3A_3353 = arith.constant 16 : i32
        %shift_left3A_3354 = vector.broadcast %shift_left3A_3353 : i32 to vector<16xi32>
        %shift_left3A_3355 = arith.shli %scan3A_69, %shift_left3A_3354 : vector<16xi32>
        %ge3A_3356 = arith.constant 0 : i32
        %ge3A_3357 = vector.broadcast %ge3A_3356 : i32 to vector<16xi32>
        %ge3A_3358 = arith.cmpi sge, %shift_left3A_3355, %ge3A_3357 : vector<16xi32>
        %lt3A_3359 = arith.cmpf olt, %add3A_3352, %select_n3A_3341 : vector<16xf32>
        %and3A_3360 = arith.andi %lt3A_3359, %ge3A_3358 : vector<16xi1>
        %jit3A_3361 = arith.constant 15 : i32
        %broadcast_in_dim3A_3362 = vector.broadcast %jit3A_3361 : i32 to vector<16xi32>
        %select_n3A_3363 = arith.select %and3A_3360, %broadcast_in_dim3A_3362, %select_n3A_3340 : vector<16xi1>, vector<16xi32>
        %select_n3A_3364 = arith.select %and3A_3360, %add3A_3352, %select_n3A_3341 : vector<16xi1>, vector<16xf32>
        %lt3A_3365 = arith.cmpf olt, %select_n3A_3176, %select_n3A_3082 : vector<16xf32>
        %select_n3A_3366 = arith.select %lt3A_3365, %select_n3A_3176, %select_n3A_3082 : vector<16xi1>, vector<16xf32>
        %select_n3A_3367 = arith.select %lt3A_3365, %select_n3A_3175, %select_n3A_3081 : vector<16xi1>, vector<16xi32>
        %lt3A_3368 = arith.cmpf olt, %select_n3A_3364, %select_n3A_3270 : vector<16xf32>
        %select_n3A_3369 = arith.select %lt3A_3368, %select_n3A_3364, %select_n3A_3270 : vector<16xi1>, vector<16xf32>
        %select_n3A_3370 = arith.select %lt3A_3368, %select_n3A_3363, %select_n3A_3269 : vector<16xi1>, vector<16xi32>
        %lt3A_3371 = arith.cmpf olt, %select_n3A_3369, %select_n3A_3366 : vector<16xf32>
        %select_n3A_3372 = arith.select %lt3A_3371, %select_n3A_3369, %select_n3A_3366 : vector<16xi1>, vector<16xf32>
        %select_n3A_3373 = arith.select %lt3A_3371, %select_n3A_3370, %select_n3A_3367 : vector<16xi1>, vector<16xi32>
        %lt3A_3374 = arith.constant 0 : i32
        %lt3A_3375 = vector.broadcast %lt3A_3374 : i32 to vector<16xi32>
        %lt3A_3376 = arith.cmpi slt, %xor3A_7, %lt3A_3375 : vector<16xi32>
        %add3A_3377 = arith.constant 16 : i32
        %add3A_3378 = vector.broadcast %add3A_3377 : i32 to vector<16xi32>
        %add3A_3379 = arith.addi %xor3A_7, %add3A_3378 : vector<16xi32>
        %select_n3A_3380 = arith.select %lt3A_3376, %add3A_3379, %xor3A_7 : vector<16xi1>, vector<16xi32>
        %broadcast_in_dim3A_3381 = vector.shape_cast %select_n3A_3380 : vector<16xi32> to vector<16x1xi32>
        %gather3A_3382 = vector.shape_cast %broadcast_in_dim3A_3381 : vector<16x1xi32> to vector<16xi32>
        %gather3A_3383 = tpu.dynamic_gather %select_n3A_481[%gather3A_3382] in [0] : vector<16xf32>, vector<16xi32> -> vector<16xf32>
        %min3A = arith.minimumf %select_n3A_481, %gather3A_3383 : vector<16xf32>
        %lt3A_3384 = arith.constant 0 : i32
        %lt3A_3385 = vector.broadcast %lt3A_3384 : i32 to vector<16xi32>
        %lt3A_3386 = arith.cmpi slt, %xor3A_10, %lt3A_3385 : vector<16xi32>
        %add3A_3387 = arith.constant 16 : i32
        %add3A_3388 = vector.broadcast %add3A_3387 : i32 to vector<16xi32>
        %add3A_3389 = arith.addi %xor3A_10, %add3A_3388 : vector<16xi32>
        %select_n3A_3390 = arith.select %lt3A_3386, %add3A_3389, %xor3A_10 : vector<16xi1>, vector<16xi32>
        %broadcast_in_dim3A_3391 = vector.shape_cast %select_n3A_3390 : vector<16xi32> to vector<16x1xi32>
        %gather3A_3392 = vector.shape_cast %broadcast_in_dim3A_3391 : vector<16x1xi32> to vector<16xi32>
        %gather3A_3393 = tpu.dynamic_gather %min3A[%gather3A_3392] in [0] : vector<16xf32>, vector<16xi32> -> vector<16xf32>
        %min3A_3394 = arith.minimumf %min3A, %gather3A_3393 : vector<16xf32>
        %lt3A_3395 = arith.constant 0 : i32
        %lt3A_3396 = vector.broadcast %lt3A_3395 : i32 to vector<16xi32>
        %lt3A_3397 = arith.cmpi slt, %xor3A_13, %lt3A_3396 : vector<16xi32>
        %add3A_3398 = arith.constant 16 : i32
        %add3A_3399 = vector.broadcast %add3A_3398 : i32 to vector<16xi32>
        %add3A_3400 = arith.addi %xor3A_13, %add3A_3399 : vector<16xi32>
        %select_n3A_3401 = arith.select %lt3A_3397, %add3A_3400, %xor3A_13 : vector<16xi1>, vector<16xi32>
        %broadcast_in_dim3A_3402 = vector.shape_cast %select_n3A_3401 : vector<16xi32> to vector<16x1xi32>
        %gather3A_3403 = vector.shape_cast %broadcast_in_dim3A_3402 : vector<16x1xi32> to vector<16xi32>
        %gather3A_3404 = tpu.dynamic_gather %min3A_3394[%gather3A_3403] in [0] : vector<16xf32>, vector<16xi32> -> vector<16xf32>
        %min3A_3405 = arith.minimumf %min3A_3394, %gather3A_3404 : vector<16xf32>
        %lt3A_3406 = arith.constant 0 : i32
        %lt3A_3407 = vector.broadcast %lt3A_3406 : i32 to vector<16xi32>
        %lt3A_3408 = arith.cmpi slt, %xor3A_16, %lt3A_3407 : vector<16xi32>
        %add3A_3409 = arith.constant 16 : i32
        %add3A_3410 = vector.broadcast %add3A_3409 : i32 to vector<16xi32>
        %add3A_3411 = arith.addi %xor3A_16, %add3A_3410 : vector<16xi32>
        %select_n3A_3412 = arith.select %lt3A_3408, %add3A_3411, %xor3A_16 : vector<16xi1>, vector<16xi32>
        %broadcast_in_dim3A_3413 = vector.shape_cast %select_n3A_3412 : vector<16xi32> to vector<16x1xi32>
        %gather3A_3414 = vector.shape_cast %broadcast_in_dim3A_3413 : vector<16x1xi32> to vector<16xi32>
        %gather3A_3415 = tpu.dynamic_gather %min3A_3405[%gather3A_3414] in [0] : vector<16xf32>, vector<16xi32> -> vector<16xf32>
        %min3A_3416 = arith.minimumf %min3A_3405, %gather3A_3415 : vector<16xf32>
        %lt3A_3417 = arith.constant 6.604900e+04 : f32
        %lt3A_3418 = vector.broadcast %lt3A_3417 : f32 to vector<16xf32>
        %lt3A_3419 = arith.cmpf olt, %min3A_3416, %lt3A_3418 : vector<16xf32>
        %eq3A_3420 = arith.cmpf oeq, %select_n3A_481, %min3A_3416 : vector<16xf32>
        %all_reduce_ffs3A = tpu.all_reduce %eq3A_3420 {dim = 0 : i64, kind = #tpu.reduction_kind<find_first_set>} : vector<16xi1> -> vector<16xi32>
        %jit3A_3421 = arith.constant 0 : i32
        %broadcast_in_dim3A_3422 = vector.broadcast %jit3A_3421 : i32 to vector<16xi32>
        %select_n3A_3423 = arith.select %lt3A_3419, %all_reduce_ffs3A, %broadcast_in_dim3A_3422 : vector<16xi1>, vector<16xi32>
        %jit3A_3424 = arith.constant 0 : i32
        %broadcast_in_dim3A_3425 = vector.broadcast %jit3A_3424 : i32 to vector<16xi32>
        %select_n3A_3426 = arith.select %lt3A_3419, %select_n3A_482, %broadcast_in_dim3A_3425 : vector<16xi1>, vector<16xi32>
        %eq3A_3427 = arith.cmpi eq, %iota3A, %select_n3A_3423 : vector<16xi32>
        %shift_left3A_3428 = arith.constant 1 : i32
        %shift_left3A_3429 = vector.broadcast %shift_left3A_3428 : i32 to vector<16xi32>
        %shift_left3A_3430 = arith.shli %shift_left3A_3429, %select_n3A_3426 : vector<16xi32>
        %jit3A_3431 = arith.constant 0 : i32
        %broadcast_in_dim3A_3432 = vector.broadcast %jit3A_3431 : i32 to vector<16xi32>
        %select_n3A_3433 = arith.select %eq3A_3427, %shift_left3A_3430, %broadcast_in_dim3A_3432 : vector<16xi1>, vector<16xi32>
        %min3A_3434 = arith.constant 6.604900e+04 : f32
        %min3A_3435 = vector.broadcast %min3A_3434 : f32 to vector<16xf32>
        %min3A_3436 = arith.minimumf %min3A_3416, %min3A_3435 : vector<16xf32>
        %or3A = arith.ori %scan3A_62, %select_n3A_3433 : vector<16xi32>
        %add3A_3437 = arith.addf %scan3A_54, %min3A_3436 : vector<16xf32>
        %lt3A_3438 = arith.constant 0 : i32
        %lt3A_3439 = vector.broadcast %lt3A_3438 : i32 to vector<16xi32>
        %lt3A_3440 = arith.cmpi slt, %xor3A_7, %lt3A_3439 : vector<16xi32>
        %add3A_3441 = arith.constant 16 : i32
        %add3A_3442 = vector.broadcast %add3A_3441 : i32 to vector<16xi32>
        %add3A_3443 = arith.addi %xor3A_7, %add3A_3442 : vector<16xi32>
        %select_n3A_3444 = arith.select %lt3A_3440, %add3A_3443, %xor3A_7 : vector<16xi1>, vector<16xi32>
        %broadcast_in_dim3A_3445 = vector.shape_cast %select_n3A_3444 : vector<16xi32> to vector<16x1xi32>
        %gather3A_3446 = vector.shape_cast %broadcast_in_dim3A_3445 : vector<16x1xi32> to vector<16xi32>
        %gather3A_3447 = tpu.dynamic_gather %select_n3A_894[%gather3A_3446] in [0] : vector<16xf32>, vector<16xi32> -> vector<16xf32>
        %min3A_3448 = arith.minimumf %select_n3A_894, %gather3A_3447 : vector<16xf32>
        %lt3A_3449 = arith.constant 0 : i32
        %lt3A_3450 = vector.broadcast %lt3A_3449 : i32 to vector<16xi32>
        %lt3A_3451 = arith.cmpi slt, %xor3A_10, %lt3A_3450 : vector<16xi32>
        %add3A_3452 = arith.constant 16 : i32
        %add3A_3453 = vector.broadcast %add3A_3452 : i32 to vector<16xi32>
        %add3A_3454 = arith.addi %xor3A_10, %add3A_3453 : vector<16xi32>
        %select_n3A_3455 = arith.select %lt3A_3451, %add3A_3454, %xor3A_10 : vector<16xi1>, vector<16xi32>
        %broadcast_in_dim3A_3456 = vector.shape_cast %select_n3A_3455 : vector<16xi32> to vector<16x1xi32>
        %gather3A_3457 = vector.shape_cast %broadcast_in_dim3A_3456 : vector<16x1xi32> to vector<16xi32>
        %gather3A_3458 = tpu.dynamic_gather %min3A_3448[%gather3A_3457] in [0] : vector<16xf32>, vector<16xi32> -> vector<16xf32>
        %min3A_3459 = arith.minimumf %min3A_3448, %gather3A_3458 : vector<16xf32>
        %lt3A_3460 = arith.constant 0 : i32
        %lt3A_3461 = vector.broadcast %lt3A_3460 : i32 to vector<16xi32>
        %lt3A_3462 = arith.cmpi slt, %xor3A_13, %lt3A_3461 : vector<16xi32>
        %add3A_3463 = arith.constant 16 : i32
        %add3A_3464 = vector.broadcast %add3A_3463 : i32 to vector<16xi32>
        %add3A_3465 = arith.addi %xor3A_13, %add3A_3464 : vector<16xi32>
        %select_n3A_3466 = arith.select %lt3A_3462, %add3A_3465, %xor3A_13 : vector<16xi1>, vector<16xi32>
        %broadcast_in_dim3A_3467 = vector.shape_cast %select_n3A_3466 : vector<16xi32> to vector<16x1xi32>
        %gather3A_3468 = vector.shape_cast %broadcast_in_dim3A_3467 : vector<16x1xi32> to vector<16xi32>
        %gather3A_3469 = tpu.dynamic_gather %min3A_3459[%gather3A_3468] in [0] : vector<16xf32>, vector<16xi32> -> vector<16xf32>
        %min3A_3470 = arith.minimumf %min3A_3459, %gather3A_3469 : vector<16xf32>
        %lt3A_3471 = arith.constant 0 : i32
        %lt3A_3472 = vector.broadcast %lt3A_3471 : i32 to vector<16xi32>
        %lt3A_3473 = arith.cmpi slt, %xor3A_16, %lt3A_3472 : vector<16xi32>
        %add3A_3474 = arith.constant 16 : i32
        %add3A_3475 = vector.broadcast %add3A_3474 : i32 to vector<16xi32>
        %add3A_3476 = arith.addi %xor3A_16, %add3A_3475 : vector<16xi32>
        %select_n3A_3477 = arith.select %lt3A_3473, %add3A_3476, %xor3A_16 : vector<16xi1>, vector<16xi32>
        %broadcast_in_dim3A_3478 = vector.shape_cast %select_n3A_3477 : vector<16xi32> to vector<16x1xi32>
        %gather3A_3479 = vector.shape_cast %broadcast_in_dim3A_3478 : vector<16x1xi32> to vector<16xi32>
        %gather3A_3480 = tpu.dynamic_gather %min3A_3470[%gather3A_3479] in [0] : vector<16xf32>, vector<16xi32> -> vector<16xf32>
        %min3A_3481 = arith.minimumf %min3A_3470, %gather3A_3480 : vector<16xf32>
        %lt3A_3482 = arith.constant 6.604900e+04 : f32
        %lt3A_3483 = vector.broadcast %lt3A_3482 : f32 to vector<16xf32>
        %lt3A_3484 = arith.cmpf olt, %min3A_3481, %lt3A_3483 : vector<16xf32>
        %eq3A_3485 = arith.cmpf oeq, %select_n3A_894, %min3A_3481 : vector<16xf32>
        %all_reduce_ffs3A_3486 = tpu.all_reduce %eq3A_3485 {dim = 0 : i64, kind = #tpu.reduction_kind<find_first_set>} : vector<16xi1> -> vector<16xi32>
        %jit3A_3487 = arith.constant 0 : i32
        %broadcast_in_dim3A_3488 = vector.broadcast %jit3A_3487 : i32 to vector<16xi32>
        %select_n3A_3489 = arith.select %lt3A_3484, %all_reduce_ffs3A_3486, %broadcast_in_dim3A_3488 : vector<16xi1>, vector<16xi32>
        %jit3A_3490 = arith.constant 0 : i32
        %broadcast_in_dim3A_3491 = vector.broadcast %jit3A_3490 : i32 to vector<16xi32>
        %select_n3A_3492 = arith.select %lt3A_3484, %select_n3A_895, %broadcast_in_dim3A_3491 : vector<16xi1>, vector<16xi32>
        %eq3A_3493 = arith.cmpi eq, %iota3A, %select_n3A_3489 : vector<16xi32>
        %shift_left3A_3494 = arith.constant 1 : i32
        %shift_left3A_3495 = vector.broadcast %shift_left3A_3494 : i32 to vector<16xi32>
        %shift_left3A_3496 = arith.shli %shift_left3A_3495, %select_n3A_3492 : vector<16xi32>
        %jit3A_3497 = arith.constant 0 : i32
        %broadcast_in_dim3A_3498 = vector.broadcast %jit3A_3497 : i32 to vector<16xi32>
        %select_n3A_3499 = arith.select %eq3A_3493, %shift_left3A_3496, %broadcast_in_dim3A_3498 : vector<16xi1>, vector<16xi32>
        %min3A_3500 = arith.constant 6.604900e+04 : f32
        %min3A_3501 = vector.broadcast %min3A_3500 : f32 to vector<16xf32>
        %min3A_3502 = arith.minimumf %min3A_3481, %min3A_3501 : vector<16xf32>
        %or3A_3503 = arith.ori %scan3A_63, %select_n3A_3499 : vector<16xi32>
        %add3A_3504 = arith.addf %scan3A_55, %min3A_3502 : vector<16xf32>
        %lt3A_3505 = arith.constant 0 : i32
        %lt3A_3506 = vector.broadcast %lt3A_3505 : i32 to vector<16xi32>
        %lt3A_3507 = arith.cmpi slt, %xor3A_7, %lt3A_3506 : vector<16xi32>
        %add3A_3508 = arith.constant 16 : i32
        %add3A_3509 = vector.broadcast %add3A_3508 : i32 to vector<16xi32>
        %add3A_3510 = arith.addi %xor3A_7, %add3A_3509 : vector<16xi32>
        %select_n3A_3511 = arith.select %lt3A_3507, %add3A_3510, %xor3A_7 : vector<16xi1>, vector<16xi32>
        %broadcast_in_dim3A_3512 = vector.shape_cast %select_n3A_3511 : vector<16xi32> to vector<16x1xi32>
        %gather3A_3513 = vector.shape_cast %broadcast_in_dim3A_3512 : vector<16x1xi32> to vector<16xi32>
        %gather3A_3514 = tpu.dynamic_gather %select_n3A_1307[%gather3A_3513] in [0] : vector<16xf32>, vector<16xi32> -> vector<16xf32>
        %min3A_3515 = arith.minimumf %select_n3A_1307, %gather3A_3514 : vector<16xf32>
        %lt3A_3516 = arith.constant 0 : i32
        %lt3A_3517 = vector.broadcast %lt3A_3516 : i32 to vector<16xi32>
        %lt3A_3518 = arith.cmpi slt, %xor3A_10, %lt3A_3517 : vector<16xi32>
        %add3A_3519 = arith.constant 16 : i32
        %add3A_3520 = vector.broadcast %add3A_3519 : i32 to vector<16xi32>
        %add3A_3521 = arith.addi %xor3A_10, %add3A_3520 : vector<16xi32>
        %select_n3A_3522 = arith.select %lt3A_3518, %add3A_3521, %xor3A_10 : vector<16xi1>, vector<16xi32>
        %broadcast_in_dim3A_3523 = vector.shape_cast %select_n3A_3522 : vector<16xi32> to vector<16x1xi32>
        %gather3A_3524 = vector.shape_cast %broadcast_in_dim3A_3523 : vector<16x1xi32> to vector<16xi32>
        %gather3A_3525 = tpu.dynamic_gather %min3A_3515[%gather3A_3524] in [0] : vector<16xf32>, vector<16xi32> -> vector<16xf32>
        %min3A_3526 = arith.minimumf %min3A_3515, %gather3A_3525 : vector<16xf32>
        %lt3A_3527 = arith.constant 0 : i32
        %lt3A_3528 = vector.broadcast %lt3A_3527 : i32 to vector<16xi32>
        %lt3A_3529 = arith.cmpi slt, %xor3A_13, %lt3A_3528 : vector<16xi32>
        %add3A_3530 = arith.constant 16 : i32
        %add3A_3531 = vector.broadcast %add3A_3530 : i32 to vector<16xi32>
        %add3A_3532 = arith.addi %xor3A_13, %add3A_3531 : vector<16xi32>
        %select_n3A_3533 = arith.select %lt3A_3529, %add3A_3532, %xor3A_13 : vector<16xi1>, vector<16xi32>
        %broadcast_in_dim3A_3534 = vector.shape_cast %select_n3A_3533 : vector<16xi32> to vector<16x1xi32>
        %gather3A_3535 = vector.shape_cast %broadcast_in_dim3A_3534 : vector<16x1xi32> to vector<16xi32>
        %gather3A_3536 = tpu.dynamic_gather %min3A_3526[%gather3A_3535] in [0] : vector<16xf32>, vector<16xi32> -> vector<16xf32>
        %min3A_3537 = arith.minimumf %min3A_3526, %gather3A_3536 : vector<16xf32>
        %lt3A_3538 = arith.constant 0 : i32
        %lt3A_3539 = vector.broadcast %lt3A_3538 : i32 to vector<16xi32>
        %lt3A_3540 = arith.cmpi slt, %xor3A_16, %lt3A_3539 : vector<16xi32>
        %add3A_3541 = arith.constant 16 : i32
        %add3A_3542 = vector.broadcast %add3A_3541 : i32 to vector<16xi32>
        %add3A_3543 = arith.addi %xor3A_16, %add3A_3542 : vector<16xi32>
        %select_n3A_3544 = arith.select %lt3A_3540, %add3A_3543, %xor3A_16 : vector<16xi1>, vector<16xi32>
        %broadcast_in_dim3A_3545 = vector.shape_cast %select_n3A_3544 : vector<16xi32> to vector<16x1xi32>
        %gather3A_3546 = vector.shape_cast %broadcast_in_dim3A_3545 : vector<16x1xi32> to vector<16xi32>
        %gather3A_3547 = tpu.dynamic_gather %min3A_3537[%gather3A_3546] in [0] : vector<16xf32>, vector<16xi32> -> vector<16xf32>
        %min3A_3548 = arith.minimumf %min3A_3537, %gather3A_3547 : vector<16xf32>
        %lt3A_3549 = arith.constant 6.604900e+04 : f32
        %lt3A_3550 = vector.broadcast %lt3A_3549 : f32 to vector<16xf32>
        %lt3A_3551 = arith.cmpf olt, %min3A_3548, %lt3A_3550 : vector<16xf32>
        %eq3A_3552 = arith.cmpf oeq, %select_n3A_1307, %min3A_3548 : vector<16xf32>
        %all_reduce_ffs3A_3553 = tpu.all_reduce %eq3A_3552 {dim = 0 : i64, kind = #tpu.reduction_kind<find_first_set>} : vector<16xi1> -> vector<16xi32>
        %jit3A_3554 = arith.constant 0 : i32
        %broadcast_in_dim3A_3555 = vector.broadcast %jit3A_3554 : i32 to vector<16xi32>
        %select_n3A_3556 = arith.select %lt3A_3551, %all_reduce_ffs3A_3553, %broadcast_in_dim3A_3555 : vector<16xi1>, vector<16xi32>
        %jit3A_3557 = arith.constant 0 : i32
        %broadcast_in_dim3A_3558 = vector.broadcast %jit3A_3557 : i32 to vector<16xi32>
        %select_n3A_3559 = arith.select %lt3A_3551, %select_n3A_1308, %broadcast_in_dim3A_3558 : vector<16xi1>, vector<16xi32>
        %eq3A_3560 = arith.cmpi eq, %iota3A, %select_n3A_3556 : vector<16xi32>
        %shift_left3A_3561 = arith.constant 1 : i32
        %shift_left3A_3562 = vector.broadcast %shift_left3A_3561 : i32 to vector<16xi32>
        %shift_left3A_3563 = arith.shli %shift_left3A_3562, %select_n3A_3559 : vector<16xi32>
        %jit3A_3564 = arith.constant 0 : i32
        %broadcast_in_dim3A_3565 = vector.broadcast %jit3A_3564 : i32 to vector<16xi32>
        %select_n3A_3566 = arith.select %eq3A_3560, %shift_left3A_3563, %broadcast_in_dim3A_3565 : vector<16xi1>, vector<16xi32>
        %min3A_3567 = arith.constant 6.604900e+04 : f32
        %min3A_3568 = vector.broadcast %min3A_3567 : f32 to vector<16xf32>
        %min3A_3569 = arith.minimumf %min3A_3548, %min3A_3568 : vector<16xf32>
        %or3A_3570 = arith.ori %scan3A_64, %select_n3A_3566 : vector<16xi32>
        %add3A_3571 = arith.addf %scan3A_56, %min3A_3569 : vector<16xf32>
        %lt3A_3572 = arith.constant 0 : i32
        %lt3A_3573 = vector.broadcast %lt3A_3572 : i32 to vector<16xi32>
        %lt3A_3574 = arith.cmpi slt, %xor3A_7, %lt3A_3573 : vector<16xi32>
        %add3A_3575 = arith.constant 16 : i32
        %add3A_3576 = vector.broadcast %add3A_3575 : i32 to vector<16xi32>
        %add3A_3577 = arith.addi %xor3A_7, %add3A_3576 : vector<16xi32>
        %select_n3A_3578 = arith.select %lt3A_3574, %add3A_3577, %xor3A_7 : vector<16xi1>, vector<16xi32>
        %broadcast_in_dim3A_3579 = vector.shape_cast %select_n3A_3578 : vector<16xi32> to vector<16x1xi32>
        %gather3A_3580 = vector.shape_cast %broadcast_in_dim3A_3579 : vector<16x1xi32> to vector<16xi32>
        %gather3A_3581 = tpu.dynamic_gather %select_n3A_1720[%gather3A_3580] in [0] : vector<16xf32>, vector<16xi32> -> vector<16xf32>
        %min3A_3582 = arith.minimumf %select_n3A_1720, %gather3A_3581 : vector<16xf32>
        %lt3A_3583 = arith.constant 0 : i32
        %lt3A_3584 = vector.broadcast %lt3A_3583 : i32 to vector<16xi32>
        %lt3A_3585 = arith.cmpi slt, %xor3A_10, %lt3A_3584 : vector<16xi32>
        %add3A_3586 = arith.constant 16 : i32
        %add3A_3587 = vector.broadcast %add3A_3586 : i32 to vector<16xi32>
        %add3A_3588 = arith.addi %xor3A_10, %add3A_3587 : vector<16xi32>
        %select_n3A_3589 = arith.select %lt3A_3585, %add3A_3588, %xor3A_10 : vector<16xi1>, vector<16xi32>
        %broadcast_in_dim3A_3590 = vector.shape_cast %select_n3A_3589 : vector<16xi32> to vector<16x1xi32>
        %gather3A_3591 = vector.shape_cast %broadcast_in_dim3A_3590 : vector<16x1xi32> to vector<16xi32>
        %gather3A_3592 = tpu.dynamic_gather %min3A_3582[%gather3A_3591] in [0] : vector<16xf32>, vector<16xi32> -> vector<16xf32>
        %min3A_3593 = arith.minimumf %min3A_3582, %gather3A_3592 : vector<16xf32>
        %lt3A_3594 = arith.constant 0 : i32
        %lt3A_3595 = vector.broadcast %lt3A_3594 : i32 to vector<16xi32>
        %lt3A_3596 = arith.cmpi slt, %xor3A_13, %lt3A_3595 : vector<16xi32>
        %add3A_3597 = arith.constant 16 : i32
        %add3A_3598 = vector.broadcast %add3A_3597 : i32 to vector<16xi32>
        %add3A_3599 = arith.addi %xor3A_13, %add3A_3598 : vector<16xi32>
        %select_n3A_3600 = arith.select %lt3A_3596, %add3A_3599, %xor3A_13 : vector<16xi1>, vector<16xi32>
        %broadcast_in_dim3A_3601 = vector.shape_cast %select_n3A_3600 : vector<16xi32> to vector<16x1xi32>
        %gather3A_3602 = vector.shape_cast %broadcast_in_dim3A_3601 : vector<16x1xi32> to vector<16xi32>
        %gather3A_3603 = tpu.dynamic_gather %min3A_3593[%gather3A_3602] in [0] : vector<16xf32>, vector<16xi32> -> vector<16xf32>
        %min3A_3604 = arith.minimumf %min3A_3593, %gather3A_3603 : vector<16xf32>
        %lt3A_3605 = arith.constant 0 : i32
        %lt3A_3606 = vector.broadcast %lt3A_3605 : i32 to vector<16xi32>
        %lt3A_3607 = arith.cmpi slt, %xor3A_16, %lt3A_3606 : vector<16xi32>
        %add3A_3608 = arith.constant 16 : i32
        %add3A_3609 = vector.broadcast %add3A_3608 : i32 to vector<16xi32>
        %add3A_3610 = arith.addi %xor3A_16, %add3A_3609 : vector<16xi32>
        %select_n3A_3611 = arith.select %lt3A_3607, %add3A_3610, %xor3A_16 : vector<16xi1>, vector<16xi32>
        %broadcast_in_dim3A_3612 = vector.shape_cast %select_n3A_3611 : vector<16xi32> to vector<16x1xi32>
        %gather3A_3613 = vector.shape_cast %broadcast_in_dim3A_3612 : vector<16x1xi32> to vector<16xi32>
        %gather3A_3614 = tpu.dynamic_gather %min3A_3604[%gather3A_3613] in [0] : vector<16xf32>, vector<16xi32> -> vector<16xf32>
        %min3A_3615 = arith.minimumf %min3A_3604, %gather3A_3614 : vector<16xf32>
        %lt3A_3616 = arith.constant 6.604900e+04 : f32
        %lt3A_3617 = vector.broadcast %lt3A_3616 : f32 to vector<16xf32>
        %lt3A_3618 = arith.cmpf olt, %min3A_3615, %lt3A_3617 : vector<16xf32>
        %eq3A_3619 = arith.cmpf oeq, %select_n3A_1720, %min3A_3615 : vector<16xf32>
        %all_reduce_ffs3A_3620 = tpu.all_reduce %eq3A_3619 {dim = 0 : i64, kind = #tpu.reduction_kind<find_first_set>} : vector<16xi1> -> vector<16xi32>
        %jit3A_3621 = arith.constant 0 : i32
        %broadcast_in_dim3A_3622 = vector.broadcast %jit3A_3621 : i32 to vector<16xi32>
        %select_n3A_3623 = arith.select %lt3A_3618, %all_reduce_ffs3A_3620, %broadcast_in_dim3A_3622 : vector<16xi1>, vector<16xi32>
        %jit3A_3624 = arith.constant 0 : i32
        %broadcast_in_dim3A_3625 = vector.broadcast %jit3A_3624 : i32 to vector<16xi32>
        %select_n3A_3626 = arith.select %lt3A_3618, %select_n3A_1721, %broadcast_in_dim3A_3625 : vector<16xi1>, vector<16xi32>
        %eq3A_3627 = arith.cmpi eq, %iota3A, %select_n3A_3623 : vector<16xi32>
        %shift_left3A_3628 = arith.constant 1 : i32
        %shift_left3A_3629 = vector.broadcast %shift_left3A_3628 : i32 to vector<16xi32>
        %shift_left3A_3630 = arith.shli %shift_left3A_3629, %select_n3A_3626 : vector<16xi32>
        %jit3A_3631 = arith.constant 0 : i32
        %broadcast_in_dim3A_3632 = vector.broadcast %jit3A_3631 : i32 to vector<16xi32>
        %select_n3A_3633 = arith.select %eq3A_3627, %shift_left3A_3630, %broadcast_in_dim3A_3632 : vector<16xi1>, vector<16xi32>
        %min3A_3634 = arith.constant 6.604900e+04 : f32
        %min3A_3635 = vector.broadcast %min3A_3634 : f32 to vector<16xf32>
        %min3A_3636 = arith.minimumf %min3A_3615, %min3A_3635 : vector<16xf32>
        %or3A_3637 = arith.ori %scan3A_65, %select_n3A_3633 : vector<16xi32>
        %add3A_3638 = arith.addf %scan3A_57, %min3A_3636 : vector<16xf32>
        %lt3A_3639 = arith.constant 0 : i32
        %lt3A_3640 = vector.broadcast %lt3A_3639 : i32 to vector<16xi32>
        %lt3A_3641 = arith.cmpi slt, %xor3A_7, %lt3A_3640 : vector<16xi32>
        %add3A_3642 = arith.constant 16 : i32
        %add3A_3643 = vector.broadcast %add3A_3642 : i32 to vector<16xi32>
        %add3A_3644 = arith.addi %xor3A_7, %add3A_3643 : vector<16xi32>
        %select_n3A_3645 = arith.select %lt3A_3641, %add3A_3644, %xor3A_7 : vector<16xi1>, vector<16xi32>
        %broadcast_in_dim3A_3646 = vector.shape_cast %select_n3A_3645 : vector<16xi32> to vector<16x1xi32>
        %gather3A_3647 = vector.shape_cast %broadcast_in_dim3A_3646 : vector<16x1xi32> to vector<16xi32>
        %gather3A_3648 = tpu.dynamic_gather %select_n3A_2133[%gather3A_3647] in [0] : vector<16xf32>, vector<16xi32> -> vector<16xf32>
        %min3A_3649 = arith.minimumf %select_n3A_2133, %gather3A_3648 : vector<16xf32>
        %lt3A_3650 = arith.constant 0 : i32
        %lt3A_3651 = vector.broadcast %lt3A_3650 : i32 to vector<16xi32>
        %lt3A_3652 = arith.cmpi slt, %xor3A_10, %lt3A_3651 : vector<16xi32>
        %add3A_3653 = arith.constant 16 : i32
        %add3A_3654 = vector.broadcast %add3A_3653 : i32 to vector<16xi32>
        %add3A_3655 = arith.addi %xor3A_10, %add3A_3654 : vector<16xi32>
        %select_n3A_3656 = arith.select %lt3A_3652, %add3A_3655, %xor3A_10 : vector<16xi1>, vector<16xi32>
        %broadcast_in_dim3A_3657 = vector.shape_cast %select_n3A_3656 : vector<16xi32> to vector<16x1xi32>
        %gather3A_3658 = vector.shape_cast %broadcast_in_dim3A_3657 : vector<16x1xi32> to vector<16xi32>
        %gather3A_3659 = tpu.dynamic_gather %min3A_3649[%gather3A_3658] in [0] : vector<16xf32>, vector<16xi32> -> vector<16xf32>
        %min3A_3660 = arith.minimumf %min3A_3649, %gather3A_3659 : vector<16xf32>
        %lt3A_3661 = arith.constant 0 : i32
        %lt3A_3662 = vector.broadcast %lt3A_3661 : i32 to vector<16xi32>
        %lt3A_3663 = arith.cmpi slt, %xor3A_13, %lt3A_3662 : vector<16xi32>
        %add3A_3664 = arith.constant 16 : i32
        %add3A_3665 = vector.broadcast %add3A_3664 : i32 to vector<16xi32>
        %add3A_3666 = arith.addi %xor3A_13, %add3A_3665 : vector<16xi32>
        %select_n3A_3667 = arith.select %lt3A_3663, %add3A_3666, %xor3A_13 : vector<16xi1>, vector<16xi32>
        %broadcast_in_dim3A_3668 = vector.shape_cast %select_n3A_3667 : vector<16xi32> to vector<16x1xi32>
        %gather3A_3669 = vector.shape_cast %broadcast_in_dim3A_3668 : vector<16x1xi32> to vector<16xi32>
        %gather3A_3670 = tpu.dynamic_gather %min3A_3660[%gather3A_3669] in [0] : vector<16xf32>, vector<16xi32> -> vector<16xf32>
        %min3A_3671 = arith.minimumf %min3A_3660, %gather3A_3670 : vector<16xf32>
        %lt3A_3672 = arith.constant 0 : i32
        %lt3A_3673 = vector.broadcast %lt3A_3672 : i32 to vector<16xi32>
        %lt3A_3674 = arith.cmpi slt, %xor3A_16, %lt3A_3673 : vector<16xi32>
        %add3A_3675 = arith.constant 16 : i32
        %add3A_3676 = vector.broadcast %add3A_3675 : i32 to vector<16xi32>
        %add3A_3677 = arith.addi %xor3A_16, %add3A_3676 : vector<16xi32>
        %select_n3A_3678 = arith.select %lt3A_3674, %add3A_3677, %xor3A_16 : vector<16xi1>, vector<16xi32>
        %broadcast_in_dim3A_3679 = vector.shape_cast %select_n3A_3678 : vector<16xi32> to vector<16x1xi32>
        %gather3A_3680 = vector.shape_cast %broadcast_in_dim3A_3679 : vector<16x1xi32> to vector<16xi32>
        %gather3A_3681 = tpu.dynamic_gather %min3A_3671[%gather3A_3680] in [0] : vector<16xf32>, vector<16xi32> -> vector<16xf32>
        %min3A_3682 = arith.minimumf %min3A_3671, %gather3A_3681 : vector<16xf32>
        %lt3A_3683 = arith.constant 6.604900e+04 : f32
        %lt3A_3684 = vector.broadcast %lt3A_3683 : f32 to vector<16xf32>
        %lt3A_3685 = arith.cmpf olt, %min3A_3682, %lt3A_3684 : vector<16xf32>
        %eq3A_3686 = arith.cmpf oeq, %select_n3A_2133, %min3A_3682 : vector<16xf32>
        %all_reduce_ffs3A_3687 = tpu.all_reduce %eq3A_3686 {dim = 0 : i64, kind = #tpu.reduction_kind<find_first_set>} : vector<16xi1> -> vector<16xi32>
        %jit3A_3688 = arith.constant 0 : i32
        %broadcast_in_dim3A_3689 = vector.broadcast %jit3A_3688 : i32 to vector<16xi32>
        %select_n3A_3690 = arith.select %lt3A_3685, %all_reduce_ffs3A_3687, %broadcast_in_dim3A_3689 : vector<16xi1>, vector<16xi32>
        %jit3A_3691 = arith.constant 0 : i32
        %broadcast_in_dim3A_3692 = vector.broadcast %jit3A_3691 : i32 to vector<16xi32>
        %select_n3A_3693 = arith.select %lt3A_3685, %select_n3A_2134, %broadcast_in_dim3A_3692 : vector<16xi1>, vector<16xi32>
        %eq3A_3694 = arith.cmpi eq, %iota3A, %select_n3A_3690 : vector<16xi32>
        %shift_left3A_3695 = arith.constant 1 : i32
        %shift_left3A_3696 = vector.broadcast %shift_left3A_3695 : i32 to vector<16xi32>
        %shift_left3A_3697 = arith.shli %shift_left3A_3696, %select_n3A_3693 : vector<16xi32>
        %jit3A_3698 = arith.constant 0 : i32
        %broadcast_in_dim3A_3699 = vector.broadcast %jit3A_3698 : i32 to vector<16xi32>
        %select_n3A_3700 = arith.select %eq3A_3694, %shift_left3A_3697, %broadcast_in_dim3A_3699 : vector<16xi1>, vector<16xi32>
        %min3A_3701 = arith.constant 6.604900e+04 : f32
        %min3A_3702 = vector.broadcast %min3A_3701 : f32 to vector<16xf32>
        %min3A_3703 = arith.minimumf %min3A_3682, %min3A_3702 : vector<16xf32>
        %or3A_3704 = arith.ori %scan3A_66, %select_n3A_3700 : vector<16xi32>
        %add3A_3705 = arith.addf %scan3A_58, %min3A_3703 : vector<16xf32>
        %lt3A_3706 = arith.constant 0 : i32
        %lt3A_3707 = vector.broadcast %lt3A_3706 : i32 to vector<16xi32>
        %lt3A_3708 = arith.cmpi slt, %xor3A_7, %lt3A_3707 : vector<16xi32>
        %add3A_3709 = arith.constant 16 : i32
        %add3A_3710 = vector.broadcast %add3A_3709 : i32 to vector<16xi32>
        %add3A_3711 = arith.addi %xor3A_7, %add3A_3710 : vector<16xi32>
        %select_n3A_3712 = arith.select %lt3A_3708, %add3A_3711, %xor3A_7 : vector<16xi1>, vector<16xi32>
        %broadcast_in_dim3A_3713 = vector.shape_cast %select_n3A_3712 : vector<16xi32> to vector<16x1xi32>
        %gather3A_3714 = vector.shape_cast %broadcast_in_dim3A_3713 : vector<16x1xi32> to vector<16xi32>
        %gather3A_3715 = tpu.dynamic_gather %select_n3A_2546[%gather3A_3714] in [0] : vector<16xf32>, vector<16xi32> -> vector<16xf32>
        %min3A_3716 = arith.minimumf %select_n3A_2546, %gather3A_3715 : vector<16xf32>
        %lt3A_3717 = arith.constant 0 : i32
        %lt3A_3718 = vector.broadcast %lt3A_3717 : i32 to vector<16xi32>
        %lt3A_3719 = arith.cmpi slt, %xor3A_10, %lt3A_3718 : vector<16xi32>
        %add3A_3720 = arith.constant 16 : i32
        %add3A_3721 = vector.broadcast %add3A_3720 : i32 to vector<16xi32>
        %add3A_3722 = arith.addi %xor3A_10, %add3A_3721 : vector<16xi32>
        %select_n3A_3723 = arith.select %lt3A_3719, %add3A_3722, %xor3A_10 : vector<16xi1>, vector<16xi32>
        %broadcast_in_dim3A_3724 = vector.shape_cast %select_n3A_3723 : vector<16xi32> to vector<16x1xi32>
        %gather3A_3725 = vector.shape_cast %broadcast_in_dim3A_3724 : vector<16x1xi32> to vector<16xi32>
        %gather3A_3726 = tpu.dynamic_gather %min3A_3716[%gather3A_3725] in [0] : vector<16xf32>, vector<16xi32> -> vector<16xf32>
        %min3A_3727 = arith.minimumf %min3A_3716, %gather3A_3726 : vector<16xf32>
        %lt3A_3728 = arith.constant 0 : i32
        %lt3A_3729 = vector.broadcast %lt3A_3728 : i32 to vector<16xi32>
        %lt3A_3730 = arith.cmpi slt, %xor3A_13, %lt3A_3729 : vector<16xi32>
        %add3A_3731 = arith.constant 16 : i32
        %add3A_3732 = vector.broadcast %add3A_3731 : i32 to vector<16xi32>
        %add3A_3733 = arith.addi %xor3A_13, %add3A_3732 : vector<16xi32>
        %select_n3A_3734 = arith.select %lt3A_3730, %add3A_3733, %xor3A_13 : vector<16xi1>, vector<16xi32>
        %broadcast_in_dim3A_3735 = vector.shape_cast %select_n3A_3734 : vector<16xi32> to vector<16x1xi32>
        %gather3A_3736 = vector.shape_cast %broadcast_in_dim3A_3735 : vector<16x1xi32> to vector<16xi32>
        %gather3A_3737 = tpu.dynamic_gather %min3A_3727[%gather3A_3736] in [0] : vector<16xf32>, vector<16xi32> -> vector<16xf32>
        %min3A_3738 = arith.minimumf %min3A_3727, %gather3A_3737 : vector<16xf32>
        %lt3A_3739 = arith.constant 0 : i32
        %lt3A_3740 = vector.broadcast %lt3A_3739 : i32 to vector<16xi32>
        %lt3A_3741 = arith.cmpi slt, %xor3A_16, %lt3A_3740 : vector<16xi32>
        %add3A_3742 = arith.constant 16 : i32
        %add3A_3743 = vector.broadcast %add3A_3742 : i32 to vector<16xi32>
        %add3A_3744 = arith.addi %xor3A_16, %add3A_3743 : vector<16xi32>
        %select_n3A_3745 = arith.select %lt3A_3741, %add3A_3744, %xor3A_16 : vector<16xi1>, vector<16xi32>
        %broadcast_in_dim3A_3746 = vector.shape_cast %select_n3A_3745 : vector<16xi32> to vector<16x1xi32>
        %gather3A_3747 = vector.shape_cast %broadcast_in_dim3A_3746 : vector<16x1xi32> to vector<16xi32>
        %gather3A_3748 = tpu.dynamic_gather %min3A_3738[%gather3A_3747] in [0] : vector<16xf32>, vector<16xi32> -> vector<16xf32>
        %min3A_3749 = arith.minimumf %min3A_3738, %gather3A_3748 : vector<16xf32>
        %lt3A_3750 = arith.constant 6.604900e+04 : f32
        %lt3A_3751 = vector.broadcast %lt3A_3750 : f32 to vector<16xf32>
        %lt3A_3752 = arith.cmpf olt, %min3A_3749, %lt3A_3751 : vector<16xf32>
        %eq3A_3753 = arith.cmpf oeq, %select_n3A_2546, %min3A_3749 : vector<16xf32>
        %all_reduce_ffs3A_3754 = tpu.all_reduce %eq3A_3753 {dim = 0 : i64, kind = #tpu.reduction_kind<find_first_set>} : vector<16xi1> -> vector<16xi32>
        %jit3A_3755 = arith.constant 0 : i32
        %broadcast_in_dim3A_3756 = vector.broadcast %jit3A_3755 : i32 to vector<16xi32>
        %select_n3A_3757 = arith.select %lt3A_3752, %all_reduce_ffs3A_3754, %broadcast_in_dim3A_3756 : vector<16xi1>, vector<16xi32>
        %jit3A_3758 = arith.constant 0 : i32
        %broadcast_in_dim3A_3759 = vector.broadcast %jit3A_3758 : i32 to vector<16xi32>
        %select_n3A_3760 = arith.select %lt3A_3752, %select_n3A_2547, %broadcast_in_dim3A_3759 : vector<16xi1>, vector<16xi32>
        %eq3A_3761 = arith.cmpi eq, %iota3A, %select_n3A_3757 : vector<16xi32>
        %shift_left3A_3762 = arith.constant 1 : i32
        %shift_left3A_3763 = vector.broadcast %shift_left3A_3762 : i32 to vector<16xi32>
        %shift_left3A_3764 = arith.shli %shift_left3A_3763, %select_n3A_3760 : vector<16xi32>
        %jit3A_3765 = arith.constant 0 : i32
        %broadcast_in_dim3A_3766 = vector.broadcast %jit3A_3765 : i32 to vector<16xi32>
        %select_n3A_3767 = arith.select %eq3A_3761, %shift_left3A_3764, %broadcast_in_dim3A_3766 : vector<16xi1>, vector<16xi32>
        %min3A_3768 = arith.constant 6.604900e+04 : f32
        %min3A_3769 = vector.broadcast %min3A_3768 : f32 to vector<16xf32>
        %min3A_3770 = arith.minimumf %min3A_3749, %min3A_3769 : vector<16xf32>
        %or3A_3771 = arith.ori %scan3A_67, %select_n3A_3767 : vector<16xi32>
        %add3A_3772 = arith.addf %scan3A_59, %min3A_3770 : vector<16xf32>
        %lt3A_3773 = arith.constant 0 : i32
        %lt3A_3774 = vector.broadcast %lt3A_3773 : i32 to vector<16xi32>
        %lt3A_3775 = arith.cmpi slt, %xor3A_7, %lt3A_3774 : vector<16xi32>
        %add3A_3776 = arith.constant 16 : i32
        %add3A_3777 = vector.broadcast %add3A_3776 : i32 to vector<16xi32>
        %add3A_3778 = arith.addi %xor3A_7, %add3A_3777 : vector<16xi32>
        %select_n3A_3779 = arith.select %lt3A_3775, %add3A_3778, %xor3A_7 : vector<16xi1>, vector<16xi32>
        %broadcast_in_dim3A_3780 = vector.shape_cast %select_n3A_3779 : vector<16xi32> to vector<16x1xi32>
        %gather3A_3781 = vector.shape_cast %broadcast_in_dim3A_3780 : vector<16x1xi32> to vector<16xi32>
        %gather3A_3782 = tpu.dynamic_gather %select_n3A_2959[%gather3A_3781] in [0] : vector<16xf32>, vector<16xi32> -> vector<16xf32>
        %min3A_3783 = arith.minimumf %select_n3A_2959, %gather3A_3782 : vector<16xf32>
        %lt3A_3784 = arith.constant 0 : i32
        %lt3A_3785 = vector.broadcast %lt3A_3784 : i32 to vector<16xi32>
        %lt3A_3786 = arith.cmpi slt, %xor3A_10, %lt3A_3785 : vector<16xi32>
        %add3A_3787 = arith.constant 16 : i32
        %add3A_3788 = vector.broadcast %add3A_3787 : i32 to vector<16xi32>
        %add3A_3789 = arith.addi %xor3A_10, %add3A_3788 : vector<16xi32>
        %select_n3A_3790 = arith.select %lt3A_3786, %add3A_3789, %xor3A_10 : vector<16xi1>, vector<16xi32>
        %broadcast_in_dim3A_3791 = vector.shape_cast %select_n3A_3790 : vector<16xi32> to vector<16x1xi32>
        %gather3A_3792 = vector.shape_cast %broadcast_in_dim3A_3791 : vector<16x1xi32> to vector<16xi32>
        %gather3A_3793 = tpu.dynamic_gather %min3A_3783[%gather3A_3792] in [0] : vector<16xf32>, vector<16xi32> -> vector<16xf32>
        %min3A_3794 = arith.minimumf %min3A_3783, %gather3A_3793 : vector<16xf32>
        %lt3A_3795 = arith.constant 0 : i32
        %lt3A_3796 = vector.broadcast %lt3A_3795 : i32 to vector<16xi32>
        %lt3A_3797 = arith.cmpi slt, %xor3A_13, %lt3A_3796 : vector<16xi32>
        %add3A_3798 = arith.constant 16 : i32
        %add3A_3799 = vector.broadcast %add3A_3798 : i32 to vector<16xi32>
        %add3A_3800 = arith.addi %xor3A_13, %add3A_3799 : vector<16xi32>
        %select_n3A_3801 = arith.select %lt3A_3797, %add3A_3800, %xor3A_13 : vector<16xi1>, vector<16xi32>
        %broadcast_in_dim3A_3802 = vector.shape_cast %select_n3A_3801 : vector<16xi32> to vector<16x1xi32>
        %gather3A_3803 = vector.shape_cast %broadcast_in_dim3A_3802 : vector<16x1xi32> to vector<16xi32>
        %gather3A_3804 = tpu.dynamic_gather %min3A_3794[%gather3A_3803] in [0] : vector<16xf32>, vector<16xi32> -> vector<16xf32>
        %min3A_3805 = arith.minimumf %min3A_3794, %gather3A_3804 : vector<16xf32>
        %lt3A_3806 = arith.constant 0 : i32
        %lt3A_3807 = vector.broadcast %lt3A_3806 : i32 to vector<16xi32>
        %lt3A_3808 = arith.cmpi slt, %xor3A_16, %lt3A_3807 : vector<16xi32>
        %add3A_3809 = arith.constant 16 : i32
        %add3A_3810 = vector.broadcast %add3A_3809 : i32 to vector<16xi32>
        %add3A_3811 = arith.addi %xor3A_16, %add3A_3810 : vector<16xi32>
        %select_n3A_3812 = arith.select %lt3A_3808, %add3A_3811, %xor3A_16 : vector<16xi1>, vector<16xi32>
        %broadcast_in_dim3A_3813 = vector.shape_cast %select_n3A_3812 : vector<16xi32> to vector<16x1xi32>
        %gather3A_3814 = vector.shape_cast %broadcast_in_dim3A_3813 : vector<16x1xi32> to vector<16xi32>
        %gather3A_3815 = tpu.dynamic_gather %min3A_3805[%gather3A_3814] in [0] : vector<16xf32>, vector<16xi32> -> vector<16xf32>
        %min3A_3816 = arith.minimumf %min3A_3805, %gather3A_3815 : vector<16xf32>
        %lt3A_3817 = arith.constant 6.604900e+04 : f32
        %lt3A_3818 = vector.broadcast %lt3A_3817 : f32 to vector<16xf32>
        %lt3A_3819 = arith.cmpf olt, %min3A_3816, %lt3A_3818 : vector<16xf32>
        %eq3A_3820 = arith.cmpf oeq, %select_n3A_2959, %min3A_3816 : vector<16xf32>
        %all_reduce_ffs3A_3821 = tpu.all_reduce %eq3A_3820 {dim = 0 : i64, kind = #tpu.reduction_kind<find_first_set>} : vector<16xi1> -> vector<16xi32>
        %jit3A_3822 = arith.constant 0 : i32
        %broadcast_in_dim3A_3823 = vector.broadcast %jit3A_3822 : i32 to vector<16xi32>
        %select_n3A_3824 = arith.select %lt3A_3819, %all_reduce_ffs3A_3821, %broadcast_in_dim3A_3823 : vector<16xi1>, vector<16xi32>
        %jit3A_3825 = arith.constant 0 : i32
        %broadcast_in_dim3A_3826 = vector.broadcast %jit3A_3825 : i32 to vector<16xi32>
        %select_n3A_3827 = arith.select %lt3A_3819, %select_n3A_2960, %broadcast_in_dim3A_3826 : vector<16xi1>, vector<16xi32>
        %eq3A_3828 = arith.cmpi eq, %iota3A, %select_n3A_3824 : vector<16xi32>
        %shift_left3A_3829 = arith.constant 1 : i32
        %shift_left3A_3830 = vector.broadcast %shift_left3A_3829 : i32 to vector<16xi32>
        %shift_left3A_3831 = arith.shli %shift_left3A_3830, %select_n3A_3827 : vector<16xi32>
        %jit3A_3832 = arith.constant 0 : i32
        %broadcast_in_dim3A_3833 = vector.broadcast %jit3A_3832 : i32 to vector<16xi32>
        %select_n3A_3834 = arith.select %eq3A_3828, %shift_left3A_3831, %broadcast_in_dim3A_3833 : vector<16xi1>, vector<16xi32>
        %min3A_3835 = arith.constant 6.604900e+04 : f32
        %min3A_3836 = vector.broadcast %min3A_3835 : f32 to vector<16xf32>
        %min3A_3837 = arith.minimumf %min3A_3816, %min3A_3836 : vector<16xf32>
        %or3A_3838 = arith.ori %scan3A_68, %select_n3A_3834 : vector<16xi32>
        %add3A_3839 = arith.addf %scan3A_60, %min3A_3837 : vector<16xf32>
        %lt3A_3840 = arith.constant 0 : i32
        %lt3A_3841 = vector.broadcast %lt3A_3840 : i32 to vector<16xi32>
        %lt3A_3842 = arith.cmpi slt, %xor3A_7, %lt3A_3841 : vector<16xi32>
        %add3A_3843 = arith.constant 16 : i32
        %add3A_3844 = vector.broadcast %add3A_3843 : i32 to vector<16xi32>
        %add3A_3845 = arith.addi %xor3A_7, %add3A_3844 : vector<16xi32>
        %select_n3A_3846 = arith.select %lt3A_3842, %add3A_3845, %xor3A_7 : vector<16xi1>, vector<16xi32>
        %broadcast_in_dim3A_3847 = vector.shape_cast %select_n3A_3846 : vector<16xi32> to vector<16x1xi32>
        %gather3A_3848 = vector.shape_cast %broadcast_in_dim3A_3847 : vector<16x1xi32> to vector<16xi32>
        %gather3A_3849 = tpu.dynamic_gather %select_n3A_3372[%gather3A_3848] in [0] : vector<16xf32>, vector<16xi32> -> vector<16xf32>
        %min3A_3850 = arith.minimumf %select_n3A_3372, %gather3A_3849 : vector<16xf32>
        %lt3A_3851 = arith.constant 0 : i32
        %lt3A_3852 = vector.broadcast %lt3A_3851 : i32 to vector<16xi32>
        %lt3A_3853 = arith.cmpi slt, %xor3A_10, %lt3A_3852 : vector<16xi32>
        %add3A_3854 = arith.constant 16 : i32
        %add3A_3855 = vector.broadcast %add3A_3854 : i32 to vector<16xi32>
        %add3A_3856 = arith.addi %xor3A_10, %add3A_3855 : vector<16xi32>
        %select_n3A_3857 = arith.select %lt3A_3853, %add3A_3856, %xor3A_10 : vector<16xi1>, vector<16xi32>
        %broadcast_in_dim3A_3858 = vector.shape_cast %select_n3A_3857 : vector<16xi32> to vector<16x1xi32>
        %gather3A_3859 = vector.shape_cast %broadcast_in_dim3A_3858 : vector<16x1xi32> to vector<16xi32>
        %gather3A_3860 = tpu.dynamic_gather %min3A_3850[%gather3A_3859] in [0] : vector<16xf32>, vector<16xi32> -> vector<16xf32>
        %min3A_3861 = arith.minimumf %min3A_3850, %gather3A_3860 : vector<16xf32>
        %lt3A_3862 = arith.constant 0 : i32
        %lt3A_3863 = vector.broadcast %lt3A_3862 : i32 to vector<16xi32>
        %lt3A_3864 = arith.cmpi slt, %xor3A_13, %lt3A_3863 : vector<16xi32>
        %add3A_3865 = arith.constant 16 : i32
        %add3A_3866 = vector.broadcast %add3A_3865 : i32 to vector<16xi32>
        %add3A_3867 = arith.addi %xor3A_13, %add3A_3866 : vector<16xi32>
        %select_n3A_3868 = arith.select %lt3A_3864, %add3A_3867, %xor3A_13 : vector<16xi1>, vector<16xi32>
        %broadcast_in_dim3A_3869 = vector.shape_cast %select_n3A_3868 : vector<16xi32> to vector<16x1xi32>
        %gather3A_3870 = vector.shape_cast %broadcast_in_dim3A_3869 : vector<16x1xi32> to vector<16xi32>
        %gather3A_3871 = tpu.dynamic_gather %min3A_3861[%gather3A_3870] in [0] : vector<16xf32>, vector<16xi32> -> vector<16xf32>
        %min3A_3872 = arith.minimumf %min3A_3861, %gather3A_3871 : vector<16xf32>
        %lt3A_3873 = arith.constant 0 : i32
        %lt3A_3874 = vector.broadcast %lt3A_3873 : i32 to vector<16xi32>
        %lt3A_3875 = arith.cmpi slt, %xor3A_16, %lt3A_3874 : vector<16xi32>
        %add3A_3876 = arith.constant 16 : i32
        %add3A_3877 = vector.broadcast %add3A_3876 : i32 to vector<16xi32>
        %add3A_3878 = arith.addi %xor3A_16, %add3A_3877 : vector<16xi32>
        %select_n3A_3879 = arith.select %lt3A_3875, %add3A_3878, %xor3A_16 : vector<16xi1>, vector<16xi32>
        %broadcast_in_dim3A_3880 = vector.shape_cast %select_n3A_3879 : vector<16xi32> to vector<16x1xi32>
        %gather3A_3881 = vector.shape_cast %broadcast_in_dim3A_3880 : vector<16x1xi32> to vector<16xi32>
        %gather3A_3882 = tpu.dynamic_gather %min3A_3872[%gather3A_3881] in [0] : vector<16xf32>, vector<16xi32> -> vector<16xf32>
        %min3A_3883 = arith.minimumf %min3A_3872, %gather3A_3882 : vector<16xf32>
        %lt3A_3884 = arith.constant 6.604900e+04 : f32
        %lt3A_3885 = vector.broadcast %lt3A_3884 : f32 to vector<16xf32>
        %lt3A_3886 = arith.cmpf olt, %min3A_3883, %lt3A_3885 : vector<16xf32>
        %eq3A_3887 = arith.cmpf oeq, %select_n3A_3372, %min3A_3883 : vector<16xf32>
        %all_reduce_ffs3A_3888 = tpu.all_reduce %eq3A_3887 {dim = 0 : i64, kind = #tpu.reduction_kind<find_first_set>} : vector<16xi1> -> vector<16xi32>
        %jit3A_3889 = arith.constant 0 : i32
        %broadcast_in_dim3A_3890 = vector.broadcast %jit3A_3889 : i32 to vector<16xi32>
        %select_n3A_3891 = arith.select %lt3A_3886, %all_reduce_ffs3A_3888, %broadcast_in_dim3A_3890 : vector<16xi1>, vector<16xi32>
        %jit3A_3892 = arith.constant 0 : i32
        %broadcast_in_dim3A_3893 = vector.broadcast %jit3A_3892 : i32 to vector<16xi32>
        %select_n3A_3894 = arith.select %lt3A_3886, %select_n3A_3373, %broadcast_in_dim3A_3893 : vector<16xi1>, vector<16xi32>
        %eq3A_3895 = arith.cmpi eq, %iota3A, %select_n3A_3891 : vector<16xi32>
        %shift_left3A_3896 = arith.constant 1 : i32
        %shift_left3A_3897 = vector.broadcast %shift_left3A_3896 : i32 to vector<16xi32>
        %shift_left3A_3898 = arith.shli %shift_left3A_3897, %select_n3A_3894 : vector<16xi32>
        %jit3A_3899 = arith.constant 0 : i32
        %broadcast_in_dim3A_3900 = vector.broadcast %jit3A_3899 : i32 to vector<16xi32>
        %select_n3A_3901 = arith.select %eq3A_3895, %shift_left3A_3898, %broadcast_in_dim3A_3900 : vector<16xi1>, vector<16xi32>
        %min3A_3902 = arith.constant 6.604900e+04 : f32
        %min3A_3903 = vector.broadcast %min3A_3902 : f32 to vector<16xf32>
        %min3A_3904 = arith.minimumf %min3A_3883, %min3A_3903 : vector<16xf32>
        %or3A_3905 = arith.ori %scan3A_69, %select_n3A_3901 : vector<16xi32>
        %add3A_3906 = arith.addf %scan3A_61, %min3A_3904 : vector<16xf32>
        scf.yield %add3A_3437, %add3A_3504, %add3A_3571, %add3A_3638, %add3A_3705, %add3A_3772, %add3A_3839, %add3A_3906, %or3A, %or3A_3503, %or3A_3570, %or3A_3637, %or3A_3704, %or3A_3771, %or3A_3838, %or3A_3905 : vector<16xf32>, vector<16xf32>, vector<16xf32>, vector<16xf32>, vector<16xf32>, vector<16xf32>, vector<16xf32>, vector<16xf32>, vector<16xi32>, vector<16xi32>, vector<16xi32>, vector<16xi32>, vector<16xi32>, vector<16xi32>, vector<16xi32>, vector<16xi32>
      }
      %scan3A_32 = arith.constant 256 : i32
      %jit3A = arith.constant 16 : i32
      %eq3A = arith.constant 0 : i32
      %eq3A_33 = arith.cmpi eq, %jit3A, %eq3A : i32
      %jit3A_34 = arith.constant 1 : i32
      %select_n3A = arith.select %eq3A_33, %jit3A_34, %jit3A : i32
      %rem3A = arith.remsi %scan3A_23, %select_n3A : i32
      %ne3A = arith.constant 0 : i32
      %ne3A_35 = arith.cmpi ne, %rem3A, %ne3A : i32
      %lt3A = arith.constant 0 : i32
      %lt3A_36 = arith.cmpi slt, %rem3A, %lt3A : i32
      %lt3A_37 = arith.constant 0 : i32
      %lt3A_38 = arith.cmpi slt, %select_n3A, %lt3A_37 : i32
      %ne3A_39 = arith.xori %lt3A_36, %lt3A_38 : i1
      %and3A = arith.andi %ne3A_39, %ne3A_35 : i1
      %add3A_40 = arith.addi %rem3A, %select_n3A : i32
      %select_n3A_41 = arith.select %and3A, %add3A_40, %rem3A : i32
      %broadcast_in_dim3A_42 = vector.broadcast %select_n3A_41 : i32 to vector<16xi32>
      %eq3A_43 = arith.cmpi eq, %iota3A, %broadcast_in_dim3A_42 : vector<16xi32>
      %add3A_44 = arith.addf %scan3A_31#0, %scan3A_31#1 : vector<16xf32>
      %add3A_45 = arith.addf %add3A_44, %scan3A_31#2 : vector<16xf32>
      %add3A_46 = arith.addf %add3A_45, %scan3A_31#3 : vector<16xf32>
      %add3A_47 = arith.addf %add3A_46, %scan3A_31#4 : vector<16xf32>
      %add3A_48 = arith.addf %add3A_47, %scan3A_31#5 : vector<16xf32>
      %add3A_49 = arith.addf %add3A_48, %scan3A_31#6 : vector<16xf32>
      %add3A_50 = arith.addf %add3A_49, %scan3A_31#7 : vector<16xf32>
      %select_n3A_51 = arith.select %eq3A_43, %add3A_50, %broadcast_in_dim3A_3 : vector<16xi1>, vector<16xf32>
      %add3A_52 = arith.addf %scan3A_24, %select_n3A_51 : vector<16xf32>
      scf.yield %add3A_52 : vector<16xf32>
    }
    %scan3A_21 = arith.constant 4 : i32
    %swap3A = arith.constant 0 : index
    %swap3A_22 = tpu.vector_load %arg11[%swap3A] {strides = array<i32>} : memref<16xf32, #tpu.memory_space<vmem>>, vector<16xf32>,
    tpu.vector_store %arg11[%swap3A], %scan3A_20 {strides = array<i32>} : memref<16xf32, #tpu.memory_space<vmem>>, vector<16xf32>,
    "tpu.region"() ({
      %run_scoped3A = tpu.sem_alloc : memref<!tpu.dma_semaphore, #tpu.memory_space<semaphore_mem>>
      %dma_start3A = arith.constant 0 : i32
      %dma_start3A_23 = tpu.memref_slice %arg6[%add3A, %dma_start3A] : memref<32x16xf32, #tpu.memory_space<hbm>> -> memref<1x16xf32, #tpu.memory_space<hbm>>
      %dma_start3A_24 = tpu.memref_squeeze %dma_start3A_23 : memref<1x16xf32, #tpu.memory_space<hbm>> -> memref<16xf32, #tpu.memory_space<hbm>>
      %dma_start3A_25 = arith.constant 0 : i32
      %dma_start3A_26 = tpu.memref_slice %arg6[%add3A, %dma_start3A_25] : memref<32x16xf32, #tpu.memory_space<hbm>> -> memref<1x16xf32, #tpu.memory_space<hbm>>
      %dma_start3A_27 = tpu.memref_squeeze %dma_start3A_26 : memref<1x16xf32, #tpu.memory_space<hbm>> -> memref<16xf32, #tpu.memory_space<hbm>>
      tpu.enqueue_dma source(%arg11 : memref<16xf32, #tpu.memory_space<vmem>>) target(%dma_start3A_27 : memref<16xf32, #tpu.memory_space<hbm>>) target_semaphore(%run_scoped3A : memref<!tpu.dma_semaphore, #tpu.memory_space<semaphore_mem>>)
      %dma_wait3A = arith.constant 0 : i32
      %dma_wait3A_28 = tpu.memref_slice %arg6[%add3A, %dma_wait3A] : memref<32x16xf32, #tpu.memory_space<hbm>> -> memref<1x16xf32, #tpu.memory_space<hbm>>
      %dma_wait3A_29 = tpu.memref_squeeze %dma_wait3A_28 : memref<1x16xf32, #tpu.memory_space<hbm>> -> memref<16xf32, #tpu.memory_space<hbm>>
      %dma_wait3A_30 = arith.constant 0 : i32
      %dma_wait3A_31 = tpu.memref_slice %arg6[%add3A, %dma_wait3A_30] : memref<32x16xf32, #tpu.memory_space<hbm>> -> memref<1x16xf32, #tpu.memory_space<hbm>>
      %dma_wait3A_32 = tpu.memref_squeeze %dma_wait3A_31 : memref<1x16xf32, #tpu.memory_space<hbm>> -> memref<16xf32, #tpu.memory_space<hbm>>
      tpu.wait_dma2 semaphore(%run_scoped3A : memref<!tpu.dma_semaphore, #tpu.memory_space<semaphore_mem>>) src(%arg11 : memref<16xf32, #tpu.memory_space<vmem>>) dst(%dma_wait3A_32 : memref<16xf32, #tpu.memory_space<hbm>>)
      tpu.yield
    }) : () -> ()
    return
  }
}

</mosaic_0001>

<sc_bundles>
// kernel: kernel.3.cloned.1.call-start
scs
__scs_entry_jumppad:
0x0: {  	(pc) =	sbr.rel $0x88, $3  }
0x1: {  	(tag) =	ssettag $0x0;
	lr =	simm.s32 $0x1  }
0x2: {  	[smem:$0x3F9F] =	sst lr;
	_ =	strace $0xD0000000  }
0x3: {  	_ = 	snop  }
0x4: {  	_ = 	snop  }
0x5: {  	_ = 	snop  }
0x6: {  	_ = 	snop  }
0x7: {  	_ = 	snop  }
__scs_overlays_trampoline_lowered:
0x8: {  	[smem:$0x3FAE] =	sst s0  }
0x9: {  	[smem:$0x3FAF] =	sst s1  }
0xa: {  	[smem:$0x3FB0] =	sst s2  }
0xb: {  	[smem:$0x3FB1] =	sst s3  }
0xc: {  	[smem:$0x3FB2] =	sst s4  }
0xd: {  	[smem:$0x3FB3] =	sst s5  }
0xe: {  	[smem:$0x3FB4] =	sst s6  }
0xf: {  	[smem:$0x3FB5] =	sst s7  }
0x10: {  	[smem:$0x3FB6] =	sst s8  }
0x11: {  	[smem:$0x3FB7] =	sst s9;
	s0 =	simm.s32 @!p0 $0x0  }
0x12: {  	s1 =	sld [smem:$0x3F9D];
	s0 =	simm.s32 @p0 $0x1  }
0x13: {  	[smem:$0x3FB8] =	sst s0;
	s0 =	simm.s32 @!p1 $0x0  }
0x14: {  	s2 =	sld [smem:$0x3F9C];
	s0 =	simm.s32 @p1 $0x1  }
0x15: {  	[smem:$0x3FB9] =	sst s0;
	s0 =	simm.s32 @!p2 $0x0  }
0x16: {  	s3 =	sld [smem:$0x3FDB];
	s0 =	simm.s32 @p2 $0x1  }
0x17: {  	s4 =	simm.s32 $0x1BF5;
	[smem:$0x3FBB] =	sst s0  }
0x18: {  	s0 =	sld [smem:$0x3F9E];
	_ =	swait.ge [sflag:s4], $0x0  }
0x19: {  	s7 =	sld [smem:$0x3F9F]  }
0x1a: {  	s8 =	sadd.s32 $0xFFFFE003, lr  }
0x1b: {  	s9 =	sadd.s32 $0xFFFFFEF7, lr;
	s5 =	simm.s32 $0xFFFFFFFF;
	p2 =	slt.u32 s8, $0xFFFFF086  }
0x1c: {  	p1 =	slt.u32 s9, $0xF7A;
	s5 =	simm.s32 @!p2 $0x0  }
0x1d: {  	s5 =	simm.s32 @p1 $0x1;
	p0 =	seq.s32 s7, s2  }
0x1e: {  	s7 =	smul.u32 @!p0 $0xF7A, s2;
	p2 =	seq.s32 @!p0 s5, $0x0  }
0x1f: {  	s9 =	smul.u32 $0xF7A, s1;
	s8 =	simm.s32 @!p0 $0x1BF5;
	p2 =	por !p2, p0  }
0x20: {  	[sflag:s8] =	ssyncset.s32 @!p0 $0xFFFFF086;
	s6 =	sadd.s32 @!p0 s3, s7;
	s7 =	simm.s32 @!p0 $0x108  }
0x21: {  	s3 =	sadd.s32 s3, s9;
	s6 =	sadd.s32 @!p0 $0x88, s6;
	s7 =	simm.s32 @p2 $0x1082  }
0x22: {  	[simem:s7], [sflag:s8] =	dma.local @!p0 [hbm:s6], $0xF7A  }
0x23: {  	s9 =	sor.u32 $0xD0000000, s2;
	s6 =	simm.s32 $0x108;
	_ =	swait.ge @!p0 [sflag:s8], $0x0  }
0x24: {  	s3 =	sadd.s32 $0x88, s3;
	s6 =	simm.s32 @!p1 $0x1082;
	[sflag:s4] =	ssyncset.s32 $0xFFFFF086  }
0x25: {  	[simem:s6], [sflag:s4] =	dma.local [hbm:s3], $0xF7A  }
0x26: {  	[smem:$0x3F9F] =	sst s1;
	(tag) =	ssettag s2;
	_ =	strace s9  }
0x27: {  	s1 =	sld [smem:$0x3FAF]  }
0x28: {  	s2 =	sld [smem:$0x3FB0]  }
0x29: {  	s4 =	sld [smem:$0x3FB2]  }
0x2a: {  	p0 =	seq.s32 s5, $0x0;
	s5 =	sld [smem:$0x3FB3]  }
0x2b: {  	s6 =	sld [smem:$0x3FB4]  }
0x2c: {  	s7 =	sld [smem:$0x3FB5]  }
0x2d: {  	s3 =	simm.s32 $0x108;
	s8 =	sld [smem:$0x3FB6]  }
0x2e: {  	s3 =	simm.s32 @!p0 $0x1082;
	s9 =	sld [smem:$0x3FB7]  }
0x2f: {  	lr =	sadd.s32 s0, s3;
	s0 =	sld [smem:$0x3FAE]  }
0x30: {  	s3 =	sld [smem:$0x3FB1]  }
0x31: {  	[smem:$0x3FBA] =	sst s10  }
0x32: {  	s10 =	sld [smem:$0x3FB8];
	_ =	sdelay $0x3  }
0x33: {  	p0 =	seq.s32 s10, $0x1;
	s10 =	sld [smem:$0x3FBA];
	_ =	sdelay $0x3  }
0x34: {  	[smem:$0x3FBA] =	sst s10  }
0x35: {  	s10 =	sld [smem:$0x3FB9];
	_ =	sdelay $0x3  }
0x36: {  	p1 =	seq.s32 s10, $0x1;
	s10 =	sld [smem:$0x3FBA];
	_ =	sdelay $0x3  }
0x37: {  	[smem:$0x3FBA] =	sst s10  }
0x38: {  	s10 =	sld [smem:$0x3FBB]  }
0x39: {  	_ = 	snop;
	(pc) =	sbr.ind lr, $3  }
0x3a: {  	_ = 	snop  }
0x3b: {  	_ = 	snop  }
0x3c: {  	p2 =	seq.s32 s10, $0x1;
	s10 =	sld [smem:$0x3FBA]  }
0x3d: {  	_ =	shalt  }
0x3e: {  	_ =	shalt  }
0x3f: {  	_ =	shalt  }
0x40: {  	_ =	shalt  }
0x41: {  	_ =	shalt  }
0x42: {  	_ =	shalt  }
0x43: {  	_ =	shalt  }
0x44: {  	_ =	shalt  }
0x45: {  	_ =	shalt  }
0x46: {  	_ =	shalt  }
0x47: {  	_ =	shalt  }
0x48: {  	_ =	shalt  }
0x49: {  	_ =	shalt  }
0x4a: {  	_ =	shalt  }
0x4b: {  	_ =	shalt  }
0x4c: {  	_ =	shalt  }
0x4d: {  	_ =	shalt  }
0x4e: {  	_ =	shalt  }
0x4f: {  	_ =	shalt  }
0x50: {  	_ =	shalt  }
0x51: {  	_ =	shalt  }
0x52: {  	_ =	shalt  }
0x53: {  	_ =	shalt  }
0x54: {  	_ =	shalt  }
0x55: {  	_ =	shalt  }
0x56: {  	_ =	shalt  }
0x57: {  	_ =	shalt  }
0x58: {  	_ =	shalt  }
0x59: {  	_ =	shalt  }
0x5a: {  	_ =	shalt  }
0x5b: {  	_ =	shalt  }
0x5c: {  	_ =	shalt  }
0x5d: {  	_ =	shalt  }
0x5e: {  	_ =	shalt  }
0x5f: {  	_ =	shalt  }
0x60: {  	_ =	shalt  }
0x61: {  	_ =	shalt  }
0x62: {  	_ =	shalt  }
0x63: {  	_ =	shalt  }
0x64: {  	_ =	shalt  }
0x65: {  	_ =	shalt  }
0x66: {  	_ =	shalt  }
0x67: {  	_ =	shalt  }
0x68: {  	_ =	shalt  }
0x69: {  	_ =	shalt  }
0x6a: {  	_ =	shalt  }
0x6b: {  	_ =	shalt  }
0x6c: {  	_ =	shalt  }
0x6d: {  	_ =	shalt  }
0x6e: {  	_ =	shalt  }
0x6f: {  	_ =	shalt  }
0x70: {  	_ =	shalt  }
0x71: {  	_ =	shalt  }
0x72: {  	_ =	shalt  }
0x73: {  	_ =	shalt  }
0x74: {  	_ =	shalt  }
0x75: {  	_ =	shalt  }
0x76: {  	_ =	shalt  }
0x77: {  	_ =	shalt  }
0x78: {  	_ =	shalt  }
0x79: {  	_ =	shalt  }
0x7a: {  	_ =	shalt  }
0x7b: {  	_ =	shalt  }
0x7c: {  	_ =	shalt  }
0x7d: {  	_ =	shalt  }
0x7e: {  	_ =	shalt  }
0x7f: {  	_ =	shalt  }
0x80: {  	_ =	shalt  }
0x81: {  	_ =	shalt  }
0x82: {  	_ =	shalt  }
0x83: {  	_ =	shalt  }
0x84: {  	_ =	shalt  }
0x85: {  	_ =	shalt  }
0x86: {  	_ =	shalt  }
0x87: {  	_ =	shalt  }
.Lfunc_end0:
.L_simem_size_0:
called_computation_lowered:
.L_overlay_start_0:
0x88: {  	s2 =	sld [smem:$0x3FD9]  }
0x89: {  	s3 =	sld [smem:$0x3FFE];
	_ =	sdelay $0x1  }
0x8a: {  	s1 =	srdreg.scid  }
0x8b: {  	s0 =	sand.u32 $0x1, s1  }
0x8c: {  	s16 =	sshll.u32 s0, $0xA;
	s2 =	sadd.s32 s3, s2  }
0x8d: {  	s2 =	sadd.s32 s2, s16  }
0x8e: {  	[smem:$0x3FC6] =	sst s2  }
0x8f: {  	_ = 	snop  }
0x90: {  	(tm) =	ssettm $0x1  }
0x91: {  	s17 =	sld [smem:$0x3FFB];
	_ =	sdelay $0x3  }
0x92: {  	_ =	strace s17  }
0x93: {  	s2 =	sld [smem:$0x3FFC];
	_ =	sdelay $0x3  }
0x94: {  	_ =	strace s2  }
0x95: {  	s2 =	sld [smem:$0x3FFD];
	_ =	sdelay $0x3  }
0x96: {  	_ =	strace s2  }
0x97: {  	_ =	strace $0x8FFFFFFF  }
0x98: {  	s18 =	sld [smem:$0x3FDB];
	_ =	sdelay $0x1  }
0x99: {  	s19 =	simm.s32 $_scs_section_size  }
0x9a: {  	s4 =	simm.s32 $_size__tile_overlayer_lowered;
	s5 =	simm.s32 $_tile_overlayer_lowered  }
0x9b: {  	s22 =	simm.s32 $0x1BFF;
	s21 =	sshll.u32 s5, $0x1;
	s2 =	sadd.s32 s19, s18  }
0x9c: {  	s6 =	simm.s32 $0x0;
	s20 =	sshll.u32 s4, $0x1;
	s4 =	sadd.s32 s21, s2  }
0x9d: {  	[timem:s6], [sflag:s22] =	dma.local [hbm:s4], s20  }
0x9e: {  	_ =	swait.ge [sflag:s22], s20  }
0x9f: {  	s3 =	ssub.s32 $0x0, s20;
	[sflag:s22] =	ssyncset.done $0x0  }
0xa0: {  	[sflag:s22] =	ssyncadd.s32 s3;
	_ =	sdelay $0x1  }
0xa1: {  	s23 =	simm.s32 $0x1B8B  }
0xa2: {  	_ =	swait.ge [sflag:s23], $0x1  }
0xa3: {  	[sflag:s23] =	ssyncset.done $0x0  }
0xa4: {  	s25 =	simm.s32 $0x1B8E;
	s24 =	sld [smem:$0x3FFE];
	[sflag:s23] =	ssyncadd.s32 $0xFFFFFFFF  }
0xa5: {  	s26 =	simm.s32 $execute0_lowered;
	[smem:$0x3FD2] =	sst s25  }
0xa6: {  	s4 =	sshll.u32 s26, $0x1;
	_ =	strace $0x80000046;
	[dreg:$0x1] =	wrdreg $0xFFFFFFFF  }
0xa7: {  	s28 =	simm.s32 $_size_execute0_lowered;
	s2 =	sadd.s32 s2, s4;
	[dreg:$0x0] =	wrdreg $0x0  }
0xa8: {  	s4 =	sshll.u32 s28, $0x1;
	[dreg:$0x2] =	wrdreg s2  }
0xa9: {  	[dreg:$0x3] =	wrdreg s4  }
0xaa: {  	[dreg:$0x4] =	wrdreg $0xC0  }
0xab: {  	_ =	task [dreg:s6], $0x5FFFF  }
0xac: {  	[dreg:$0x1] =	wrdreg $0xFFFFFFFF  }
0xad: {  	[dreg:$0x0] =	wrdreg $0x60  }
0xae: {  	[dreg:$0x2] =	wrdreg s24  }
0xaf: {  	[dreg:$0x3] =	wrdreg $0x9  }
0xb0: {  	_ =	task.clear_ibuf [dreg:s6], $0x4FFFF;
	_ =	strace $0x90000046  }
0xb1: {  	s29 =	simm.s32 $0x9;
	_ =	strace $0x80000048  }
0xb2: {  	_ =	swait.ge [sflag:s29], $0x1  }
0xb3: {  	[sflag:s29] =	ssyncadd.s32 $0xFFFFFFFF  }
0xb4: {  	_ =	strace $0x90000048  }
0xb5: {  	_ =	sfence  }
0xb6: {  	s30 =	sld [smem:$0x0];
	_ =	sdelay $0x2  }
0xb7: {  	s31 =	sshll.u32 s1, $0xD;
	s1 =	sshrl.u32 s1, $0x2  }
0xb8: {  	s3 =	sand.u32 $0x4000, s31;
	s1 =	sadd.s32 s1, s30  }
0xb9: {  	s0 =	sor.u32 s3, s0;
	s1 =	sshll.u32 s1, $0x11  }
0xba: {  	s0 =	sor.u32 s1, s0  }
0xbb: {  	s0 =	sadd.s32 $0x8F2B, s0  }
0xbc: {  	[sflag:s0] =	ssyncadd.remote.s32 $0x1  }
0xbd: {  	_ =	sfence.sel $0xFFFF  }
0xbe: {  	[dreg:$0x0] =	wrdreg $0xFFFFFFFF;
	(pc) =	sbr.abs _section_cstart, $3  }
0xbf: {  	[dreg:$0x1] =	wrdreg $0xFFFFFFFF  }
0xc0: {  	_ =	task.clear_ibuf [dreg:s6], $0x2FFFF;
	_ =	strace $0x9FFFFFFF  }
0xc1: {  	(tm) =	ssettm $0x7FFFFFFF  }
tec
execute0_lowered:
.L_overlay_start_1:
0x0: {  	(tag) =	ssettag $0x1  }
0x1: {  	v0 =	vimm.s32 $0xBA98FEDC;
	v1 =	vimm.s32 $0x32107654  }
0x2: {  	v0 =	vunpack.c.l.s4.s8 v0;
	v1 =	vunpack.c.l.s4.s8 v1  }
0x3: {  	v3 =	vimm.s32 $0xFEDCBA98;
	v6 =	vimm.s32 $0x67452301  }
0x4: {  	s3 =	rddreg [dreg:$0x0];
	v3 =	vunpack.c.l.s4.s8 v3;
	v0 =	vunpack.c.0.s8.s32 v0;
	v1 =	vunpack.c.0.s8.s32 v1  }
0x5: {  	s0 =	rddreg [dreg:$0x1];
	v2 =	vimm.s32 $0x76543210;
	v4 =	vimm.s32 $0xDCFE98BA;
	v6 =	vunpack.c.l.s4.s8 v6  }
0x6: {  	s2 =	simm.s32 $0x0;
	s4 =	srdreg.scid;
	s10 =	simm.s32 $0x2000;
	v2 =	vunpack.c.l.s4.s8 v2;
	v3 =	vunpack.c.0.s8.s32 v3;
	v5 =	vcombine.low v1, v0  }
0x7: {  	s1 =	stileid.u32;
	s11 =	simm.s32 $0x4000;
	s12 =	simm.s32 $0x6000;
	v0 =	vunpack.c.l.s4.s8 v4;
	v1 =	vimm.s32 $0x54761032;
	v4 =	vimm.s32 $0xEFCDAB89  }
0x8: {  	s13 =	simm.s32 $0x8000;
	s4 =	sand.u32 $0x1, s4;
	s5 =	sshll.u32 s1, $0x1;
	v1 =	vunpack.c.l.s4.s8 v1;
	v4 =	vunpack.c.l.s4.s8 v4  }
0x9: {  	s14 =	simm.s32 $0x0;
	[smem:$0x7FF] =	sst s2;
	s5 =	sor.u32 s4, s5;
	v6 =	vunpack.c.0.s8.s32 v6;
	v2 =	vunpack.c.0.s8.s32 v2;
	v3 =	vand.u32 $0xF, v3  }
0xa: {  	_ =	strace $0x80000047;
	s4 =	ssub.s32 $0x2, s4;
	s6 =	sshll.u32 s5, $0xA;
	v0 =	vunpack.c.0.s8.s32 v0;
	v1 =	vunpack.c.0.s8.s32 v1;
	v4 =	vunpack.c.0.s8.s32 v4  }
0xb: {  	s5 =	sshll.u32 s5, $0x4;
	s7 =	sshrl.u32 s4, $0x1;
	s6 =	sadd.s32 s6, s3;
	v2 =	vcombine.low v3, v2  }
0xc: {  	vm0 =	vmmov $0x1;
	s8 =	sadd.s32 s5, s3;
	s9 =	ssub.s32 s4, s7;
	s3 =	sadd.s32 $0x8600, s6;
	v7 =	vcombine.low v1, v0;
	v6 =	vcombine.low v6, v4  }
0xd: {  	s4 =	sadd.s32 $0x600, s6;
	s5 =	sadd.s32 $0x18600, s6;
	s6 =	sadd.s32 $0x10600, s6;
	v3 =	vand.u32 $0xF, v5;
	v0 =	vimm.s32 $0x1;
	v1 =	vimm.s32 $0x0  }
0xe: {  	s7 =	sadd.s32 $0x20600, s8;
	s8 =	smax.u32 s9, $0x1;
	s9 =	simm.s32 $0x1;
	v4 =	vand.u32 $0xF, v7;
	v5 =	vand.u32 $0xF, v6;
	v6 =	vlaneseq.u32  }
.LBB2_1:
0xf: {  	[tilespmem:s2], [sflag:$0x1] =	stream.linear.gather [hbm4b:s3+s2], $0x2000, $0x38;
	[tilespmem:$0x8080] =	vst v63  }
0x10: {  	_ =	swait.ge [sflag:s9], $0x2000  }
0x11: {  	[sflag:s9] =	ssyncset.done $0x0  }
0x12: {  	[sflag:s9] =	ssyncadd.s32 $0xFFFFE000  }
0x13: {  	[tilespmem:s10], [sflag:$0x1] =	stream.linear.gather [hbm4b:s4+s2], $0x2000, $0x38;
	[tilespmem:$0x8080] =	vst v63  }
0x14: {  	_ =	swait.ge [sflag:s9], $0x2000  }
0x15: {  	[sflag:s9] =	ssyncset.done $0x0  }
0x16: {  	[sflag:s9] =	ssyncadd.s32 $0xFFFFE000  }
0x17: {  	[tilespmem:s11], [sflag:$0x1] =	stream.linear.gather [hbm4b:s5+s2], $0x2000, $0x38;
	[tilespmem:$0x8080] =	vst v63  }
0x18: {  	_ =	swait.ge [sflag:s9], $0x2000  }
0x19: {  	[sflag:s9] =	ssyncset.done $0x0  }
0x1a: {  	[sflag:s9] =	ssyncadd.s32 $0xFFFFE000  }
0x1b: {  	[tilespmem:s12], [sflag:$0x1] =	stream.linear.gather [hbm4b:s6+s2], $0x2000, $0x38;
	[tilespmem:$0x8080] =	vst v63  }
0x1c: {  	_ =	swait.ge [sflag:s9], $0x2000  }
0x1d: {  	[sflag:s9] =	ssyncset.done $0x0  }
0x1e: {  	v7 =	vimm.f32 $0.0e+00;
	s15 =	simm.s32 $0x0;
	[sflag:s9] =	ssyncadd.s32 $0xFFFFE000  }
.LBB2_2:
0x1f: {  	s16 =	sshll.u32 s15, $0x7  }
0x20: {  	[tilespmem:$0x1FD00] =	vst v7;
	v7 =	vld [tilespmem:s16+$0x0];
	_ =	sdelay $0x4  }
0x21: {  	[tilespmem:$0x1FD10] =	vst v7;
	v7 =	vld [tilespmem:s16+$0x2000]  }
0x22: {  	s18 =	sor.u32 $0x870, s16  }
0x23: {  	[dreg:$0xc] =	wrdreg s18;
	s18 =	sor.u32 $0xA40, s16  }
0x24: {  	[dreg:$0x19] =	wrdreg s18;
	s18 =	sor.u32 $0x1010, s16  }
0x25: {  	[smem:$0x7C3] =	sst s18;
	s18 =	sor.u32 $0x10, s16  }
0x26: {  	[tilespmem:$0x1FD20] =	vst v7;
	v7 =	vld [tilespmem:s18+$0x0];
	_ =	sdelay $0x4  }
0x27: {  	[tilespmem:$0x1FD30] =	vst v7;
	v7 =	vld [tilespmem:s16+$0x2010]  }
0x28: {  	s25 =	sor.u32 $0x810, s16  }
0x29: {  	[dreg:$0x6] =	wrdreg s25;
	s25 =	sor.u32 $0xC60, s16  }
0x2a: {  	[dreg:$0x13] =	wrdreg s25;
	s25 =	sor.u32 $0xE30, s16  }
0x2b: {  	[smem:$0x7BD] =	sst s25;
	s25 =	sor.u32 $0x20, s16  }
0x2c: {  	[tilespmem:$0x1FD40] =	vst v7;
	v7 =	vld [tilespmem:s25+$0x0];
	_ =	sdelay $0x4  }
0x2d: {  	[tilespmem:$0x1FD50] =	vst v7;
	v7 =	vld [tilespmem:s16+$0x2020]  }
0x2e: {  	s29 =	sor.u32 $0x840, s16  }
0x2f: {  	[dreg:$0x9] =	wrdreg s29;
	s29 =	sor.u32 $0xA10, s16  }
0x30: {  	[dreg:$0x16] =	wrdreg s29;
	s29 =	sor.u32 $0xE60, s16  }
0x31: {  	[smem:$0x7C0] =	sst s29;
	s29 =	sor.u32 $0x30, s16  }
0x32: {  	[tilespmem:$0x1FD60] =	vst v7;
	v7 =	vld [tilespmem:s29+$0x0];
	_ =	sdelay $0x4  }
0x33: {  	[tilespmem:$0x1FD70] =	vst v7;
	v7 =	vld [tilespmem:s16+$0x2030]  }
0x34: {  	s19 =	sor.u32 $0xC00, s16  }
0x35: {  	[dreg:$0xd] =	wrdreg s19;
	s19 =	sor.u32 $0xA50, s16  }
0x36: {  	[dreg:$0x1a] =	wrdreg s19;
	s19 =	sor.u32 $0x1020, s16  }
0x37: {  	[smem:$0x7C4] =	sst s19;
	s19 =	sor.u32 $0x40, s16  }
0x38: {  	[tilespmem:$0x1FD80] =	vst v7;
	v7 =	vld [tilespmem:s19+$0x0];
	_ =	sdelay $0x4  }
0x39: {  	s22 =	sor.u32 $0x660, s16;
	[tilespmem:$0x1FD90] =	vst v7;
	v7 =	vld [tilespmem:s16+$0x2040]  }
0x3a: {  	[dreg:$0x3] =	wrdreg s22;
	s22 =	sor.u32 $0xC30, s16  }
0x3b: {  	[dreg:$0x10] =	wrdreg s22;
	s22 =	sor.u32 $0xE00, s16  }
0x3c: {  	[dreg:$0x1d] =	wrdreg s22;
	s22 =	sor.u32 $0x1050, s16  }
0x3d: {  	[smem:$0x7C7] =	sst s22;
	s22 =	sor.u32 $0x50, s16  }
0x3e: {  	[tilespmem:$0x1FDA0] =	vst v7;
	v7 =	vld [tilespmem:s22+$0x0];
	_ =	sdelay $0x4  }
0x3f: {  	[tilespmem:$0x1FDB0] =	vst v7;
	v7 =	vld [tilespmem:s16+$0x2050];
	_ =	sdelay $0x3  }
0x40: {  	s25 =	sor.u32 $0x60, s16  }
0x41: {  	[tilespmem:$0x1FDC0] =	vst v7;
	v7 =	vld [tilespmem:s25+$0x0];
	_ =	sdelay $0x4  }
0x42: {  	[tilespmem:$0x1FDD0] =	vst v7;
	v7 =	vld [tilespmem:s16+$0x2060];
	_ =	sdelay $0x3  }
0x43: {  	s29 =	sor.u32 $0x70, s16  }
0x44: {  	[tilespmem:$0x1FDE0] =	vst v7;
	v7 =	vld [tilespmem:s29+$0x0];
	_ =	sdelay $0x4  }
0x45: {  	[tilespmem:$0x1FDF0] =	vst v7;
	v7 =	vld [tilespmem:s16+$0x2070];
	_ =	sdelay $0x3  }
0x46: {  	s19 =	sor.u32 $0x400, s16  }
0x47: {  	[tilespmem:$0x1FE00] =	vst v7;
	v7 =	vld [tilespmem:s19+$0x0];
	_ =	sdelay $0x4  }
0x48: {  	[tilespmem:$0x1FE10] =	vst v7;
	v7 =	vld [tilespmem:s16+$0x2400];
	_ =	sdelay $0x3  }
0x49: {  	s22 =	sor.u32 $0x410, s16  }
0x4a: {  	[tilespmem:$0x1FE20] =	vst v7;
	v7 =	vld [tilespmem:s22+$0x0];
	_ =	sdelay $0x4  }
0x4b: {  	[tilespmem:$0x1FE30] =	vst v7;
	v7 =	vld [tilespmem:s16+$0x2410];
	_ =	sdelay $0x3  }
0x4c: {  	s25 =	sor.u32 $0x420, s16  }
0x4d: {  	[tilespmem:$0x1FE40] =	vst v7;
	v7 =	vld [tilespmem:s25+$0x0];
	_ =	sdelay $0x4  }
0x4e: {  	[tilespmem:$0x1FE50] =	vst v7;
	v7 =	vld [tilespmem:s16+$0x2420];
	_ =	sdelay $0x3  }
0x4f: {  	s29 =	sor.u32 $0x430, s16  }
0x50: {  	[tilespmem:$0x1FE60] =	vst v7;
	v7 =	vld [tilespmem:s29+$0x0];
	_ =	sdelay $0x4  }
0x51: {  	[tilespmem:$0x1FE70] =	vst v7;
	v7 =	vld [tilespmem:s16+$0x2430];
	_ =	sdelay $0x3  }
0x52: {  	s19 =	sor.u32 $0x440, s16  }
0x53: {  	[tilespmem:$0x1FE80] =	vst v7;
	v7 =	vld [tilespmem:s19+$0x0];
	_ =	sdelay $0x4  }
0x54: {  	[tilespmem:$0x1FE90] =	vst v7;
	v7 =	vld [tilespmem:s16+$0x2440];
	_ =	sdelay $0x3  }
0x55: {  	s22 =	sor.u32 $0x450, s16  }
0x56: {  	[tilespmem:$0x1FEA0] =	vst v7;
	v7 =	vld [tilespmem:s22+$0x0];
	_ =	sdelay $0x4  }
0x57: {  	[tilespmem:$0x1FEB0] =	vst v7;
	v7 =	vld [tilespmem:s16+$0x2450];
	_ =	sdelay $0x3  }
0x58: {  	s25 =	sor.u32 $0x460, s16  }
0x59: {  	[tilespmem:$0x1FEC0] =	vst v7;
	v7 =	vld [tilespmem:s25+$0x0];
	_ =	sdelay $0x4  }
0x5a: {  	[tilespmem:$0x1FED0] =	vst v7;
	v7 =	vld [tilespmem:s16+$0x2460];
	_ =	sdelay $0x3  }
0x5b: {  	s29 =	sor.u32 $0x470, s16  }
0x5c: {  	[tilespmem:$0x1FEE0] =	vst v7;
	v7 =	vld [tilespmem:s29+$0x0];
	_ =	sdelay $0x4  }
0x5d: {  	[tilespmem:$0x1FEF0] =	vst v7;
	v7 =	vld [tilespmem:s16+$0x2470]  }
0x5e: {  	s17 =	sor.u32 $0x650, s16  }
0x5f: {  	s23 =	sor.u32 $0x670, s16;
	[dreg:$0x2] =	wrdreg s17  }
0x60: {  	s24 =	sor.u32 $0x800, s16;
	[dreg:$0x4] =	wrdreg s23  }
0x61: {  	s26 =	sor.u32 $0x820, s16;
	[dreg:$0x5] =	wrdreg s24;
	s17 =	sor.u32 $0x200, s16  }
0x62: {  	s28 =	sor.u32 $0x830, s16;
	[dreg:$0x7] =	wrdreg s26;
	[tilespmem:$0x1FF00] =	vst v7;
	v7 =	vld [tilespmem:s17+$0x0]  }
0x63: {  	s30 =	sor.u32 $0x850, s16;
	[dreg:$0x8] =	wrdreg s28  }
0x64: {  	s31 =	sor.u32 $0x860, s16;
	[dreg:$0xa] =	wrdreg s30  }
0x65: {  	s20 =	sor.u32 $0xC10, s16;
	[dreg:$0xb] =	wrdreg s31  }
0x66: {  	[dreg:$0xe] =	wrdreg s20;
	s20 =	sor.u32 $0xA60, s16  }
0x67: {  	[dreg:$0x1b] =	wrdreg s20;
	s20 =	sor.u32 $0x1030, s16;
	[tilespmem:$0x1FF10] =	vst v7;
	v7 =	vld [tilespmem:s16+$0x2200]  }
0x68: {  	[smem:$0x7C5] =	sst s20;
	s20 =	sor.u32 $0x1440, s16  }
0x69: {  	[smem:$0x7CE] =	sst s20;
	s20 =	sor.u32 $0x1240, s16  }
0x6a: {  	[smem:$0x7D6] =	sst s20;
	s20 =	sor.u32 $0x1640, s16  }
0x6b: {  	s21 =	sor.u32 $0xC20, s16;
	[smem:$0x7DE] =	sst s20;
	s20 =	sor.u32 $0x210, s16  }
0x6c: {  	[dreg:$0xf] =	wrdreg s21;
	s23 =	sor.u32 $0xC40, s16;
	[tilespmem:$0x1FF20] =	vst v7;
	v7 =	vld [tilespmem:s20+$0x0]  }
0x6d: {  	s24 =	sor.u32 $0xC50, s16;
	[dreg:$0x11] =	wrdreg s23  }
0x6e: {  	s26 =	sor.u32 $0xC70, s16;
	[dreg:$0x12] =	wrdreg s24  }
0x6f: {  	s28 =	sor.u32 $0xA00, s16;
	[dreg:$0x14] =	wrdreg s26  }
0x70: {  	[dreg:$0x15] =	wrdreg s28;
	s23 =	sor.u32 $0xE10, s16  }
0x71: {  	[dreg:$0x1e] =	wrdreg s23;
	s23 =	sor.u32 $0x1060, s16;
	[tilespmem:$0x1FF30] =	vst v7;
	v7 =	vld [tilespmem:s16+$0x2210]  }
0x72: {  	[smem:$0x7C8] =	sst s23;
	s23 =	sor.u32 $0x1460, s16  }
0x73: {  	[smem:$0x7D0] =	sst s23;
	s23 =	sor.u32 $0x1260, s16  }
0x74: {  	[smem:$0x7D8] =	sst s23;
	s23 =	sor.u32 $0x1660, s16  }
0x75: {  	s30 =	sor.u32 $0xA20, s16;
	[smem:$0x7E0] =	sst s23;
	s23 =	sor.u32 $0x220, s16  }
0x76: {  	s31 =	sor.u32 $0xA30, s16;
	[dreg:$0x17] =	wrdreg s30;
	[tilespmem:$0x1FF40] =	vst v7;
	v7 =	vld [tilespmem:s23+$0x0]  }
0x77: {  	s21 =	sor.u32 $0xA70, s16;
	[dreg:$0x18] =	wrdreg s31  }
0x78: {  	[dreg:$0x1c] =	wrdreg s21;
	s24 =	sor.u32 $0xE20, s16  }
0x79: {  	s26 =	sor.u32 $0xE40, s16;
	[dreg:$0x1f] =	wrdreg s24  }
0x7a: {  	s28 =	sor.u32 $0xE50, s16;
	[smem:$0x7BE] =	sst s26  }
0x7b: {  	[smem:$0x7BF] =	sst s28;
	s26 =	sor.u32 $0x1400, s16;
	[tilespmem:$0x1FF50] =	vst v7;
	v7 =	vld [tilespmem:s16+$0x2220]  }
0x7c: {  	[smem:$0x7CA] =	sst s26;
	s26 =	sor.u32 $0x1200, s16  }
0x7d: {  	[smem:$0x7D2] =	sst s26;
	s26 =	sor.u32 $0x1600, s16  }
0x7e: {  	[smem:$0x7DA] =	sst s26;
	s26 =	sor.u32 $0x1800, s16  }
0x7f: {  	s30 =	sor.u32 $0xE70, s16;
	[smem:$0x7E2] =	sst s26;
	s26 =	sor.u32 $0x230, s16  }
0x80: {  	s31 =	sor.u32 $0x1000, s16;
	[smem:$0x7C1] =	sst s30;
	[tilespmem:$0x1FF60] =	vst v7;
	v7 =	vld [tilespmem:s26+$0x0]  }
0x81: {  	s21 =	sor.u32 $0x1040, s16;
	[smem:$0x7C2] =	sst s31  }
0x82: {  	[smem:$0x7C6] =	sst s21;
	s24 =	sor.u32 $0x1070, s16  }
0x83: {  	s28 =	sor.u32 $0x1410, s16;
	[smem:$0x7C9] =	sst s24  }
0x84: {  	s30 =	sor.u32 $0x1420, s16;
	[smem:$0x7CB] =	sst s28  }
0x85: {  	s31 =	sor.u32 $0x1430, s16;
	[smem:$0x7CC] =	sst s30;
	[tilespmem:$0x1FF70] =	vst v7;
	v7 =	vld [tilespmem:s16+$0x2230]  }
0x86: {  	[smem:$0x7CD] =	sst s31;
	s30 =	sor.u32 $0x1220, s16  }
0x87: {  	[smem:$0x7D4] =	sst s30;
	s30 =	sor.u32 $0x1620, s16  }
0x88: {  	[smem:$0x7DC] =	sst s30;
	s30 =	sor.u32 $0x1820, s16  }
0x89: {  	s21 =	sor.u32 $0x1450, s16;
	[smem:$0x7E4] =	sst s30;
	s30 =	sor.u32 $0x240, s16  }
0x8a: {  	[smem:$0x7CF] =	sst s21;
	s24 =	sor.u32 $0x1470, s16;
	[tilespmem:$0x1FF80] =	vst v7;
	v7 =	vld [tilespmem:s30+$0x0]  }
0x8b: {  	s28 =	sor.u32 $0x1210, s16;
	[smem:$0x7D1] =	sst s24  }
0x8c: {  	s31 =	sor.u32 $0x1230, s16;
	[smem:$0x7D3] =	sst s28  }
0x8d: {  	s21 =	sor.u32 $0x1250, s16;
	[smem:$0x7D5] =	sst s31  }
0x8e: {  	[smem:$0x7D7] =	sst s21;
	s24 =	sor.u32 $0x1270, s16  }
0x8f: {  	s28 =	sor.u32 $0x1610, s16;
	[smem:$0x7D9] =	sst s24;
	[tilespmem:$0x1FF90] =	vst v7;
	v7 =	vld [tilespmem:s16+$0x2240]  }
0x90: {  	s31 =	sor.u32 $0x1630, s16;
	[smem:$0x7DB] =	sst s28  }
0x91: {  	s21 =	sor.u32 $0x1650, s16;
	[smem:$0x7DD] =	sst s31  }
0x92: {  	[smem:$0x7DF] =	sst s21;
	s21 =	sor.u32 $0x1860, s16  }
0x93: {  	s24 =	sor.u32 $0x1670, s16;
	[smem:$0x7E8] =	sst s21;
	s21 =	sor.u32 $0x250, s16  }
0x94: {  	s28 =	sor.u32 $0x1810, s16;
	[smem:$0x7E1] =	sst s24;
	[tilespmem:$0x1FFA0] =	vst v7;
	v7 =	vld [tilespmem:s21+$0x0]  }
0x95: {  	s31 =	sor.u32 $0x1840, s16;
	[smem:$0x7E3] =	sst s28  }
0x96: {  	[smem:$0x7E6] =	sst s31;
	s31 =	sor.u32 $0x1C40, s16  }
0x97: {  	s24 =	sor.u32 $0x1C00, s16;
	[smem:$0x7EE] =	sst s31;
	s31 =	sor.u32 $0x600, s16  }
0x98: {  	s28 =	sor.u32 $0x1C20, s16;
	[smem:$0x7EA] =	sst s24;
	v56 =	vld [tilespmem:s31+$0x0]  }
0x99: {  	[smem:$0x7EC] =	sst s28;
	s31 =	sor.u32 $0x1E30, s16;
	[tilespmem:$0x1FFB0] =	vst v7;
	v7 =	vld [tilespmem:s16+$0x2250]  }
0x9a: {  	[smem:$0x7FD] =	sst s31;
	s19 =	sor.u32 $0x1830, s16  }
0x9b: {  	[smem:$0x7E5] =	sst s19;
	s19 =	sor.u32 $0x1850, s16  }
0x9c: {  	[smem:$0x7E7] =	sst s19;
	s22 =	sor.u32 $0x1870, s16  }
0x9d: {  	s24 =	sor.u32 $0x260, s16;
	[smem:$0x7E9] =	sst s22;
	s22 =	sor.u32 $0x1C60, s16  }
0x9e: {  	[smem:$0x7F0] =	sst s22;
	s25 =	sor.u32 $0x1C10, s16;
	[tilespmem:$0x1FFC0] =	vst v7;
	v7 =	vld [tilespmem:s24+$0x0]  }
0x9f: {  	[smem:$0x7EB] =	sst s25;
	s25 =	sor.u32 $0x1A00, s16  }
0xa0: {  	[smem:$0x7F2] =	sst s25;
	s29 =	sor.u32 $0x1C30, s16  }
0xa1: {  	[smem:$0x7ED] =	sst s29;
	s29 =	sor.u32 $0x1A20, s16  }
0xa2: {  	v55 =	vld [tilespmem:s16+$0x2270];
	[smem:$0x7F4] =	sst s29;
	s20 =	sor.u32 $0x1C50, s16  }
0xa3: {  	[smem:$0x7EF] =	sst s20;
	s20 =	sor.u32 $0x1A40, s16;
	[tilespmem:$0x1FFD0] =	vst v7;
	v7 =	vld [tilespmem:s16+$0x2260]  }
0xa4: {  	v57 =	vld [tilespmem:s16+$0x2600];
	s28 =	sor.u32 $0x270, s16;
	[smem:$0x7F6] =	sst s20;
	s23 =	sor.u32 $0x1C70, s16  }
0xa5: {  	v59 =	vld [tilespmem:s16+$0x2610];
	s18 =	sor.u32 $0x1E40, s16;
	[smem:$0x7F1] =	sst s23;
	s23 =	sor.u32 $0x1A60, s16  }
0xa6: {  	v62 =	vld [tilespmem:s16+$0x2620];
	s22 =	sor.u32 $0x610, s16;
	[smem:$0x7F8] =	sst s23;
	s26 =	sor.u32 $0x1A10, s16  }
0xa7: {  	s19 =	sor.u32 $0x1E50, s16;
	v58 =	vld [tilespmem:s22+$0x0];
	[smem:$0x7F3] =	sst s26;
	s26 =	sor.u32 $0x1E00, s16  }
0xa8: {  	v60 =	vimm.s32 $0x0;
	s22 =	simm.s32 $0x0;
	[smem:$0x7FA] =	sst s26;
	s30 =	sor.u32 $0x1A30, s16;
	[tilespmem:$0x1FFE0] =	vst v7;
	v7 =	vld [tilespmem:s28+$0x0]  }
0xa9: {  	v63 =	vimm.s32 $0x0;
	v8 =	vimm.s32 $0x0;
	v11 =	vimm.s32 $0x0;
	v15 =	vld [tilespmem:s16+$0x2630];
	s25 =	sor.u32 $0x620, s16;
	[smem:$0x7F5] =	sst s30;
	s30 =	sor.u32 $0x1E20, s16  }
0xaa: {  	v12 =	vimm.s32 $0x0;
	v14 =	vimm.s32 $0x0;
	v16 =	vimm.s32 $0x0;
	v22 =	vld [tilespmem:s16+$0x2640];
	s29 =	sor.u32 $0x630, s16;
	[smem:$0x7FC] =	sst s30;
	s21 =	sor.u32 $0x1A50, s16  }
0xab: {  	v9 =	vimm.f32 $0.0e+00;
	v13 =	vimm.f32 $0.0e+00;
	v17 =	vimm.f32 $0.0e+00;
	v61 =	vld [tilespmem:s25+$0x0];
	s20 =	sor.u32 $0x1E60, s16;
	[smem:$0x7F7] =	sst s21;
	s24 =	sor.u32 $0x1A70, s16  }
0xac: {  	v18 =	vimm.f32 $0.0e+00;
	v19 =	vimm.f32 $0.0e+00;
	v21 =	vimm.f32 $0.0e+00;
	v10 =	vld [tilespmem:s29+$0x0];
	s21 =	sor.u32 $0x640, s16;
	[smem:$0x7F9] =	sst s24;
	s28 =	sor.u32 $0x1E10, s16  }
0xad: {  	v23 =	vimm.f32 $0.0e+00;
	v24 =	vimm.f32 $0.0e+00;
	s23 =	simm.s32 $0x0;
	v20 =	vld [tilespmem:s21+$0x0];
	s21 =	sor.u32 $0x1E70, s16;
	[smem:$0x7FB] =	sst s28;
	[tilespmem:$0x1FFF0] =	vst v7;
	v7 =	vimm.s32 $0x0  }
.LBB2_3:
0xae: {  	s24 =	sand.u32 $0x70, s23;
	s25 =	sand.u32 $0x400, s22  }
0xaf: {  	v28 =	vld [tilespmem:$0x1FD10];
	s24 =	sor.u32 s24, s25  }
0xb0: {  	v29 =	vld [tilespmem:$0x1FD20];
	s25 =	sor.u32 s16, s24  }
0xb1: {  	v25 =	vld [tilespmem:s25+$0x4000]  }
0xb2: {  	v26 =	vld [tilespmem:s25+$0x6000]  }
0xb3: {  	v30 =	vld [tilespmem:$0x1FD40]  }
0xb4: {  	v49 =	vld [tilespmem:$0x1FD50]  }
0xb5: {  	s26 =	sand.u32 $0xF, s23;
	v32 =	vld [tilespmem:$0x1FD60]  }
0xb6: {  	v33 =	vld [tilespmem:$0x1FD80];
	v27 =	vmov s26  }
0xb7: {  	v34 =	vld [tilespmem:$0x1FDA0];
	v25 =	vperm.xlane v25, v27;
	v26 =	vperm.xlane v26, v27  }
0xb8: {  	v31 =	vand.u32 $0x1, v16;
	v48 =	vand.u32 $0x2, v16;
	v54 =	vand.u32 $0x4, v16;
	v35 =	vld [tilespmem:$0x1FDE0]  }
0xb9: {  	v36 =	vld [tilespmem:$0x1FD70];
	v38 =	vand.u32 $0x8, v16;
	v28 =	vsub.f32 v25, v28;
	v29 =	vsub.f32 v26, v29  }
0xba: {  	v47 =	vld [tilespmem:$0x1FD30];
	vm3 =	veq.s32 v31, $0x0;
	v30 =	vsub.f32 v26, v30;
	v31 =	vsub.f32 v25, v49  }
0xbb: {  	v40 =	vand.u32 $0x10, v16;
	v32 =	vsub.f32 v26, v32;
	v33 =	vsub.f32 v26, v33  }
0xbc: {  	v34 =	vsub.f32 v26, v34;
	v28 =	vmul.f32 v28, v28;
	v29 =	vmul.f32 v29, v29  }
0xbd: {  	v35 =	vsub.f32 v26, v35;
	v30 =	vmul.f32 v30, v30;
	v50 =	vmul.f32 v31, v31  }
0xbe: {  	v41 =	vld [tilespmem:$0x1FDB0];
	v51 =	vmul.f32 v32, v32;
	v31 =	vsub.f32 v25, v36;
	v33 =	vmul.f32 v33, v33  }
0xbf: {  	v37 =	vld [tilespmem:$0x1FD90];
	v34 =	vmul.f32 v34, v34;
	v28 =	vadd.f32 v29, v28;
	v29 =	vsub.f32 v25, v47  }
0xc0: {  	v46 =	vand.u32 $0x20, v16;
	v35 =	vmul.f32 v35, v35;
	v36 =	vld [tilespmem:$0x1FDF0];
	v31 =	vmul.f32 v31, v31  }
0xc1: {  	vm1 =	vlt.f32 v28, $+Inf;
	vm2 =	vgt.f32 v28, $+Inf;
	v29 =	vmul.f32 v29, v29  }
0xc2: {  	v53 =	vadd.f32 v51, v50;
	v31 =	vadd.f32 v33, v31;
	vm1 =	vmor vm2, vm1  }
0xc3: {  	v42 =	vld [tilespmem:$0x1FDC0];
	v33 =	vsub.f32 v25, v41;
	vm1 =	vmand vm3, vm1;
	v29 =	vadd.f32 v30, v29  }
0xc4: {  	v41 =	vand.u32 $0x80, v16;
	v30 =	vsub.f32 v25, v37;
	v37 =	vld [tilespmem:$0x1FE00];
	v28 =	vnsel vm1, $0x7F800000, v28  }
0xc5: {  	v36 =	vsub.f32 v25, v36;
	vm1 =	veq.s32 v48, $0x0;
	vm2 =	vlt.f32 v29, v28  }
0xc6: {  	v43 =	vmul.f32 v33, v33;
	v30 =	vmul.f32 v30, v30;
	vm1 =	vmand vm1, vm2  }
0xc7: {  	v45 =	vld [tilespmem:$0x1FDD0];
	v48 =	vand.u32 $0x40, v16;
	v52 =	vsel vm1, $0x1, v1;
	v28 =	vsel vm1, v29, v28  }
0xc8: {  	vm1 =	veq.s32 v54, $0x0;
	v39 =	vadd.f32 v34, v30;
	v34 =	vsub.f32 v26, v42  }
0xc9: {  	v42 =	vand.u32 $0x200, v16;
	vm2 =	vlt.f32 v53, v28;
	v37 =	vsub.f32 v26, v37  }
0xca: {  	vm15 =	veq.s32 v42, $0x0;
	vm1 =	vmand vm1, vm2;
	vm2 =	veq.s32 v40, $0x0  }
0xcb: {  	vm3 =	vlt.f32 v39, $+Inf;
	vm4 =	vgt.f32 v39, $+Inf;
	v44 =	vmul.f32 v34, v34  }
0xcc: {  	v34 =	vsub.f32 v25, v45;
	v40 =	vand.u32 $0x100, v16;
	v32 =	vsel vm1, $0x2, v52  }
0xcd: {  	v51 =	vld [tilespmem:$0x1FE20];
	v28 =	vsel vm1, v53, v28;
	vm1 =	veq.s32 v38, $0x0;
	vm3 =	vmor vm4, vm3  }
0xce: {  	v50 =	vld [tilespmem:$0x1FE10];
	v53 =	vmul.f32 v36, v36;
	v54 =	vmul.f32 v37, v37;
	vm2 =	vmand vm2, vm3  }
0xcf: {  	v38 =	vld [tilespmem:$0x1FE30];
	vm3 =	vlt.f32 v31, v28;
	v30 =	vadd.f32 v44, v43;
	v34 =	vmul.f32 v34, v34  }
0xd0: {  	v43 =	vld [tilespmem:$0x1FE50];
	v29 =	vnsel vm2, $0x7F800000, v39;
	vm1 =	vmand vm1, vm3;
	vm3 =	veq.s32 v46, $0x0  }
0xd1: {  	v44 =	vld [tilespmem:$0x1FE60];
	v49 =	vsel vm2, $0x4, v1;
	vm2 =	veq.s32 v48, $0x0;
	vm13 =	vlt.f32 v30, v29  }
0xd2: {  	v47 =	vadd.f32 v35, v34;
	v34 =	vsub.f32 v26, v51;
	vm3 =	vmand vm3, vm13  }
0xd3: {  	v32 =	vsel vm1, $0x3, v32;
	v31 =	vsel vm1, v31, v28;
	v29 =	vsel vm3, v30, v29  }
0xd4: {  	v30 =	vsub.f32 v25, v50;
	v35 =	vsel vm3, $0x5, v49;
	v34 =	vmul.f32 v34, v34  }
0xd5: {  	v39 =	vld [tilespmem:$0x1FE40];
	v33 =	vsub.f32 v25, v38;
	vm3 =	veq.s32 v40, $0x0;
	v49 =	vand.u32 $0x400, v16  }
0xd6: {  	v50 =	vld [tilespmem:$0x1FE70];
	vm14 =	vlt.f32 v47, v29;
	v36 =	vsub.f32 v25, v43;
	v37 =	vsub.f32 v26, v44  }
0xd7: {  	v38 =	vld [tilespmem:$0x1FE80];
	v43 =	vand.u32 $0x1000, v16;
	vm2 =	vmand vm2, vm14;
	v30 =	vmul.f32 v30, v30  }
0xd8: {  	v33 =	vmul.f32 v33, v33;
	vm9 =	veq.s32 v43, $0x0;
	v52 =	vsel vm2, $0x6, v35  }
0xd9: {  	v35 =	vadd.f32 v54, v53;
	v45 =	vmul.f32 v36, v36;
	v46 =	vmul.f32 v37, v37  }
0xda: {  	v29 =	vsel vm2, v47, v29;
	v30 =	vadd.f32 v34, v30;
	v34 =	vsub.f32 v26, v39  }
0xdb: {  	v51 =	vld [tilespmem:$0x1FE90];
	v54 =	vand.u32 $0x800, v16;
	v48 =	vadd.f32 v46, v45;
	v36 =	vsub.f32 v25, v50  }
0xdc: {  	v39 =	vld [tilespmem:$0x1FEA0];
	v38 =	vsub.f32 v26, v38;
	vm1 =	vlt.f32 v30, $+Inf;
	vm2 =	vgt.f32 v30, $+Inf  }
0xdd: {  	s24 =	sor.u32 s17, s24;
	v45 =	vand.u32 $0x2000, v16;
	v34 =	vmul.f32 v34, v34;
	vm1 =	vmor vm2, vm1  }
0xde: {  	v50 =	vld [tilespmem:s24+$0x6000];
	vm2 =	veq.s32 v41, $0x0;
	v36 =	vmul.f32 v36, v36;
	v38 =	vmul.f32 v38, v38  }
0xdf: {  	vm1 =	vmand vm3, vm1;
	v33 =	vadd.f32 v34, v33;
	vm3 =	vlt.f32 v35, v29  }
0xe0: {  	v41 =	vld [tilespmem:$0x1FEB0];
	v34 =	vsub.f32 v25, v51;
	v30 =	vnsel vm1, $0x7F800000, v30;
	vm2 =	vmand vm2, vm3  }
0xe1: {  	v47 =	vsel vm1, $0x8, v1;
	v39 =	vsub.f32 v26, v39;
	vm5 =	vlt.f32 v33, v30  }
0xe2: {  	v42 =	vld [tilespmem:$0x1FEC0];
	v34 =	vmul.f32 v34, v34;
	v40 =	vsel vm2, $0x7, v52;
	v35 =	vsel vm2, v35, v29  }
0xe3: {  	v29 =	vperm.xlane v50, v27;
	vm1 =	vmand vm15, vm5;
	v39 =	vmul.f32 v39, v39  }
0xe4: {  	v37 =	vsel vm1, $0x9, v47;
	v30 =	vsel vm1, v33, v30;
	vm1 =	veq.s32 v49, $0x0  }
0xe5: {  	v33 =	vadd.f32 v38, v36;
	v36 =	vsub.f32 v25, v41;
	vm3 =	vlt.f32 v48, v30  }
0xe6: {  	v46 =	vld [tilespmem:$0x1FED0];
	v50 =	vand.u32 $0x1, v14;
	v53 =	vadd.f32 v39, v34;
	vm1 =	vmand vm1, vm3  }
0xe7: {  	v47 =	vld [tilespmem:$0x1FEE0];
	v36 =	vmul.f32 v36, v36;
	v52 =	vsel vm1, $0xA, v37;
	v37 =	vsub.f32 v26, v42  }
0xe8: {  	v30 =	vsel vm1, v48, v30;
	vm2 =	vlt.f32 v53, $+Inf;
	vm3 =	vgt.f32 v53, $+Inf  }
0xe9: {  	vm1 =	veq.s32 v54, $0x0;
	v48 =	vld [tilespmem:s24+$0x4000];
	vm2 =	vmor vm3, vm2;
	v37 =	vmul.f32 v37, v37  }
0xea: {  	v54 =	vld [tilespmem:$0x1FF00];
	v42 =	vand.u32 $0x4000, v16;
	vm8 =	vlt.f32 v33, v30;
	vm2 =	vmand vm9, vm2  }
0xeb: {  	vm3 =	veq.s32 v45, $0x0;
	v49 =	vnsel vm2, $0x7F800000, v53;
	v53 =	vld [tilespmem:$0x1FEF0];
	v44 =	vadd.f32 v37, v36  }
0xec: {  	v45 =	vld [tilespmem:$0x1FF20];
	vm1 =	vmand vm1, vm8;
	v38 =	vsub.f32 v26, v47;
	v37 =	vsub.f32 v25, v46  }
0xed: {  	vm11 =	veq.s32 v42, $0x0;
	v41 =	vsel vm1, $0xB, v52;
	vm10 =	vlt.f32 v44, v49  }
0xee: {  	v52 =	vmul.f32 v38, v38;
	v51 =	vmul.f32 v37, v37;
	vm3 =	vmand vm3, vm10  }
0xef: {  	v43 =	vsel vm2, $0xC, v1;
	v26 =	vsub.f32 v26, v54;
	v34 =	vsel vm3, v44, v49;
	v44 =	vld [tilespmem:$0x1FF10]  }
0xf0: {  	v30 =	vsel vm1, v33, v30;
	v25 =	vsub.f32 v25, v53;
	v36 =	vadd.f32 v52, v51;
	v49 =	vld [tilespmem:$0x1FF40]  }
0xf1: {  	v28 =	vperm.xlane v48, v27;
	v39 =	vsub.f32 v29, v45;
	v26 =	vmul.f32 v26, v26;
	v53 =	vld [tilespmem:$0x1FF60]  }
0xf2: {  	v37 =	vsel vm3, $0xD, v43;
	v25 =	vmul.f32 v25, v25;
	vm12 =	vlt.f32 v36, v34  }
0xf3: {  	v45 =	vld [tilespmem:$0x1FFA0];
	v46 =	vmul.f32 v39, v39;
	v51 =	vand.u32 $0x2, v14;
	vm2 =	vmand vm11, vm12  }
0xf4: {  	v25 =	vadd.f32 v26, v25;
	v26 =	vand.u32 $0x8000, v16;
	v34 =	vsel vm2, v36, v34  }
0xf5: {  	v48 =	vld [tilespmem:$0x1FF30];
	v47 =	vsel vm2, $0xE, v37;
	v38 =	vsub.f32 v28, v44;
	vm3 =	veq.s32 v26, $0x0  }
0xf6: {  	v36 =	vsub.f32 v29, v49;
	v37 =	vsub.f32 v29, v53;
	v53 =	vand.u32 $0x10, v14  }
0xf7: {  	v43 =	vld [tilespmem:$0x1FF70];
	vm13 =	vlt.f32 v25, v34;
	vm15 =	veq.s32 v53, $0x0;
	v26 =	vmul.f32 v38, v38  }
0xf8: {  	vm1 =	vmand vm3, vm13;
	v36 =	vmul.f32 v36, v36;
	v38 =	vsub.f32 v29, v45  }
0xf9: {  	v44 =	vld [tilespmem:$0x1FF80];
	v33 =	vsel vm1, $0xF, v47;
	v25 =	vsel vm1, v25, v34;
	vm1 =	vlt.f32 v35, v31  }
0xfa: {  	v52 =	vld [tilespmem:$0x1FF50];
	v34 =	vsub.f32 v28, v48;
	v26 =	vadd.f32 v46, v26;
	v31 =	vsel vm1, v35, v31  }
0xfb: {  	v32 =	vsel vm1, v40, v32;
	vm1 =	veq.s32 v50, $0x0;
	v40 =	vmul.f32 v37, v37  }
0xfc: {  	v35 =	vsub.f32 v28, v43;
	v38 =	vmul.f32 v38, v38;
	v50 =	vand.u32 $0x8, v14  }
0xfd: {  	v34 =	vmul.f32 v34, v34;
	vm2 =	vlt.f32 v26, $+Inf;
	vm3 =	vgt.f32 v26, $+Inf  }
0xfe: {  	v37 =	vsub.f32 v29, v44;
	v35 =	vmul.f32 v35, v35;
	vm2 =	vmor vm3, vm2  }
0xff: {  	vm3 =	vlt.f32 v25, v30;
	v34 =	vadd.f32 v36, v34;
	v36 =	vsub.f32 v28, v52  }
0x100: {  	v39 =	vld [tilespmem:$0x1FFD0];
	v37 =	vmul.f32 v37, v37;
	vm1 =	vmand vm1, vm2;
	v25 =	vsel vm3, v25, v30  }
0x101: {  	v52 =	vld [tilespmem:$0x1FFC0];
	v33 =	vsel vm3, v33, v41;
	v26 =	vnsel vm1, $0x7F800000, v26;
	v54 =	vmul.f32 v36, v36  }
0x102: {  	vm1 =	veq.s32 v51, $0x0;
	vm3 =	vlt.f32 v25, v31;
	vm2 =	vlt.f32 v34, v26  }
0x103: {  	v48 =	vadd.f32 v37, v35;
	v51 =	vld [tilespmem:$0x1FFB0];
	vm1 =	vmand vm1, vm2;
	v30 =	vadd.f32 v40, v54  }
0x104: {  	v41 =	vld [tilespmem:$0x1FFE0];
	v54 =	vand.u32 $0x20, v14;
	v34 =	vsel vm1, v34, v26;
	v26 =	vand.u32 $0x4, v14  }
0x105: {  	v40 =	vsub.f32 v28, v39;
	v42 =	vsel vm1, $0x1, v1;
	vm1 =	veq.s32 v26, $0x0;
	v26 =	vld [tilespmem:$0x1FF90]  }
0x106: {  	v36 =	vsub.f32 v29, v52;
	v52 =	vand.u32 $0x80, v14;
	vm2 =	vlt.f32 v30, v34  }
0x107: {  	v44 =	vmul.f32 v40, v40;
	v40 =	vsub.f32 v28, v58;
	vm1 =	vmand vm1, vm2  }
0x108: {  	v35 =	vsub.f32 v28, v51;
	v36 =	vmul.f32 v36, v36;
	v51 =	vsub.f32 v29, v57  }
0x109: {  	v47 =	vsel vm1, $0x2, v42;
	v30 =	vsel vm1, v30, v34;
	v42 =	vsub.f32 v29, v41  }
0x10a: {  	vm1 =	veq.s32 v50, $0x0;
	v35 =	vmul.f32 v35, v35;
	v26 =	vsub.f32 v28, v26  }
0x10b: {  	v50 =	vsub.f32 v28, v56;
	v41 =	vsub.f32 v29, v59;
	v45 =	vmul.f32 v42, v42  }
0x10c: {  	vm14 =	vlt.f32 v48, v30;
	v35 =	vadd.f32 v36, v35;
	v46 =	vmul.f32 v26, v26  }
0x10d: {  	vm1 =	vmand vm1, vm14;
	v34 =	vadd.f32 v45, v44;
	v44 =	vsub.f32 v28, v61  }
0x10e: {  	v42 =	vmul.f32 v40, v40;
	v45 =	vsub.f32 v29, v62;
	v49 =	vadd.f32 v38, v46  }
0x10f: {  	v26 =	vsel vm3, v25, v31;
	v25 =	vsel vm3, v33, v32;
	v33 =	vsel vm1, v48, v30;
	v48 =	vld [tilespmem:$0x1FFF0]  }
0x110: {  	v32 =	vsel vm1, $0x3, v47;
	vm2 =	vlt.f32 v49, $+Inf;
	vm3 =	vgt.f32 v49, $+Inf  }
0x111: {  	v38 =	vmul.f32 v51, v51;
	v51 =	vsub.f32 v29, v22;
	vm2 =	vmor vm3, vm2  }
0x112: {  	v47 =	vand.u32 $0x40, v14;
	v39 =	vmul.f32 v45, v45;
	vm2 =	vmand vm15, vm2  }
0x113: {  	v40 =	vmul.f32 v51, v51;
	vm3 =	veq.s32 v54, $0x0;
	v43 =	vnsel vm2, $0x7F800000, v49  }
0x114: {  	v36 =	vsub.f32 v28, v48;
	v49 =	vsub.f32 v29, v55;
	vm8 =	vlt.f32 v35, v43  }
0x115: {  	v54 =	vand.u32 $0x100, v14;
	v46 =	vsel vm2, $0x4, v1;
	vm1 =	vmand vm3, vm8  }
0x116: {  	v36 =	vmul.f32 v36, v36;
	v37 =	vmul.f32 v49, v49;
	v30 =	vsel vm1, $0x5, v46  }
0x117: {  	v31 =	vsel vm1, v35, v43;
	vm1 =	veq.s32 v47, $0x0;
	v35 =	vmul.f32 v50, v50  }
0x118: {  	v43 =	vmul.f32 v41, v41;
	v46 =	vand.u32 $0x200, v14;
	v47 =	vand.u32 $0x400, v14  }
0x119: {  	v50 =	vsub.f32 v28, v20;
	vm2 =	vlt.f32 v34, v31;
	v36 =	vadd.f32 v37, v36  }
0x11a: {  	s29 =	rddreg [dreg:$0x3];
	vm1 =	vmand vm1, vm2;
	v53 =	vadd.f32 v38, v35;
	vm2 =	veq.s32 v54, $0x0  }
0x11b: {  	v45 =	vld [tilespmem:s29+$0x0];
	v35 =	vadd.f32 v43, v42;
	v38 =	vmul.f32 v44, v44;
	v42 =	vsub.f32 v28, v10  }
0x11c: {  	v43 =	vsub.f32 v29, v15;
	v30 =	vsel vm1, $0x6, v30;
	v31 =	vsel vm1, v34, v31  }
0x11d: {  	vm1 =	veq.s32 v52, $0x0;
	vm3 =	vlt.f32 v53, $+Inf;
	vm9 =	vgt.f32 v53, $+Inf  }
0x11e: {  	v37 =	vadd.f32 v39, v38;
	v38 =	vmul.f32 v50, v50;
	vm3 =	vmor vm9, vm3  }
0x11f: {  	v52 =	vld [tilespmem:s16+$0x2650];
	v54 =	vmul.f32 v43, v43;
	v50 =	vand.u32 $0x800, v14;
	vm2 =	vmand vm2, vm3  }
0x120: {  	s28 =	rddreg [dreg:$0x2];
	vm3 =	vlt.f32 v36, v31;
	v38 =	vadd.f32 v40, v38;
	v40 =	vsub.f32 v28, v45  }
0x121: {  	v49 =	vld [tilespmem:s28+$0x0];
	v34 =	vnsel vm2, $0x7F800000, v53;
	vm1 =	vmand vm1, vm3;
	vm3 =	veq.s32 v46, $0x0  }
0x122: {  	v48 =	vsel vm2, $0x8, v1;
	vm2 =	veq.s32 v47, $0x0;
	v53 =	vmul.f32 v42, v42  }
0x123: {  	v47 =	vld [tilespmem:s16+$0x2660];
	vm10 =	vlt.f32 v35, v34;
	v44 =	vsel vm1, $0x7, v30;
	v36 =	vsel vm1, v36, v31  }
0x124: {  	v51 =	vld [tilespmem:s16+$0x2670];
	v46 =	vsub.f32 v29, v52;
	v52 =	vand.u32 $0x2000, v14;
	vm3 =	vmand vm3, vm10  }
0x125: {  	vm1 =	vlt.f32 v38, $+Inf;
	vm12 =	veq.s32 v52, $0x0;
	v34 =	vsel vm3, v35, v34  }
0x126: {  	v39 =	vsel vm3, $0x9, v48;
	v35 =	vsub.f32 v28, v49;
	v48 =	vand.u32 $0x1000, v14  }
0x127: {  	vm11 =	vlt.f32 v37, v34;
	vm3 =	veq.s32 v48, $0x0;
	v48 =	vand.u32 $0x4000, v14  }
0x128: {  	s30 =	rddreg [dreg:$0x4];
	vm2 =	vmand vm2, vm11;
	v35 =	vmul.f32 v35, v35;
	v41 =	vsub.f32 v29, v47  }
0x129: {  	v49 =	vld [tilespmem:s30+$0x0];
	v29 =	vsub.f32 v29, v51;
	v51 =	vand.u32 $0x8000, v14;
	v30 =	vsel vm2, $0xA, v39  }
0x12a: {  	v34 =	vsel vm2, v37, v34;
	v39 =	vadd.f32 v54, v53;
	vm2 =	vgt.f32 v38, $+Inf  }
0x12b: {  	v37 =	vmul.f32 v46, v46;
	v53 =	vmul.f32 v40, v40;
	vm1 =	vmor vm2, vm1  }
0x12c: {  	v45 =	vld [tilespmem:s25+$0x4800];
	vm2 =	veq.s32 v50, $0x0;
	v54 =	vmul.f32 v41, v41;
	v29 =	vmul.f32 v29, v29  }
0x12d: {  	s28 =	rddreg [dreg:$0x6];
	v46 =	vld [tilespmem:s25+$0x6800];
	vm1 =	vmand vm3, vm1;
	v35 =	vadd.f32 v37, v35;
	vm3 =	vlt.f32 v39, v34  }
0x12e: {  	s31 =	rddreg [dreg:$0x5];
	v52 =	vld [tilespmem:s28+$0x0];
	v28 =	vsub.f32 v28, v49;
	v38 =	vnsel vm1, $0x7F800000, v38;
	vm2 =	vmand vm2, vm3  }
0x12f: {  	v47 =	vld [tilespmem:s31+$0x0];
	v37 =	vadd.f32 v54, v53;
	vm3 =	veq.s32 v48, $0x0;
	v50 =	vsel vm1, $0xC, v1  }
0x130: {  	v49 =	vld [tilespmem:s16+$0x2800];
	vm13 =	vlt.f32 v35, v38;
	v28 =	vmul.f32 v28, v28;
	v43 =	vsel vm2, $0xB, v30  }
0x131: {  	v30 =	vperm.xlane v45, v27;
	v34 =	vsel vm2, v39, v34;
	vm2 =	vlt.f32 v36, v33  }
0x132: {  	vm4 =	vmand vm12, vm13;
	v31 =	vperm.xlane v46, v27;
	v33 =	vsel vm2, v36, v33  }
0x133: {  	v45 =	vld [tilespmem:s16+$0x2810];
	v32 =	vsel vm2, v44, v32;
	v35 =	vsel vm4, v35, v38;
	v28 =	vadd.f32 v29, v28  }
0x134: {  	s29 =	rddreg [dreg:$0x7];
	v40 =	vsel vm4, $0xD, v50;
	v53 =	vsub.f32 v30, v47;
	v50 =	vand.u32 $0x1, v12  }
0x135: {  	v47 =	vld [tilespmem:s29+$0x0];
	v29 =	vsub.f32 v30, v52;
	vm14 =	vlt.f32 v37, v35;
	v54 =	vsub.f32 v31, v49  }
0x136: {  	v48 =	vld [tilespmem:s16+$0x2820];
	vm2 =	veq.s32 v50, $0x0;
	vm1 =	vmand vm3, vm14;
	vm3 =	veq.s32 v51, $0x0  }
0x137: {  	v35 =	vsel vm1, v37, v35;
	v37 =	vmul.f32 v53, v53;
	v38 =	vmul.f32 v54, v54  }
0x138: {  	v29 =	vmul.f32 v29, v29;
	v51 =	vsub.f32 v31, v45;
	vm15 =	vlt.f32 v28, v35  }
0x139: {  	s30 =	rddreg [dreg:$0x9];
	v46 =	vsel vm1, $0xE, v40;
	vm1 =	vmand vm3, vm15;
	v49 =	vadd.f32 v38, v37  }
0x13a: {  	v54 =	vld [tilespmem:s30+$0x0];
	v52 =	vmul.f32 v51, v51;
	v53 =	vsub.f32 v30, v47;
	v39 =	vsel vm1, $0xF, v46  }
0x13b: {  	s28 =	rddreg [dreg:$0x8];
	v45 =	vld [tilespmem:s16+$0x2840];
	v28 =	vsel vm1, v28, v35;
	v35 =	vsub.f32 v31, v48;
	v46 =	vand.u32 $0x2, v12  }
0x13c: {  	s31 =	rddreg [dreg:$0xa];
	v47 =	vld [tilespmem:s28+$0x0];
	vm1 =	vlt.f32 v28, v34;
	vm3 =	vlt.f32 v49, $+Inf;
	vm8 =	vgt.f32 v49, $+Inf  }
0x13d: {  	v50 =	vld [tilespmem:s31+$0x0];
	v29 =	vadd.f32 v52, v29;
	v38 =	vmul.f32 v53, v53;
	vm3 =	vmor vm8, vm3  }
0x13e: {  	v28 =	vsel vm1, v28, v34;
	v35 =	vmul.f32 v35, v35;
	v39 =	vsel vm1, v39, v43  }
0x13f: {  	v48 =	vld [tilespmem:s16+$0x2830];
	vm1 =	veq.s32 v46, $0x0;
	v51 =	vsub.f32 v30, v54;
	vm2 =	vmand vm2, vm3  }
0x140: {  	v52 =	vld [tilespmem:s16+$0x2850];
	v36 =	vsub.f32 v31, v45;
	v44 =	vnsel vm2, $0x7F800000, v49;
	v35 =	vadd.f32 v35, v38  }
0x141: {  	v49 =	vand.u32 $0x4, v12;
	v41 =	vsub.f32 v30, v47;
	v54 =	vmul.f32 v51, v51  }
0x142: {  	s28 =	rddreg [dreg:$0xb];
	v36 =	vmul.f32 v36, v36;
	v47 =	vsub.f32 v30, v50;
	v50 =	vand.u32 $0x10, v12  }
0x143: {  	v46 =	vld [tilespmem:s28+$0x0];
	v51 =	vand.u32 $0x8, v12;
	vm2 =	vlt.f32 v29, v44;
	vm3 =	veq.s32 v49, $0x0  }
0x144: {  	v37 =	vsub.f32 v31, v48;
	vm1 =	vmand vm1, vm2;
	vm2 =	vlt.f32 v28, v33  }
0x145: {  	v45 =	vmul.f32 v41, v41;
	v36 =	vadd.f32 v36, v54;
	v48 =	vsub.f32 v31, v52  }
0x146: {  	v54 =	vand.u32 $0x20, v12;
	v34 =	vsel vm1, v29, v44;
	v53 =	vsel vm1, $0x1, v1  }
0x147: {  	s29 =	rddreg [dreg:$0xc];
	v49 =	vld [tilespmem:s16+$0x2860];
	v29 =	vsel vm2, v28, v33;
	v28 =	vsel vm2, v39, v32;
	v37 =	vmul.f32 v37, v37  }
0x148: {  	v52 =	vld [tilespmem:s29+$0x0];
	v39 =	vsub.f32 v30, v46;
	vm10 =	veq.s32 v54, $0x0;
	vm9 =	vlt.f32 v35, v34  }
0x149: {  	vm2 =	vgt.f32 v36, $+Inf;
	v38 =	vmul.f32 v48, v48;
	v48 =	vand.u32 $0x40, v12  }
0x14a: {  	v46 =	vld [tilespmem:s16+$0x2C00];
	vm1 =	vmand vm3, vm9;
	v33 =	vadd.f32 v37, v45;
	vm3 =	veq.s32 v50, $0x0  }
0x14b: {  	s30 =	rddreg [dreg:$0xd];
	v39 =	vmul.f32 v39, v39;
	v32 =	vsel vm1, $0x2, v53;
	v35 =	vsel vm1, v35, v34  }
0x14c: {  	v45 =	vld [tilespmem:s30+$0x0];
	vm1 =	vlt.f32 v36, $+Inf;
	v34 =	vmul.f32 v47, v47;
	v40 =	vsub.f32 v31, v49  }
0x14d: {  	s31 =	rddreg [dreg:$0xe];
	v53 =	vld [tilespmem:s16+$0x2870];
	vm1 =	vmor vm2, vm1;
	vm2 =	veq.s32 v51, $0x0;
	v37 =	vsub.f32 v30, v52  }
0x14e: {  	v49 =	vld [tilespmem:s31+$0x0];
	vm1 =	vmand vm3, vm1;
	v34 =	vadd.f32 v38, v34;
	vm3 =	vlt.f32 v33, v35  }
0x14f: {  	v40 =	vmul.f32 v40, v40;
	v41 =	vsub.f32 v31, v46;
	v36 =	vnsel vm1, $0x7F800000, v36  }
0x150: {  	v51 =	vld [tilespmem:s16+$0x2C10];
	vm2 =	vmand vm2, vm3;
	v47 =	vsel vm1, $0x4, v1;
	v37 =	vmul.f32 v37, v37  }
0x151: {  	vm11 =	vlt.f32 v34, v36;
	v39 =	vadd.f32 v40, v39;
	v50 =	vsub.f32 v30, v45  }
0x152: {  	v41 =	vmul.f32 v41, v41;
	v35 =	vsel vm2, v33, v35;
	v45 =	vand.u32 $0x80, v12  }
0x153: {  	vm1 =	vmand vm10, vm11;
	v38 =	vsub.f32 v31, v53;
	v40 =	vsub.f32 v30, v49  }
0x154: {  	s28 =	rddreg [dreg:$0xf];
	v43 =	vsel vm1, $0x5, v47;
	v36 =	vsel vm1, v34, v36;
	vm1 =	veq.s32 v48, $0x0  }
0x155: {  	s29 =	rddreg [dreg:$0x10];
	v54 =	vld [tilespmem:s28+$0x0];
	v52 =	vmul.f32 v50, v50;
	v34 =	vsel vm2, $0x3, v32;
	v46 =	vsub.f32 v31, v51  }
0x156: {  	v49 =	vld [tilespmem:s29+$0x0];
	v48 =	vand.u32 $0x100, v12;
	v51 =	vand.u32 $0x200, v12;
	vm3 =	vlt.f32 v39, v36  }
0x157: {  	v47 =	vld [tilespmem:s16+$0x2C20];
	v38 =	vmul.f32 v38, v38;
	v40 =	vmul.f32 v40, v40;
	vm13 =	veq.s32 v48, $0x0  }
0x158: {  	vm1 =	vmand vm1, vm3;
	v53 =	vadd.f32 v41, v52;
	v41 =	vmul.f32 v46, v46  }
0x159: {  	v50 =	vld [tilespmem:s16+$0x2C30];
	v32 =	vsel vm1, $0x6, v43;
	v33 =	vsel vm1, v39, v36;
	v36 =	vadd.f32 v38, v37  }
0x15a: {  	s31 =	rddreg [dreg:$0x12];
	vm1 =	veq.s32 v45, $0x0;
	v38 =	vsub.f32 v30, v54;
	vm2 =	vlt.f32 v53, $+Inf  }
0x15b: {  	s30 =	rddreg [dreg:$0x11];
	v48 =	vld [tilespmem:s31+$0x0];
	vm3 =	vgt.f32 v53, $+Inf;
	v40 =	vadd.f32 v41, v40;
	v39 =	vsub.f32 v30, v49  }
0x15c: {  	v52 =	vld [tilespmem:s30+$0x0];
	vm12 =	vlt.f32 v36, v33;
	vm2 =	vmor vm3, vm2;
	v42 =	vsub.f32 v31, v47  }
0x15d: {  	v54 =	vld [tilespmem:s16+$0x2C40];
	vm3 =	veq.s32 v51, $0x0;
	v38 =	vmul.f32 v38, v38;
	v47 =	vand.u32 $0x400, v12  }
0x15e: {  	v41 =	vsub.f32 v31, v50;
	vm1 =	vmand vm1, vm12;
	vm2 =	vmand vm13, vm2  }
0x15f: {  	v39 =	vmul.f32 v39, v39;
	v45 =	vsel vm1, $0x7, v32;
	v53 =	vnsel vm2, $0x7F800000, v53  }
0x160: {  	s28 =	rddreg [dreg:$0x13];
	v50 =	vld [tilespmem:s16+$0x2C50];
	v42 =	vmul.f32 v42, v42;
	v36 =	vsel vm1, v36, v33;
	v46 =	vsel vm2, $0x8, v1  }
0x161: {  	v51 =	vld [tilespmem:s28+$0x0];
	v49 =	vsub.f32 v30, v52;
	v41 =	vmul.f32 v41, v41;
	v52 =	vand.u32 $0x800, v12  }
0x162: {  	vm14 =	vlt.f32 v40, v53;
	v37 =	vsub.f32 v31, v54;
	v54 =	vsub.f32 v30, v48  }
0x163: {  	vm1 =	vmand vm3, vm14;
	v38 =	vadd.f32 v42, v38;
	v39 =	vadd.f32 v41, v39  }
0x164: {  	v33 =	vsel vm1, $0x9, v46;
	v32 =	vsel vm1, v40, v53;
	vm1 =	veq.s32 v47, $0x0  }
0x165: {  	s29 =	rddreg [dreg:$0x14];
	v40 =	vmul.f32 v49, v49;
	v37 =	vmul.f32 v37, v37;
	v53 =	vand.u32 $0x1000, v12  }
0x166: {  	v41 =	vld [tilespmem:s29+$0x0];
	v47 =	vsub.f32 v31, v50;
	v50 =	vsub.f32 v30, v51;
	vm2 =	vlt.f32 v38, v32  }
0x167: {  	v46 =	vld [tilespmem:s16+$0x2C60];
	v48 =	vmul.f32 v54, v54;
	vm1 =	vmand vm1, vm2;
	vm2 =	veq.s32 v53, $0x0  }
0x168: {  	v49 =	vmul.f32 v47, v47;
	v53 =	vand.u32 $0x2000, v12;
	v42 =	vmul.f32 v50, v50  }
0x169: {  	v50 =	vand.u32 $0x4000, v12;
	v38 =	vsel vm1, v38, v32;
	v32 =	vadd.f32 v37, v40  }
0x16a: {  	v33 =	vsel vm1, $0xA, v33;
	vm1 =	veq.s32 v52, $0x0;
	v37 =	vadd.f32 v49, v48  }
0x16b: {  	v52 =	vld [tilespmem:s16+$0x2C70];
	v30 =	vsub.f32 v30, v41;
	vm3 =	vlt.f32 v32, $+Inf;
	vm15 =	vgt.f32 v32, $+Inf  }
0x16c: {  	v51 =	vsub.f32 v31, v46;
	v46 =	vand.u32 $0x1, v11;
	vm3 =	vmor vm15, vm3  }
0x16d: {  	v48 =	vld [tilespmem:s24+$0x6800];
	v30 =	vmul.f32 v30, v30;
	vm10 =	veq.s32 v46, $0x0;
	v46 =	vand.u32 $0x4, v11  }
0x16e: {  	vm2 =	vmand vm2, vm3;
	vm3 =	vlt.f32 v39, v38;
	v43 =	vmul.f32 v51, v51  }
0x16f: {  	s30 =	rddreg [dreg:$0x15];
	v54 =	vld [tilespmem:s24+$0x4800];
	v32 =	vnsel vm2, $0x7F800000, v32;
	vm1 =	vmand vm1, vm3;
	vm3 =	veq.s32 v53, $0x0  }
0x170: {  	v49 =	vld [tilespmem:s30+$0x0];
	v31 =	vsub.f32 v31, v52;
	v52 =	vsel vm2, $0xC, v1;
	vm2 =	veq.s32 v50, $0x0  }
0x171: {  	v51 =	vld [tilespmem:s16+$0x2A00];
	vm8 =	vlt.f32 v37, v32;
	v47 =	vsel vm1, $0xB, v33;
	v42 =	vadd.f32 v43, v42  }
0x172: {  	v33 =	vperm.xlane v48, v27;
	v48 =	vand.u32 $0x8000, v12;
	v38 =	vsel vm1, v39, v38  }
0x173: {  	s31 =	rddreg [dreg:$0x16];
	vm1 =	vlt.f32 v36, v35;
	vm3 =	vmand vm3, vm8;
	v31 =	vmul.f32 v31, v31  }
0x174: {  	v34 =	vsel vm1, v45, v34;
	v37 =	vsel vm3, v37, v32;
	v32 =	vperm.xlane v54, v27;
	v54 =	vld [tilespmem:s31+$0x0]  }
0x175: {  	v45 =	vld [tilespmem:s16+$0x2A20];
	v53 =	vsel vm3, $0xD, v52;
	vm9 =	vlt.f32 v42, v37;
	v30 =	vadd.f32 v31, v30  }
0x176: {  	v41 =	vsub.f32 v33, v51;
	vm2 =	vmand vm2, vm9;
	v43 =	vsub.f32 v32, v49;
	v49 =	vld [tilespmem:s16+$0x2A10]  }
0x177: {  	s28 =	rddreg [dreg:$0x17];
	v37 =	vsel vm2, v42, v37;
	v40 =	vsel vm2, $0xE, v53;
	vm2 =	veq.s32 v48, $0x0  }
0x178: {  	s29 =	rddreg [dreg:$0x18];
	v41 =	vmul.f32 v41, v41;
	v53 =	vld [tilespmem:s28+$0x0];
	vm3 =	vlt.f32 v30, v37;
	v50 =	vmul.f32 v43, v43  }
0x179: {  	v35 =	vsel vm1, v36, v35;
	v48 =	vld [tilespmem:s29+$0x0];
	vm2 =	vmand vm2, vm3;
	v31 =	vsub.f32 v32, v54  }
0x17a: {  	v51 =	vsel vm2, $0xF, v40;
	v30 =	vsel vm2, v30, v37;
	v52 =	vadd.f32 v41, v50  }
0x17b: {  	v50 =	vand.u32 $0x2, v11;
	v41 =	vsub.f32 v33, v45;
	v54 =	vsub.f32 v33, v49  }
0x17c: {  	vm1 =	vlt.f32 v30, v38;
	v31 =	vmul.f32 v31, v31;
	vm2 =	vlt.f32 v52, $+Inf  }
0x17d: {  	s30 =	rddreg [dreg:$0x19];
	v49 =	vld [tilespmem:s16+$0x2A30];
	vm3 =	vgt.f32 v52, $+Inf;
	v30 =	vsel vm1, v30, v38;
	v39 =	vsel vm1, v51, v47  }
0x17e: {  	s31 =	rddreg [dreg:$0x1a];
	v37 =	vsub.f32 v32, v53;
	v51 =	vld [tilespmem:s30+$0x0];
	v38 =	vsub.f32 v32, v48;
	vm2 =	vmor vm3, vm2  }
0x17f: {  	v41 =	vmul.f32 v41, v41;
	v48 =	vld [tilespmem:s31+$0x0];
	v40 =	vmul.f32 v54, v54;
	vm1 =	vmand vm10, vm2  }
0x180: {  	vm2 =	vlt.f32 v30, v35;
	v37 =	vmul.f32 v37, v37;
	v38 =	vmul.f32 v38, v38  }
0x181: {  	v40 =	vadd.f32 v40, v31;
	v36 =	vnsel vm1, $0x7F800000, v52;
	vm1 =	veq.s32 v50, $0x0;
	v52 =	vld [tilespmem:s16+$0x2A40]  }
0x182: {  	v31 =	vsel vm2, v30, v35;
	v30 =	vsel vm2, v39, v34;
	v47 =	vsub.f32 v33, v49  }
0x183: {  	v45 =	vadd.f32 v41, v37;
	vm3 =	vlt.f32 v40, v36;
	v49 =	vsub.f32 v32, v51  }
0x184: {  	v51 =	vld [tilespmem:s16+$0x2A50];
	vm1 =	vmand vm1, vm3;
	v39 =	vmul.f32 v47, v47;
	v47 =	vsub.f32 v32, v48  }
0x185: {  	s28 =	rddreg [dreg:$0x1b];
	v53 =	vsel vm1, $0x1, v1;
	v54 =	vsel vm1, v40, v36;
	vm1 =	veq.s32 v46, $0x0  }
0x186: {  	v37 =	vmul.f32 v49, v49;
	v50 =	vsub.f32 v33, v52;
	vm2 =	vlt.f32 v45, v54;
	v52 =	vld [tilespmem:s28+$0x0]  }
0x187: {  	v46 =	vand.u32 $0x10, v11;
	v38 =	vadd.f32 v39, v38;
	v39 =	vld [tilespmem:s16+$0x2E10];
	vm1 =	vmand vm1, vm2  }
0x188: {  	v49 =	vmul.f32 v47, v47;
	v41 =	vmul.f32 v50, v50;
	v35 =	vsel vm1, v45, v54;
	v54 =	vld [tilespmem:s16+$0x2A60]  }
0x189: {  	s29 =	rddreg [dreg:$0x1d];
	v34 =	vsel vm1, $0x2, v53;
	v53 =	vand.u32 $0x8, v11;
	v48 =	vsub.f32 v33, v51  }
0x18a: {  	vm2 =	veq.s32 v46, $0x0;
	vm1 =	veq.s32 v53, $0x0;
	v53 =	vld [tilespmem:s29+$0x0];
	v45 =	vadd.f32 v41, v37  }
0x18b: {  	v50 =	vmul.f32 v48, v48;
	v48 =	vand.u32 $0x20, v11;
	v51 =	vsub.f32 v32, v52  }
0x18c: {  	s30 =	rddreg [dreg:$0x1c];
	v39 =	vsub.f32 v33, v39;
	vm3 =	vlt.f32 v45, $+Inf;
	vm11 =	vgt.f32 v45, $+Inf  }
0x18d: {  	v37 =	vadd.f32 v50, v49;
	v49 =	vld [tilespmem:s30+$0x0];
	vm3 =	vmor vm11, vm3;
	v52 =	vsub.f32 v33, v54  }
0x18e: {  	v50 =	vld [tilespmem:s16+$0x2A70];
	v40 =	vmul.f32 v51, v51;
	v51 =	vand.u32 $0x40, v11;
	v39 =	vmul.f32 v39, v39  }
0x18f: {  	v54 =	vld [tilespmem:s16+$0x2E00];
	vm2 =	vmand vm2, vm3;
	vm3 =	vlt.f32 v38, v35;
	v53 =	vsub.f32 v32, v53  }
0x190: {  	v36 =	vnsel vm2, $0x7F800000, v45;
	v41 =	vmul.f32 v52, v52;
	vm1 =	vmand vm1, vm3  }
0x191: {  	vm3 =	veq.s32 v48, $0x0;
	v52 =	vsel vm2, $0x4, v1;
	vm12 =	vlt.f32 v37, v36  }
0x192: {  	s29 =	sld [smem:$0x7BD];
	vm2 =	veq.s32 v51, $0x0;
	vm3 =	vmand vm3, vm12;
	v40 =	vadd.f32 v41, v40  }
0x193: {  	s31 =	rddreg [dreg:$0x1e];
	v44 =	vsub.f32 v32, v49;
	v43 =	vsub.f32 v33, v50;
	v49 =	vmul.f32 v53, v53  }
0x194: {  	v41 =	vld [tilespmem:s31+$0x0];
	v46 =	vsel vm3, v37, v36;
	v54 =	vsub.f32 v33, v54;
	v48 =	vsel vm3, $0x5, v52  }
0x195: {  	v36 =	vsel vm1, $0x3, v34;
	v37 =	vsel vm1, v38, v35;
	v38 =	vld [tilespmem:s29+$0x0];
	vm13 =	vlt.f32 v40, v46  }
0x196: {  	s28 =	rddreg [dreg:$0x1f];
	v51 =	vmul.f32 v44, v44;
	v52 =	vmul.f32 v43, v43;
	vm2 =	vmand vm2, vm13  }
0x197: {  	v50 =	vmul.f32 v54, v54;
	v54 =	vld [tilespmem:s28+$0x0];
	v34 =	vsel vm2, $0x6, v48;
	v40 =	vsel vm2, v40, v46  }
0x198: {  	v35 =	vadd.f32 v52, v51;
	v51 =	vand.u32 $0x80, v11;
	v48 =	vand.u32 $0x200, v11  }
0x199: {  	v52 =	vld [tilespmem:s16+$0x2E30];
	v53 =	vadd.f32 v50, v49;
	v41 =	vsub.f32 v32, v41;
	v50 =	vand.u32 $0x100, v11  }
0x19a: {  	s28 =	sld [smem:$0x7C0];
	v49 =	vld [tilespmem:s16+$0x2E20];
	vm14 =	veq.s32 v48, $0x0;
	vm3 =	veq.s32 v50, $0x0;
	v38 =	vsub.f32 v32, v38  }
0x19b: {  	vm1 =	vlt.f32 v53, $+Inf;
	vm2 =	vgt.f32 v53, $+Inf;
	v41 =	vmul.f32 v41, v41  }
0x19c: {  	s30 =	sld [smem:$0x7BE];
	v50 =	vld [tilespmem:s16+$0x2E40];
	vm1 =	vmor vm2, vm1;
	vm2 =	veq.s32 v51, $0x0;
	v43 =	vsub.f32 v32, v54  }
0x19d: {  	v48 =	vld [tilespmem:s28+$0x0];
	v51 =	vand.u32 $0x400, v11;
	v38 =	vmul.f32 v38, v38;
	vm1 =	vmand vm3, vm1  }
0x19e: {  	v39 =	vadd.f32 v39, v41;
	vm3 =	vlt.f32 v35, v40;
	v41 =	vsub.f32 v33, v52  }
0x19f: {  	v44 =	vsub.f32 v33, v49;
	v49 =	vld [tilespmem:s30+$0x0];
	v42 =	vnsel vm1, $0x7F800000, v53;
	v43 =	vmul.f32 v43, v43  }
0x1a0: {  	vm2 =	vmand vm2, vm3;
	v53 =	vsel vm1, $0x8, v1;
	vm15 =	vlt.f32 v39, v42  }
0x1a1: {  	s31 =	sld [smem:$0x7BF];
	v45 =	vsub.f32 v33, v50;
	v40 =	vsel vm2, v35, v40;
	v35 =	vld [tilespmem:s16+$0x2E60];
	v44 =	vmul.f32 v44, v44  }
0x1a2: {  	v41 =	vmul.f32 v41, v41;
	v48 =	vsub.f32 v32, v48;
	vm1 =	vmand vm14, vm15  }
0x1a3: {  	v47 =	vsel vm1, $0x9, v53;
	v39 =	vsel vm1, v39, v42;
	v53 =	vld [tilespmem:s16+$0x2E50];
	v54 =	vadd.f32 v44, v43  }
0x1a4: {  	vm1 =	veq.s32 v51, $0x0;
	v45 =	vmul.f32 v45, v45;
	v44 =	vld [tilespmem:s31+$0x0];
	v52 =	vsub.f32 v32, v49  }
0x1a5: {  	v38 =	vadd.f32 v41, v38;
	v49 =	vsel vm2, $0x7, v34;
	vm3 =	vlt.f32 v54, v39  }
0x1a6: {  	v35 =	vsub.f32 v33, v35;
	vm1 =	vmand vm1, vm3;
	v43 =	vmul.f32 v52, v52  }
0x1a7: {  	s29 =	sld [smem:$0x7C1];
	v34 =	vsel vm1, $0xA, v47;
	v39 =	vsel vm1, v54, v39;
	v54 =	vand.u32 $0x1000, v11  }
0x1a8: {  	v51 =	vsub.f32 v33, v53;
	v35 =	vmul.f32 v35, v35;
	v47 =	vand.u32 $0x1, v8  }
0x1a9: {  	v41 =	vadd.f32 v45, v43;
	v50 =	vsub.f32 v32, v44;
	vm1 =	veq.s32 v54, $0x0  }
0x1aa: {  	v54 =	vld [tilespmem:s29+$0x0];
	v45 =	vmul.f32 v48, v48;
	vm9 =	vlt.f32 v38, v39;
	v53 =	vmul.f32 v51, v51  }
0x1ab: {  	vm2 =	vlt.f32 v41, $+Inf;
	vm3 =	vgt.f32 v41, $+Inf;
	v52 =	vmul.f32 v50, v50;
	v50 =	vld [tilespmem:s16+$0x2E70]  }
0x1ac: {  	v51 =	vand.u32 $0x800, v11;
	v35 =	vadd.f32 v35, v45;
	vm2 =	vmor vm3, vm2  }
0x1ad: {  	vm1 =	vmand vm1, vm2;
	v42 =	vadd.f32 v53, v52;
	v52 =	vand.u32 $0x2000, v11  }
0x1ae: {  	s30 =	sld [smem:$0x7C2];
	v43 =	vld [tilespmem:s25+$0x5000];
	vm2 =	veq.s32 v51, $0x0;
	v53 =	vand.u32 $0x4000, v11;
	v41 =	vnsel vm1, $0x7F800000, v41  }
0x1af: {  	vm3 =	veq.s32 v52, $0x0;
	v32 =	vsub.f32 v32, v54;
	vm2 =	vmand vm2, vm9  }
0x1b0: {  	v54 =	vld [tilespmem:s25+$0x7000];
	vm10 =	veq.s32 v53, $0x0;
	vm8 =	vlt.f32 v42, v41;
	v33 =	vsub.f32 v33, v50  }
0x1b1: {  	s31 =	sld [smem:$0x7C3];
	v48 =	vld [tilespmem:s30+$0x0];
	v51 =	vsel vm1, $0xC, v1;
	v53 =	vand.u32 $0x8000, v11;
	vm3 =	vmand vm3, vm8  }
0x1b2: {  	s28 =	sld [smem:$0x7C4];
	v32 =	vmul.f32 v32, v32;
	v50 =	vld [tilespmem:s16+$0x3000];
	v41 =	vsel vm3, v42, v41;
	v33 =	vmul.f32 v33, v33  }
0x1b3: {  	v46 =	vsel vm2, $0xB, v34;
	v34 =	vperm.xlane v43, v27;
	vm11 =	vlt.f32 v35, v41  }
0x1b4: {  	v52 =	vsel vm3, $0xD, v51;
	vm1 =	vmand vm10, vm11;
	v32 =	vadd.f32 v33, v32;
	v33 =	vld [tilespmem:s31+$0x0]  }
0x1b5: {  	v41 =	vsel vm1, v35, v41;
	v35 =	vperm.xlane v54, v27;
	v54 =	vsel vm1, $0xE, v52;
	v52 =	vld [tilespmem:s28+$0x0]  }
0x1b6: {  	v38 =	vsel vm2, v38, v39;
	vm1 =	veq.s32 v53, $0x0;
	v53 =	vld [tilespmem:s16+$0x3020];
	vm3 =	vlt.f32 v32, v41  }
0x1b7: {  	v45 =	vld [tilespmem:s16+$0x3010];
	v42 =	vsub.f32 v34, v48;
	v44 =	vsub.f32 v35, v50;
	vm1 =	vmand vm1, vm3  }
0x1b8: {  	v48 =	vsel vm1, $0xF, v54;
	v32 =	vsel vm1, v32, v41;
	vm1 =	vlt.f32 v40, v37  }
0x1b9: {  	s30 =	sld [smem:$0x7C6];
	v50 =	vmul.f32 v42, v42;
	v51 =	vmul.f32 v44, v44;
	v37 =	vsel vm1, v40, v37  }
0x1ba: {  	s29 =	sld [smem:$0x7C5];
	v36 =	vsel vm1, v49, v36;
	vm1 =	vlt.f32 v32, v38;
	v33 =	vsub.f32 v34, v33  }
0x1bb: {  	v43 =	vsub.f32 v34, v52;
	v40 =	vsub.f32 v35, v53;
	v32 =	vsel vm1, v32, v38  }
0x1bc: {  	v52 =	vld [tilespmem:s30+$0x0];
	v38 =	vsel vm1, v48, v46;
	v54 =	vadd.f32 v51, v50;
	v48 =	vsub.f32 v35, v45  }
0x1bd: {  	v53 =	vand.u32 $0x2, v8;
	vm1 =	veq.s32 v47, $0x0;
	v50 =	vld [tilespmem:s29+$0x0];
	v33 =	vmul.f32 v33, v33  }
0x1be: {  	s30 =	sld [smem:$0x7CA];
	v51 =	vld [tilespmem:s16+$0x3030];
	vm2 =	vlt.f32 v54, $+Inf;
	vm3 =	vgt.f32 v54, $+Inf;
	v49 =	vmul.f32 v48, v48  }
0x1bf: {  	v47 =	vld [tilespmem:s16+$0x3440];
	v43 =	vmul.f32 v43, v43;
	v40 =	vmul.f32 v40, v40;
	vm2 =	vmor vm3, vm2  }
0x1c0: {  	vm1 =	vmand vm1, vm2;
	vm2 =	vlt.f32 v32, v37;
	v33 =	vadd.f32 v49, v33  }
0x1c1: {  	v46 =	vld [tilespmem:s30+$0x0];
	v49 =	vand.u32 $0x4, v8;
	v41 =	vsub.f32 v34, v52;
	v39 =	vnsel vm1, $0x7F800000, v54  }
0x1c2: {  	s31 =	sld [smem:$0x7C7];
	v32 =	vsel vm2, v32, v37;
	vm1 =	veq.s32 v53, $0x0;
	v37 =	vadd.f32 v40, v43  }
0x1c3: {  	s28 =	sld [smem:$0x7C8];
	v48 =	vsub.f32 v34, v50;
	v50 =	vsub.f32 v35, v51;
	vm3 =	vlt.f32 v33, v39  }
0x1c4: {  	v54 =	vld [tilespmem:s16+$0x3040];
	v47 =	vsub.f32 v35, v47;
	v53 =	vmul.f32 v41, v41;
	vm1 =	vmand vm1, vm3  }
0x1c5: {  	v43 =	vld [tilespmem:s31+$0x0];
	vm3 =	veq.s32 v49, $0x0;
	v40 =	vmul.f32 v48, v48;
	v42 =	vmul.f32 v50, v50  }
0x1c6: {  	v48 =	vld [tilespmem:s28+$0x0];
	v49 =	vand.u32 $0x8, v8;
	v46 =	vsub.f32 v34, v46;
	v39 =	vsel vm1, v33, v39  }
0x1c7: {  	v50 =	vld [tilespmem:s16+$0x3060];
	v47 =	vmul.f32 v47, v47;
	v33 =	vsel vm2, v38, v36;
	vm12 =	vlt.f32 v37, v39  }
0x1c8: {  	v52 =	vsel vm1, $0x1, v1;
	v40 =	vadd.f32 v42, v40;
	vm1 =	vmand vm3, vm12  }
0x1c9: {  	v45 =	vld [tilespmem:s16+$0x3050];
	s29 =	sld [smem:$0x7C9];
	v46 =	vmul.f32 v46, v46;
	v51 =	vsub.f32 v35, v54;
	v36 =	vsel vm1, $0x2, v52  }
0x1ca: {  	v37 =	vsel vm1, v37, v39;
	vm1 =	veq.s32 v49, $0x0;
	v52 =	vsub.f32 v34, v43  }
0x1cb: {  	v54 =	vmul.f32 v51, v51;
	vm2 =	vlt.f32 v40, v37;
	v51 =	vand.u32 $0x10, v8  }
0x1cc: {  	v39 =	vld [tilespmem:s29+$0x0];
	v42 =	vsub.f32 v34, v48;
	v44 =	vsub.f32 v35, v50;
	vm3 =	veq.s32 v51, $0x0  }
0x1cd: {  	v41 =	vmul.f32 v52, v52;
	vm1 =	vmand vm1, vm2;
	v52 =	vld [tilespmem:s16+$0x3400];
	v38 =	vadd.f32 v54, v53  }
0x1ce: {  	v53 =	vsub.f32 v35, v45;
	v42 =	vmul.f32 v42, v42;
	v44 =	vmul.f32 v44, v44  }
0x1cf: {  	v51 =	vand.u32 $0x80, v8;
	v45 =	vld [tilespmem:s16+$0x3070];
	vm13 =	vlt.f32 v38, $+Inf;
	vm14 =	vgt.f32 v38, $+Inf  }
0x1d0: {  	v43 =	vmul.f32 v53, v53;
	v53 =	vand.u32 $0x20, v8;
	v42 =	vadd.f32 v44, v42  }
0x1d1: {  	s31 =	sld [smem:$0x7CB];
	v39 =	vsub.f32 v34, v39;
	vm4 =	vmor vm14, vm13;
	vm2 =	veq.s32 v53, $0x0  }
0x1d2: {  	vm3 =	vmand vm3, vm4;
	v41 =	vadd.f32 v43, v41;
	v43 =	vsub.f32 v35, v52  }
0x1d3: {  	v52 =	vld [tilespmem:s16+$0x3410];
	v53 =	vmul.f32 v39, v39;
	v39 =	vsel vm1, v40, v37;
	v54 =	vnsel vm3, $0x7F800000, v38  }
0x1d4: {  	v38 =	vsel vm1, $0x3, v36;
	v44 =	vsub.f32 v35, v45;
	v45 =	vld [tilespmem:s31+$0x0];
	vm15 =	vlt.f32 v41, v54  }
0x1d5: {  	v36 =	vsel vm3, $0x4, v1;
	v43 =	vmul.f32 v43, v43;
	vm2 =	vmand vm2, vm15  }
0x1d6: {  	v50 =	vld [tilespmem:s16+$0x3420];
	v44 =	vmul.f32 v44, v44;
	v41 =	vsel vm2, v41, v54;
	v54 =	vand.u32 $0x40, v8  }
0x1d7: {  	s28 =	sld [smem:$0x7CC];
	v36 =	vsel vm2, $0x5, v36;
	v40 =	vadd.f32 v43, v46;
	vm3 =	veq.s32 v54, $0x0  }
0x1d8: {  	vm8 =	vlt.f32 v42, v41;
	v37 =	vadd.f32 v44, v53;
	v49 =	vsub.f32 v35, v52  }
0x1d9: {  	s29 =	sld [smem:$0x7CD];
	v52 =	vand.u32 $0x100, v8;
	vm1 =	vmand vm3, vm8;
	v54 =	vsub.f32 v34, v45  }
0x1da: {  	v43 =	vld [tilespmem:s28+$0x0];
	vm2 =	vgt.f32 v40, $+Inf;
	vm3 =	veq.s32 v51, $0x0;
	vm9 =	veq.s32 v52, $0x0  }
0x1db: {  	v45 =	vsub.f32 v35, v50;
	v52 =	vand.u32 $0x400, v8;
	v36 =	vsel vm1, $0x6, v36  }
0x1dc: {  	s30 =	sld [smem:$0x7CE];
	v53 =	vld [tilespmem:s29+$0x0];
	v41 =	vsel vm1, v42, v41;
	vm1 =	vlt.f32 v40, $+Inf;
	v44 =	vmul.f32 v49, v49  }
0x1dd: {  	s31 =	sld [smem:$0x7CF];
	v42 =	vmul.f32 v54, v54;
	vm1 =	vmor vm2, vm1;
	vm2 =	vlt.f32 v37, v41  }
0x1de: {  	v54 =	vand.u32 $0x200, v8;
	v45 =	vmul.f32 v45, v45;
	vm1 =	vmand vm9, vm1  }
0x1df: {  	v48 =	vld [tilespmem:s30+$0x0];
	s28 =	sld [smem:$0x7D0];
	v43 =	vsub.f32 v34, v43;
	vm2 =	vmand vm3, vm2;
	v42 =	vadd.f32 v44, v42  }
0x1e0: {  	s29 =	sld [smem:$0x7D1];
	vm3 =	veq.s32 v54, $0x0;
	v54 =	vld [tilespmem:s31+$0x0];
	v40 =	vnsel vm1, $0x7F800000, v40;
	v49 =	vsel vm2, $0x7, v36  }
0x1e1: {  	v44 =	vld [tilespmem:s16+$0x3430];
	v51 =	vsel vm1, $0x8, v1;
	v53 =	vsub.f32 v34, v53;
	vm10 =	vlt.f32 v42, v40  }
0x1e2: {  	v50 =	vld [tilespmem:s28+$0x0];
	v41 =	vsel vm2, v37, v41;
	v43 =	vmul.f32 v43, v43;
	vm1 =	vmand vm3, vm10  }
0x1e3: {  	v46 =	vld [tilespmem:s29+$0x0];
	v37 =	vand.u32 $0x800, v8;
	v36 =	vsel vm1, $0x9, v51;
	v40 =	vsel vm1, v42, v40  }
0x1e4: {  	v42 =	vadd.f32 v45, v43;
	vm1 =	veq.s32 v52, $0x0;
	v52 =	vsub.f32 v34, v48  }
0x1e5: {  	v48 =	vld [tilespmem:s16+$0x3450];
	v45 =	vmul.f32 v53, v53;
	v53 =	vand.u32 $0x1000, v8;
	v54 =	vsub.f32 v34, v54  }
0x1e6: {  	v44 =	vsub.f32 v35, v44;
	vm3 =	vlt.f32 v42, v40;
	v43 =	vmul.f32 v52, v52  }
0x1e7: {  	v52 =	vmul.f32 v54, v54;
	v54 =	vsub.f32 v34, v50;
	vm1 =	vmand vm1, vm3  }
0x1e8: {  	v50 =	vand.u32 $0x2000, v8;
	v34 =	vsub.f32 v34, v46;
	v51 =	vsel vm1, $0xA, v36;
	v36 =	vld [tilespmem:s16+$0x3460]  }
0x1e9: {  	v44 =	vmul.f32 v44, v44;
	vm11 =	veq.s32 v50, $0x0;
	v43 =	vadd.f32 v47, v43  }
0x1ea: {  	v40 =	vsel vm1, v42, v40;
	vm1 =	veq.s32 v53, $0x0;
	v48 =	vsub.f32 v35, v48  }
0x1eb: {  	v42 =	vadd.f32 v44, v45;
	vm2 =	vlt.f32 v43, $+Inf;
	vm3 =	vgt.f32 v43, $+Inf  }
0x1ec: {  	v34 =	vmul.f32 v34, v34;
	vm2 =	vmor vm3, vm2;
	v53 =	vmul.f32 v48, v48;
	v48 =	vld [tilespmem:s16+$0x3470]  }
0x1ed: {  	s30 =	sld [smem:$0x7D2];
	vm3 =	vlt.f32 v42, v40;
	vm2 =	vmand vm1, vm2;
	v36 =	vsub.f32 v35, v36  }
0x1ee: {  	v47 =	vld [tilespmem:s24+$0x5000];
	vm1 =	veq.s32 v37, $0x0;
	v37 =	vnsel vm2, $0x7F800000, v43;
	v43 =	vadd.f32 v53, v52  }
0x1ef: {  	v52 =	vmul.f32 v54, v54;
	v53 =	vld [tilespmem:s24+$0x7000];
	vm1 =	vmand vm1, vm3;
	v36 =	vmul.f32 v36, v36  }
0x1f0: {  	v50 =	vld [tilespmem:s30+$0x0];
	v54 =	vand.u32 $0x4000, v8;
	v40 =	vsel vm1, v42, v40;
	vm12 =	vlt.f32 v43, v37  }
0x1f1: {  	v46 =	vld [tilespmem:s16+$0x3200];
	vm3 =	vmand vm11, vm12;
	v35 =	vsub.f32 v35, v48;
	v45 =	vadd.f32 v36, v52  }
0x1f2: {  	v52 =	vsel vm2, $0xC, v1;
	v43 =	vsel vm3, v43, v37;
	vm2 =	veq.s32 v54, $0x0  }
0x1f3: {  	v36 =	vperm.xlane v47, v27;
	v54 =	vand.u32 $0x8000, v8;
	v35 =	vmul.f32 v35, v35  }
0x1f4: {  	v37 =	vperm.xlane v53, v27;
	v53 =	vsel vm3, $0xD, v52;
	vm13 =	vlt.f32 v45, v43  }
0x1f5: {  	s31 =	sld [smem:$0x7D3];
	v47 =	vsub.f32 v36, v50;
	vm2 =	vmand vm2, vm13;
	v34 =	vadd.f32 v35, v34  }
0x1f6: {  	v52 =	vld [tilespmem:s16+$0x3210];
	v46 =	vsub.f32 v37, v46;
	v43 =	vsel vm2, v45, v43;
	v44 =	vsel vm2, $0xE, v53  }
0x1f7: {  	s28 =	sld [smem:$0x7D4];
	v50 =	vld [tilespmem:s16+$0x3220];
	vm2 =	veq.s32 v54, $0x0;
	v53 =	vmul.f32 v47, v47;
	v47 =	vsel vm1, $0xB, v51  }
0x1f8: {  	v35 =	vld [tilespmem:s31+$0x0];
	vm1 =	vlt.f32 v41, v39;
	v51 =	vand.u32 $0x1, v7;
	vm3 =	vlt.f32 v34, v43  }
0x1f9: {  	s29 =	sld [smem:$0x7D5];
	v46 =	vmul.f32 v46, v46;
	v39 =	vsel vm1, v41, v39;
	v38 =	vsel vm1, v49, v38  }
0x1fa: {  	s30 =	sld [smem:$0x7D6];
	v54 =	vld [tilespmem:s28+$0x0];
	vm14 =	veq.s32 v51, $0x0;
	v51 =	vand.u32 $0x4, v7;
	vm2 =	vmand vm2, vm3  }
0x1fb: {  	v48 =	vsub.f32 v37, v52;
	v52 =	vand.u32 $0x2, v7;
	v42 =	vsel vm2, $0xF, v44  }
0x1fc: {  	v34 =	vsel vm2, v34, v43;
	v43 =	vadd.f32 v46, v53;
	v46 =	vld [tilespmem:s29+$0x0];
	v45 =	vsub.f32 v37, v50  }
0x1fd: {  	v53 =	vld [tilespmem:s30+$0x0];
	v35 =	vsub.f32 v36, v35;
	v41 =	vmul.f32 v48, v48;
	vm3 =	vlt.f32 v34, v40  }
0x1fe: {  	v50 =	vld [tilespmem:s16+$0x3240];
	vm1 =	vlt.f32 v43, $+Inf;
	vm2 =	vgt.f32 v43, $+Inf;
	v34 =	vsel vm3, v34, v40  }
0x1ff: {  	s30 =	sld [smem:$0x7D9];
	v44 =	vsub.f32 v36, v54;
	v35 =	vmul.f32 v35, v35;
	vm1 =	vmor vm2, vm1  }
0x200: {  	v40 =	vld [tilespmem:s16+$0x3230];
	v45 =	vmul.f32 v45, v45;
	v42 =	vsel vm3, v42, v47;
	vm2 =	vmand vm14, vm1  }
0x201: {  	v47 =	vld [tilespmem:s16+$0x3250];
	vm1 =	vlt.f32 v34, v39;
	v44 =	vmul.f32 v44, v44;
	v35 =	vadd.f32 v41, v35  }
0x202: {  	v49 =	vld [tilespmem:s30+$0x0];
	v43 =	vnsel vm2, $0x7F800000, v43;
	vm2 =	veq.s32 v52, $0x0;
	v52 =	vsub.f32 v36, v46  }
0x203: {  	v34 =	vsel vm1, v34, v39;
	v53 =	vsub.f32 v36, v53;
	v41 =	vsub.f32 v37, v50  }
0x204: {  	s31 =	sld [smem:$0x7D7];
	v54 =	vadd.f32 v45, v44;
	vm15 =	vlt.f32 v35, v43;
	v45 =	vmul.f32 v52, v52  }
0x205: {  	v40 =	vsub.f32 v37, v40;
	v44 =	vmul.f32 v53, v53;
	v41 =	vmul.f32 v41, v41  }
0x206: {  	s29 =	sld [smem:$0x7DA];
	v52 =	vld [tilespmem:s16+$0x3260];
	v53 =	vand.u32 $0x10, v7;
	v50 =	vsub.f32 v37, v47;
	vm2 =	vmand vm2, vm15  }
0x207: {  	s28 =	sld [smem:$0x7D8];
	v46 =	vld [tilespmem:s31+$0x0];
	v49 =	vsub.f32 v36, v49;
	v35 =	vsel vm2, v35, v43;
	v40 =	vmul.f32 v40, v40  }
0x208: {  	v39 =	vsel vm2, $0x1, v1;
	vm2 =	veq.s32 v51, $0x0;
	vm3 =	vlt.f32 v54, v35  }
0x209: {  	v47 =	vld [tilespmem:s29+$0x0];
	vm2 =	vmand vm2, vm3;
	v45 =	vadd.f32 v40, v45;
	vm3 =	veq.s32 v53, $0x0  }
0x20a: {  	v48 =	vld [tilespmem:s28+$0x0];
	v53 =	vmul.f32 v50, v50;
	v39 =	vsel vm2, $0x2, v39;
	v43 =	vsel vm2, v54, v35  }
0x20b: {  	v54 =	vand.u32 $0x8, v7;
	v35 =	vadd.f32 v41, v44;
	v52 =	vsub.f32 v37, v52  }
0x20c: {  	vm2 =	veq.s32 v54, $0x0;
	v54 =	vsub.f32 v36, v46;
	vm10 =	vlt.f32 v45, v43  }
0x20d: {  	v41 =	vld [tilespmem:s16+$0x3600];
	vm8 =	vlt.f32 v35, $+Inf;
	vm9 =	vgt.f32 v35, $+Inf;
	v46 =	vmul.f32 v52, v52  }
0x20e: {  	vm2 =	vmand vm2, vm10;
	v52 =	vsub.f32 v36, v47;
	vm4 =	vmor vm9, vm8  }
0x20f: {  	v51 =	vmul.f32 v54, v54;
	v54 =	vsub.f32 v36, v48;
	v48 =	vld [tilespmem:s16+$0x3270];
	vm3 =	vmand vm3, vm4  }
0x210: {  	v43 =	vsel vm2, v45, v43;
	v50 =	vmul.f32 v52, v52;
	v35 =	vnsel vm3, $0x7F800000, v35  }
0x211: {  	v40 =	vadd.f32 v53, v51;
	v53 =	vand.u32 $0x20, v7;
	v44 =	vmul.f32 v54, v54  }
0x212: {  	s31 =	sld [smem:$0x7DB];
	v54 =	vsel vm3, $0x4, v1;
	vm11 =	veq.s32 v53, $0x0;
	v53 =	vsub.f32 v37, v41  }
0x213: {  	v41 =	vld [tilespmem:s16+$0x3610];
	vm12 =	vlt.f32 v40, v35;
	v44 =	vadd.f32 v46, v44;
	v46 =	vand.u32 $0x40, v7  }
0x214: {  	vm4 =	vmand vm11, vm12;
	vm3 =	veq.s32 v46, $0x0;
	v48 =	vsub.f32 v37, v48  }
0x215: {  	s28 =	sld [smem:$0x7DC];
	v46 =	vld [tilespmem:s31+$0x0];
	v52 =	vmul.f32 v53, v53;
	v51 =	vsel vm4, v40, v35;
	v47 =	vsel vm4, $0x5, v54  }
0x216: {  	v35 =	vsel vm1, v42, v38;
	v40 =	vsel vm2, $0x3, v39;
	v54 =	vmul.f32 v49, v49  }
0x217: {  	v49 =	vld [tilespmem:s16+$0x3620];
	v42 =	vand.u32 $0x100, v7;
	vm13 =	vlt.f32 v44, v51;
	v53 =	vmul.f32 v48, v48  }
0x218: {  	v48 =	vld [tilespmem:s28+$0x0];
	vm14 =	veq.s32 v42, $0x0;
	vm3 =	vmand vm3, vm13;
	v41 =	vsub.f32 v37, v41  }
0x219: {  	v42 =	vld [tilespmem:s16+$0x3630];
	v38 =	vsel vm3, $0x6, v47;
	v47 =	vadd.f32 v52, v50;
	v44 =	vsel vm3, v44, v51  }
0x21a: {  	s30 =	sld [smem:$0x7DE];
	v39 =	vadd.f32 v53, v54;
	v54 =	vand.u32 $0x80, v7;
	v46 =	vsub.f32 v36, v46  }
0x21b: {  	v53 =	vand.u32 $0x400, v7;
	v41 =	vmul.f32 v41, v41;
	vm1 =	vlt.f32 v47, $+Inf  }
0x21c: {  	s29 =	sld [smem:$0x7DD];
	vm3 =	vgt.f32 v47, $+Inf;
	v49 =	vsub.f32 v37, v49;
	v46 =	vmul.f32 v46, v46  }
0x21d: {  	v51 =	vld [tilespmem:s30+$0x0];
	vm1 =	vmor vm3, vm1;
	vm3 =	veq.s32 v54, $0x0;
	v54 =	vand.u32 $0x200, v7  }
0x21e: {  	v48 =	vsub.f32 v36, v48;
	v42 =	vsub.f32 v37, v42;
	vm4 =	vmand vm14, vm1  }
0x21f: {  	v50 =	vld [tilespmem:s29+$0x0];
	vm1 =	vlt.f32 v39, v44;
	vm15 =	veq.s32 v54, $0x0;
	v41 =	vadd.f32 v41, v46  }
0x220: {  	v49 =	vmul.f32 v49, v49;
	v47 =	vnsel vm4, $0x7F800000, v47;
	v46 =	vld [tilespmem:s16+$0x3640];
	v48 =	vmul.f32 v48, v48  }
0x221: {  	s31 =	sld [smem:$0x7DF];
	vm1 =	vmand vm3, vm1;
	v52 =	vsel vm4, $0x8, v1;
	vm6 =	vlt.f32 v41, v47  }
0x222: {  	s28 =	sld [smem:$0x7E0];
	v54 =	vsub.f32 v36, v51;
	v51 =	vld [tilespmem:s16+$0x3650];
	v42 =	vmul.f32 v42, v42;
	vm3 =	vmand vm15, vm6  }
0x223: {  	v45 =	vsel vm1, $0x7, v38;
	v41 =	vsel vm3, v41, v47;
	v47 =	vadd.f32 v49, v48  }
0x224: {  	v44 =	vsel vm1, v39, v44;
	v52 =	vsel vm3, $0x9, v52;
	v49 =	vsub.f32 v36, v50;
	v50 =	vld [tilespmem:s31+$0x0]  }
0x225: {  	vm3 =	veq.s32 v53, $0x0;
	v53 =	vld [tilespmem:s28+$0x0];
	v46 =	vsub.f32 v37, v46;
	vm9 =	vlt.f32 v47, v41  }
0x226: {  	v48 =	vmul.f32 v54, v54;
	v49 =	vmul.f32 v49, v49;
	vm3 =	vmand vm3, vm9  }
0x227: {  	v54 =	vsub.f32 v37, v51;
	v46 =	vmul.f32 v46, v46;
	v38 =	vsel vm3, $0xA, v52  }
0x228: {  	s29 =	sld [smem:$0x7E1];
	v52 =	vld [tilespmem:s16+$0x3660];
	v41 =	vsel vm3, v47, v41;
	v42 =	vadd.f32 v42, v49;
	v47 =	vand.u32 $0x1000, v7  }
0x229: {  	v46 =	vadd.f32 v46, v48;
	v48 =	vsub.f32 v36, v50;
	vm2 =	veq.s32 v47, $0x0  }
0x22a: {  	v50 =	vsub.f32 v36, v53;
	v53 =	vand.u32 $0x800, v7;
	vm13 =	vlt.f32 v42, v41  }
0x22b: {  	v49 =	vld [tilespmem:s29+$0x0];
	vm3 =	vlt.f32 v46, $+Inf;
	vm10 =	vgt.f32 v46, $+Inf;
	v47 =	vmul.f32 v48, v48  }
0x22c: {  	v48 =	vmul.f32 v54, v54;
	v54 =	vand.u32 $0x2000, v7;
	v50 =	vmul.f32 v50, v50  }
0x22d: {  	vm3 =	vmor vm10, vm3;
	vm11 =	veq.s32 v54, $0x0;
	v51 =	vsub.f32 v37, v52;
	v52 =	vld [tilespmem:s16+$0x3670]  }
0x22e: {  	v54 =	vand.u32 $0x4000, v7;
	vm2 =	vmand vm2, vm3;
	v47 =	vadd.f32 v48, v47  }
0x22f: {  	vm3 =	veq.s32 v53, $0x0;
	v46 =	vnsel vm2, $0x7F800000, v46;
	v51 =	vmul.f32 v51, v51  }
0x230: {  	v36 =	vsub.f32 v36, v49;
	v49 =	vld [tilespmem:s25+$0x7800];
	vm14 =	veq.s32 v54, $0x0;
	vm12 =	vlt.f32 v47, v46  }
0x231: {  	s30 =	sld [smem:$0x7E2];
	vm3 =	vmand vm3, vm13;
	vm4 =	vmand vm11, vm12;
	v48 =	vadd.f32 v51, v50  }
0x232: {  	v53 =	vsel vm2, $0xC, v1;
	v50 =	vld [tilespmem:s25+$0x5800];
	v46 =	vsel vm4, v47, v46;
	v37 =	vsub.f32 v37, v52  }
0x233: {  	s26 =	sld [smem:$0x7E4];
	v36 =	vmul.f32 v36, v36;
	v41 =	vsel vm3, v42, v41;
	v51 =	vld [tilespmem:s16+$0x3800];
	vm15 =	vlt.f32 v48, v46  }
0x234: {  	v47 =	vld [tilespmem:s30+$0x0];
	v54 =	vsel vm4, $0xD, v53;
	v37 =	vmul.f32 v37, v37;
	vm1 =	vmand vm14, vm15  }
0x235: {  	s31 =	sld [smem:$0x7E3];
	v52 =	vsel vm3, $0xB, v38;
	v38 =	vperm.xlane v49, v27;
	v46 =	vsel vm1, v48, v46  }
0x236: {  	v42 =	vsel vm1, $0xE, v54;
	vm1 =	vlt.f32 v44, v43;
	v48 =	vld [tilespmem:s26+$0x0];
	v36 =	vadd.f32 v37, v36  }
0x237: {  	s29 =	sld [smem:$0x7E6];
	v37 =	vand.u32 $0x8000, v7;
	v39 =	vperm.xlane v50, v27;
	v43 =	vsel vm1, v44, v43;
	v44 =	vld [tilespmem:s16+$0x3820]  }
0x238: {  	v49 =	vsub.f32 v38, v51;
	v40 =	vsel vm1, v45, v40;
	vm2 =	veq.s32 v37, $0x0;
	v37 =	vld [tilespmem:s31+$0x0]  }
0x239: {  	v50 =	vld [tilespmem:s16+$0x3810];
	v51 =	vand.u32 $0x1, v63;
	vm8 =	vlt.f32 v36, v46;
	v47 =	vsub.f32 v39, v47  }
0x23a: {  	vm1 =	veq.s32 v51, $0x0;
	v54 =	vmul.f32 v49, v49;
	v49 =	vld [tilespmem:s29+$0x0];
	vm2 =	vmand vm2, vm8  }
0x23b: {  	v36 =	vsel vm2, v36, v46;
	v53 =	vmul.f32 v47, v47;
	v42 =	vsel vm2, $0xF, v42  }
0x23c: {  	v48 =	vsub.f32 v39, v48;
	v47 =	vld [tilespmem:s16+$0x3860];
	vm2 =	vlt.f32 v36, v41;
	v44 =	vsub.f32 v38, v44  }
0x23d: {  	v36 =	vsel vm2, v36, v41;
	v41 =	vadd.f32 v54, v53;
	v37 =	vsub.f32 v39, v37  }
0x23e: {  	s28 =	sld [smem:$0x7E5];
	v53 =	vsub.f32 v38, v50;
	v42 =	vsel vm2, v42, v52;
	v48 =	vmul.f32 v48, v48  }
0x23f: {  	v44 =	vmul.f32 v44, v44;
	v52 =	vsub.f32 v39, v49;
	vm3 =	vlt.f32 v41, $+Inf  }
0x240: {  	v54 =	vld [tilespmem:s16+$0x3830];
	vm9 =	vgt.f32 v41, $+Inf;
	v37 =	vmul.f32 v37, v37;
	v46 =	vmul.f32 v53, v53  }
0x241: {  	v45 =	vld [tilespmem:s28+$0x0];
	v53 =	vand.u32 $0x2, v63;
	vm3 =	vmor vm9, vm3;
	v47 =	vsub.f32 v38, v47  }
0x242: {  	vm2 =	veq.s32 v53, $0x0;
	vm1 =	vmand vm1, vm3;
	v37 =	vadd.f32 v46, v37;
	v46 =	vld [tilespmem:s16+$0x3840]  }
0x243: {  	v41 =	vnsel vm1, $0x7F800000, v41;
	vm1 =	vlt.f32 v36, v43;
	v47 =	vmul.f32 v47, v47  }
0x244: {  	s30 =	sld [smem:$0x7E7];
	vm3 =	vlt.f32 v37, v41;
	v36 =	vsel vm1, v36, v43;
	v43 =	vadd.f32 v44, v48  }
0x245: {  	v53 =	vld [tilespmem:s16+$0x3850];
	v44 =	vsub.f32 v38, v54;
	v54 =	vand.u32 $0x4, v63;
	vm2 =	vmand vm2, vm3  }
0x246: {  	v48 =	vmul.f32 v52, v52;
	v41 =	vsel vm2, v37, v41;
	v37 =	vsub.f32 v39, v45  }
0x247: {  	vm3 =	veq.s32 v54, $0x0;
	v45 =	vld [tilespmem:s30+$0x0];
	v44 =	vmul.f32 v44, v44;
	v46 =	vsub.f32 v38, v46  }
0x248: {  	s31 =	sld [smem:$0x7E8];
	v52 =	vsel vm2, $0x1, v1;
	vm10 =	vlt.f32 v43, v41;
	v54 =	vmul.f32 v37, v37  }
0x249: {  	v37 =	vsel vm1, v42, v40;
	vm1 =	vmand vm3, vm10;
	v46 =	vmul.f32 v46, v46  }
0x24a: {  	v53 =	vsub.f32 v38, v53;
	v40 =	vsel vm1, $0x2, v52;
	v43 =	vsel vm1, v43, v41  }
0x24b: {  	v52 =	vand.u32 $0x10, v63;
	v42 =	vadd.f32 v44, v54;
	v44 =	vadd.f32 v46, v48;
	v46 =	vld [tilespmem:s31+$0x0]  }
0x24c: {  	v54 =	vand.u32 $0x8, v63;
	vm11 =	veq.s32 v52, $0x0;
	v41 =	vsub.f32 v39, v45  }
0x24d: {  	s26 =	sld [smem:$0x7E9];
	v51 =	vld [tilespmem:s16+$0x3C10];
	v45 =	vmul.f32 v53, v53;
	vm1 =	vlt.f32 v44, $+Inf;
	vm2 =	vgt.f32 v44, $+Inf  }
0x24e: {  	s28 =	sld [smem:$0x7EA];
	vm3 =	veq.s32 v54, $0x0;
	v54 =	vld [tilespmem:s16+$0x3C00];
	v41 =	vmul.f32 v41, v41;
	vm1 =	vmor vm2, vm1  }
0x24f: {  	v49 =	vld [tilespmem:s16+$0x3870];
	v53 =	vand.u32 $0x20, v63;
	vm2 =	vlt.f32 v42, v43;
	vm1 =	vmand vm11, vm1  }
0x250: {  	v48 =	vld [tilespmem:s26+$0x0];
	v45 =	vadd.f32 v45, v41;
	vm2 =	vmand vm3, vm2;
	v46 =	vsub.f32 v39, v46  }
0x251: {  	v50 =	vld [tilespmem:s28+$0x0];
	vm3 =	veq.s32 v53, $0x0;
	v53 =	vand.u32 $0x40, v63;
	v44 =	vnsel vm1, $0x7F800000, v44  }
0x252: {  	s30 =	sld [smem:$0x7EC];
	v41 =	vsel vm2, $0x3, v40;
	vm12 =	vlt.f32 v45, v44;
	v46 =	vmul.f32 v46, v46  }
0x253: {  	s29 =	sld [smem:$0x7EB];
	v52 =	vsel vm1, $0x4, v1;
	v54 =	vsub.f32 v38, v54;
	vm1 =	vmand vm3, vm12  }
0x254: {  	v42 =	vsel vm2, v42, v43;
	v44 =	vsel vm1, v45, v44;
	v45 =	vadd.f32 v47, v46  }
0x255: {  	v40 =	vsel vm1, $0x5, v52;
	v52 =	vld [tilespmem:s30+$0x0];
	v47 =	vsub.f32 v39, v48;
	v48 =	vsub.f32 v38, v49  }
0x256: {  	vm1 =	veq.s32 v53, $0x0;
	v53 =	vsub.f32 v38, v51;
	v49 =	vld [tilespmem:s29+$0x0];
	v46 =	vsub.f32 v39, v50  }
0x257: {  	vm3 =	vlt.f32 v45, v44;
	v47 =	vmul.f32 v47, v47;
	v48 =	vmul.f32 v48, v48  }
0x258: {  	s31 =	sld [smem:$0x7ED];
	v50 =	vmul.f32 v54, v54;
	v46 =	vmul.f32 v46, v46;
	vm1 =	vmand vm1, vm3  }
0x259: {  	v54 =	vand.u32 $0x100, v63;
	v43 =	vsel vm1, v45, v44;
	v45 =	vadd.f32 v48, v47  }
0x25a: {  	v40 =	vsel vm1, $0x6, v40;
	v44 =	vld [tilespmem:s16+$0x3C20];
	v46 =	vadd.f32 v50, v46;
	v51 =	vsub.f32 v39, v52  }
0x25b: {  	v47 =	vand.u32 $0x80, v63;
	vm1 =	veq.s32 v54, $0x0;
	v50 =	vld [tilespmem:s31+$0x0];
	v49 =	vsub.f32 v39, v49  }
0x25c: {  	v52 =	vld [tilespmem:s16+$0x3C30];
	vm2 =	vlt.f32 v46, $+Inf;
	vm3 =	vgt.f32 v46, $+Inf;
	v54 =	vmul.f32 v51, v51  }
0x25d: {  	s26 =	sld [smem:$0x7EE];
	vm2 =	vmor vm3, vm2;
	v48 =	vmul.f32 v49, v49;
	v49 =	vmul.f32 v53, v53  }
0x25e: {  	vm3 =	vlt.f32 v45, v43;
	vm1 =	vmand vm1, vm2;
	vm2 =	veq.s32 v47, $0x0  }
0x25f: {  	v44 =	vsub.f32 v38, v44;
	v46 =	vnsel vm1, $0x7F800000, v46;
	v47 =	vadd.f32 v49, v48  }
0x260: {  	s28 =	sld [smem:$0x7EF];
	v51 =	vld [tilespmem:s26+$0x0];
	v48 =	vand.u32 $0x200, v63;
	vm3 =	vmand vm2, vm3;
	v49 =	vand.u32 $0x400, v63  }
0x261: {  	v50 =	vsub.f32 v39, v50;
	v52 =	vsub.f32 v38, v52;
	vm13 =	veq.s32 v48, $0x0  }
0x262: {  	v48 =	vld [tilespmem:s16+$0x3C40];
	v53 =	vsel vm3, $0x7, v40;
	v44 =	vmul.f32 v44, v44;
	vm14 =	vlt.f32 v47, v46  }
0x263: {  	vm2 =	veq.s32 v49, $0x0;
	v49 =	vld [tilespmem:s28+$0x0];
	v43 =	vsel vm3, v45, v43;
	vm4 =	vmand vm13, vm14  }
0x264: {  	v45 =	vand.u32 $0x800, v63;
	v44 =	vadd.f32 v44, v54;
	v40 =	vsel vm4, v47, v46  }
0x265: {  	v46 =	vmul.f32 v50, v50;
	v47 =	vmul.f32 v52, v52;
	v54 =	vsub.f32 v39, v51;
	v51 =	vld [tilespmem:s16+$0x3C50]  }
0x266: {  	v52 =	vsel vm1, $0x8, v1;
	vm1 =	veq.s32 v45, $0x0;
	v45 =	vld [tilespmem:s16+$0x3C60];
	vm15 =	vlt.f32 v44, v40  }
0x267: {  	s29 =	sld [smem:$0x7F0];
	v50 =	vsel vm4, $0x9, v52;
	v52 =	vld [tilespmem:s16+$0x3C70];
	v48 =	vsub.f32 v38, v48;
	vm2 =	vmand vm2, vm15  }
0x268: {  	v49 =	vsub.f32 v39, v49;
	v40 =	vsel vm2, v44, v40  }
0x269: {  	v44 =	vadd.f32 v47, v46;
	v46 =	vmul.f32 v54, v54;
	v54 =	vmul.f32 v48, v48  }
0x26a: {  	v48 =	vld [tilespmem:s29+$0x0];
	v47 =	vmul.f32 v49, v49;
	v51 =	vsub.f32 v38, v51  }
0x26b: {  	s30 =	sld [smem:$0x7F1];
	v50 =	vsel vm2, $0xA, v50;
	v45 =	vsub.f32 v38, v45;
	v46 =	vadd.f32 v54, v46  }
0x26c: {  	vm3 =	vlt.f32 v44, v40;
	v54 =	vand.u32 $0x1000, v63;
	v38 =	vsub.f32 v38, v52  }
0x26d: {  	vm1 =	vmand vm1, vm3;
	vm8 =	vlt.f32 v46, $+Inf;
	vm9 =	vgt.f32 v46, $+Inf  }
0x26e: {  	vm3 =	veq.s32 v54, $0x0;
	v49 =	vmul.f32 v51, v51;
	v51 =	vld [tilespmem:s30+$0x0];
	vm4 =	vmor vm9, vm8  }
0x26f: {  	v54 =	vand.u32 $0x2000, v63;
	v48 =	vsub.f32 v39, v48;
	vm3 =	vmand vm3, vm4  }
0x270: {  	s31 =	sld [smem:$0x7F2];
	v44 =	vsel vm1, v44, v40;
	v40 =	vnsel vm3, $0x7F800000, v46;
	v46 =	vadd.f32 v49, v47;
	v49 =	vld [tilespmem:s24+$0x5800]  }
0x271: {  	v45 =	vmul.f32 v45, v45;
	vm2 =	veq.s32 v54, $0x0;
	v48 =	vmul.f32 v48, v48;
	v47 =	vld [tilespmem:s24+$0x7800]  }
0x272: {  	v50 =	vsel vm1, $0xB, v50;
	v38 =	vmul.f32 v38, v38;
	vm10 =	vlt.f32 v46, v40  }
0x273: {  	v39 =	vsub.f32 v39, v51;
	v45 =	vadd.f32 v45, v48;
	v48 =	vld [tilespmem:s31+$0x0];
	vm1 =	vmand vm2, vm10  }
0x274: {  	s28 =	sld [smem:$0x7F4];
	v52 =	vld [tilespmem:s16+$0x3A00];
	v54 =	vsel vm3, $0xC, v1;
	v51 =	vand.u32 $0x4000, v63;
	v46 =	vsel vm1, v46, v40  }
0x275: {  	vm2 =	veq.s32 v51, $0x0;
	v51 =	vmul.f32 v39, v39;
	vm3 =	vlt.f32 v45, v46  }
0x276: {  	s26 =	sld [smem:$0x7F3];
	v40 =	vperm.xlane v49, v27;
	v39 =	vperm.xlane v47, v27;
	v27 =	vsel vm1, $0xD, v54  }
0x277: {  	v38 =	vadd.f32 v38, v51;
	v47 =	vand.u32 $0x8000, v63;
	v49 =	vld [tilespmem:s28+$0x0];
	vm2 =	vmand vm2, vm3  }
0x278: {  	v51 =	vld [tilespmem:s16+$0x3A10];
	vm1 =	veq.s32 v47, $0x0;
	v45 =	vsel vm2, v45, v46;
	v48 =	vsub.f32 v40, v48  }
0x279: {  	v46 =	vld [tilespmem:s26+$0x0];
	v54 =	vsub.f32 v39, v52;
	v27 =	vsel vm2, $0xE, v27;
	vm2 =	vlt.f32 v38, v45  }
0x27a: {  	v25 =	vshll.u32 v0, v25;
	v28 =	vshll.u32 v0, v28;
	vm1 =	vmand vm1, vm2  }
0x27b: {  	v47 =	vmul.f32 v48, v48;
	v52 =	vmul.f32 v54, v54;
	v27 =	vsel vm1, $0xF, v27  }
0x27c: {  	s29 =	sld [smem:$0x7F5];
	v54 =	vld [tilespmem:s16+$0x3A20];
	v38 =	vsel vm1, v38, v45;
	vm1 =	vlt.f32 v43, v42;
	v49 =	vsub.f32 v40, v49  }
0x27d: {  	v42 =	vsel vm1, v43, v42;
	v41 =	vsel vm1, v53, v41;
	v43 =	vadd.f32 v52, v47  }
0x27e: {  	s30 =	sld [smem:$0x7F6];
	v52 =	vand.u32 $0x1, v60;
	v53 =	vsub.f32 v39, v51;
	v46 =	vsub.f32 v40, v46  }
0x27f: {  	v47 =	vld [tilespmem:s29+$0x0];
	vm1 =	veq.s32 v52, $0x0;
	vm2 =	vlt.f32 v43, $+Inf;
	vm3 =	vgt.f32 v43, $+Inf  }
0x280: {  	v51 =	vld [tilespmem:s16+$0x3A30];
	v49 =	vmul.f32 v49, v49;
	v48 =	vmul.f32 v53, v53;
	vm2 =	vmor vm3, vm2  }
0x281: {  	v52 =	vld [tilespmem:s30+$0x0];
	v46 =	vmul.f32 v46, v46;
	v45 =	vsub.f32 v39, v54;
	vm1 =	vmand vm1, vm2  }
0x282: {  	v53 =	vand.u32 $0x2, v60;
	v54 =	vld [tilespmem:s16+$0x3A60];
	vm2 =	vlt.f32 v38, v44;
	v43 =	vnsel vm1, $0x7F800000, v43  }
0x283: {  	v46 =	vadd.f32 v48, v46;
	v48 =	vld [tilespmem:s16+$0x3A40];
	v45 =	vmul.f32 v45, v45;
	v38 =	vsel vm2, v38, v44  }
0x284: {  	s31 =	sld [smem:$0x7F7];
	vm1 =	veq.s32 v53, $0x0;
	v50 =	vsel vm2, v27, v50;
	vm5 =	vlt.f32 v38, v42  }
0x285: {  	vm3 =	vlt.f32 v46, v43;
	v44 =	vadd.f32 v45, v49;
	v45 =	vsub.f32 v40, v47  }
0x286: {  	v49 =	vand.u32 $0x4, v60;
	v27 =	vsel vm5, v38, v42;
	vm1 =	vmand vm1, vm3  }
0x287: {  	s25 =	sld [smem:$0x7F8];
	v47 =	vld [tilespmem:s31+$0x0];
	v38 =	vsub.f32 v39, v54;
	v43 =	vsel vm1, v46, v43;
	v46 =	vsub.f32 v39, v51  }
0x288: {  	vm3 =	veq.s32 v49, $0x0;
	v51 =	vsub.f32 v40, v52;
	v52 =	vld [tilespmem:s16+$0x3A50];
	v48 =	vsub.f32 v39, v48  }
0x289: {  	v45 =	vmul.f32 v45, v45;
	vm11 =	vlt.f32 v44, v43;
	v46 =	vmul.f32 v46, v46  }
0x28a: {  	v49 =	vmul.f32 v51, v51;
	v51 =	vld [tilespmem:s25+$0x0];
	vm2 =	vmand vm3, vm11;
	v48 =	vmul.f32 v48, v48  }
0x28b: {  	s26 =	sld [smem:$0x7F9];
	v38 =	vmul.f32 v38, v38;
	v42 =	vsel vm2, v44, v43;
	v43 =	vadd.f32 v46, v45  }
0x28c: {  	v44 =	vadd.f32 v48, v49;
	v48 =	vand.u32 $0x10, v60;
	v49 =	vsub.f32 v40, v47  }
0x28d: {  	s28 =	sld [smem:$0x7FA];
	v53 =	vsub.f32 v39, v52;
	v52 =	vand.u32 $0x8, v60;
	vm3 =	veq.s32 v48, $0x0  }
0x28e: {  	v45 =	vld [tilespmem:s26+$0x0];
	vm14 =	veq.s32 v52, $0x0;
	vm12 =	vlt.f32 v44, $+Inf;
	vm13 =	vgt.f32 v44, $+Inf  }
0x28f: {  	v48 =	vld [tilespmem:s16+$0x3A70];
	v46 =	vmul.f32 v49, v49;
	v47 =	vmul.f32 v53, v53;
	v49 =	vsub.f32 v40, v51  }
0x290: {  	vm8 =	vlt.f32 v43, v42;
	v51 =	vld [tilespmem:s28+$0x0];
	v53 =	vand.u32 $0x20, v60;
	vm4 =	vmor vm13, vm12  }
0x291: {  	vm3 =	vmand vm3, vm4;
	v46 =	vadd.f32 v47, v46;
	v49 =	vmul.f32 v49, v49  }
0x292: {  	vm15 =	veq.s32 v53, $0x0;
	v53 =	vand.u32 $0x80, v60;
	v47 =	vld [tilespmem:s16+$0x3E00];
	v44 =	vnsel vm3, $0x7F800000, v44  }
0x293: {  	s29 =	sld [smem:$0x7FB];
	vm7 =	vlt.f32 v46, v44;
	v49 =	vadd.f32 v38, v49;
	v38 =	vsub.f32 v40, v45  }
0x294: {  	v45 =	vsub.f32 v39, v48;
	v48 =	vand.u32 $0x40, v60;
	vm4 =	vmand vm15, vm7  }
0x295: {  	v52 =	vld [tilespmem:s16+$0x3E10];
	v51 =	vsub.f32 v40, v51;
	vm12 =	veq.s32 v48, $0x0;
	v48 =	vand.u32 $0x100, v60  }
0x296: {  	s31 =	sld [smem:$0x7FD];
	v44 =	vsel vm4, v46, v44;
	v46 =	vld [tilespmem:s29+$0x0];
	v54 =	vmul.f32 v38, v38;
	v45 =	vmul.f32 v45, v45  }
0x297: {  	v38 =	vsel vm5, v50, v41;
	vm5 =	vmand vm14, vm8;
	v50 =	vld [tilespmem:s16+$0x3E20];
	v47 =	vsub.f32 v39, v47  }
0x298: {  	s30 =	sld [smem:$0x7FC];
	vm11 =	veq.s32 v48, $0x0;
	v48 =	vld [tilespmem:s19+$0x0];
	vm9 =	vlt.f32 v49, v44;
	v51 =	vmul.f32 v51, v51  }
0x299: {  	v42 =	vsel vm5, v43, v42;
	v43 =	vld [tilespmem:s31+$0x0];
	vm7 =	vmand vm12, vm9;
	v47 =	vmul.f32 v47, v47  }
0x29a: {  	v41 =	vsel vm7, v49, v44;
	v44 =	vadd.f32 v45, v54;
	v54 =	vsub.f32 v39, v52;
	v52 =	vld [tilespmem:s16+$0x3E40]  }
0x29b: {  	v30 =	vshll.u32 v0, v30;
	vm8 =	veq.s32 v53, $0x0;
	v45 =	vadd.f32 v47, v51;
	v47 =	vld [tilespmem:s30+$0x0]  }
0x29c: {  	v46 =	vsub.f32 v40, v46;
	v51 =	vld [tilespmem:s18+$0x0];
	v49 =	vmul.f32 v54, v54;
	vm10 =	vlt.f32 v44, v41  }
0x29d: {  	v54 =	vand.u32 $0x200, v60;
	v53 =	vsub.f32 v39, v50;
	v48 =	vsub.f32 v40, v48  }
0x29e: {  	vm9 =	veq.s32 v54, $0x0;
	v43 =	vsub.f32 v40, v43;
	v46 =	vmul.f32 v46, v46  }
0x29f: {  	vm13 =	vlt.f32 v45, $+Inf;
	vm14 =	vgt.f32 v45, $+Inf;
	v48 =	vmul.f32 v48, v48  }
0x2a0: {  	vm6 =	vmor vm14, vm13;
	v46 =	vadd.f32 v49, v46;
	v47 =	vsub.f32 v40, v47  }
0x2a1: {  	vm6 =	vmand vm11, vm6;
	v50 =	vsub.f32 v40, v51;
	v51 =	vsub.f32 v39, v52;
	v52 =	vld [tilespmem:s16+$0x3E50]  }
0x2a2: {  	v49 =	vmul.f32 v53, v53;
	vm11 =	vmand vm8, vm10;
	v45 =	vnsel vm6, $0x7F800000, v45  }
0x2a3: {  	v53 =	vand.u32 $0x400, v60;
	vm12 =	vlt.f32 v46, v45;
	v47 =	vmul.f32 v47, v47  }
0x2a4: {  	v41 =	vsel vm11, v44, v41;
	vm8 =	vmand vm9, vm12;
	v54 =	vmul.f32 v51, v51  }
0x2a5: {  	v44 =	vsel vm8, v46, v45;
	v46 =	vld [tilespmem:s16+$0x3E30];
	v47 =	vadd.f32 v49, v47;
	v49 =	vmul.f32 v50, v50  }
0x2a6: {  	v43 =	vmul.f32 v43, v43;
	vm15 =	veq.s32 v53, $0x0;
	v51 =	vld [tilespmem:s16+$0x3E60];
	v50 =	vsub.f32 v39, v52  }
0x2a7: {  	v52 =	vand.u32 $0x1000, v60;
	vm12 =	vlt.f32 v47, v44;
	v45 =	vadd.f32 v54, v49;
	v49 =	vld [tilespmem:s20+$0x0]  }
0x2a8: {  	v53 =	vand.u32 $0x4000, v60;
	vm13 =	veq.s32 v52, $0x0;
	v52 =	vld [tilespmem:s21+$0x0];
	vm9 =	vmand vm15, vm12  }
0x2a9: {  	v54 =	vld [tilespmem:s16+$0x3E70];
	v50 =	vmul.f32 v50, v50;
	vm10 =	vlt.f32 v45, $+Inf;
	vm12 =	vgt.f32 v45, $+Inf  }
0x2aa: {  	v46 =	vsub.f32 v39, v46;
	v44 =	vsel vm9, v47, v44;
	vm10 =	vmor vm12, vm10  }
0x2ab: {  	v48 =	vadd.f32 v50, v48;
	v50 =	vand.u32 $0x2000, v60;
	vm10 =	vmand vm13, vm10  }
0x2ac: {  	vm12 =	veq.s32 v50, $0x0;
	v50 =	vsub.f32 v39, v51;
	v46 =	vmul.f32 v46, v46  }
0x2ad: {  	v49 =	vsub.f32 v40, v49;
	v45 =	vnsel vm10, $0x7F800000, v45;
	v40 =	vsub.f32 v40, v52  }
0x2ae: {  	v52 =	vsel vm3, $0x4, v1;
	v39 =	vsub.f32 v39, v54;
	vm3 =	veq.s32 v53, $0x0  }
0x2af: {  	v54 =	vsel vm1, $0x1, v1;
	vm1 =	vlt.f32 v41, v42;
	v53 =	vperm.xlane v26, v2  }
0x2b0: {  	vm13 =	vlt.f32 v48, v45;
	v50 =	vmul.f32 v50, v50;
	v43 =	vadd.f32 v46, v43  }
0x2b1: {  	v47 =	vsel vm4, $0x5, v52;
	v41 =	vsel vm1, v41, v42;
	v52 =	vand.u32 $0x800, v60  }
0x2b2: {  	v49 =	vmul.f32 v49, v49;
	vm12 =	vmand vm12, vm13;
	v47 =	vsel vm7, $0x6, v47  }
0x2b3: {  	v40 =	vmul.f32 v40, v40;
	v39 =	vmul.f32 v39, v39;
	v45 =	vsel vm12, v48, v45  }
0x2b4: {  	v48 =	vsel vm2, $0x2, v54;
	v47 =	vsel vm11, $0x7, v47;
	vm2 =	veq.s32 v52, $0x0  }
0x2b5: {  	v54 =	vmin.f32 v26, v53;
	v52 =	vperm.xlane v29, v2;
	v53 =	vsel vm10, $0xC, v1  }
0x2b6: {  	v46 =	vadd.f32 v50, v49;
	v48 =	vsel vm5, $0x3, v48;
	v39 =	vadd.f32 v39, v40  }
0x2b7: {  	v49 =	vand.u32 $0x8000, v60;
	v50 =	vsel vm6, $0x8, v1;
	v47 =	vsel vm1, v47, v48  }
0x2b8: {  	v48 =	vperm.xlane v54, v3;
	v42 =	vsel vm8, $0x9, v50;
	vm1 =	vlt.f32 v46, v45  }
0x2b9: {  	v42 =	vsel vm9, $0xA, v42;
	vm1 =	vmand vm3, vm1;
	vm3 =	vlt.f32 v43, v44  }
0x2ba: {  	v40 =	vmin.f32 v54, v48;
	vm2 =	vmand vm2, vm3;
	v45 =	vsel vm1, v46, v45  }
0x2bb: {  	vm3 =	veq.s32 v49, $0x0;
	v51 =	vperm.xlane v40, v4;
	vm13 =	vlt.f32 v39, v45  }
0x2bc: {  	v43 =	vsel vm2, v43, v44;
	v44 =	vmin.f32 v29, v52;
	vm3 =	vmand vm3, vm13  }
0x2bd: {  	v40 =	vmin.f32 v40, v51;
	v46 =	vperm.xlane v44, v3;
	v39 =	vsel vm3, v39, v45  }
0x2be: {  	v54 =	vperm.xlane v40, v5;
	v45 =	vsel vm12, $0xD, v53;
	vm14 =	vlt.f32 v39, v43  }
0x2bf: {  	v51 =	vperm.xlane v31, v2;
	v45 =	vsel vm1, $0xE, v45;
	v39 =	vsel vm14, v39, v43  }
0x2c0: {  	v40 =	vmin.f32 v40, v54;
	v48 =	vsel vm3, $0xF, v45;
	v43 =	vmin.f32 v44, v46  }
0x2c1: {  	v46 =	vperm.xlane v34, v2;
	vm1 =	veq.f32 v26, v40;
	v26 =	vsel vm2, $0xB, v42  }
0x2c2: {  	vm2 =	vlt.f32 v39, v41;
	v50 =	vperm.xlane v43, v4;
	v42 =	vmin.f32 v31, v51  }
0x2c3: {  	v53 =	vmin.f32 v40, $6.604900000e+04;
	v51 =	vperm.xlane v36, v2;
	v49 =	vmctz.xlane vm1  }
0x2c4: {  	v26 =	vsel vm14, v48, v26;
	v39 =	vsel vm2, v39, v41;
	vm1 =	vlt.f32 v40, $6.604900000e+04  }
0x2c5: {  	v52 =	vperm.xlane v42, v3;
	v24 =	vadd.f32 v53, v24;
	v26 =	vsel vm2, v26, v47  }
0x2c6: {  	vm3 =	vmneg vm1;
	v41 =	vmin.f32 v43, v50;
	v25 =	vnsel vm1, $0x1, v25  }
0x2c7: {  	vm2 =	veq.s32 v49, v6;
	vm3 =	vmand vm3, vm0;
	v43 =	vperm.xlane v41, v5  }
0x2c8: {  	v54 =	vmin.f32 v42, v52;
	v52 =	vshll.u32 v0, v33;
	vm2 =	vmand vm1, vm2  }
0x2c9: {  	v26 =	vshll.u32 v0, v26;
	v44 =	vperm.xlane v54, v4;
	vm2 =	vmor vm2, vm3  }
0x2ca: {  	v41 =	vmin.f32 v41, v43;
	v43 =	vperm.xlane v39, v2;
	v25 =	vnsel vm2, $0x0, v25  }
0x2cb: {  	vm1 =	veq.f32 v29, v41;
	v29 =	vmin.f32 v54, v44;
	v16 =	vor.u32 v16, v25  }
0x2cc: {  	v25 =	vmctz.xlane vm1;
	vm1 =	vlt.f32 v41, $6.604900000e+04;
	v40 =	vperm.xlane v29, v5  }
0x2cd: {  	v41 =	vmin.f32 v41, $6.604900000e+04;
	vm3 =	vmneg vm1;
	v28 =	vnsel vm1, $0x1, v28  }
0x2ce: {  	v23 =	vadd.f32 v41, v23;
	v41 =	vperm.xlane v27, v2;
	vm2 =	veq.s32 v25, v6  }
0x2cf: {  	v25 =	vperm.xlane v32, v2;
	vm3 =	vmand vm3, vm0;
	v29 =	vmin.f32 v29, v40  }
0x2d0: {  	v40 =	vmin.f32 v34, v46;
	vm2 =	vmand vm1, vm2;
	vm1 =	veq.f32 v31, v29  }
0x2d1: {  	v47 =	vperm.xlane v40, v3;
	v25 =	vmin.f32 v32, v25;
	vm2 =	vmor vm2, vm3  }
0x2d2: {  	v31 =	vmctz.xlane vm1;
	v45 =	vperm.xlane v25, v3;
	v28 =	vnsel vm2, $0x0, v28  }
0x2d3: {  	vm2 =	vlt.f32 v29, $6.604900000e+04;
	v29 =	vmin.f32 v29, $6.604900000e+04;
	v14 =	vor.u32 v14, v28  }
0x2d4: {  	vm1 =	veq.s32 v31, v6;
	vm3 =	vmneg vm2;
	v28 =	vmin.f32 v40, v47  }
0x2d5: {  	v30 =	vnsel vm2, $0x1, v30;
	v25 =	vmin.f32 v25, v45;
	v40 =	vperm.xlane v28, v4  }
0x2d6: {  	vm1 =	vmand vm2, vm1;
	vm3 =	vmand vm3, vm0;
	v42 =	vperm.xlane v25, v4  }
0x2d7: {  	v21 =	vadd.f32 v29, v21;
	vm1 =	vmor vm1, vm3;
	v28 =	vmin.f32 v28, v40  }
0x2d8: {  	v30 =	vnsel vm1, $0x0, v30;
	v25 =	vmin.f32 v25, v42;
	v50 =	vperm.xlane v28, v5  }
0x2d9: {  	v12 =	vor.u32 v12, v30;
	v30 =	vmin.f32 v36, v51;
	v48 =	vperm.xlane v25, v5  }
0x2da: {  	v42 =	vmin.f32 v27, v41;
	v53 =	vperm.xlane v30, v3;
	v28 =	vmin.f32 v28, v50  }
0x2db: {  	v44 =	vperm.xlane v42, v3;
	v25 =	vmin.f32 v25, v48;
	vm15 =	veq.f32 v34, v28  }
0x2dc: {  	v30 =	vmin.f32 v30, v53;
	v48 =	vshll.u32 v0, v37;
	vm2 =	veq.f32 v32, v25  }
0x2dd: {  	vm1 =	vlt.f32 v25, $6.604900000e+04;
	v54 =	vmctz.xlane vm15;
	v40 =	vperm.xlane v30, v4  }
0x2de: {  	v25 =	vmin.f32 v25, $6.604900000e+04;
	v49 =	vmctz.xlane vm2;
	vm3 =	vmneg vm1  }
0x2df: {  	v31 =	vnsel vm1, $0x1, v52;
	v19 =	vadd.f32 v25, v19;
	v25 =	vshll.u32 v0, v35  }
0x2e0: {  	vm3 =	vmand vm3, vm0;
	v29 =	vmin.f32 v30, v40;
	vm2 =	veq.s32 v49, v6  }
0x2e1: {  	v30 =	vperm.xlane v29, v5;
	vm2 =	vmand vm1, vm2;
	vm1 =	vlt.f32 v28, $6.604900000e+04  }
0x2e2: {  	v28 =	vmin.f32 v28, $6.604900000e+04;
	vm2 =	vmor vm2, vm3;
	vm3 =	vmneg vm1  }
0x2e3: {  	v29 =	vmin.f32 v29, v30;
	v25 =	vnsel vm1, $0x1, v25;
	v30 =	vmin.f32 v42, v44  }
0x2e4: {  	v31 =	vnsel vm2, $0x0, v31;
	vm2 =	veq.s32 v54, v6;
	vm3 =	vmand vm3, vm0  }
0x2e5: {  	v47 =	vperm.xlane v30, v4;
	v11 =	vor.u32 v11, v31;
	v31 =	vmin.f32 v39, v43  }
0x2e6: {  	vm2 =	vmand vm1, vm2;
	vm1 =	veq.f32 v36, v29;
	v46 =	vperm.xlane v31, v3  }
0x2e7: {  	v18 =	vadd.f32 v28, v18;
	vm2 =	vmor vm2, vm3;
	v45 =	vmctz.xlane vm1  }
0x2e8: {  	vm1 =	vlt.f32 v29, $6.604900000e+04;
	v30 =	vmin.f32 v30, v47;
	v31 =	vmin.f32 v31, v46  }
0x2e9: {  	v25 =	vnsel vm2, $0x0, v25;
	vm3 =	vmneg vm1;
	v49 =	vperm.xlane v31, v4  }
0x2ea: {  	v32 =	vnsel vm1, $0x1, v48;
	v50 =	vperm.xlane v30, v5;
	vm2 =	veq.s32 v45, v6  }
0x2eb: {  	vm3 =	vmand vm3, vm0;
	v8 =	vor.u32 v8, v25;
	v25 =	vmin.f32 v31, v49  }
0x2ec: {  	vm2 =	vmand vm1, vm2;
	v30 =	vmin.f32 v30, v50;
	v52 =	vperm.xlane v25, v5  }
0x2ed: {  	vm2 =	vmor vm2, vm3;
	vm1 =	veq.f32 v27, v30;
	v27 =	vmin.f32 v29, $6.604900000e+04  }
0x2ee: {  	v51 =	vnsel vm2, $0x0, v32;
	v53 =	vmctz.xlane vm1;
	v25 =	vmin.f32 v25, v52  }
0x2ef: {  	v17 =	vadd.f32 v27, v17;
	vm2 =	vlt.f32 v30, $6.604900000e+04;
	vm1 =	veq.f32 v39, v25  }
0x2f0: {  	vm3 =	veq.s32 v53, v6;
	v27 =	vmctz.xlane vm1;
	vm1 =	vmneg vm2  }
0x2f1: {  	v54 =	vshll.u32 v0, v38;
	vm3 =	vmand vm2, vm3;
	vm1 =	vmand vm1, vm0  }
0x2f2: {  	p0 =	sne.s32 s23, $0xFF;
	v28 =	vnsel vm2, $0x1, v54;
	vm2 =	vlt.f32 v25, $6.604900000e+04;
	vm1 =	vmor vm3, vm1  }
.Ltmp0:
0x2f3: {  	vm3 =	veq.s32 v27, v6;
	v27 =	vnsel vm1, $0x0, v28;
	vm1 =	vmneg vm2;
	(pc) =	sbr.rel @p0 .LBB2_3-.Ltmp0, $4  }
0x2f4: {  	v7 =	vor.u32 v7, v51;
	vm3 =	vmand vm2, vm3;
	vm1 =	vmand vm1, vm0  }
0x2f5: {  	v25 =	vmin.f32 v25, $6.604900000e+04;
	v26 =	vnsel vm2, $0x1, v26;
	vm1 =	vmor vm3, vm1  }
0x2f6: {  	v63 =	vor.u32 v63, v27;
	v27 =	vmin.f32 v30, $6.604900000e+04;
	v26 =	vnsel vm1, $0x0, v26  }
0x2f7: {  	s22 =	sadd.s32 $0x8, s22;
	s23 =	sadd.s32 $0x1, s23;
	v9 =	vadd.f32 v25, v9;
	v13 =	vadd.f32 v27, v13;
	v60 =	vor.u32 v60, v26  }
0x2f8: {  	v7 =	vadd.f32 v23, v24;
	_ =	sdelay $0x1  }
0x2f9: {  	v7 =	vadd.f32 v21, v7;
	_ =	sdelay $0x1  }
0x2fa: {  	v7 =	vadd.f32 v19, v7;
	_ =	sdelay $0x1  }
0x2fb: {  	v7 =	vadd.f32 v18, v7;
	_ =	sdelay $0x1  }
0x2fc: {  	v7 =	vadd.f32 v17, v7  }
0x2fd: {  	v8 =	vmov s15;
	s15 =	sadd.s32 $0x1, s15  }
0x2fe: {  	vm1 =	veq.s32 v8, v6;
	p0 =	sne.s32 s15, $0x4;
	v8 =	vld [tilespmem:$0x1FD00];
	v7 =	vadd.f32 v13, v7  }
.Ltmp1:
0x2ff: {  	_ = 	snop;
	(pc) =	sbr.rel @p0 .LBB2_2-.Ltmp1, $3  }
0x300: {  	v7 =	vadd.f32 v9, v7;
	_ =	sdelay $0x1  }
0x301: {  	v7 =	vnsel vm1, $0x0, v7  }
0x302: {  	v7 =	vadd.f32 v7, v8  }
0x303: {  	s14 =	sadd.s32 $0x1, s14  }
0x304: {  	p0 =	sne.s32 s14, s8  }
.Ltmp2:
0x305: {  	[tilespmem:$0x8000] =	vst v7;
	(pc) =	sbr.rel @p0 .LBB2_1-.Ltmp2, $4  }
0x306: {  	[hbm4b:s7+s2] =	stream.linear.scatter [tilespmem:s13], [sflag:$0x1], $0x80, $0x38;
	[tilespmem:$0x8080] =	vst v63  }
0x307: {  	_ =	swait.ge [sflag:s9], $0x80  }
0x308: {  	[sflag:s9] =	ssyncset.done $0x0  }
0x309: {  	[sflag:s9] =	ssyncadd.s32 $0xFFFFFF80  }
0x30a: {  	_ =	sfence.sel $0x180000  }
0x30b: {  	[bflag:$0x0] =	sbarrier.arrive $0xFFFF  }
0x30c: {  	p0 =	sne.s32 s1, $0x0;
	_ =	strace $0x90000047  }
0x30d: {  	s0 =	sadd.s32 @!p0 $0x100000, s0;
	[bflag:$0x2] =	sbarrier.arrive $0xFFFF  }
0x30e: {  	[sflag:s0] =	ssyncadd.tile.s32 @!p0 $0x1;
	_ =	shalt  }
.Lfunc_end2:
_tile_overlayer_lowered:
.L_overlay_start_2:
0x30f: {  	(tag) =	ssettag $0x2  }
0x310: {  	s0 =	rddreg [dreg:$0x0];
	s2 =	stileid.u32  }
0x311: {  	s1 =	rddreg [dreg:$0x1];
	p0 =	sne.s32 s2, $0x0  }
0x312: {  	s3 =	rddreg [dreg:$0x2];
	[bflag:$0x3] =	sbarrier.arrive $0xFFFF;
	s2 =	simm.s32 @!p0 $0x1C01  }
0x313: {  	[timem:s3], [sflag:s2] =	dma.local @!p0 [hbm:s0], s1  }
0x314: {  	s0 =	simm.s32 @!p0 $0x1  }
0x315: {  	_ =	swait.ge @!p0 [sflag:s0], s1  }
0x316: {  	s1 =	ssub.s32 @!p0 $0x0, s1;
	[sflag:s0] =	ssyncset.done @!p0 $0x0  }
0x317: {  	[sflag:s0] =	ssyncadd.s32 @!p0 s1  }
0x318: {  	[bflag:$0x3] =	sbarrier.arrive $0xFFFF  }
0x319: {  	_ =	shalt  }

</sc_bundles>
